<compile_context>
chip_gen: v7x
topology: tpu7x:2x2x1
jax: 0.10.2.dev20260603
libtpu: 0.0.44.dev20260713+nightly
codegen_flags: <defaults>
</compile_context>

<pallas_src>
import functools

import jax
import jax.numpy as jnp
from jax import lax
from jax.experimental import pallas as pl
from jax.experimental.pallas import tpu as pltpu
from jax.experimental.pallas import tpu_sc as plsc

B, T, D, DFF = 4, 8192, 768, 2048
K = 1024
N = B * T
NSEL = B * K
DQ = D // 4
NH = N // 2
KH = 2 * K

RB1 = 1024
NBLK1 = NH // RB1


def _pass1_body(h_ref, wr_ref, w1_ref, b1_ref, w2_ref, b2_ref,
                out_ref, logit_ref, pred_ref, part_ref):
    h = h_ref[...]
    out_ref[...] = h
    logits = jnp.dot(h, wr_ref[...],
                     preferred_element_type=jnp.float32)
    logit_ref[...] = logits.reshape(RB1 // 128, 128)
    pre = jnp.dot(h.astype(jnp.bfloat16), w1_ref[...],
                  preferred_element_type=jnp.float32) + b1_ref[...]
    pre = pre * 0.5 * (1.0 + lax.erf(pre * 0.7071067811865476))
    pred = jnp.dot(pre, w2_ref[...],
                   preferred_element_type=jnp.float32) + b2_ref[...]
    pred_ref[...] = pred.reshape(RB1 // 128, 128)

    def softplus_lanes(xl):
        sp = jnp.maximum(xl, 0.0) + jnp.log1p(jnp.exp(-jnp.abs(xl)))
        return jnp.sum(sp, axis=0, keepdims=True)

    blk = jnp.concatenate([softplus_lanes(logit_ref[...]),
                           softplus_lanes(pred_ref[...])], 0)

    @pl.when(pl.program_id(0) == 0)
    def _():
        part_ref[...] = jnp.zeros_like(part_ref)
    part_ref[...] += blk


@functools.lru_cache(maxsize=None)
def _pass1(half):
    off = half * NBLK1
    body = _pass1_body
    if half:
        def body(prev_ref, *refs):
            del prev_ref
            _pass1_body(*refs)

    prev_spec = [pl.BlockSpec(memory_space=pl.ANY)] if half else []

    def call(*args):
        return pl.pallas_call(
            body,
            grid=(NBLK1,),
            in_specs=prev_spec + [
                pl.BlockSpec((RB1, D), lambda i: (i + off, 0)),
                pl.BlockSpec((D, 1), lambda i: (0, 0)),
                pl.BlockSpec((D, DQ), lambda i: (0, 0)),
                pl.BlockSpec((1, DQ), lambda i: (0, 0)),
                pl.BlockSpec((DQ, 1), lambda i: (0, 0)),
                pl.BlockSpec((1, 1), lambda i: (0, 0)),
            ],
            out_specs=[
                pl.BlockSpec((RB1, D), lambda i: (i + off, 0)),
                pl.BlockSpec((RB1 // 128, 128), lambda i: (i, 0)),
                pl.BlockSpec((RB1 // 128, 128), lambda i: (i, 0)),
                pl.BlockSpec((2, 128), lambda i: (0, 0)),
            ],
            out_shape=[
                jax.ShapeDtypeStruct((N, D), jnp.float32),
                jax.ShapeDtypeStruct((NH // 128, 128), jnp.float32),
                jax.ShapeDtypeStruct((NH // 128, 128), jnp.float32),
                jax.ShapeDtypeStruct((2, 128), jnp.float32),
            ],
            input_output_aliases={0: 0} if half else {},
        )(*args)

    return call


@functools.lru_cache(maxsize=None)
def _sc_mesh():
    return plsc.VectorSubcoreMesh(core_axis_name="c", subcore_axis_name="s",
                                  num_cores=2, num_subcores=16)


_INT_MIN = -2**31
RPW = KH // 32


def _f32_key(v):
    b = plsc.bitcast(v, jnp.int32)
    return b ^ ((b >> 31) & jnp.int32(0x7FFFFFFF))


def _selgat_body(pair, logits_hbm, pred_hbm, hid_hbm,
                 idx_out, gate_out, psel_out, sel_out,
                 lrow, prow, kbuf, cand, idxs, vals, pvals, idx_sh,
                 idx_v, rows_v, sem):
    cid = lax.axis_index("c")
    sid = lax.axis_index("s")
    nv = T // 16

    @pl.when(sid == 0)
    def _():
        row = cid
        pltpu.sync_copy(logits_hbm.at[pl.ds(row * T, T)], lrow)
        pltpu.sync_copy(pred_hbm.at[pl.ds(row * T, T)], prow)

        def keys_body(i, _):
            kbuf[pl.ds(i * 16, 16)] = _f32_key(lrow[pl.ds(i * 16, 16)])
            return 0

        lax.fori_loop(0, nv, keys_body, 0, unroll=8)

        def count_ge(thresh):
            tv = jnp.full((16,), thresh, jnp.int32)

            def body(i, acc):
                key = kbuf[pl.ds(i * 16, 16)]
                return acc + jnp.where(key >= tv, 1, 0).astype(jnp.int32)

            acc = lax.fori_loop(0, nv, body,
                                jnp.zeros((16,), jnp.int32), unroll=8)
            return jnp.sum(acc)

        prefix = jnp.where(count_ge(jnp.int32(0)) >= K,
                           jnp.int32(0), jnp.int32(_INT_MIN))

        def bit_hi(j, prefix):
            test = prefix + (jnp.int32(1) << (jnp.int32(30) - j))
            return jnp.where(count_ge(test) >= K, test, prefix)

        prefix = lax.fori_loop(0, 10, bit_hi, prefix)
        hi = prefix + (jnp.int32(1) << 21)
        cnt_hi = count_ge(hi)

        pv = jnp.full((16,), prefix, jnp.int32)
        hv = jnp.full((16,), hi, jnp.int32)
        zero16 = jnp.zeros((16,), jnp.int32)

        def compact(i, s):
            key = kbuf[pl.ds(i * 16, 16)]
            msk = (key >= pv) & (key < hv)
            cpos = s + plsc.cumsum(
                jnp.where(msk, 1, 0).astype(jnp.int32)) - 1
            plsc.store_scatter(cand, [cpos], key, mask=msk)
            return s + plsc.all_reduce_population_count(msk)

        m = jnp.max(lax.fori_loop(0, nv, compact, zero16, unroll=4))
        nfull = m >> 4
        rem_v = jnp.full((16,), m & 15, jnp.int32)
        lane16 = lax.broadcasted_iota(jnp.int32, (16,), 0)

        def count_cand(thresh):
            tv = jnp.full((16,), thresh, jnp.int32)

            def body(i, acc):
                key = cand[pl.ds(i * 16, 16)]
                return acc + jnp.where(key >= tv, 1, 0).astype(jnp.int32)

            acc = lax.fori_loop(0, nfull, body, zero16)
            tail = cand[pl.ds(nfull * 16, 16)]
            acc = acc + jnp.where((lane16 < rem_v) & (tail >= tv),
                                  1, 0).astype(jnp.int32)
            return cnt_hi + jnp.sum(acc)

        def bit_lo(j, prefix):
            test = prefix + (jnp.int32(1) << (jnp.int32(20) - j))
            return jnp.where(count_cand(test) >= K, test, prefix)

        tau = lax.fori_loop(0, 21, bit_lo, prefix)
        c1 = count_cand(tau + 1)
        need = K - c1

        tau_v = jnp.full((16,), tau, jnp.int32)
        need_v = jnp.full((16,), need, jnp.int32)
        lane = lax.broadcasted_iota(jnp.int32, (16,), 0)
        tok_base = (pair * 2 + row) * T
        zero_v = jnp.zeros((16,), jnp.int32)

        def sweep(i, carry):
            s, eqc = carry
            v = lrow[pl.ds(i * 16, 16)]
            p = prow[pl.ds(i * 16, 16)]
            key = kbuf[pl.ds(i * 16, 16)]
            gt = key > tau_v
            eq = key == tau_v
            eqi = jnp.where(eq, 1, 0).astype(jnp.int32)
            eqpref = plsc.cumsum(eqi)
            sel = gt | (eq & ((eqc + eqpref) <= need_v))
            seli = jnp.where(sel, 1, 0).astype(jnp.int32)
            spref = plsc.cumsum(seli)
            pos = s + spref - 1
            tok = lane + (i * 16 + tok_base)
            plsc.store_scatter(vals, [pos], v, mask=sel)
            plsc.store_scatter(pvals, [pos], p, mask=sel)
            plsc.store_scatter(idxs, [pos], tok, mask=sel)
            return (s + plsc.all_reduce_population_count(sel),
                    eqc + plsc.all_reduce_population_count(eq))

        lax.fori_loop(0, nv, sweep, (zero_v, zero_v), unroll=4)

        pltpu.sync_copy(idxs, idx_sh)
        pltpu.sync_copy(idxs, idx_out.at[pl.ds(row * K, K)])
        pltpu.sync_copy(vals, gate_out.at[pl.ds(row * K, K)])
        pltpu.sync_copy(pvals, psel_out.at[pl.ds(row * K, K)])

    plsc.subcore_barrier()
    gslot = cid * K + sid * RPW
    pltpu.sync_copy(idx_sh.at[pl.ds(sid * RPW, RPW)], idx_v)
    pltpu.async_copy(hid_hbm.at[idx_v], rows_v, sem).wait()
    pltpu.sync_copy(rows_v, sel_out.at[pl.ds(gslot, RPW)])


@functools.lru_cache(maxsize=None)
def _selgat(pair):
    return pl.kernel(
        functools.partial(_selgat_body, pair),
        out_type=(
            jax.ShapeDtypeStruct((KH,), jnp.int32),
            jax.ShapeDtypeStruct((KH,), jnp.float32),
            jax.ShapeDtypeStruct((KH,), jnp.float32),
            jax.ShapeDtypeStruct((KH, D), jnp.float32),
        ),
        mesh=_sc_mesh(),
        scratch_types=[
            pltpu.VMEM((T,), jnp.float32),
            pltpu.VMEM((T,), jnp.float32),
            pltpu.VMEM((T,), jnp.int32),
            pltpu.VMEM((T + 16,), jnp.int32),
            pltpu.VMEM((K,), jnp.int32),
            pltpu.VMEM((K,), jnp.float32),
            pltpu.VMEM((K,), jnp.float32),
            pltpu.VMEM_SHARED((K,), jnp.int32),
            pltpu.VMEM((RPW,), jnp.int32),
            pltpu.VMEM((RPW, D), jnp.float32),
            pltpu.SemaphoreType.DMA,
        ],
        compiler_params=pltpu.CompilerParams(needs_layout_passes=False),
    )


def _scatter_body(upd_hbm, idx_hbm, states_ref, idx_v, rows_v, sem):
    wid = lax.axis_index("s") * 2 + lax.axis_index("c")
    base = wid * RPW
    pltpu.sync_copy(idx_hbm.at[pl.ds(base, RPW)], idx_v)
    pltpu.sync_copy(upd_hbm.at[pl.ds(base, RPW)], rows_v)
    pltpu.async_copy(rows_v, states_ref.at[idx_v], sem).wait()


@functools.lru_cache(maxsize=None)
def _scatter():
    return pl.kernel(
        _scatter_body,
        out_type=(),
        mesh=_sc_mesh(),
        scratch_types=[
            pltpu.VMEM((RPW,), jnp.int32),
            pltpu.VMEM((RPW, D), jnp.float32),
            pltpu.SemaphoreType.DMA,
        ],
    )


RB2 = 1024
NBLK2 = KH // RB2


def _mlp_body(x_ref, g_ref, nw_ref, wg_ref, wu_ref, wd_ref, out_ref):
    x = x_ref[...]
    var = jnp.mean(x * x, axis=1, keepdims=True)
    h = (x * lax.rsqrt(var + 1e-6) * nw_ref[...]).astype(jnp.bfloat16)
    gproj = jnp.dot(h, wg_ref[...],
                    preferred_element_type=jnp.float32).astype(jnp.bfloat16)
    up = jnp.dot(h, wu_ref[...],
                 preferred_element_type=jnp.float32).astype(jnp.bfloat16)
    act = (gproj * jax.nn.sigmoid(gproj)) * up
    mlp = jnp.dot(act, wd_ref[...], preferred_element_type=jnp.float32)
    g = jax.nn.sigmoid(g_ref[...])
    out_ref[...] = x + g * mlp


def _mlp(sel, gate2, nw2, wgb, wub, wdb):
    return pl.pallas_call(
        _mlp_body,
        grid=(NBLK2,),
        in_specs=[
            pl.BlockSpec((RB2, D), lambda i: (i, 0)),
            pl.BlockSpec((RB2, 1), lambda i: (i, 0)),
            pl.BlockSpec((1, D), lambda i: (0, 0)),
            pl.BlockSpec((D, DFF), lambda i: (0, 0)),
            pl.BlockSpec((D, DFF), lambda i: (0, 0)),
            pl.BlockSpec((DFF, D), lambda i: (0, 0)),
        ],
        out_specs=pl.BlockSpec((RB2, D), lambda i: (i, 0)),
        out_shape=jax.ShapeDtypeStruct((KH, D), jnp.float32),
    )(sel, gate2, nw2, wgb, wub, wdb)


def kernel(hidden_states, Wr, W1, b1, W2, b2, norm_w, Wg, Wu, Wd, training):
    h_flat = hidden_states.reshape(N, D)
    wr2 = Wr.reshape(D, 1)
    w1b = W1.astype(jnp.bfloat16)
    b12 = b1.reshape(1, DQ)
    w22 = W2.reshape(DQ, 1)
    b22 = jnp.asarray(b2, jnp.float32).reshape(1, 1)
    nw2 = norm_w.reshape(1, D)
    wgb = Wg.astype(jnp.bfloat16)
    wub = Wu.astype(jnp.bfloat16)
    wdb = Wd.astype(jnp.bfloat16)

    states_a, logits_a, pred_a, part_a = _pass1(0)(
        h_flat, wr2, w1b, b12, w22, b22)
    idx_a, gate_a, psel_a, sel_a = _selgat(0)(
        logits_a.reshape(NH), pred_a.reshape(NH), h_flat)

    states, logits_b, pred_b, part_b = _pass1(1)(
        states_a, h_flat, wr2, w1b, b12, w22, b22)
    idx_b, gate_b, psel_b, sel_b = _selgat(1)(
        logits_b.reshape(NH), pred_b.reshape(NH), h_flat)

    upd_a = _mlp(sel_a, gate_a.reshape(KH, 1), nw2, wgb, wub, wdb)
    upd_b = _mlp(sel_b, gate_b.reshape(KH, 1), nw2, wgb, wub, wdb)

    states_ref = jax.new_ref(states)
    _scatter()(upd_a, idx_a, states_ref)
    _scatter()(upd_b, idx_b, states_ref)
    new_states = states_ref[...].reshape(B, T, D)

    inv_n = jnp.float32(1.0 / N)
    sp = jnp.sum(part_a, axis=1) + jnp.sum(part_b, axis=1)
    router_bce_loss = (sp[0] - jnp.sum(gate_a) - jnp.sum(gate_b)) * inv_n
    predictor_loss = (sp[1] - jnp.sum(psel_a) - jnp.sum(psel_b)) * inv_n
    return new_states, router_bce_loss, predictor_loss

# --- scband reference (transcript-rebuilt; emitter-appended) ---
"""Pipeline reference for scband-mo-dlayer-25271587569795 (READ-ONLY COPY).

The authoritative reference and input builder live on the scoring server;
editing this copy changes nothing except your own understanding.
"""

import jax, jax.numpy as jnp
import numpy as np

B, T, D, DFF = 4, 8192, 768, 2048
CAPACITY = 0.125

def setup_inputs(seed: int = 0) -> dict:
    key = jax.random.key(seed)
    ks = jax.random.split(key, 12)
    hidden_states = jax.random.normal(ks[0], (B, T, D), jnp.float32)
    Wr = jax.random.normal(ks[1], (D,), jnp.float32) * 0.02
    W1 = jax.random.normal(ks[2], (D, D // 4), jnp.float32) * 0.02
    b1 = jnp.zeros((D // 4,), jnp.float32)
    W2 = jax.random.normal(ks[3], (D // 4,), jnp.float32) * 0.02
    b2 = jnp.zeros((), jnp.float32)
    norm_w = jnp.ones((D,), jnp.float32)
    Wg = jax.random.normal(ks[4], (D, DFF), jnp.float32) * 0.02
    Wu = jax.random.normal(ks[5], (D, DFF), jnp.float32) * 0.02
    Wd = jax.random.normal(ks[6], (DFF, D), jnp.float32) * 0.02
    return {"hidden_states": hidden_states, "Wr": Wr, "W1": W1, "b1": b1,
            "W2": W2, "b2": b2, "norm_w": norm_w, "Wg": Wg, "Wu": Wu,
            "Wd": Wd, "training": 1}

def _bce_with_logits(logits, targets):
    return jnp.mean(jnp.maximum(logits, 0.0) - logits * targets + jnp.log1p(jnp.exp(-jnp.abs(logits))))

def reference(hidden_states, Wr, W1, b1, W2, b2, norm_w, Wg, Wu, Wd, training):
    b, t, d = hidden_states.shape
    # main router: Linear(d, 1, bias=False) then squeeze
    logits = hidden_states @ Wr  # [B, T]
    k = max(1, int(t * CAPACITY))
    k = min(k, t)
    gating_scores, topk_idx = jax.lax.top_k(logits, k)  # [B, k]
    binary_targets = jnp.zeros_like(logits).at[jnp.arange(b)[:, None], topk_idx].set(1.0)
    router_bce_loss = _bce_with_logits(logits, binary_targets)
    # causal router MLP on detached hidden states
    h_det = jax.lax.stop_gradient(hidden_states)
    pre = jax.nn.gelu(h_det @ W1 + b1, approximate=False)
    predictor_logits = pre @ W2 + b2  # [B, T]
    predictor_loss = _bce_with_logits(predictor_logits, jax.lax.stop_gradient(binary_targets))
    # process_selected: gather selected tokens, run block, soft-gate, scatter back
    flat = hidden_states.reshape(b * t, d)
    batch_idx = jnp.broadcast_to(jnp.arange(b)[:, None], (b, k))
    flat_idx = (batch_idx * t + topk_idx).reshape(-1)  # [B*k]
    sel = flat[flat_idx]  # gather [B*k, D]
    # RMSNorm + Qwen2-style gated MLP block
    var = jnp.mean(sel * sel, axis=-1, keepdims=True)
    h = sel * jax.lax.rsqrt(var + 1e-6) * norm_w
    mlp_out = (jax.nn.silu(h @ Wg) * (h @ Wu)) @ Wd  # [B*k, D]
    g = jax.nn.sigmoid(gating_scores.reshape(-1, 1))
    new_flat = flat.at[flat_idx].set(sel + g * mlp_out)  # scatter-overwrite
    new_states = new_flat.reshape(b, t, d)
    return new_states, router_bce_loss, predictor_loss

if __name__ == "__main__":
    import jax
    _d = setup_inputs()
    print(jax.jit(kernel)(*tuple(_d.values())))

</pallas_src>

<mosaic_0001>
#map = affine_map<(d0, d1) -> (0)>
#map1 = affine_map<(d0, d1) -> (0, 0)>
module attributes {stable_mosaic.version = 14 : i64} {
  func.func @_selgat_body(%arg0: i32, %arg1: i32, %arg2: memref<16384xf32, #tpu.memory_space<hbm>>, %arg3: memref<16384xf32, #tpu.memory_space<hbm>>, %arg4: memref<32768x768xf32, #tpu.memory_space<hbm>>, %arg5: memref<2048xi32, #tpu.memory_space<hbm>>, %arg6: memref<2048xf32, #tpu.memory_space<hbm>>, %arg7: memref<2048xf32, #tpu.memory_space<hbm>>, %arg8: memref<2048x768xf32, #tpu.memory_space<hbm>>, %arg9: memref<8192xf32, #tpu.memory_space<vmem>>, %arg10: memref<8192xf32, #tpu.memory_space<vmem>>, %arg11: memref<8192xi32, #tpu.memory_space<vmem>>, %arg12: memref<8208xi32, #tpu.memory_space<vmem>>, %arg13: memref<1024xi32, #tpu.memory_space<vmem>>, %arg14: memref<1024xf32, #tpu.memory_space<vmem>>, %arg15: memref<1024xf32, #tpu.memory_space<vmem>>, %arg16: memref<1024xi32, #tpu.memory_space<vmem_shared>>, %arg17: memref<64xi32, #tpu.memory_space<vmem>>, %arg18: memref<64x768xf32, #tpu.memory_space<vmem>>, %arg19: memref<!tpu.dma_semaphore, #tpu.memory_space<semaphore_mem>>) attributes {dimension_semantics = [#tpu.dimension_semantics<core_parallel>, #tpu.dimension_semantics<subcore_parallel>], iteration_bounds = array<i64: 2, 16>, scalar_prefetch = 0 : i64, scratch_operands = 11 : i64, tpu.core_type = #tpu.core_type<sc_vector_subcore>, window_params = [{transform_indices = #map}, {transform_indices = #map}, {transform_indices = #map1}, {transform_indices = #map}, {transform_indices = #map}, {transform_indices = #map}, {transform_indices = #map1}]} {
    %eq3A = arith.constant 0 : i32
    %eq3A_0 = arith.cmpi eq, %arg1, %eq3A : i32
    %convert_element_type3A = arith.extui %eq3A_0 : i1 to i32
    %cond3A = arith.constant 0 : i32
    %cond3A_1 = arith.cmpi ne, %convert_element_type3A, %cond3A : i32
    scf.if %cond3A_1 {
      %mul3A_11 = arith.constant 8192 : i32
      %mul3A_12 = arith.muli %arg0, %mul3A_11 : i32
      "tpu.region"() ({
        %run_scoped3A = tpu.sem_alloc : memref<!tpu.dma_semaphore, #tpu.memory_space<semaphore_mem>>
        %dma_start3A_134 = tpu.memref_slice %arg2[%mul3A_12] : memref<16384xf32, #tpu.memory_space<hbm>> -> memref<8192xf32, #tpu.memory_space<hbm>>
        %dma_start3A_135 = tpu.memref_slice %arg2[%mul3A_12] : memref<16384xf32, #tpu.memory_space<hbm>> -> memref<8192xf32, #tpu.memory_space<hbm>>
        tpu.enqueue_dma source(%dma_start3A_135 : memref<8192xf32, #tpu.memory_space<hbm>>) target(%arg9 : memref<8192xf32, #tpu.memory_space<vmem>>) target_semaphore(%run_scoped3A : memref<!tpu.dma_semaphore, #tpu.memory_space<semaphore_mem>>)
        %dma_wait3A_136 = tpu.memref_slice %arg2[%mul3A_12] : memref<16384xf32, #tpu.memory_space<hbm>> -> memref<8192xf32, #tpu.memory_space<hbm>>
        %dma_wait3A_137 = tpu.memref_slice %arg2[%mul3A_12] : memref<16384xf32, #tpu.memory_space<hbm>> -> memref<8192xf32, #tpu.memory_space<hbm>>
        tpu.wait_dma2 semaphore(%run_scoped3A : memref<!tpu.dma_semaphore, #tpu.memory_space<semaphore_mem>>) src(%dma_wait3A_137 : memref<8192xf32, #tpu.memory_space<hbm>>) dst(%arg9 : memref<8192xf32, #tpu.memory_space<vmem>>)
        tpu.yield
      }) : () -> ()
      %mul3A_13 = arith.constant 8192 : i32
      %mul3A_14 = arith.muli %arg0, %mul3A_13 : i32
      "tpu.region"() ({
        %run_scoped3A = tpu.sem_alloc : memref<!tpu.dma_semaphore, #tpu.memory_space<semaphore_mem>>
        %dma_start3A_134 = tpu.memref_slice %arg3[%mul3A_14] : memref<16384xf32, #tpu.memory_space<hbm>> -> memref<8192xf32, #tpu.memory_space<hbm>>
        %dma_start3A_135 = tpu.memref_slice %arg3[%mul3A_14] : memref<16384xf32, #tpu.memory_space<hbm>> -> memref<8192xf32, #tpu.memory_space<hbm>>
        tpu.enqueue_dma source(%dma_start3A_135 : memref<8192xf32, #tpu.memory_space<hbm>>) target(%arg10 : memref<8192xf32, #tpu.memory_space<vmem>>) target_semaphore(%run_scoped3A : memref<!tpu.dma_semaphore, #tpu.memory_space<semaphore_mem>>)
        %dma_wait3A_136 = tpu.memref_slice %arg3[%mul3A_14] : memref<16384xf32, #tpu.memory_space<hbm>> -> memref<8192xf32, #tpu.memory_space<hbm>>
        %dma_wait3A_137 = tpu.memref_slice %arg3[%mul3A_14] : memref<16384xf32, #tpu.memory_space<hbm>> -> memref<8192xf32, #tpu.memory_space<hbm>>
        tpu.wait_dma2 semaphore(%run_scoped3A : memref<!tpu.dma_semaphore, #tpu.memory_space<semaphore_mem>>) src(%dma_wait3A_137 : memref<8192xf32, #tpu.memory_space<hbm>>) dst(%arg10 : memref<8192xf32, #tpu.memory_space<vmem>>)
        tpu.yield
      }) : () -> ()
      %scan3A = arith.constant 0 : i32
      %scan3A_15 = arith.constant 0 : i32
      %scan3A_16 = arith.constant 512 : i32
      %scan3A_17 = arith.addi %scan3A_15, %scan3A_16 : i32
      %scan3A_18 = arith.constant 8 : i32
      %scan3A_19 = scf.for %scan3A_134 = %scan3A_15 to %scan3A_17 step %scan3A_18 iter_args(%scan3A_135 = %scan3A) -> (i32)  : i32 {
        %mul3A_136 = arith.constant 16 : i32
        %mul3A_137 = arith.muli %scan3A_134, %mul3A_136 : i32
        %get3A_138 = arith.index_cast %mul3A_137 : i32 to index
        %get3A_139 = tpu.vector_load %arg9[%get3A_138] {strides = array<i32>} : memref<8192xf32, #tpu.memory_space<vmem>>, vector<16xf32>,
        %bitcast3A = vector.bitcast %get3A_139 : vector<16xf32> to vector<16xi32>
        %shift_right_arithmetic3A_140 = arith.constant 31 : i32
        %shift_right_arithmetic3A_141 = vector.broadcast %shift_right_arithmetic3A_140 : i32 to vector<16xi32>
        %shift_right_arithmetic3A_142 = arith.shrsi %bitcast3A, %shift_right_arithmetic3A_141 : vector<16xi32>
        %and3A_143 = arith.constant 2147483647 : i32
        %and3A_144 = vector.broadcast %and3A_143 : i32 to vector<16xi32>
        %and3A_145 = arith.andi %shift_right_arithmetic3A_142, %and3A_144 : vector<16xi32>
        %xor3A = arith.xori %bitcast3A, %and3A_145 : vector<16xi32>
        %mul3A_146 = arith.constant 16 : i32
        %mul3A_147 = arith.muli %scan3A_134, %mul3A_146 : i32
        %swap3A = arith.index_cast %mul3A_147 : i32 to index
        %swap3A_148 = tpu.vector_load %arg11[%swap3A] {strides = array<i32>} : memref<8192xi32, #tpu.memory_space<vmem>>, vector<16xi32>,
        tpu.vector_store %arg11[%swap3A], %xor3A {strides = array<i32>} : memref<8192xi32, #tpu.memory_space<vmem>>, vector<16xi32>,
        %scan3A_149 = arith.constant 0 : i32
        %scan3A_150 = arith.constant 1 : i32
        %scan3A_151 = arith.addi %scan3A_134, %scan3A_150 : i32
        %mul3A_152 = arith.constant 16 : i32
        %mul3A_153 = arith.muli %scan3A_151, %mul3A_152 : i32
        %get3A_154 = arith.index_cast %mul3A_153 : i32 to index
        %get3A_155 = tpu.vector_load %arg9[%get3A_154] {strides = array<i32>} : memref<8192xf32, #tpu.memory_space<vmem>>, vector<16xf32>,
        %bitcast3A_156 = vector.bitcast %get3A_155 : vector<16xf32> to vector<16xi32>
        %shift_right_arithmetic3A_157 = arith.constant 31 : i32
        %shift_right_arithmetic3A_158 = vector.broadcast %shift_right_arithmetic3A_157 : i32 to vector<16xi32>
        %shift_right_arithmetic3A_159 = arith.shrsi %bitcast3A_156, %shift_right_arithmetic3A_158 : vector<16xi32>
        %and3A_160 = arith.constant 2147483647 : i32
        %and3A_161 = vector.broadcast %and3A_160 : i32 to vector<16xi32>
        %and3A_162 = arith.andi %shift_right_arithmetic3A_159, %and3A_161 : vector<16xi32>
        %xor3A_163 = arith.xori %bitcast3A_156, %and3A_162 : vector<16xi32>
        %mul3A_164 = arith.constant 16 : i32
        %mul3A_165 = arith.muli %scan3A_151, %mul3A_164 : i32
        %swap3A_166 = arith.index_cast %mul3A_165 : i32 to index
        %swap3A_167 = tpu.vector_load %arg11[%swap3A_166] {strides = array<i32>} : memref<8192xi32, #tpu.memory_space<vmem>>, vector<16xi32>,
        tpu.vector_store %arg11[%swap3A_166], %xor3A_163 {strides = array<i32>} : memref<8192xi32, #tpu.memory_space<vmem>>, vector<16xi32>,
        %scan3A_168 = arith.constant 0 : i32
        %scan3A_169 = arith.constant 2 : i32
        %scan3A_170 = arith.addi %scan3A_134, %scan3A_169 : i32
        %mul3A_171 = arith.constant 16 : i32
        %mul3A_172 = arith.muli %scan3A_170, %mul3A_171 : i32
        %get3A_173 = arith.index_cast %mul3A_172 : i32 to index
        %get3A_174 = tpu.vector_load %arg9[%get3A_173] {strides = array<i32>} : memref<8192xf32, #tpu.memory_space<vmem>>, vector<16xf32>,
        %bitcast3A_175 = vector.bitcast %get3A_174 : vector<16xf32> to vector<16xi32>
        %shift_right_arithmetic3A_176 = arith.constant 31 : i32
        %shift_right_arithmetic3A_177 = vector.broadcast %shift_right_arithmetic3A_176 : i32 to vector<16xi32>
        %shift_right_arithmetic3A_178 = arith.shrsi %bitcast3A_175, %shift_right_arithmetic3A_177 : vector<16xi32>
        %and3A_179 = arith.constant 2147483647 : i32
        %and3A_180 = vector.broadcast %and3A_179 : i32 to vector<16xi32>
        %and3A_181 = arith.andi %shift_right_arithmetic3A_178, %and3A_180 : vector<16xi32>
        %xor3A_182 = arith.xori %bitcast3A_175, %and3A_181 : vector<16xi32>
        %mul3A_183 = arith.constant 16 : i32
        %mul3A_184 = arith.muli %scan3A_170, %mul3A_183 : i32
        %swap3A_185 = arith.index_cast %mul3A_184 : i32 to index
        %swap3A_186 = tpu.vector_load %arg11[%swap3A_185] {strides = array<i32>} : memref<8192xi32, #tpu.memory_space<vmem>>, vector<16xi32>,
        tpu.vector_store %arg11[%swap3A_185], %xor3A_182 {strides = array<i32>} : memref<8192xi32, #tpu.memory_space<vmem>>, vector<16xi32>,
        %scan3A_187 = arith.constant 0 : i32
        %scan3A_188 = arith.constant 3 : i32
        %scan3A_189 = arith.addi %scan3A_134, %scan3A_188 : i32
        %mul3A_190 = arith.constant 16 : i32
        %mul3A_191 = arith.muli %scan3A_189, %mul3A_190 : i32
        %get3A_192 = arith.index_cast %mul3A_191 : i32 to index
        %get3A_193 = tpu.vector_load %arg9[%get3A_192] {strides = array<i32>} : memref<8192xf32, #tpu.memory_space<vmem>>, vector<16xf32>,
        %bitcast3A_194 = vector.bitcast %get3A_193 : vector<16xf32> to vector<16xi32>
        %shift_right_arithmetic3A_195 = arith.constant 31 : i32
        %shift_right_arithmetic3A_196 = vector.broadcast %shift_right_arithmetic3A_195 : i32 to vector<16xi32>
        %shift_right_arithmetic3A_197 = arith.shrsi %bitcast3A_194, %shift_right_arithmetic3A_196 : vector<16xi32>
        %and3A_198 = arith.constant 2147483647 : i32
        %and3A_199 = vector.broadcast %and3A_198 : i32 to vector<16xi32>
        %and3A_200 = arith.andi %shift_right_arithmetic3A_197, %and3A_199 : vector<16xi32>
        %xor3A_201 = arith.xori %bitcast3A_194, %and3A_200 : vector<16xi32>
        %mul3A_202 = arith.constant 16 : i32
        %mul3A_203 = arith.muli %scan3A_189, %mul3A_202 : i32
        %swap3A_204 = arith.index_cast %mul3A_203 : i32 to index
        %swap3A_205 = tpu.vector_load %arg11[%swap3A_204] {strides = array<i32>} : memref<8192xi32, #tpu.memory_space<vmem>>, vector<16xi32>,
        tpu.vector_store %arg11[%swap3A_204], %xor3A_201 {strides = array<i32>} : memref<8192xi32, #tpu.memory_space<vmem>>, vector<16xi32>,
        %scan3A_206 = arith.constant 0 : i32
        %scan3A_207 = arith.constant 4 : i32
        %scan3A_208 = arith.addi %scan3A_134, %scan3A_207 : i32
        %mul3A_209 = arith.constant 16 : i32
        %mul3A_210 = arith.muli %scan3A_208, %mul3A_209 : i32
        %get3A_211 = arith.index_cast %mul3A_210 : i32 to index
        %get3A_212 = tpu.vector_load %arg9[%get3A_211] {strides = array<i32>} : memref<8192xf32, #tpu.memory_space<vmem>>, vector<16xf32>,
        %bitcast3A_213 = vector.bitcast %get3A_212 : vector<16xf32> to vector<16xi32>
        %shift_right_arithmetic3A_214 = arith.constant 31 : i32
        %shift_right_arithmetic3A_215 = vector.broadcast %shift_right_arithmetic3A_214 : i32 to vector<16xi32>
        %shift_right_arithmetic3A_216 = arith.shrsi %bitcast3A_213, %shift_right_arithmetic3A_215 : vector<16xi32>
        %and3A_217 = arith.constant 2147483647 : i32
        %and3A_218 = vector.broadcast %and3A_217 : i32 to vector<16xi32>
        %and3A_219 = arith.andi %shift_right_arithmetic3A_216, %and3A_218 : vector<16xi32>
        %xor3A_220 = arith.xori %bitcast3A_213, %and3A_219 : vector<16xi32>
        %mul3A_221 = arith.constant 16 : i32
        %mul3A_222 = arith.muli %scan3A_208, %mul3A_221 : i32
        %swap3A_223 = arith.index_cast %mul3A_222 : i32 to index
        %swap3A_224 = tpu.vector_load %arg11[%swap3A_223] {strides = array<i32>} : memref<8192xi32, #tpu.memory_space<vmem>>, vector<16xi32>,
        tpu.vector_store %arg11[%swap3A_223], %xor3A_220 {strides = array<i32>} : memref<8192xi32, #tpu.memory_space<vmem>>, vector<16xi32>,
        %scan3A_225 = arith.constant 0 : i32
        %scan3A_226 = arith.constant 5 : i32
        %scan3A_227 = arith.addi %scan3A_134, %scan3A_226 : i32
        %mul3A_228 = arith.constant 16 : i32
        %mul3A_229 = arith.muli %scan3A_227, %mul3A_228 : i32
        %get3A_230 = arith.index_cast %mul3A_229 : i32 to index
        %get3A_231 = tpu.vector_load %arg9[%get3A_230] {strides = array<i32>} : memref<8192xf32, #tpu.memory_space<vmem>>, vector<16xf32>,
        %bitcast3A_232 = vector.bitcast %get3A_231 : vector<16xf32> to vector<16xi32>
        %shift_right_arithmetic3A_233 = arith.constant 31 : i32
        %shift_right_arithmetic3A_234 = vector.broadcast %shift_right_arithmetic3A_233 : i32 to vector<16xi32>
        %shift_right_arithmetic3A_235 = arith.shrsi %bitcast3A_232, %shift_right_arithmetic3A_234 : vector<16xi32>
        %and3A_236 = arith.constant 2147483647 : i32
        %and3A_237 = vector.broadcast %and3A_236 : i32 to vector<16xi32>
        %and3A_238 = arith.andi %shift_right_arithmetic3A_235, %and3A_237 : vector<16xi32>
        %xor3A_239 = arith.xori %bitcast3A_232, %and3A_238 : vector<16xi32>
        %mul3A_240 = arith.constant 16 : i32
        %mul3A_241 = arith.muli %scan3A_227, %mul3A_240 : i32
        %swap3A_242 = arith.index_cast %mul3A_241 : i32 to index
        %swap3A_243 = tpu.vector_load %arg11[%swap3A_242] {strides = array<i32>} : memref<8192xi32, #tpu.memory_space<vmem>>, vector<16xi32>,
        tpu.vector_store %arg11[%swap3A_242], %xor3A_239 {strides = array<i32>} : memref<8192xi32, #tpu.memory_space<vmem>>, vector<16xi32>,
        %scan3A_244 = arith.constant 0 : i32
        %scan3A_245 = arith.constant 6 : i32
        %scan3A_246 = arith.addi %scan3A_134, %scan3A_245 : i32
        %mul3A_247 = arith.constant 16 : i32
        %mul3A_248 = arith.muli %scan3A_246, %mul3A_247 : i32
        %get3A_249 = arith.index_cast %mul3A_248 : i32 to index
        %get3A_250 = tpu.vector_load %arg9[%get3A_249] {strides = array<i32>} : memref<8192xf32, #tpu.memory_space<vmem>>, vector<16xf32>,
        %bitcast3A_251 = vector.bitcast %get3A_250 : vector<16xf32> to vector<16xi32>
        %shift_right_arithmetic3A_252 = arith.constant 31 : i32
        %shift_right_arithmetic3A_253 = vector.broadcast %shift_right_arithmetic3A_252 : i32 to vector<16xi32>
        %shift_right_arithmetic3A_254 = arith.shrsi %bitcast3A_251, %shift_right_arithmetic3A_253 : vector<16xi32>
        %and3A_255 = arith.constant 2147483647 : i32
        %and3A_256 = vector.broadcast %and3A_255 : i32 to vector<16xi32>
        %and3A_257 = arith.andi %shift_right_arithmetic3A_254, %and3A_256 : vector<16xi32>
        %xor3A_258 = arith.xori %bitcast3A_251, %and3A_257 : vector<16xi32>
        %mul3A_259 = arith.constant 16 : i32
        %mul3A_260 = arith.muli %scan3A_246, %mul3A_259 : i32
        %swap3A_261 = arith.index_cast %mul3A_260 : i32 to index
        %swap3A_262 = tpu.vector_load %arg11[%swap3A_261] {strides = array<i32>} : memref<8192xi32, #tpu.memory_space<vmem>>, vector<16xi32>,
        tpu.vector_store %arg11[%swap3A_261], %xor3A_258 {strides = array<i32>} : memref<8192xi32, #tpu.memory_space<vmem>>, vector<16xi32>,
        %scan3A_263 = arith.constant 0 : i32
        %scan3A_264 = arith.constant 7 : i32
        %scan3A_265 = arith.addi %scan3A_134, %scan3A_264 : i32
        %mul3A_266 = arith.constant 16 : i32
        %mul3A_267 = arith.muli %scan3A_265, %mul3A_266 : i32
        %get3A_268 = arith.index_cast %mul3A_267 : i32 to index
        %get3A_269 = tpu.vector_load %arg9[%get3A_268] {strides = array<i32>} : memref<8192xf32, #tpu.memory_space<vmem>>, vector<16xf32>,
        %bitcast3A_270 = vector.bitcast %get3A_269 : vector<16xf32> to vector<16xi32>
        %shift_right_arithmetic3A_271 = arith.constant 31 : i32
        %shift_right_arithmetic3A_272 = vector.broadcast %shift_right_arithmetic3A_271 : i32 to vector<16xi32>
        %shift_right_arithmetic3A_273 = arith.shrsi %bitcast3A_270, %shift_right_arithmetic3A_272 : vector<16xi32>
        %and3A_274 = arith.constant 2147483647 : i32
        %and3A_275 = vector.broadcast %and3A_274 : i32 to vector<16xi32>
        %and3A_276 = arith.andi %shift_right_arithmetic3A_273, %and3A_275 : vector<16xi32>
        %xor3A_277 = arith.xori %bitcast3A_270, %and3A_276 : vector<16xi32>
        %mul3A_278 = arith.constant 16 : i32
        %mul3A_279 = arith.muli %scan3A_265, %mul3A_278 : i32
        %swap3A_280 = arith.index_cast %mul3A_279 : i32 to index
        %swap3A_281 = tpu.vector_load %arg11[%swap3A_280] {strides = array<i32>} : memref<8192xi32, #tpu.memory_space<vmem>>, vector<16xi32>,
        tpu.vector_store %arg11[%swap3A_280], %xor3A_277 {strides = array<i32>} : memref<8192xi32, #tpu.memory_space<vmem>>, vector<16xi32>,
        %scan3A_282 = arith.constant 0 : i32
        scf.yield %scan3A_282 : i32
      }
      %scan3A_20 = arith.constant 512 : i32
      %broadcast_in_dim3A = arith.constant 0 : i32
      %broadcast_in_dim3A_21 = vector.broadcast %broadcast_in_dim3A : i32 to vector<16xi32>
      %broadcast_in_dim3A_22 = arith.constant 0 : i32
      %broadcast_in_dim3A_23 = vector.broadcast %broadcast_in_dim3A_22 : i32 to vector<16xi32>
      %scan3A_24 = arith.constant 0 : i32
      %scan3A_25 = arith.constant 512 : i32
      %scan3A_26 = arith.addi %scan3A_24, %scan3A_25 : i32
      %scan3A_27 = arith.constant 8 : i32
      %scan3A_28 = scf.for %scan3A_134 = %scan3A_24 to %scan3A_26 step %scan3A_27 iter_args(%scan3A_135 = %broadcast_in_dim3A_23) -> (vector<16xi32>)  : i32 {
        %mul3A_136 = arith.constant 16 : i32
        %mul3A_137 = arith.muli %scan3A_134, %mul3A_136 : i32
        %get3A_138 = arith.index_cast %mul3A_137 : i32 to index
        %get3A_139 = tpu.vector_load %arg11[%get3A_138] {strides = array<i32>} : memref<8192xi32, #tpu.memory_space<vmem>>, vector<16xi32>,
        %ge3A_140 = arith.cmpi sge, %get3A_139, %broadcast_in_dim3A_21 : vector<16xi32>
        %jit3A_141 = arith.constant 1 : i32
        %jit3A_142 = arith.constant 0 : i32
        %broadcast_in_dim3A_143 = vector.broadcast %jit3A_141 : i32 to vector<16xi32>
        %broadcast_in_dim3A_144 = vector.broadcast %jit3A_142 : i32 to vector<16xi32>
        %select_n3A_145 = arith.select %ge3A_140, %broadcast_in_dim3A_143, %broadcast_in_dim3A_144 : vector<16xi1>, vector<16xi32>
        %add3A_146 = arith.addi %scan3A_135, %select_n3A_145 : vector<16xi32>
        %scan3A_147 = arith.constant 1 : i32
        %scan3A_148 = arith.addi %scan3A_134, %scan3A_147 : i32
        %mul3A_149 = arith.constant 16 : i32
        %mul3A_150 = arith.muli %scan3A_148, %mul3A_149 : i32
        %get3A_151 = arith.index_cast %mul3A_150 : i32 to index
        %get3A_152 = tpu.vector_load %arg11[%get3A_151] {strides = array<i32>} : memref<8192xi32, #tpu.memory_space<vmem>>, vector<16xi32>,
        %ge3A_153 = arith.cmpi sge, %get3A_152, %broadcast_in_dim3A_21 : vector<16xi32>
        %jit3A_154 = arith.constant 1 : i32
        %jit3A_155 = arith.constant 0 : i32
        %broadcast_in_dim3A_156 = vector.broadcast %jit3A_154 : i32 to vector<16xi32>
        %broadcast_in_dim3A_157 = vector.broadcast %jit3A_155 : i32 to vector<16xi32>
        %select_n3A_158 = arith.select %ge3A_153, %broadcast_in_dim3A_156, %broadcast_in_dim3A_157 : vector<16xi1>, vector<16xi32>
        %add3A_159 = arith.addi %add3A_146, %select_n3A_158 : vector<16xi32>
        %scan3A_160 = arith.constant 2 : i32
        %scan3A_161 = arith.addi %scan3A_134, %scan3A_160 : i32
        %mul3A_162 = arith.constant 16 : i32
        %mul3A_163 = arith.muli %scan3A_161, %mul3A_162 : i32
        %get3A_164 = arith.index_cast %mul3A_163 : i32 to index
        %get3A_165 = tpu.vector_load %arg11[%get3A_164] {strides = array<i32>} : memref<8192xi32, #tpu.memory_space<vmem>>, vector<16xi32>,
        %ge3A_166 = arith.cmpi sge, %get3A_165, %broadcast_in_dim3A_21 : vector<16xi32>
        %jit3A_167 = arith.constant 1 : i32
        %jit3A_168 = arith.constant 0 : i32
        %broadcast_in_dim3A_169 = vector.broadcast %jit3A_167 : i32 to vector<16xi32>
        %broadcast_in_dim3A_170 = vector.broadcast %jit3A_168 : i32 to vector<16xi32>
        %select_n3A_171 = arith.select %ge3A_166, %broadcast_in_dim3A_169, %broadcast_in_dim3A_170 : vector<16xi1>, vector<16xi32>
        %add3A_172 = arith.addi %add3A_159, %select_n3A_171 : vector<16xi32>
        %scan3A_173 = arith.constant 3 : i32
        %scan3A_174 = arith.addi %scan3A_134, %scan3A_173 : i32
        %mul3A_175 = arith.constant 16 : i32
        %mul3A_176 = arith.muli %scan3A_174, %mul3A_175 : i32
        %get3A_177 = arith.index_cast %mul3A_176 : i32 to index
        %get3A_178 = tpu.vector_load %arg11[%get3A_177] {strides = array<i32>} : memref<8192xi32, #tpu.memory_space<vmem>>, vector<16xi32>,
        %ge3A_179 = arith.cmpi sge, %get3A_178, %broadcast_in_dim3A_21 : vector<16xi32>
        %jit3A_180 = arith.constant 1 : i32
        %jit3A_181 = arith.constant 0 : i32
        %broadcast_in_dim3A_182 = vector.broadcast %jit3A_180 : i32 to vector<16xi32>
        %broadcast_in_dim3A_183 = vector.broadcast %jit3A_181 : i32 to vector<16xi32>
        %select_n3A_184 = arith.select %ge3A_179, %broadcast_in_dim3A_182, %broadcast_in_dim3A_183 : vector<16xi1>, vector<16xi32>
        %add3A_185 = arith.addi %add3A_172, %select_n3A_184 : vector<16xi32>
        %scan3A_186 = arith.constant 4 : i32
        %scan3A_187 = arith.addi %scan3A_134, %scan3A_186 : i32
        %mul3A_188 = arith.constant 16 : i32
        %mul3A_189 = arith.muli %scan3A_187, %mul3A_188 : i32
        %get3A_190 = arith.index_cast %mul3A_189 : i32 to index
        %get3A_191 = tpu.vector_load %arg11[%get3A_190] {strides = array<i32>} : memref<8192xi32, #tpu.memory_space<vmem>>, vector<16xi32>,
        %ge3A_192 = arith.cmpi sge, %get3A_191, %broadcast_in_dim3A_21 : vector<16xi32>
        %jit3A_193 = arith.constant 1 : i32
        %jit3A_194 = arith.constant 0 : i32
        %broadcast_in_dim3A_195 = vector.broadcast %jit3A_193 : i32 to vector<16xi32>
        %broadcast_in_dim3A_196 = vector.broadcast %jit3A_194 : i32 to vector<16xi32>
        %select_n3A_197 = arith.select %ge3A_192, %broadcast_in_dim3A_195, %broadcast_in_dim3A_196 : vector<16xi1>, vector<16xi32>
        %add3A_198 = arith.addi %add3A_185, %select_n3A_197 : vector<16xi32>
        %scan3A_199 = arith.constant 5 : i32
        %scan3A_200 = arith.addi %scan3A_134, %scan3A_199 : i32
        %mul3A_201 = arith.constant 16 : i32
        %mul3A_202 = arith.muli %scan3A_200, %mul3A_201 : i32
        %get3A_203 = arith.index_cast %mul3A_202 : i32 to index
        %get3A_204 = tpu.vector_load %arg11[%get3A_203] {strides = array<i32>} : memref<8192xi32, #tpu.memory_space<vmem>>, vector<16xi32>,
        %ge3A_205 = arith.cmpi sge, %get3A_204, %broadcast_in_dim3A_21 : vector<16xi32>
        %jit3A_206 = arith.constant 1 : i32
        %jit3A_207 = arith.constant 0 : i32
        %broadcast_in_dim3A_208 = vector.broadcast %jit3A_206 : i32 to vector<16xi32>
        %broadcast_in_dim3A_209 = vector.broadcast %jit3A_207 : i32 to vector<16xi32>
        %select_n3A_210 = arith.select %ge3A_205, %broadcast_in_dim3A_208, %broadcast_in_dim3A_209 : vector<16xi1>, vector<16xi32>
        %add3A_211 = arith.addi %add3A_198, %select_n3A_210 : vector<16xi32>
        %scan3A_212 = arith.constant 6 : i32
        %scan3A_213 = arith.addi %scan3A_134, %scan3A_212 : i32
        %mul3A_214 = arith.constant 16 : i32
        %mul3A_215 = arith.muli %scan3A_213, %mul3A_214 : i32
        %get3A_216 = arith.index_cast %mul3A_215 : i32 to index
        %get3A_217 = tpu.vector_load %arg11[%get3A_216] {strides = array<i32>} : memref<8192xi32, #tpu.memory_space<vmem>>, vector<16xi32>,
        %ge3A_218 = arith.cmpi sge, %get3A_217, %broadcast_in_dim3A_21 : vector<16xi32>
        %jit3A_219 = arith.constant 1 : i32
        %jit3A_220 = arith.constant 0 : i32
        %broadcast_in_dim3A_221 = vector.broadcast %jit3A_219 : i32 to vector<16xi32>
        %broadcast_in_dim3A_222 = vector.broadcast %jit3A_220 : i32 to vector<16xi32>
        %select_n3A_223 = arith.select %ge3A_218, %broadcast_in_dim3A_221, %broadcast_in_dim3A_222 : vector<16xi1>, vector<16xi32>
        %add3A_224 = arith.addi %add3A_211, %select_n3A_223 : vector<16xi32>
        %scan3A_225 = arith.constant 7 : i32
        %scan3A_226 = arith.addi %scan3A_134, %scan3A_225 : i32
        %mul3A_227 = arith.constant 16 : i32
        %mul3A_228 = arith.muli %scan3A_226, %mul3A_227 : i32
        %get3A_229 = arith.index_cast %mul3A_228 : i32 to index
        %get3A_230 = tpu.vector_load %arg11[%get3A_229] {strides = array<i32>} : memref<8192xi32, #tpu.memory_space<vmem>>, vector<16xi32>,
        %ge3A_231 = arith.cmpi sge, %get3A_230, %broadcast_in_dim3A_21 : vector<16xi32>
        %jit3A_232 = arith.constant 1 : i32
        %jit3A_233 = arith.constant 0 : i32
        %broadcast_in_dim3A_234 = vector.broadcast %jit3A_232 : i32 to vector<16xi32>
        %broadcast_in_dim3A_235 = vector.broadcast %jit3A_233 : i32 to vector<16xi32>
        %select_n3A_236 = arith.select %ge3A_231, %broadcast_in_dim3A_234, %broadcast_in_dim3A_235 : vector<16xi1>, vector<16xi32>
        %add3A_237 = arith.addi %add3A_224, %select_n3A_236 : vector<16xi32>
        scf.yield %add3A_237 : vector<16xi32>
      }
      %scan3A_29 = arith.constant 512 : i32
      %reduce_sum3A = arith.constant true
      %reduce_sum3A_30 = vector.broadcast %reduce_sum3A : i1 to vector<16xi1>
      %reduce_sum3A_31 = tpu.scan <sum>, %scan3A_28 masked %reduce_sum3A_30 : vector<16xi32>, vector<16xi1> -> vector<16xi32>
      %reduce_sum3A_32 = vector.extract %reduce_sum3A_31[15] : i32 from vector<16xi32>
      %ge3A = arith.constant 1024 : i32
      %ge3A_33 = arith.cmpi sge, %reduce_sum3A_32, %ge3A : i32
      %jit3A = arith.constant 0 : i32
      %jit3A_34 = arith.constant -2147483648 : i32
      %select_n3A = arith.select %ge3A_33, %jit3A, %jit3A_34 : i32
      %scan3A_35 = arith.constant 0 : i32
      %scan3A_36 = arith.constant 10 : i32
      %scan3A_37 = arith.addi %scan3A_35, %scan3A_36 : i32
      %scan3A_38 = arith.constant 1 : i32
      %scan3A_39 = scf.for %scan3A_134 = %scan3A_35 to %scan3A_37 step %scan3A_38 iter_args(%scan3A_135 = %select_n3A) -> (i32)  : i32 {
        %sub3A_136 = arith.constant 30 : i32
        %sub3A_137 = arith.subi %sub3A_136, %scan3A_134 : i32
        %shift_left3A_138 = arith.constant 1 : i32
        %shift_left3A_139 = arith.shli %shift_left3A_138, %sub3A_137 : i32
        %add3A_140 = arith.addi %scan3A_135, %shift_left3A_139 : i32
        %broadcast_in_dim3A_141 = vector.broadcast %add3A_140 : i32 to vector<16xi32>
        %broadcast_in_dim3A_142 = arith.constant 0 : i32
        %broadcast_in_dim3A_143 = vector.broadcast %broadcast_in_dim3A_142 : i32 to vector<16xi32>
        %scan3A_144 = arith.constant 0 : i32
        %scan3A_145 = arith.constant 512 : i32
        %scan3A_146 = arith.addi %scan3A_144, %scan3A_145 : i32
        %scan3A_147 = arith.constant 8 : i32
        %scan3A_148 = scf.for %scan3A_157 = %scan3A_144 to %scan3A_146 step %scan3A_147 iter_args(%scan3A_158 = %broadcast_in_dim3A_143) -> (vector<16xi32>)  : i32 {
          %mul3A_159 = arith.constant 16 : i32
          %mul3A_160 = arith.muli %scan3A_157, %mul3A_159 : i32
          %get3A_161 = arith.index_cast %mul3A_160 : i32 to index
          %get3A_162 = tpu.vector_load %arg11[%get3A_161] {strides = array<i32>} : memref<8192xi32, #tpu.memory_space<vmem>>, vector<16xi32>,
          %ge3A_163 = arith.cmpi sge, %get3A_162, %broadcast_in_dim3A_141 : vector<16xi32>
          %jit3A_164 = arith.constant 1 : i32
          %jit3A_165 = arith.constant 0 : i32
          %broadcast_in_dim3A_166 = vector.broadcast %jit3A_164 : i32 to vector<16xi32>
          %broadcast_in_dim3A_167 = vector.broadcast %jit3A_165 : i32 to vector<16xi32>
          %select_n3A_168 = arith.select %ge3A_163, %broadcast_in_dim3A_166, %broadcast_in_dim3A_167 : vector<16xi1>, vector<16xi32>
          %add3A_169 = arith.addi %scan3A_158, %select_n3A_168 : vector<16xi32>
          %scan3A_170 = arith.constant 1 : i32
          %scan3A_171 = arith.addi %scan3A_157, %scan3A_170 : i32
          %mul3A_172 = arith.constant 16 : i32
          %mul3A_173 = arith.muli %scan3A_171, %mul3A_172 : i32
          %get3A_174 = arith.index_cast %mul3A_173 : i32 to index
          %get3A_175 = tpu.vector_load %arg11[%get3A_174] {strides = array<i32>} : memref<8192xi32, #tpu.memory_space<vmem>>, vector<16xi32>,
          %ge3A_176 = arith.cmpi sge, %get3A_175, %broadcast_in_dim3A_141 : vector<16xi32>
          %jit3A_177 = arith.constant 1 : i32
          %jit3A_178 = arith.constant 0 : i32
          %broadcast_in_dim3A_179 = vector.broadcast %jit3A_177 : i32 to vector<16xi32>
          %broadcast_in_dim3A_180 = vector.broadcast %jit3A_178 : i32 to vector<16xi32>
          %select_n3A_181 = arith.select %ge3A_176, %broadcast_in_dim3A_179, %broadcast_in_dim3A_180 : vector<16xi1>, vector<16xi32>
          %add3A_182 = arith.addi %add3A_169, %select_n3A_181 : vector<16xi32>
          %scan3A_183 = arith.constant 2 : i32
          %scan3A_184 = arith.addi %scan3A_157, %scan3A_183 : i32
          %mul3A_185 = arith.constant 16 : i32
          %mul3A_186 = arith.muli %scan3A_184, %mul3A_185 : i32
          %get3A_187 = arith.index_cast %mul3A_186 : i32 to index
          %get3A_188 = tpu.vector_load %arg11[%get3A_187] {strides = array<i32>} : memref<8192xi32, #tpu.memory_space<vmem>>, vector<16xi32>,
          %ge3A_189 = arith.cmpi sge, %get3A_188, %broadcast_in_dim3A_141 : vector<16xi32>
          %jit3A_190 = arith.constant 1 : i32
          %jit3A_191 = arith.constant 0 : i32
          %broadcast_in_dim3A_192 = vector.broadcast %jit3A_190 : i32 to vector<16xi32>
          %broadcast_in_dim3A_193 = vector.broadcast %jit3A_191 : i32 to vector<16xi32>
          %select_n3A_194 = arith.select %ge3A_189, %broadcast_in_dim3A_192, %broadcast_in_dim3A_193 : vector<16xi1>, vector<16xi32>
          %add3A_195 = arith.addi %add3A_182, %select_n3A_194 : vector<16xi32>
          %scan3A_196 = arith.constant 3 : i32
          %scan3A_197 = arith.addi %scan3A_157, %scan3A_196 : i32
          %mul3A_198 = arith.constant 16 : i32
          %mul3A_199 = arith.muli %scan3A_197, %mul3A_198 : i32
          %get3A_200 = arith.index_cast %mul3A_199 : i32 to index
          %get3A_201 = tpu.vector_load %arg11[%get3A_200] {strides = array<i32>} : memref<8192xi32, #tpu.memory_space<vmem>>, vector<16xi32>,
          %ge3A_202 = arith.cmpi sge, %get3A_201, %broadcast_in_dim3A_141 : vector<16xi32>
          %jit3A_203 = arith.constant 1 : i32
          %jit3A_204 = arith.constant 0 : i32
          %broadcast_in_dim3A_205 = vector.broadcast %jit3A_203 : i32 to vector<16xi32>
          %broadcast_in_dim3A_206 = vector.broadcast %jit3A_204 : i32 to vector<16xi32>
          %select_n3A_207 = arith.select %ge3A_202, %broadcast_in_dim3A_205, %broadcast_in_dim3A_206 : vector<16xi1>, vector<16xi32>
          %add3A_208 = arith.addi %add3A_195, %select_n3A_207 : vector<16xi32>
          %scan3A_209 = arith.constant 4 : i32
          %scan3A_210 = arith.addi %scan3A_157, %scan3A_209 : i32
          %mul3A_211 = arith.constant 16 : i32
          %mul3A_212 = arith.muli %scan3A_210, %mul3A_211 : i32
          %get3A_213 = arith.index_cast %mul3A_212 : i32 to index
          %get3A_214 = tpu.vector_load %arg11[%get3A_213] {strides = array<i32>} : memref<8192xi32, #tpu.memory_space<vmem>>, vector<16xi32>,
          %ge3A_215 = arith.cmpi sge, %get3A_214, %broadcast_in_dim3A_141 : vector<16xi32>
          %jit3A_216 = arith.constant 1 : i32
          %jit3A_217 = arith.constant 0 : i32
          %broadcast_in_dim3A_218 = vector.broadcast %jit3A_216 : i32 to vector<16xi32>
          %broadcast_in_dim3A_219 = vector.broadcast %jit3A_217 : i32 to vector<16xi32>
          %select_n3A_220 = arith.select %ge3A_215, %broadcast_in_dim3A_218, %broadcast_in_dim3A_219 : vector<16xi1>, vector<16xi32>
          %add3A_221 = arith.addi %add3A_208, %select_n3A_220 : vector<16xi32>
          %scan3A_222 = arith.constant 5 : i32
          %scan3A_223 = arith.addi %scan3A_157, %scan3A_222 : i32
          %mul3A_224 = arith.constant 16 : i32
          %mul3A_225 = arith.muli %scan3A_223, %mul3A_224 : i32
          %get3A_226 = arith.index_cast %mul3A_225 : i32 to index
          %get3A_227 = tpu.vector_load %arg11[%get3A_226] {strides = array<i32>} : memref<8192xi32, #tpu.memory_space<vmem>>, vector<16xi32>,
          %ge3A_228 = arith.cmpi sge, %get3A_227, %broadcast_in_dim3A_141 : vector<16xi32>
          %jit3A_229 = arith.constant 1 : i32
          %jit3A_230 = arith.constant 0 : i32
          %broadcast_in_dim3A_231 = vector.broadcast %jit3A_229 : i32 to vector<16xi32>
          %broadcast_in_dim3A_232 = vector.broadcast %jit3A_230 : i32 to vector<16xi32>
          %select_n3A_233 = arith.select %ge3A_228, %broadcast_in_dim3A_231, %broadcast_in_dim3A_232 : vector<16xi1>, vector<16xi32>
          %add3A_234 = arith.addi %add3A_221, %select_n3A_233 : vector<16xi32>
          %scan3A_235 = arith.constant 6 : i32
          %scan3A_236 = arith.addi %scan3A_157, %scan3A_235 : i32
          %mul3A_237 = arith.constant 16 : i32
          %mul3A_238 = arith.muli %scan3A_236, %mul3A_237 : i32
          %get3A_239 = arith.index_cast %mul3A_238 : i32 to index
          %get3A_240 = tpu.vector_load %arg11[%get3A_239] {strides = array<i32>} : memref<8192xi32, #tpu.memory_space<vmem>>, vector<16xi32>,
          %ge3A_241 = arith.cmpi sge, %get3A_240, %broadcast_in_dim3A_141 : vector<16xi32>
          %jit3A_242 = arith.constant 1 : i32
          %jit3A_243 = arith.constant 0 : i32
          %broadcast_in_dim3A_244 = vector.broadcast %jit3A_242 : i32 to vector<16xi32>
          %broadcast_in_dim3A_245 = vector.broadcast %jit3A_243 : i32 to vector<16xi32>
          %select_n3A_246 = arith.select %ge3A_241, %broadcast_in_dim3A_244, %broadcast_in_dim3A_245 : vector<16xi1>, vector<16xi32>
          %add3A_247 = arith.addi %add3A_234, %select_n3A_246 : vector<16xi32>
          %scan3A_248 = arith.constant 7 : i32
          %scan3A_249 = arith.addi %scan3A_157, %scan3A_248 : i32
          %mul3A_250 = arith.constant 16 : i32
          %mul3A_251 = arith.muli %scan3A_249, %mul3A_250 : i32
          %get3A_252 = arith.index_cast %mul3A_251 : i32 to index
          %get3A_253 = tpu.vector_load %arg11[%get3A_252] {strides = array<i32>} : memref<8192xi32, #tpu.memory_space<vmem>>, vector<16xi32>,
          %ge3A_254 = arith.cmpi sge, %get3A_253, %broadcast_in_dim3A_141 : vector<16xi32>
          %jit3A_255 = arith.constant 1 : i32
          %jit3A_256 = arith.constant 0 : i32
          %broadcast_in_dim3A_257 = vector.broadcast %jit3A_255 : i32 to vector<16xi32>
          %broadcast_in_dim3A_258 = vector.broadcast %jit3A_256 : i32 to vector<16xi32>
          %select_n3A_259 = arith.select %ge3A_254, %broadcast_in_dim3A_257, %broadcast_in_dim3A_258 : vector<16xi1>, vector<16xi32>
          %add3A_260 = arith.addi %add3A_247, %select_n3A_259 : vector<16xi32>
          scf.yield %add3A_260 : vector<16xi32>
        }
        %scan3A_149 = arith.constant 512 : i32
        %reduce_sum3A_150 = arith.constant true
        %reduce_sum3A_151 = vector.broadcast %reduce_sum3A_150 : i1 to vector<16xi1>
        %reduce_sum3A_152 = tpu.scan <sum>, %scan3A_148 masked %reduce_sum3A_151 : vector<16xi32>, vector<16xi1> -> vector<16xi32>
        %reduce_sum3A_153 = vector.extract %reduce_sum3A_152[15] : i32 from vector<16xi32>
        %ge3A_154 = arith.constant 1024 : i32
        %ge3A_155 = arith.cmpi sge, %reduce_sum3A_153, %ge3A_154 : i32
        %select_n3A_156 = arith.select %ge3A_155, %add3A_140, %scan3A_135 : i32
        scf.yield %select_n3A_156 : i32
      }
      %scan3A_40 = arith.constant 10 : i32
      %shift_left3A = arith.constant 1 : i32
      %shift_left3A_41 = arith.constant 21 : i32
      %shift_left3A_42 = arith.shli %shift_left3A, %shift_left3A_41 : i32
      %add3A_43 = arith.addi %scan3A_39, %shift_left3A_42 : i32
      %broadcast_in_dim3A_44 = vector.broadcast %add3A_43 : i32 to vector<16xi32>
      %broadcast_in_dim3A_45 = arith.constant 0 : i32
      %broadcast_in_dim3A_46 = vector.broadcast %broadcast_in_dim3A_45 : i32 to vector<16xi32>
      %scan3A_47 = arith.constant 0 : i32
      %scan3A_48 = arith.constant 512 : i32
      %scan3A_49 = arith.addi %scan3A_47, %scan3A_48 : i32
      %scan3A_50 = arith.constant 8 : i32
      %scan3A_51 = scf.for %scan3A_134 = %scan3A_47 to %scan3A_49 step %scan3A_50 iter_args(%scan3A_135 = %broadcast_in_dim3A_46) -> (vector<16xi32>)  : i32 {
        %mul3A_136 = arith.constant 16 : i32
        %mul3A_137 = arith.muli %scan3A_134, %mul3A_136 : i32
        %get3A_138 = arith.index_cast %mul3A_137 : i32 to index
        %get3A_139 = tpu.vector_load %arg11[%get3A_138] {strides = array<i32>} : memref<8192xi32, #tpu.memory_space<vmem>>, vector<16xi32>,
        %ge3A_140 = arith.cmpi sge, %get3A_139, %broadcast_in_dim3A_44 : vector<16xi32>
        %jit3A_141 = arith.constant 1 : i32
        %jit3A_142 = arith.constant 0 : i32
        %broadcast_in_dim3A_143 = vector.broadcast %jit3A_141 : i32 to vector<16xi32>
        %broadcast_in_dim3A_144 = vector.broadcast %jit3A_142 : i32 to vector<16xi32>
        %select_n3A_145 = arith.select %ge3A_140, %broadcast_in_dim3A_143, %broadcast_in_dim3A_144 : vector<16xi1>, vector<16xi32>
        %add3A_146 = arith.addi %scan3A_135, %select_n3A_145 : vector<16xi32>
        %scan3A_147 = arith.constant 1 : i32
        %scan3A_148 = arith.addi %scan3A_134, %scan3A_147 : i32
        %mul3A_149 = arith.constant 16 : i32
        %mul3A_150 = arith.muli %scan3A_148, %mul3A_149 : i32
        %get3A_151 = arith.index_cast %mul3A_150 : i32 to index
        %get3A_152 = tpu.vector_load %arg11[%get3A_151] {strides = array<i32>} : memref<8192xi32, #tpu.memory_space<vmem>>, vector<16xi32>,
        %ge3A_153 = arith.cmpi sge, %get3A_152, %broadcast_in_dim3A_44 : vector<16xi32>
        %jit3A_154 = arith.constant 1 : i32
        %jit3A_155 = arith.constant 0 : i32
        %broadcast_in_dim3A_156 = vector.broadcast %jit3A_154 : i32 to vector<16xi32>
        %broadcast_in_dim3A_157 = vector.broadcast %jit3A_155 : i32 to vector<16xi32>
        %select_n3A_158 = arith.select %ge3A_153, %broadcast_in_dim3A_156, %broadcast_in_dim3A_157 : vector<16xi1>, vector<16xi32>
        %add3A_159 = arith.addi %add3A_146, %select_n3A_158 : vector<16xi32>
        %scan3A_160 = arith.constant 2 : i32
        %scan3A_161 = arith.addi %scan3A_134, %scan3A_160 : i32
        %mul3A_162 = arith.constant 16 : i32
        %mul3A_163 = arith.muli %scan3A_161, %mul3A_162 : i32
        %get3A_164 = arith.index_cast %mul3A_163 : i32 to index
        %get3A_165 = tpu.vector_load %arg11[%get3A_164] {strides = array<i32>} : memref<8192xi32, #tpu.memory_space<vmem>>, vector<16xi32>,
        %ge3A_166 = arith.cmpi sge, %get3A_165, %broadcast_in_dim3A_44 : vector<16xi32>
        %jit3A_167 = arith.constant 1 : i32
        %jit3A_168 = arith.constant 0 : i32
        %broadcast_in_dim3A_169 = vector.broadcast %jit3A_167 : i32 to vector<16xi32>
        %broadcast_in_dim3A_170 = vector.broadcast %jit3A_168 : i32 to vector<16xi32>
        %select_n3A_171 = arith.select %ge3A_166, %broadcast_in_dim3A_169, %broadcast_in_dim3A_170 : vector<16xi1>, vector<16xi32>
        %add3A_172 = arith.addi %add3A_159, %select_n3A_171 : vector<16xi32>
        %scan3A_173 = arith.constant 3 : i32
        %scan3A_174 = arith.addi %scan3A_134, %scan3A_173 : i32
        %mul3A_175 = arith.constant 16 : i32
        %mul3A_176 = arith.muli %scan3A_174, %mul3A_175 : i32
        %get3A_177 = arith.index_cast %mul3A_176 : i32 to index
        %get3A_178 = tpu.vector_load %arg11[%get3A_177] {strides = array<i32>} : memref<8192xi32, #tpu.memory_space<vmem>>, vector<16xi32>,
        %ge3A_179 = arith.cmpi sge, %get3A_178, %broadcast_in_dim3A_44 : vector<16xi32>
        %jit3A_180 = arith.constant 1 : i32
        %jit3A_181 = arith.constant 0 : i32
        %broadcast_in_dim3A_182 = vector.broadcast %jit3A_180 : i32 to vector<16xi32>
        %broadcast_in_dim3A_183 = vector.broadcast %jit3A_181 : i32 to vector<16xi32>
        %select_n3A_184 = arith.select %ge3A_179, %broadcast_in_dim3A_182, %broadcast_in_dim3A_183 : vector<16xi1>, vector<16xi32>
        %add3A_185 = arith.addi %add3A_172, %select_n3A_184 : vector<16xi32>
        %scan3A_186 = arith.constant 4 : i32
        %scan3A_187 = arith.addi %scan3A_134, %scan3A_186 : i32
        %mul3A_188 = arith.constant 16 : i32
        %mul3A_189 = arith.muli %scan3A_187, %mul3A_188 : i32
        %get3A_190 = arith.index_cast %mul3A_189 : i32 to index
        %get3A_191 = tpu.vector_load %arg11[%get3A_190] {strides = array<i32>} : memref<8192xi32, #tpu.memory_space<vmem>>, vector<16xi32>,
        %ge3A_192 = arith.cmpi sge, %get3A_191, %broadcast_in_dim3A_44 : vector<16xi32>
        %jit3A_193 = arith.constant 1 : i32
        %jit3A_194 = arith.constant 0 : i32
        %broadcast_in_dim3A_195 = vector.broadcast %jit3A_193 : i32 to vector<16xi32>
        %broadcast_in_dim3A_196 = vector.broadcast %jit3A_194 : i32 to vector<16xi32>
        %select_n3A_197 = arith.select %ge3A_192, %broadcast_in_dim3A_195, %broadcast_in_dim3A_196 : vector<16xi1>, vector<16xi32>
        %add3A_198 = arith.addi %add3A_185, %select_n3A_197 : vector<16xi32>
        %scan3A_199 = arith.constant 5 : i32
        %scan3A_200 = arith.addi %scan3A_134, %scan3A_199 : i32
        %mul3A_201 = arith.constant 16 : i32
        %mul3A_202 = arith.muli %scan3A_200, %mul3A_201 : i32
        %get3A_203 = arith.index_cast %mul3A_202 : i32 to index
        %get3A_204 = tpu.vector_load %arg11[%get3A_203] {strides = array<i32>} : memref<8192xi32, #tpu.memory_space<vmem>>, vector<16xi32>,
        %ge3A_205 = arith.cmpi sge, %get3A_204, %broadcast_in_dim3A_44 : vector<16xi32>
        %jit3A_206 = arith.constant 1 : i32
        %jit3A_207 = arith.constant 0 : i32
        %broadcast_in_dim3A_208 = vector.broadcast %jit3A_206 : i32 to vector<16xi32>
        %broadcast_in_dim3A_209 = vector.broadcast %jit3A_207 : i32 to vector<16xi32>
        %select_n3A_210 = arith.select %ge3A_205, %broadcast_in_dim3A_208, %broadcast_in_dim3A_209 : vector<16xi1>, vector<16xi32>
        %add3A_211 = arith.addi %add3A_198, %select_n3A_210 : vector<16xi32>
        %scan3A_212 = arith.constant 6 : i32
        %scan3A_213 = arith.addi %scan3A_134, %scan3A_212 : i32
        %mul3A_214 = arith.constant 16 : i32
        %mul3A_215 = arith.muli %scan3A_213, %mul3A_214 : i32
        %get3A_216 = arith.index_cast %mul3A_215 : i32 to index
        %get3A_217 = tpu.vector_load %arg11[%get3A_216] {strides = array<i32>} : memref<8192xi32, #tpu.memory_space<vmem>>, vector<16xi32>,
        %ge3A_218 = arith.cmpi sge, %get3A_217, %broadcast_in_dim3A_44 : vector<16xi32>
        %jit3A_219 = arith.constant 1 : i32
        %jit3A_220 = arith.constant 0 : i32
        %broadcast_in_dim3A_221 = vector.broadcast %jit3A_219 : i32 to vector<16xi32>
        %broadcast_in_dim3A_222 = vector.broadcast %jit3A_220 : i32 to vector<16xi32>
        %select_n3A_223 = arith.select %ge3A_218, %broadcast_in_dim3A_221, %broadcast_in_dim3A_222 : vector<16xi1>, vector<16xi32>
        %add3A_224 = arith.addi %add3A_211, %select_n3A_223 : vector<16xi32>
        %scan3A_225 = arith.constant 7 : i32
        %scan3A_226 = arith.addi %scan3A_134, %scan3A_225 : i32
        %mul3A_227 = arith.constant 16 : i32
        %mul3A_228 = arith.muli %scan3A_226, %mul3A_227 : i32
        %get3A_229 = arith.index_cast %mul3A_228 : i32 to index
        %get3A_230 = tpu.vector_load %arg11[%get3A_229] {strides = array<i32>} : memref<8192xi32, #tpu.memory_space<vmem>>, vector<16xi32>,
        %ge3A_231 = arith.cmpi sge, %get3A_230, %broadcast_in_dim3A_44 : vector<16xi32>
        %jit3A_232 = arith.constant 1 : i32
        %jit3A_233 = arith.constant 0 : i32
        %broadcast_in_dim3A_234 = vector.broadcast %jit3A_232 : i32 to vector<16xi32>
        %broadcast_in_dim3A_235 = vector.broadcast %jit3A_233 : i32 to vector<16xi32>
        %select_n3A_236 = arith.select %ge3A_231, %broadcast_in_dim3A_234, %broadcast_in_dim3A_235 : vector<16xi1>, vector<16xi32>
        %add3A_237 = arith.addi %add3A_224, %select_n3A_236 : vector<16xi32>
        scf.yield %add3A_237 : vector<16xi32>
      }
      %scan3A_52 = arith.constant 512 : i32
      %reduce_sum3A_53 = arith.constant true
      %reduce_sum3A_54 = vector.broadcast %reduce_sum3A_53 : i1 to vector<16xi1>
      %reduce_sum3A_55 = tpu.scan <sum>, %scan3A_51 masked %reduce_sum3A_54 : vector<16xi32>, vector<16xi1> -> vector<16xi32>
      %reduce_sum3A_56 = vector.extract %reduce_sum3A_55[15] : i32 from vector<16xi32>
      %broadcast_in_dim3A_57 = vector.broadcast %scan3A_39 : i32 to vector<16xi32>
      %broadcast_in_dim3A_58 = vector.broadcast %add3A_43 : i32 to vector<16xi32>
      %broadcast_in_dim3A_59 = arith.constant 0 : i32
      %broadcast_in_dim3A_60 = vector.broadcast %broadcast_in_dim3A_59 : i32 to vector<16xi32>
      %scan3A_61 = arith.constant 0 : i32
      %scan3A_62 = arith.constant 512 : i32
      %scan3A_63 = arith.addi %scan3A_61, %scan3A_62 : i32
      %scan3A_64 = arith.constant 4 : i32
      %scan3A_65 = scf.for %scan3A_134 = %scan3A_61 to %scan3A_63 step %scan3A_64 iter_args(%scan3A_135 = %broadcast_in_dim3A_60) -> (vector<16xi32>)  : i32 {
        %mul3A_136 = arith.constant 16 : i32
        %mul3A_137 = arith.muli %scan3A_134, %mul3A_136 : i32
        %get3A_138 = arith.index_cast %mul3A_137 : i32 to index
        %get3A_139 = tpu.vector_load %arg11[%get3A_138] {strides = array<i32>} : memref<8192xi32, #tpu.memory_space<vmem>>, vector<16xi32>,
        %ge3A_140 = arith.cmpi sge, %get3A_139, %broadcast_in_dim3A_57 : vector<16xi32>
        %lt3A_141 = arith.cmpi slt, %get3A_139, %broadcast_in_dim3A_58 : vector<16xi32>
        %and3A_142 = arith.andi %ge3A_140, %lt3A_141 : vector<16xi1>
        %jit3A_143 = arith.constant 1 : i32
        %jit3A_144 = arith.constant 0 : i32
        %broadcast_in_dim3A_145 = vector.broadcast %jit3A_143 : i32 to vector<16xi32>
        %broadcast_in_dim3A_146 = vector.broadcast %jit3A_144 : i32 to vector<16xi32>
        %select_n3A_147 = arith.select %and3A_142, %broadcast_in_dim3A_145, %broadcast_in_dim3A_146 : vector<16xi1>, vector<16xi32>
        %broadcast_in_dim3A_148 = arith.constant true
        %broadcast_in_dim3A_149 = vector.broadcast %broadcast_in_dim3A_148 : i1 to vector<16xi1>
        %masked_cumsum3A = tpu.scan <sum>, %select_n3A_147 masked %broadcast_in_dim3A_149 : vector<16xi32>, vector<16xi1> -> vector<16xi32>
        %add3A_150 = arith.addi %scan3A_135, %masked_cumsum3A : vector<16xi32>
        %sub3A_151 = arith.constant 1 : i32
        %sub3A_152 = vector.broadcast %sub3A_151 : i32 to vector<16xi32>
        %sub3A_153 = arith.subi %add3A_150, %sub3A_152 : vector<16xi32>
        tpu.vector_store_idx %arg12[%sub3A_153], %get3A_139 masked %and3A_142 : memref<8208xi32, #tpu.memory_space<vmem>>[vector<16xi32>], vector<16xi32>, vector<16xi1>
        %all_reduce_population_count3A = tpu.all_reduce %and3A_142 {dim = 0 : i64, kind = #tpu.reduction_kind<sum>} : vector<16xi1> -> vector<16xi32>
        %add3A_154 = arith.addi %scan3A_135, %all_reduce_population_count3A : vector<16xi32>
        %scan3A_155 = arith.constant 1 : i32
        %scan3A_156 = arith.addi %scan3A_134, %scan3A_155 : i32
        %mul3A_157 = arith.constant 16 : i32
        %mul3A_158 = arith.muli %scan3A_156, %mul3A_157 : i32
        %get3A_159 = arith.index_cast %mul3A_158 : i32 to index
        %get3A_160 = tpu.vector_load %arg11[%get3A_159] {strides = array<i32>} : memref<8192xi32, #tpu.memory_space<vmem>>, vector<16xi32>,
        %ge3A_161 = arith.cmpi sge, %get3A_160, %broadcast_in_dim3A_57 : vector<16xi32>
        %lt3A_162 = arith.cmpi slt, %get3A_160, %broadcast_in_dim3A_58 : vector<16xi32>
        %and3A_163 = arith.andi %ge3A_161, %lt3A_162 : vector<16xi1>
        %jit3A_164 = arith.constant 1 : i32
        %jit3A_165 = arith.constant 0 : i32
        %broadcast_in_dim3A_166 = vector.broadcast %jit3A_164 : i32 to vector<16xi32>
        %broadcast_in_dim3A_167 = vector.broadcast %jit3A_165 : i32 to vector<16xi32>
        %select_n3A_168 = arith.select %and3A_163, %broadcast_in_dim3A_166, %broadcast_in_dim3A_167 : vector<16xi1>, vector<16xi32>
        %broadcast_in_dim3A_169 = arith.constant true
        %broadcast_in_dim3A_170 = vector.broadcast %broadcast_in_dim3A_169 : i1 to vector<16xi1>
        %masked_cumsum3A_171 = tpu.scan <sum>, %select_n3A_168 masked %broadcast_in_dim3A_170 : vector<16xi32>, vector<16xi1> -> vector<16xi32>
        %add3A_172 = arith.addi %add3A_154, %masked_cumsum3A_171 : vector<16xi32>
        %sub3A_173 = arith.constant 1 : i32
        %sub3A_174 = vector.broadcast %sub3A_173 : i32 to vector<16xi32>
        %sub3A_175 = arith.subi %add3A_172, %sub3A_174 : vector<16xi32>
        tpu.vector_store_idx %arg12[%sub3A_175], %get3A_160 masked %and3A_163 : memref<8208xi32, #tpu.memory_space<vmem>>[vector<16xi32>], vector<16xi32>, vector<16xi1>
        %all_reduce_population_count3A_176 = tpu.all_reduce %and3A_163 {dim = 0 : i64, kind = #tpu.reduction_kind<sum>} : vector<16xi1> -> vector<16xi32>
        %add3A_177 = arith.addi %add3A_154, %all_reduce_population_count3A_176 : vector<16xi32>
        %scan3A_178 = arith.constant 2 : i32
        %scan3A_179 = arith.addi %scan3A_134, %scan3A_178 : i32
        %mul3A_180 = arith.constant 16 : i32
        %mul3A_181 = arith.muli %scan3A_179, %mul3A_180 : i32
        %get3A_182 = arith.index_cast %mul3A_181 : i32 to index
        %get3A_183 = tpu.vector_load %arg11[%get3A_182] {strides = array<i32>} : memref<8192xi32, #tpu.memory_space<vmem>>, vector<16xi32>,
        %ge3A_184 = arith.cmpi sge, %get3A_183, %broadcast_in_dim3A_57 : vector<16xi32>
        %lt3A_185 = arith.cmpi slt, %get3A_183, %broadcast_in_dim3A_58 : vector<16xi32>
        %and3A_186 = arith.andi %ge3A_184, %lt3A_185 : vector<16xi1>
        %jit3A_187 = arith.constant 1 : i32
        %jit3A_188 = arith.constant 0 : i32
        %broadcast_in_dim3A_189 = vector.broadcast %jit3A_187 : i32 to vector<16xi32>
        %broadcast_in_dim3A_190 = vector.broadcast %jit3A_188 : i32 to vector<16xi32>
        %select_n3A_191 = arith.select %and3A_186, %broadcast_in_dim3A_189, %broadcast_in_dim3A_190 : vector<16xi1>, vector<16xi32>
        %broadcast_in_dim3A_192 = arith.constant true
        %broadcast_in_dim3A_193 = vector.broadcast %broadcast_in_dim3A_192 : i1 to vector<16xi1>
        %masked_cumsum3A_194 = tpu.scan <sum>, %select_n3A_191 masked %broadcast_in_dim3A_193 : vector<16xi32>, vector<16xi1> -> vector<16xi32>
        %add3A_195 = arith.addi %add3A_177, %masked_cumsum3A_194 : vector<16xi32>
        %sub3A_196 = arith.constant 1 : i32
        %sub3A_197 = vector.broadcast %sub3A_196 : i32 to vector<16xi32>
        %sub3A_198 = arith.subi %add3A_195, %sub3A_197 : vector<16xi32>
        tpu.vector_store_idx %arg12[%sub3A_198], %get3A_183 masked %and3A_186 : memref<8208xi32, #tpu.memory_space<vmem>>[vector<16xi32>], vector<16xi32>, vector<16xi1>
        %all_reduce_population_count3A_199 = tpu.all_reduce %and3A_186 {dim = 0 : i64, kind = #tpu.reduction_kind<sum>} : vector<16xi1> -> vector<16xi32>
        %add3A_200 = arith.addi %add3A_177, %all_reduce_population_count3A_199 : vector<16xi32>
        %scan3A_201 = arith.constant 3 : i32
        %scan3A_202 = arith.addi %scan3A_134, %scan3A_201 : i32
        %mul3A_203 = arith.constant 16 : i32
        %mul3A_204 = arith.muli %scan3A_202, %mul3A_203 : i32
        %get3A_205 = arith.index_cast %mul3A_204 : i32 to index
        %get3A_206 = tpu.vector_load %arg11[%get3A_205] {strides = array<i32>} : memref<8192xi32, #tpu.memory_space<vmem>>, vector<16xi32>,
        %ge3A_207 = arith.cmpi sge, %get3A_206, %broadcast_in_dim3A_57 : vector<16xi32>
        %lt3A_208 = arith.cmpi slt, %get3A_206, %broadcast_in_dim3A_58 : vector<16xi32>
        %and3A_209 = arith.andi %ge3A_207, %lt3A_208 : vector<16xi1>
        %jit3A_210 = arith.constant 1 : i32
        %jit3A_211 = arith.constant 0 : i32
        %broadcast_in_dim3A_212 = vector.broadcast %jit3A_210 : i32 to vector<16xi32>
        %broadcast_in_dim3A_213 = vector.broadcast %jit3A_211 : i32 to vector<16xi32>
        %select_n3A_214 = arith.select %and3A_209, %broadcast_in_dim3A_212, %broadcast_in_dim3A_213 : vector<16xi1>, vector<16xi32>
        %broadcast_in_dim3A_215 = arith.constant true
        %broadcast_in_dim3A_216 = vector.broadcast %broadcast_in_dim3A_215 : i1 to vector<16xi1>
        %masked_cumsum3A_217 = tpu.scan <sum>, %select_n3A_214 masked %broadcast_in_dim3A_216 : vector<16xi32>, vector<16xi1> -> vector<16xi32>
        %add3A_218 = arith.addi %add3A_200, %masked_cumsum3A_217 : vector<16xi32>
        %sub3A_219 = arith.constant 1 : i32
        %sub3A_220 = vector.broadcast %sub3A_219 : i32 to vector<16xi32>
        %sub3A_221 = arith.subi %add3A_218, %sub3A_220 : vector<16xi32>
        tpu.vector_store_idx %arg12[%sub3A_221], %get3A_206 masked %and3A_209 : memref<8208xi32, #tpu.memory_space<vmem>>[vector<16xi32>], vector<16xi32>, vector<16xi1>
        %all_reduce_population_count3A_222 = tpu.all_reduce %and3A_209 {dim = 0 : i64, kind = #tpu.reduction_kind<sum>} : vector<16xi1> -> vector<16xi32>
        %add3A_223 = arith.addi %add3A_200, %all_reduce_population_count3A_222 : vector<16xi32>
        scf.yield %add3A_223 : vector<16xi32>
      }
      %scan3A_66 = arith.constant 512 : i32
      %reduce_max3A = arith.constant true
      %reduce_max3A_67 = vector.broadcast %reduce_max3A : i1 to vector<16xi1>
      %reduce_max3A_68 = arith.constant -2147483648 : i32
      %reduce_max3A_69 = vector.broadcast %reduce_max3A_68 : i32 to vector<16xi32>
      %reduce_max3A_70 = arith.xori %scan3A_65, %reduce_max3A_69 : vector<16xi32>
      %reduce_max3A_71 = tpu.scan <max>, %reduce_max3A_70 masked %reduce_max3A_67 : vector<16xi32>, vector<16xi1> -> vector<16xi32>
      %reduce_max3A_72 = arith.xori %reduce_max3A_71, %reduce_max3A_69 : vector<16xi32>
      %reduce_max3A_73 = vector.extract %reduce_max3A_72[15] : i32 from vector<16xi32>
      %shift_right_arithmetic3A = arith.constant 4 : i32
      %shift_right_arithmetic3A_74 = arith.shrsi %reduce_max3A_73, %shift_right_arithmetic3A : i32
      %and3A = arith.constant 15 : i32
      %and3A_75 = arith.andi %reduce_max3A_73, %and3A : i32
      %broadcast_in_dim3A_76 = vector.broadcast %and3A_75 : i32 to vector<16xi32>
      %iota3A = tpu.iota {dimensions = array<i32: 0>} : vector<16xi32>
      %scan3A_77 = arith.constant 0 : i32
      %scan3A_78 = arith.constant 21 : i32
      %scan3A_79 = arith.addi %scan3A_77, %scan3A_78 : i32
      %scan3A_80 = arith.constant 1 : i32
      %scan3A_81 = scf.for %scan3A_134 = %scan3A_77 to %scan3A_79 step %scan3A_80 iter_args(%scan3A_135 = %scan3A_39) -> (i32)  : i32 {
        %sub3A_136 = arith.constant 20 : i32
        %sub3A_137 = arith.subi %sub3A_136, %scan3A_134 : i32
        %shift_left3A_138 = arith.constant 1 : i32
        %shift_left3A_139 = arith.shli %shift_left3A_138, %sub3A_137 : i32
        %add3A_140 = arith.addi %scan3A_135, %shift_left3A_139 : i32
        %broadcast_in_dim3A_141 = vector.broadcast %add3A_140 : i32 to vector<16xi32>
        %while3A_142 = arith.constant 0 : i32
        %while3A_143 = arith.subi %shift_right_arithmetic3A_74, %while3A_142 : i32
        %while3A_144 = arith.addi %while3A_142, %while3A_143 : i32
        %while3A_145 = arith.constant 1 : i32
        %while3A_146 = arith.divsi %while3A_143, %while3A_145 : i32
        %while3A_147 = arith.muli %while3A_146, %while3A_145 : i32
        %while3A_148 = arith.addi %while3A_142, %while3A_147 : i32
        %while3A_149 = arith.constant 1 : i32
        %while3A_150 = scf.for %while3A_174 = %while3A_142 to %while3A_148 step %while3A_149 iter_args(%while3A_175 = %broadcast_in_dim3A_60) -> (vector<16xi32>)  : i32 {
          %mul3A_176 = arith.constant 16 : i32
          %mul3A_177 = arith.muli %while3A_174, %mul3A_176 : i32
          %get3A_178 = arith.index_cast %mul3A_177 : i32 to index
          %get3A_179 = tpu.vector_load %arg12[%get3A_178] {strides = array<i32>} : memref<8208xi32, #tpu.memory_space<vmem>>, vector<16xi32>,
          %ge3A_180 = arith.cmpi sge, %get3A_179, %broadcast_in_dim3A_141 : vector<16xi32>
          %jit3A_181 = arith.constant 1 : i32
          %jit3A_182 = arith.constant 0 : i32
          %broadcast_in_dim3A_183 = vector.broadcast %jit3A_181 : i32 to vector<16xi32>
          %broadcast_in_dim3A_184 = vector.broadcast %jit3A_182 : i32 to vector<16xi32>
          %select_n3A_185 = arith.select %ge3A_180, %broadcast_in_dim3A_183, %broadcast_in_dim3A_184 : vector<16xi1>, vector<16xi32>
          %add3A_186 = arith.addi %while3A_175, %select_n3A_185 : vector<16xi32>
          scf.yield %add3A_186 : vector<16xi32>
        }
        %while3A_151 = arith.constant 1 : i32
        %while3A_152 = scf.for %while3A_174 = %while3A_148 to %while3A_144 step %while3A_151 iter_args(%while3A_175 = %while3A_150) -> (vector<16xi32>)  : i32 {
          %mul3A_176 = arith.constant 16 : i32
          %mul3A_177 = arith.muli %while3A_174, %mul3A_176 : i32
          %get3A_178 = arith.index_cast %mul3A_177 : i32 to index
          %get3A_179 = tpu.vector_load %arg12[%get3A_178] {strides = array<i32>} : memref<8208xi32, #tpu.memory_space<vmem>>, vector<16xi32>,
          %ge3A_180 = arith.cmpi sge, %get3A_179, %broadcast_in_dim3A_141 : vector<16xi32>
          %jit3A_181 = arith.constant 1 : i32
          %jit3A_182 = arith.constant 0 : i32
          %broadcast_in_dim3A_183 = vector.broadcast %jit3A_181 : i32 to vector<16xi32>
          %broadcast_in_dim3A_184 = vector.broadcast %jit3A_182 : i32 to vector<16xi32>
          %select_n3A_185 = arith.select %ge3A_180, %broadcast_in_dim3A_183, %broadcast_in_dim3A_184 : vector<16xi1>, vector<16xi32>
          %add3A_186 = arith.addi %while3A_175, %select_n3A_185 : vector<16xi32>
          scf.yield %add3A_186 : vector<16xi32>
        }
        %mul3A_153 = arith.constant 16 : i32
        %mul3A_154 = arith.muli %shift_right_arithmetic3A_74, %mul3A_153 : i32
        %get3A_155 = arith.index_cast %mul3A_154 : i32 to index
        %get3A_156 = tpu.vector_load %arg12[%get3A_155] {strides = array<i32>} : memref<8208xi32, #tpu.memory_space<vmem>>, vector<16xi32>,
        %lt3A_157 = arith.cmpi slt, %iota3A, %broadcast_in_dim3A_76 : vector<16xi32>
        %ge3A_158 = arith.cmpi sge, %get3A_156, %broadcast_in_dim3A_141 : vector<16xi32>
        %and3A_159 = arith.andi %lt3A_157, %ge3A_158 : vector<16xi1>
        %jit3A_160 = arith.constant 1 : i32
        %jit3A_161 = arith.constant 0 : i32
        %broadcast_in_dim3A_162 = vector.broadcast %jit3A_160 : i32 to vector<16xi32>
        %broadcast_in_dim3A_163 = vector.broadcast %jit3A_161 : i32 to vector<16xi32>
        %select_n3A_164 = arith.select %and3A_159, %broadcast_in_dim3A_162, %broadcast_in_dim3A_163 : vector<16xi1>, vector<16xi32>
        %add3A_165 = arith.addi %while3A_152, %select_n3A_164 : vector<16xi32>
        %reduce_sum3A_166 = arith.constant true
        %reduce_sum3A_167 = vector.broadcast %reduce_sum3A_166 : i1 to vector<16xi1>
        %reduce_sum3A_168 = tpu.scan <sum>, %add3A_165 masked %reduce_sum3A_167 : vector<16xi32>, vector<16xi1> -> vector<16xi32>
        %reduce_sum3A_169 = vector.extract %reduce_sum3A_168[15] : i32 from vector<16xi32>
        %add3A_170 = arith.addi %reduce_sum3A_56, %reduce_sum3A_169 : i32
        %ge3A_171 = arith.constant 1024 : i32
        %ge3A_172 = arith.cmpi sge, %add3A_170, %ge3A_171 : i32
        %select_n3A_173 = arith.select %ge3A_172, %add3A_140, %scan3A_135 : i32
        scf.yield %select_n3A_173 : i32
      }
      %scan3A_82 = arith.constant 21 : i32
      %add3A_83 = arith.constant 1 : i32
      %add3A_84 = arith.addi %scan3A_81, %add3A_83 : i32
      %broadcast_in_dim3A_85 = vector.broadcast %add3A_84 : i32 to vector<16xi32>
      %while3A = arith.constant 0 : i32
      %while3A_86 = arith.subi %shift_right_arithmetic3A_74, %while3A : i32
      %while3A_87 = arith.addi %while3A, %while3A_86 : i32
      %while3A_88 = arith.constant 1 : i32
      %while3A_89 = arith.divsi %while3A_86, %while3A_88 : i32
      %while3A_90 = arith.muli %while3A_89, %while3A_88 : i32
      %while3A_91 = arith.addi %while3A, %while3A_90 : i32
      %while3A_92 = arith.constant 1 : i32
      %while3A_93 = scf.for %while3A_134 = %while3A to %while3A_91 step %while3A_92 iter_args(%while3A_135 = %broadcast_in_dim3A_60) -> (vector<16xi32>)  : i32 {
        %mul3A_136 = arith.constant 16 : i32
        %mul3A_137 = arith.muli %while3A_134, %mul3A_136 : i32
        %get3A_138 = arith.index_cast %mul3A_137 : i32 to index
        %get3A_139 = tpu.vector_load %arg12[%get3A_138] {strides = array<i32>} : memref<8208xi32, #tpu.memory_space<vmem>>, vector<16xi32>,
        %ge3A_140 = arith.cmpi sge, %get3A_139, %broadcast_in_dim3A_85 : vector<16xi32>
        %jit3A_141 = arith.constant 1 : i32
        %jit3A_142 = arith.constant 0 : i32
        %broadcast_in_dim3A_143 = vector.broadcast %jit3A_141 : i32 to vector<16xi32>
        %broadcast_in_dim3A_144 = vector.broadcast %jit3A_142 : i32 to vector<16xi32>
        %select_n3A_145 = arith.select %ge3A_140, %broadcast_in_dim3A_143, %broadcast_in_dim3A_144 : vector<16xi1>, vector<16xi32>
        %add3A_146 = arith.addi %while3A_135, %select_n3A_145 : vector<16xi32>
        scf.yield %add3A_146 : vector<16xi32>
      }
      %while3A_94 = arith.constant 1 : i32
      %while3A_95 = scf.for %while3A_134 = %while3A_91 to %while3A_87 step %while3A_94 iter_args(%while3A_135 = %while3A_93) -> (vector<16xi32>)  : i32 {
        %mul3A_136 = arith.constant 16 : i32
        %mul3A_137 = arith.muli %while3A_134, %mul3A_136 : i32
        %get3A_138 = arith.index_cast %mul3A_137 : i32 to index
        %get3A_139 = tpu.vector_load %arg12[%get3A_138] {strides = array<i32>} : memref<8208xi32, #tpu.memory_space<vmem>>, vector<16xi32>,
        %ge3A_140 = arith.cmpi sge, %get3A_139, %broadcast_in_dim3A_85 : vector<16xi32>
        %jit3A_141 = arith.constant 1 : i32
        %jit3A_142 = arith.constant 0 : i32
        %broadcast_in_dim3A_143 = vector.broadcast %jit3A_141 : i32 to vector<16xi32>
        %broadcast_in_dim3A_144 = vector.broadcast %jit3A_142 : i32 to vector<16xi32>
        %select_n3A_145 = arith.select %ge3A_140, %broadcast_in_dim3A_143, %broadcast_in_dim3A_144 : vector<16xi1>, vector<16xi32>
        %add3A_146 = arith.addi %while3A_135, %select_n3A_145 : vector<16xi32>
        scf.yield %add3A_146 : vector<16xi32>
      }
      %mul3A_96 = arith.constant 16 : i32
      %mul3A_97 = arith.muli %shift_right_arithmetic3A_74, %mul3A_96 : i32
      %get3A = arith.index_cast %mul3A_97 : i32 to index
      %get3A_98 = tpu.vector_load %arg12[%get3A] {strides = array<i32>} : memref<8208xi32, #tpu.memory_space<vmem>>, vector<16xi32>,
      %lt3A = arith.cmpi slt, %iota3A, %broadcast_in_dim3A_76 : vector<16xi32>
      %ge3A_99 = arith.cmpi sge, %get3A_98, %broadcast_in_dim3A_85 : vector<16xi32>
      %and3A_100 = arith.andi %lt3A, %ge3A_99 : vector<16xi1>
      %jit3A_101 = arith.constant 1 : i32
      %jit3A_102 = arith.constant 0 : i32
      %broadcast_in_dim3A_103 = vector.broadcast %jit3A_101 : i32 to vector<16xi32>
      %broadcast_in_dim3A_104 = vector.broadcast %jit3A_102 : i32 to vector<16xi32>
      %select_n3A_105 = arith.select %and3A_100, %broadcast_in_dim3A_103, %broadcast_in_dim3A_104 : vector<16xi1>, vector<16xi32>
      %add3A_106 = arith.addi %while3A_95, %select_n3A_105 : vector<16xi32>
      %reduce_sum3A_107 = arith.constant true
      %reduce_sum3A_108 = vector.broadcast %reduce_sum3A_107 : i1 to vector<16xi1>
      %reduce_sum3A_109 = tpu.scan <sum>, %add3A_106 masked %reduce_sum3A_108 : vector<16xi32>, vector<16xi1> -> vector<16xi32>
      %reduce_sum3A_110 = vector.extract %reduce_sum3A_109[15] : i32 from vector<16xi32>
      %add3A_111 = arith.addi %reduce_sum3A_56, %reduce_sum3A_110 : i32
      %sub3A = arith.constant 1024 : i32
      %sub3A_112 = arith.subi %sub3A, %add3A_111 : i32
      %broadcast_in_dim3A_113 = vector.broadcast %scan3A_81 : i32 to vector<16xi32>
      %broadcast_in_dim3A_114 = vector.broadcast %sub3A_112 : i32 to vector<16xi32>
      %iota3A_115 = tpu.iota {dimensions = array<i32: 0>} : vector<16xi32>
      %add3A_116 = arith.constant 2 : i32
      %add3A_117 = arith.addi %add3A_116, %arg0 : i32
      %mul3A_118 = arith.constant 8192 : i32
      %mul3A_119 = arith.muli %add3A_117, %mul3A_118 : i32
      %broadcast_in_dim3A_120 = arith.constant 0 : i32
      %broadcast_in_dim3A_121 = vector.broadcast %broadcast_in_dim3A_120 : i32 to vector<16xi32>
      %scan3A_122 = arith.constant 0 : i32
      %scan3A_123 = arith.constant 512 : i32
      %scan3A_124 = arith.addi %scan3A_122, %scan3A_123 : i32
      %scan3A_125 = arith.constant 4 : i32
      %scan3A_126:2 = scf.for %scan3A_134 = %scan3A_122 to %scan3A_124 step %scan3A_125 iter_args(%scan3A_135 = %broadcast_in_dim3A_121, %scan3A_136 = %broadcast_in_dim3A_121) -> (vector<16xi32>, vector<16xi32>)  : i32 {
        %mul3A_137 = arith.constant 16 : i32
        %mul3A_138 = arith.muli %scan3A_134, %mul3A_137 : i32
        %get3A_139 = arith.index_cast %mul3A_138 : i32 to index
        %get3A_140 = tpu.vector_load %arg9[%get3A_139] {strides = array<i32>} : memref<8192xf32, #tpu.memory_space<vmem>>, vector<16xf32>,
        %mul3A_141 = arith.constant 16 : i32
        %mul3A_142 = arith.muli %scan3A_134, %mul3A_141 : i32
        %get3A_143 = arith.index_cast %mul3A_142 : i32 to index
        %get3A_144 = tpu.vector_load %arg10[%get3A_143] {strides = array<i32>} : memref<8192xf32, #tpu.memory_space<vmem>>, vector<16xf32>,
        %mul3A_145 = arith.constant 16 : i32
        %mul3A_146 = arith.muli %scan3A_134, %mul3A_145 : i32
        %get3A_147 = arith.index_cast %mul3A_146 : i32 to index
        %get3A_148 = tpu.vector_load %arg11[%get3A_147] {strides = array<i32>} : memref<8192xi32, #tpu.memory_space<vmem>>, vector<16xi32>,
        %gt3A = arith.cmpi sgt, %get3A_148, %broadcast_in_dim3A_113 : vector<16xi32>
        %eq3A_149 = arith.cmpi eq, %get3A_148, %broadcast_in_dim3A_113 : vector<16xi32>
        %jit3A_150 = arith.constant 1 : i32
        %jit3A_151 = arith.constant 0 : i32
        %broadcast_in_dim3A_152 = vector.broadcast %jit3A_150 : i32 to vector<16xi32>
        %broadcast_in_dim3A_153 = vector.broadcast %jit3A_151 : i32 to vector<16xi32>
        %select_n3A_154 = arith.select %eq3A_149, %broadcast_in_dim3A_152, %broadcast_in_dim3A_153 : vector<16xi1>, vector<16xi32>
        %broadcast_in_dim3A_155 = arith.constant true
        %broadcast_in_dim3A_156 = vector.broadcast %broadcast_in_dim3A_155 : i1 to vector<16xi1>
        %masked_cumsum3A = tpu.scan <sum>, %select_n3A_154 masked %broadcast_in_dim3A_156 : vector<16xi32>, vector<16xi1> -> vector<16xi32>
        %add3A_157 = arith.addi %scan3A_136, %masked_cumsum3A : vector<16xi32>
        %le3A = arith.cmpi sle, %add3A_157, %broadcast_in_dim3A_114 : vector<16xi32>
        %and3A_158 = arith.andi %eq3A_149, %le3A : vector<16xi1>
        %or3A = arith.ori %gt3A, %and3A_158 : vector<16xi1>
        %jit3A_159 = arith.constant 1 : i32
        %jit3A_160 = arith.constant 0 : i32
        %broadcast_in_dim3A_161 = vector.broadcast %jit3A_159 : i32 to vector<16xi32>
        %broadcast_in_dim3A_162 = vector.broadcast %jit3A_160 : i32 to vector<16xi32>
        %select_n3A_163 = arith.select %or3A, %broadcast_in_dim3A_161, %broadcast_in_dim3A_162 : vector<16xi1>, vector<16xi32>
        %broadcast_in_dim3A_164 = arith.constant true
        %broadcast_in_dim3A_165 = vector.broadcast %broadcast_in_dim3A_164 : i1 to vector<16xi1>
        %masked_cumsum3A_166 = tpu.scan <sum>, %select_n3A_163 masked %broadcast_in_dim3A_165 : vector<16xi32>, vector<16xi1> -> vector<16xi32>
        %add3A_167 = arith.addi %scan3A_135, %masked_cumsum3A_166 : vector<16xi32>
        %sub3A_168 = arith.constant 1 : i32
        %sub3A_169 = vector.broadcast %sub3A_168 : i32 to vector<16xi32>
        %sub3A_170 = arith.subi %add3A_167, %sub3A_169 : vector<16xi32>
        %mul3A_171 = arith.constant 16 : i32
        %mul3A_172 = arith.muli %scan3A_134, %mul3A_171 : i32
        %add3A_173 = arith.addi %mul3A_172, %mul3A_119 : i32
        %add3A_174 = vector.broadcast %add3A_173 : i32 to vector<16xi32>
        %add3A_175 = arith.addi %iota3A_115, %add3A_174 : vector<16xi32>
        tpu.vector_store_idx %arg14[%sub3A_170], %get3A_140 masked %or3A : memref<1024xf32, #tpu.memory_space<vmem>>[vector<16xi32>], vector<16xf32>, vector<16xi1>
        tpu.vector_store_idx %arg15[%sub3A_170], %get3A_144 masked %or3A : memref<1024xf32, #tpu.memory_space<vmem>>[vector<16xi32>], vector<16xf32>, vector<16xi1>
        tpu.vector_store_idx %arg13[%sub3A_170], %add3A_175 masked %or3A : memref<1024xi32, #tpu.memory_space<vmem>>[vector<16xi32>], vector<16xi32>, vector<16xi1>
        %all_reduce_population_count3A = tpu.all_reduce %or3A {dim = 0 : i64, kind = #tpu.reduction_kind<sum>} : vector<16xi1> -> vector<16xi32>
        %add3A_176 = arith.addi %scan3A_135, %all_reduce_population_count3A : vector<16xi32>
        %all_reduce_population_count3A_177 = tpu.all_reduce %eq3A_149 {dim = 0 : i64, kind = #tpu.reduction_kind<sum>} : vector<16xi1> -> vector<16xi32>
        %add3A_178 = arith.addi %scan3A_136, %all_reduce_population_count3A_177 : vector<16xi32>
        %scan3A_179 = arith.constant 1 : i32
        %scan3A_180 = arith.addi %scan3A_134, %scan3A_179 : i32
        %mul3A_181 = arith.constant 16 : i32
        %mul3A_182 = arith.muli %scan3A_180, %mul3A_181 : i32
        %get3A_183 = arith.index_cast %mul3A_182 : i32 to index
        %get3A_184 = tpu.vector_load %arg9[%get3A_183] {strides = array<i32>} : memref<8192xf32, #tpu.memory_space<vmem>>, vector<16xf32>,
        %mul3A_185 = arith.constant 16 : i32
        %mul3A_186 = arith.muli %scan3A_180, %mul3A_185 : i32
        %get3A_187 = arith.index_cast %mul3A_186 : i32 to index
        %get3A_188 = tpu.vector_load %arg10[%get3A_187] {strides = array<i32>} : memref<8192xf32, #tpu.memory_space<vmem>>, vector<16xf32>,
        %mul3A_189 = arith.constant 16 : i32
        %mul3A_190 = arith.muli %scan3A_180, %mul3A_189 : i32
        %get3A_191 = arith.index_cast %mul3A_190 : i32 to index
        %get3A_192 = tpu.vector_load %arg11[%get3A_191] {strides = array<i32>} : memref<8192xi32, #tpu.memory_space<vmem>>, vector<16xi32>,
        %gt3A_193 = arith.cmpi sgt, %get3A_192, %broadcast_in_dim3A_113 : vector<16xi32>
        %eq3A_194 = arith.cmpi eq, %get3A_192, %broadcast_in_dim3A_113 : vector<16xi32>
        %jit3A_195 = arith.constant 1 : i32
        %jit3A_196 = arith.constant 0 : i32
        %broadcast_in_dim3A_197 = vector.broadcast %jit3A_195 : i32 to vector<16xi32>
        %broadcast_in_dim3A_198 = vector.broadcast %jit3A_196 : i32 to vector<16xi32>
        %select_n3A_199 = arith.select %eq3A_194, %broadcast_in_dim3A_197, %broadcast_in_dim3A_198 : vector<16xi1>, vector<16xi32>
        %broadcast_in_dim3A_200 = arith.constant true
        %broadcast_in_dim3A_201 = vector.broadcast %broadcast_in_dim3A_200 : i1 to vector<16xi1>
        %masked_cumsum3A_202 = tpu.scan <sum>, %select_n3A_199 masked %broadcast_in_dim3A_201 : vector<16xi32>, vector<16xi1> -> vector<16xi32>
        %add3A_203 = arith.addi %add3A_178, %masked_cumsum3A_202 : vector<16xi32>
        %le3A_204 = arith.cmpi sle, %add3A_203, %broadcast_in_dim3A_114 : vector<16xi32>
        %and3A_205 = arith.andi %eq3A_194, %le3A_204 : vector<16xi1>
        %or3A_206 = arith.ori %gt3A_193, %and3A_205 : vector<16xi1>
        %jit3A_207 = arith.constant 1 : i32
        %jit3A_208 = arith.constant 0 : i32
        %broadcast_in_dim3A_209 = vector.broadcast %jit3A_207 : i32 to vector<16xi32>
        %broadcast_in_dim3A_210 = vector.broadcast %jit3A_208 : i32 to vector<16xi32>
        %select_n3A_211 = arith.select %or3A_206, %broadcast_in_dim3A_209, %broadcast_in_dim3A_210 : vector<16xi1>, vector<16xi32>
        %broadcast_in_dim3A_212 = arith.constant true
        %broadcast_in_dim3A_213 = vector.broadcast %broadcast_in_dim3A_212 : i1 to vector<16xi1>
        %masked_cumsum3A_214 = tpu.scan <sum>, %select_n3A_211 masked %broadcast_in_dim3A_213 : vector<16xi32>, vector<16xi1> -> vector<16xi32>
        %add3A_215 = arith.addi %add3A_176, %masked_cumsum3A_214 : vector<16xi32>
        %sub3A_216 = arith.constant 1 : i32
        %sub3A_217 = vector.broadcast %sub3A_216 : i32 to vector<16xi32>
        %sub3A_218 = arith.subi %add3A_215, %sub3A_217 : vector<16xi32>
        %mul3A_219 = arith.constant 16 : i32
        %mul3A_220 = arith.muli %scan3A_180, %mul3A_219 : i32
        %add3A_221 = arith.addi %mul3A_220, %mul3A_119 : i32
        %add3A_222 = vector.broadcast %add3A_221 : i32 to vector<16xi32>
        %add3A_223 = arith.addi %iota3A_115, %add3A_222 : vector<16xi32>
        tpu.vector_store_idx %arg14[%sub3A_218], %get3A_184 masked %or3A_206 : memref<1024xf32, #tpu.memory_space<vmem>>[vector<16xi32>], vector<16xf32>, vector<16xi1>
        tpu.vector_store_idx %arg15[%sub3A_218], %get3A_188 masked %or3A_206 : memref<1024xf32, #tpu.memory_space<vmem>>[vector<16xi32>], vector<16xf32>, vector<16xi1>
        tpu.vector_store_idx %arg13[%sub3A_218], %add3A_223 masked %or3A_206 : memref<1024xi32, #tpu.memory_space<vmem>>[vector<16xi32>], vector<16xi32>, vector<16xi1>
        %all_reduce_population_count3A_224 = tpu.all_reduce %or3A_206 {dim = 0 : i64, kind = #tpu.reduction_kind<sum>} : vector<16xi1> -> vector<16xi32>
        %add3A_225 = arith.addi %add3A_176, %all_reduce_population_count3A_224 : vector<16xi32>
        %all_reduce_population_count3A_226 = tpu.all_reduce %eq3A_194 {dim = 0 : i64, kind = #tpu.reduction_kind<sum>} : vector<16xi1> -> vector<16xi32>
        %add3A_227 = arith.addi %add3A_178, %all_reduce_population_count3A_226 : vector<16xi32>
        %scan3A_228 = arith.constant 2 : i32
        %scan3A_229 = arith.addi %scan3A_134, %scan3A_228 : i32
        %mul3A_230 = arith.constant 16 : i32
        %mul3A_231 = arith.muli %scan3A_229, %mul3A_230 : i32
        %get3A_232 = arith.index_cast %mul3A_231 : i32 to index
        %get3A_233 = tpu.vector_load %arg9[%get3A_232] {strides = array<i32>} : memref<8192xf32, #tpu.memory_space<vmem>>, vector<16xf32>,
        %mul3A_234 = arith.constant 16 : i32
        %mul3A_235 = arith.muli %scan3A_229, %mul3A_234 : i32
        %get3A_236 = arith.index_cast %mul3A_235 : i32 to index
        %get3A_237 = tpu.vector_load %arg10[%get3A_236] {strides = array<i32>} : memref<8192xf32, #tpu.memory_space<vmem>>, vector<16xf32>,
        %mul3A_238 = arith.constant 16 : i32
        %mul3A_239 = arith.muli %scan3A_229, %mul3A_238 : i32
        %get3A_240 = arith.index_cast %mul3A_239 : i32 to index
        %get3A_241 = tpu.vector_load %arg11[%get3A_240] {strides = array<i32>} : memref<8192xi32, #tpu.memory_space<vmem>>, vector<16xi32>,
        %gt3A_242 = arith.cmpi sgt, %get3A_241, %broadcast_in_dim3A_113 : vector<16xi32>
        %eq3A_243 = arith.cmpi eq, %get3A_241, %broadcast_in_dim3A_113 : vector<16xi32>
        %jit3A_244 = arith.constant 1 : i32
        %jit3A_245 = arith.constant 0 : i32
        %broadcast_in_dim3A_246 = vector.broadcast %jit3A_244 : i32 to vector<16xi32>
        %broadcast_in_dim3A_247 = vector.broadcast %jit3A_245 : i32 to vector<16xi32>
        %select_n3A_248 = arith.select %eq3A_243, %broadcast_in_dim3A_246, %broadcast_in_dim3A_247 : vector<16xi1>, vector<16xi32>
        %broadcast_in_dim3A_249 = arith.constant true
        %broadcast_in_dim3A_250 = vector.broadcast %broadcast_in_dim3A_249 : i1 to vector<16xi1>
        %masked_cumsum3A_251 = tpu.scan <sum>, %select_n3A_248 masked %broadcast_in_dim3A_250 : vector<16xi32>, vector<16xi1> -> vector<16xi32>
        %add3A_252 = arith.addi %add3A_227, %masked_cumsum3A_251 : vector<16xi32>
        %le3A_253 = arith.cmpi sle, %add3A_252, %broadcast_in_dim3A_114 : vector<16xi32>
        %and3A_254 = arith.andi %eq3A_243, %le3A_253 : vector<16xi1>
        %or3A_255 = arith.ori %gt3A_242, %and3A_254 : vector<16xi1>
        %jit3A_256 = arith.constant 1 : i32
        %jit3A_257 = arith.constant 0 : i32
        %broadcast_in_dim3A_258 = vector.broadcast %jit3A_256 : i32 to vector<16xi32>
        %broadcast_in_dim3A_259 = vector.broadcast %jit3A_257 : i32 to vector<16xi32>
        %select_n3A_260 = arith.select %or3A_255, %broadcast_in_dim3A_258, %broadcast_in_dim3A_259 : vector<16xi1>, vector<16xi32>
        %broadcast_in_dim3A_261 = arith.constant true
        %broadcast_in_dim3A_262 = vector.broadcast %broadcast_in_dim3A_261 : i1 to vector<16xi1>
        %masked_cumsum3A_263 = tpu.scan <sum>, %select_n3A_260 masked %broadcast_in_dim3A_262 : vector<16xi32>, vector<16xi1> -> vector<16xi32>
        %add3A_264 = arith.addi %add3A_225, %masked_cumsum3A_263 : vector<16xi32>
        %sub3A_265 = arith.constant 1 : i32
        %sub3A_266 = vector.broadcast %sub3A_265 : i32 to vector<16xi32>
        %sub3A_267 = arith.subi %add3A_264, %sub3A_266 : vector<16xi32>
        %mul3A_268 = arith.constant 16 : i32
        %mul3A_269 = arith.muli %scan3A_229, %mul3A_268 : i32
        %add3A_270 = arith.addi %mul3A_269, %mul3A_119 : i32
        %add3A_271 = vector.broadcast %add3A_270 : i32 to vector<16xi32>
        %add3A_272 = arith.addi %iota3A_115, %add3A_271 : vector<16xi32>
        tpu.vector_store_idx %arg14[%sub3A_267], %get3A_233 masked %or3A_255 : memref<1024xf32, #tpu.memory_space<vmem>>[vector<16xi32>], vector<16xf32>, vector<16xi1>
        tpu.vector_store_idx %arg15[%sub3A_267], %get3A_237 masked %or3A_255 : memref<1024xf32, #tpu.memory_space<vmem>>[vector<16xi32>], vector<16xf32>, vector<16xi1>
        tpu.vector_store_idx %arg13[%sub3A_267], %add3A_272 masked %or3A_255 : memref<1024xi32, #tpu.memory_space<vmem>>[vector<16xi32>], vector<16xi32>, vector<16xi1>
        %all_reduce_population_count3A_273 = tpu.all_reduce %or3A_255 {dim = 0 : i64, kind = #tpu.reduction_kind<sum>} : vector<16xi1> -> vector<16xi32>
        %add3A_274 = arith.addi %add3A_225, %all_reduce_population_count3A_273 : vector<16xi32>
        %all_reduce_population_count3A_275 = tpu.all_reduce %eq3A_243 {dim = 0 : i64, kind = #tpu.reduction_kind<sum>} : vector<16xi1> -> vector<16xi32>
        %add3A_276 = arith.addi %add3A_227, %all_reduce_population_count3A_275 : vector<16xi32>
        %scan3A_277 = arith.constant 3 : i32
        %scan3A_278 = arith.addi %scan3A_134, %scan3A_277 : i32
        %mul3A_279 = arith.constant 16 : i32
        %mul3A_280 = arith.muli %scan3A_278, %mul3A_279 : i32
        %get3A_281 = arith.index_cast %mul3A_280 : i32 to index
        %get3A_282 = tpu.vector_load %arg9[%get3A_281] {strides = array<i32>} : memref<8192xf32, #tpu.memory_space<vmem>>, vector<16xf32>,
        %mul3A_283 = arith.constant 16 : i32
        %mul3A_284 = arith.muli %scan3A_278, %mul3A_283 : i32
        %get3A_285 = arith.index_cast %mul3A_284 : i32 to index
        %get3A_286 = tpu.vector_load %arg10[%get3A_285] {strides = array<i32>} : memref<8192xf32, #tpu.memory_space<vmem>>, vector<16xf32>,
        %mul3A_287 = arith.constant 16 : i32
        %mul3A_288 = arith.muli %scan3A_278, %mul3A_287 : i32
        %get3A_289 = arith.index_cast %mul3A_288 : i32 to index
        %get3A_290 = tpu.vector_load %arg11[%get3A_289] {strides = array<i32>} : memref<8192xi32, #tpu.memory_space<vmem>>, vector<16xi32>,
        %gt3A_291 = arith.cmpi sgt, %get3A_290, %broadcast_in_dim3A_113 : vector<16xi32>
        %eq3A_292 = arith.cmpi eq, %get3A_290, %broadcast_in_dim3A_113 : vector<16xi32>
        %jit3A_293 = arith.constant 1 : i32
        %jit3A_294 = arith.constant 0 : i32
        %broadcast_in_dim3A_295 = vector.broadcast %jit3A_293 : i32 to vector<16xi32>
        %broadcast_in_dim3A_296 = vector.broadcast %jit3A_294 : i32 to vector<16xi32>
        %select_n3A_297 = arith.select %eq3A_292, %broadcast_in_dim3A_295, %broadcast_in_dim3A_296 : vector<16xi1>, vector<16xi32>
        %broadcast_in_dim3A_298 = arith.constant true
        %broadcast_in_dim3A_299 = vector.broadcast %broadcast_in_dim3A_298 : i1 to vector<16xi1>
        %masked_cumsum3A_300 = tpu.scan <sum>, %select_n3A_297 masked %broadcast_in_dim3A_299 : vector<16xi32>, vector<16xi1> -> vector<16xi32>
        %add3A_301 = arith.addi %add3A_276, %masked_cumsum3A_300 : vector<16xi32>
        %le3A_302 = arith.cmpi sle, %add3A_301, %broadcast_in_dim3A_114 : vector<16xi32>
        %and3A_303 = arith.andi %eq3A_292, %le3A_302 : vector<16xi1>
        %or3A_304 = arith.ori %gt3A_291, %and3A_303 : vector<16xi1>
        %jit3A_305 = arith.constant 1 : i32
        %jit3A_306 = arith.constant 0 : i32
        %broadcast_in_dim3A_307 = vector.broadcast %jit3A_305 : i32 to vector<16xi32>
        %broadcast_in_dim3A_308 = vector.broadcast %jit3A_306 : i32 to vector<16xi32>
        %select_n3A_309 = arith.select %or3A_304, %broadcast_in_dim3A_307, %broadcast_in_dim3A_308 : vector<16xi1>, vector<16xi32>
        %broadcast_in_dim3A_310 = arith.constant true
        %broadcast_in_dim3A_311 = vector.broadcast %broadcast_in_dim3A_310 : i1 to vector<16xi1>
        %masked_cumsum3A_312 = tpu.scan <sum>, %select_n3A_309 masked %broadcast_in_dim3A_311 : vector<16xi32>, vector<16xi1> -> vector<16xi32>
        %add3A_313 = arith.addi %add3A_274, %masked_cumsum3A_312 : vector<16xi32>
        %sub3A_314 = arith.constant 1 : i32
        %sub3A_315 = vector.broadcast %sub3A_314 : i32 to vector<16xi32>
        %sub3A_316 = arith.subi %add3A_313, %sub3A_315 : vector<16xi32>
        %mul3A_317 = arith.constant 16 : i32
        %mul3A_318 = arith.muli %scan3A_278, %mul3A_317 : i32
        %add3A_319 = arith.addi %mul3A_318, %mul3A_119 : i32
        %add3A_320 = vector.broadcast %add3A_319 : i32 to vector<16xi32>
        %add3A_321 = arith.addi %iota3A_115, %add3A_320 : vector<16xi32>
        tpu.vector_store_idx %arg14[%sub3A_316], %get3A_282 masked %or3A_304 : memref<1024xf32, #tpu.memory_space<vmem>>[vector<16xi32>], vector<16xf32>, vector<16xi1>
        tpu.vector_store_idx %arg15[%sub3A_316], %get3A_286 masked %or3A_304 : memref<1024xf32, #tpu.memory_space<vmem>>[vector<16xi32>], vector<16xf32>, vector<16xi1>
        tpu.vector_store_idx %arg13[%sub3A_316], %add3A_321 masked %or3A_304 : memref<1024xi32, #tpu.memory_space<vmem>>[vector<16xi32>], vector<16xi32>, vector<16xi1>
        %all_reduce_population_count3A_322 = tpu.all_reduce %or3A_304 {dim = 0 : i64, kind = #tpu.reduction_kind<sum>} : vector<16xi1> -> vector<16xi32>
        %add3A_323 = arith.addi %add3A_274, %all_reduce_population_count3A_322 : vector<16xi32>
        %all_reduce_population_count3A_324 = tpu.all_reduce %eq3A_292 {dim = 0 : i64, kind = #tpu.reduction_kind<sum>} : vector<16xi1> -> vector<16xi32>
        %add3A_325 = arith.addi %add3A_276, %all_reduce_population_count3A_324 : vector<16xi32>
        scf.yield %add3A_323, %add3A_325 : vector<16xi32>, vector<16xi32>
      }
      %scan3A_127 = arith.constant 512 : i32
      "tpu.region"() ({
        %run_scoped3A = tpu.sem_alloc : memref<!tpu.dma_semaphore, #tpu.memory_space<semaphore_mem>>
        tpu.enqueue_dma source(%arg13 : memref<1024xi32, #tpu.memory_space<vmem>>) target(%arg16 : memref<1024xi32, #tpu.memory_space<vmem_shared>>) target_semaphore(%run_scoped3A : memref<!tpu.dma_semaphore, #tpu.memory_space<semaphore_mem>>)
        tpu.wait_dma2 semaphore(%run_scoped3A : memref<!tpu.dma_semaphore, #tpu.memory_space<semaphore_mem>>) src(%arg13 : memref<1024xi32, #tpu.memory_space<vmem>>) dst(%arg16 : memref<1024xi32, #tpu.memory_space<vmem_shared>>)
        tpu.yield
      }) : () -> ()
      %mul3A_128 = arith.constant 1024 : i32
      %mul3A_129 = arith.muli %arg0, %mul3A_128 : i32
      "tpu.region"() ({
        %run_scoped3A = tpu.sem_alloc : memref<!tpu.dma_semaphore, #tpu.memory_space<semaphore_mem>>
        %dma_start3A_134 = tpu.memref_slice %arg5[%mul3A_129] : memref<2048xi32, #tpu.memory_space<hbm>> -> memref<1024xi32, #tpu.memory_space<hbm>>
        %dma_start3A_135 = tpu.memref_slice %arg5[%mul3A_129] : memref<2048xi32, #tpu.memory_space<hbm>> -> memref<1024xi32, #tpu.memory_space<hbm>>
        tpu.enqueue_dma source(%arg13 : memref<1024xi32, #tpu.memory_space<vmem>>) target(%dma_start3A_135 : memref<1024xi32, #tpu.memory_space<hbm>>) target_semaphore(%run_scoped3A : memref<!tpu.dma_semaphore, #tpu.memory_space<semaphore_mem>>)
        %dma_wait3A_136 = tpu.memref_slice %arg5[%mul3A_129] : memref<2048xi32, #tpu.memory_space<hbm>> -> memref<1024xi32, #tpu.memory_space<hbm>>
        %dma_wait3A_137 = tpu.memref_slice %arg5[%mul3A_129] : memref<2048xi32, #tpu.memory_space<hbm>> -> memref<1024xi32, #tpu.memory_space<hbm>>
        tpu.wait_dma2 semaphore(%run_scoped3A : memref<!tpu.dma_semaphore, #tpu.memory_space<semaphore_mem>>) src(%arg13 : memref<1024xi32, #tpu.memory_space<vmem>>) dst(%dma_wait3A_137 : memref<1024xi32, #tpu.memory_space<hbm>>)
        tpu.yield
      }) : () -> ()
      %mul3A_130 = arith.constant 1024 : i32
      %mul3A_131 = arith.muli %arg0, %mul3A_130 : i32
      "tpu.region"() ({
        %run_scoped3A = tpu.sem_alloc : memref<!tpu.dma_semaphore, #tpu.memory_space<semaphore_mem>>
        %dma_start3A_134 = tpu.memref_slice %arg6[%mul3A_131] : memref<2048xf32, #tpu.memory_space<hbm>> -> memref<1024xf32, #tpu.memory_space<hbm>>
        %dma_start3A_135 = tpu.memref_slice %arg6[%mul3A_131] : memref<2048xf32, #tpu.memory_space<hbm>> -> memref<1024xf32, #tpu.memory_space<hbm>>
        tpu.enqueue_dma source(%arg14 : memref<1024xf32, #tpu.memory_space<vmem>>) target(%dma_start3A_135 : memref<1024xf32, #tpu.memory_space<hbm>>) target_semaphore(%run_scoped3A : memref<!tpu.dma_semaphore, #tpu.memory_space<semaphore_mem>>)
        %dma_wait3A_136 = tpu.memref_slice %arg6[%mul3A_131] : memref<2048xf32, #tpu.memory_space<hbm>> -> memref<1024xf32, #tpu.memory_space<hbm>>
        %dma_wait3A_137 = tpu.memref_slice %arg6[%mul3A_131] : memref<2048xf32, #tpu.memory_space<hbm>> -> memref<1024xf32, #tpu.memory_space<hbm>>
        tpu.wait_dma2 semaphore(%run_scoped3A : memref<!tpu.dma_semaphore, #tpu.memory_space<semaphore_mem>>) src(%arg14 : memref<1024xf32, #tpu.memory_space<vmem>>) dst(%dma_wait3A_137 : memref<1024xf32, #tpu.memory_space<hbm>>)
        tpu.yield
      }) : () -> ()
      %mul3A_132 = arith.constant 1024 : i32
      %mul3A_133 = arith.muli %arg0, %mul3A_132 : i32
      "tpu.region"() ({
        %run_scoped3A = tpu.sem_alloc : memref<!tpu.dma_semaphore, #tpu.memory_space<semaphore_mem>>
        %dma_start3A_134 = tpu.memref_slice %arg7[%mul3A_133] : memref<2048xf32, #tpu.memory_space<hbm>> -> memref<1024xf32, #tpu.memory_space<hbm>>
        %dma_start3A_135 = tpu.memref_slice %arg7[%mul3A_133] : memref<2048xf32, #tpu.memory_space<hbm>> -> memref<1024xf32, #tpu.memory_space<hbm>>
        tpu.enqueue_dma source(%arg15 : memref<1024xf32, #tpu.memory_space<vmem>>) target(%dma_start3A_135 : memref<1024xf32, #tpu.memory_space<hbm>>) target_semaphore(%run_scoped3A : memref<!tpu.dma_semaphore, #tpu.memory_space<semaphore_mem>>)
        %dma_wait3A_136 = tpu.memref_slice %arg7[%mul3A_133] : memref<2048xf32, #tpu.memory_space<hbm>> -> memref<1024xf32, #tpu.memory_space<hbm>>
        %dma_wait3A_137 = tpu.memref_slice %arg7[%mul3A_133] : memref<2048xf32, #tpu.memory_space<hbm>> -> memref<1024xf32, #tpu.memory_space<hbm>>
        tpu.wait_dma2 semaphore(%run_scoped3A : memref<!tpu.dma_semaphore, #tpu.memory_space<semaphore_mem>>) src(%arg15 : memref<1024xf32, #tpu.memory_space<vmem>>) dst(%dma_wait3A_137 : memref<1024xf32, #tpu.memory_space<hbm>>)
        tpu.yield
      }) : () -> ()
    } else {
    }
    %barrier3A = arith.constant 0 : index
    tpu.barrier barrier_id(%barrier3A)
    %mul3A = arith.constant 1024 : i32
    %mul3A_2 = arith.muli %arg0, %mul3A : i32
    %mul3A_3 = arith.constant 64 : i32
    %mul3A_4 = arith.muli %arg1, %mul3A_3 : i32
    %add3A = arith.addi %mul3A_2, %mul3A_4 : i32
    %mul3A_5 = arith.constant 64 : i32
    %mul3A_6 = arith.muli %arg1, %mul3A_5 : i32
    "tpu.region"() ({
      %run_scoped3A = tpu.sem_alloc : memref<!tpu.dma_semaphore, #tpu.memory_space<semaphore_mem>>
      %dma_start3A_11 = tpu.memref_slice %arg16[%mul3A_6] : memref<1024xi32, #tpu.memory_space<vmem_shared>> -> memref<64xi32, #tpu.memory_space<vmem_shared>>
      %dma_start3A_12 = tpu.memref_slice %arg16[%mul3A_6] : memref<1024xi32, #tpu.memory_space<vmem_shared>> -> memref<64xi32, #tpu.memory_space<vmem_shared>>
      tpu.enqueue_dma source(%dma_start3A_12 : memref<64xi32, #tpu.memory_space<vmem_shared>>) target(%arg17 : memref<64xi32, #tpu.memory_space<vmem>>) target_semaphore(%run_scoped3A : memref<!tpu.dma_semaphore, #tpu.memory_space<semaphore_mem>>)
      %dma_wait3A_13 = tpu.memref_slice %arg16[%mul3A_6] : memref<1024xi32, #tpu.memory_space<vmem_shared>> -> memref<64xi32, #tpu.memory_space<vmem_shared>>
      %dma_wait3A_14 = tpu.memref_slice %arg16[%mul3A_6] : memref<1024xi32, #tpu.memory_space<vmem_shared>> -> memref<64xi32, #tpu.memory_space<vmem_shared>>
      tpu.wait_dma2 semaphore(%run_scoped3A : memref<!tpu.dma_semaphore, #tpu.memory_space<semaphore_mem>>) src(%dma_wait3A_14 : memref<64xi32, #tpu.memory_space<vmem_shared>>) dst(%arg17 : memref<64xi32, #tpu.memory_space<vmem>>)
      tpu.yield
    }) : () -> ()
    %dma_start3A = arith.constant 0 : i32
    %dma_start3A_7 = arith.constant 0 : i32
    %dma_start3A_8 = tpu.memref_slice %arg4[%dma_start3A, %dma_start3A_7] : memref<32768x768xf32, #tpu.memory_space<hbm>> -> memref<32768x768xf32, #tpu.memory_space<hbm>>
    tpu.enqueue_indirect_dma source(%dma_start3A_8 : memref<32768x768xf32, #tpu.memory_space<hbm>>) target(%arg18 : memref<64x768xf32, #tpu.memory_space<vmem>>) offsets(%arg17 : memref<64xi32, #tpu.memory_space<vmem>>) semaphore(%arg19 : memref<!tpu.dma_semaphore, #tpu.memory_space<semaphore_mem>>)
    %dma_wait3A = arith.constant 0 : i32
    %dma_wait3A_9 = arith.constant 0 : i32
    %dma_wait3A_10 = tpu.memref_slice %arg4[%dma_wait3A, %dma_wait3A_9] : memref<32768x768xf32, #tpu.memory_space<hbm>> -> memref<32768x768xf32, #tpu.memory_space<hbm>>
    tpu.wait_indirect_dma semaphore(%arg19 : memref<!tpu.dma_semaphore, #tpu.memory_space<semaphore_mem>>) src(%dma_wait3A_10 : memref<32768x768xf32, #tpu.memory_space<hbm>>) dst(%arg18 : memref<64x768xf32, #tpu.memory_space<vmem>>)
    "tpu.region"() ({
      %run_scoped3A = tpu.sem_alloc : memref<!tpu.dma_semaphore, #tpu.memory_space<semaphore_mem>>
      %dma_start3A_11 = arith.constant 0 : i32
      %dma_start3A_12 = tpu.memref_slice %arg8[%add3A, %dma_start3A_11] : memref<2048x768xf32, #tpu.memory_space<hbm>> -> memref<64x768xf32, #tpu.memory_space<hbm>>
      %dma_start3A_13 = arith.constant 0 : i32
      %dma_start3A_14 = tpu.memref_slice %arg8[%add3A, %dma_start3A_13] : memref<2048x768xf32, #tpu.memory_space<hbm>> -> memref<64x768xf32, #tpu.memory_space<hbm>>
      tpu.enqueue_dma source(%arg18 : memref<64x768xf32, #tpu.memory_space<vmem>>) target(%dma_start3A_14 : memref<64x768xf32, #tpu.memory_space<hbm>>) target_semaphore(%run_scoped3A : memref<!tpu.dma_semaphore, #tpu.memory_space<semaphore_mem>>)
      %dma_wait3A_15 = arith.constant 0 : i32
      %dma_wait3A_16 = tpu.memref_slice %arg8[%add3A, %dma_wait3A_15] : memref<2048x768xf32, #tpu.memory_space<hbm>> -> memref<64x768xf32, #tpu.memory_space<hbm>>
      %dma_wait3A_17 = arith.constant 0 : i32
      %dma_wait3A_18 = tpu.memref_slice %arg8[%add3A, %dma_wait3A_17] : memref<2048x768xf32, #tpu.memory_space<hbm>> -> memref<64x768xf32, #tpu.memory_space<hbm>>
      tpu.wait_dma2 semaphore(%run_scoped3A : memref<!tpu.dma_semaphore, #tpu.memory_space<semaphore_mem>>) src(%arg18 : memref<64x768xf32, #tpu.memory_space<vmem>>) dst(%dma_wait3A_18 : memref<64x768xf32, #tpu.memory_space<hbm>>)
      tpu.yield
    }) : () -> ()
    return
  }
}

#map = affine_map<(d0, d1) -> (0, 0)>
#map1 = affine_map<(d0, d1) -> (0)>
module attributes {stable_mosaic.version = 14 : i64} {
  func.func @new_body(%arg0: i32, %arg1: i32, %arg2: memref<2048x768xf32, #tpu.memory_space<hbm>>, %arg3: memref<2048xi32, #tpu.memory_space<hbm>>, %arg4: memref<32768x768xf32, #tpu.memory_space<hbm>>, %arg5: memref<32768x768xf32, #tpu.memory_space<hbm>>, %arg6: memref<64xi32, #tpu.memory_space<vmem>>, %arg7: memref<64x768xf32, #tpu.memory_space<vmem>>, %arg8: memref<!tpu.dma_semaphore, #tpu.memory_space<semaphore_mem>>) attributes {dimension_semantics = [#tpu.dimension_semantics<core_parallel>, #tpu.dimension_semantics<subcore_parallel>], iteration_bounds = array<i64: 2, 16>, scalar_prefetch = 0 : i64, scratch_operands = 3 : i64, tpu.core_type = #tpu.core_type<sc_vector_subcore>, window_params = [{transform_indices = #map}, {transform_indices = #map1}, {transform_indices = #map}, {transform_indices = #map}]} {
    %mul3A = arith.constant 2 : i32
    %mul3A_0 = arith.muli %arg1, %mul3A : i32
    %add3A = arith.addi %mul3A_0, %arg0 : i32
    %mul3A_1 = arith.constant 64 : i32
    %mul3A_2 = arith.muli %add3A, %mul3A_1 : i32
    "tpu.region"() ({
      %run_scoped3A = tpu.sem_alloc : memref<!tpu.dma_semaphore, #tpu.memory_space<semaphore_mem>>
      %dma_start3A_7 = tpu.memref_slice %arg3[%mul3A_2] : memref<2048xi32, #tpu.memory_space<hbm>> -> memref<64xi32, #tpu.memory_space<hbm>>
      %dma_start3A_8 = tpu.memref_slice %arg3[%mul3A_2] : memref<2048xi32, #tpu.memory_space<hbm>> -> memref<64xi32, #tpu.memory_space<hbm>>
      tpu.enqueue_dma source(%dma_start3A_8 : memref<64xi32, #tpu.memory_space<hbm>>) target(%arg6 : memref<64xi32, #tpu.memory_space<vmem>>) target_semaphore(%run_scoped3A : memref<!tpu.dma_semaphore, #tpu.memory_space<semaphore_mem>>)
      %dma_wait3A_9 = tpu.memref_slice %arg3[%mul3A_2] : memref<2048xi32, #tpu.memory_space<hbm>> -> memref<64xi32, #tpu.memory_space<hbm>>
      %dma_wait3A_10 = tpu.memref_slice %arg3[%mul3A_2] : memref<2048xi32, #tpu.memory_space<hbm>> -> memref<64xi32, #tpu.memory_space<hbm>>
      tpu.wait_dma2 semaphore(%run_scoped3A : memref<!tpu.dma_semaphore, #tpu.memory_space<semaphore_mem>>) src(%dma_wait3A_10 : memref<64xi32, #tpu.memory_space<hbm>>) dst(%arg6 : memref<64xi32, #tpu.memory_space<vmem>>)
      tpu.yield
    }) : () -> ()
    "tpu.region"() ({
      %run_scoped3A = tpu.sem_alloc : memref<!tpu.dma_semaphore, #tpu.memory_space<semaphore_mem>>
      %dma_start3A_7 = arith.constant 0 : i32
      %dma_start3A_8 = tpu.memref_slice %arg2[%mul3A_2, %dma_start3A_7] : memref<2048x768xf32, #tpu.memory_space<hbm>> -> memref<64x768xf32, #tpu.memory_space<hbm>>
      %dma_start3A_9 = arith.constant 0 : i32
      %dma_start3A_10 = tpu.memref_slice %arg2[%mul3A_2, %dma_start3A_9] : memref<2048x768xf32, #tpu.memory_space<hbm>> -> memref<64x768xf32, #tpu.memory_space<hbm>>
      tpu.enqueue_dma source(%dma_start3A_10 : memref<64x768xf32, #tpu.memory_space<hbm>>) target(%arg7 : memref<64x768xf32, #tpu.memory_space<vmem>>) target_semaphore(%run_scoped3A : memref<!tpu.dma_semaphore, #tpu.memory_space<semaphore_mem>>)
      %dma_wait3A_11 = arith.constant 0 : i32
      %dma_wait3A_12 = tpu.memref_slice %arg2[%mul3A_2, %dma_wait3A_11] : memref<2048x768xf32, #tpu.memory_space<hbm>> -> memref<64x768xf32, #tpu.memory_space<hbm>>
      %dma_wait3A_13 = arith.constant 0 : i32
      %dma_wait3A_14 = tpu.memref_slice %arg2[%mul3A_2, %dma_wait3A_13] : memref<2048x768xf32, #tpu.memory_space<hbm>> -> memref<64x768xf32, #tpu.memory_space<hbm>>
      tpu.wait_dma2 semaphore(%run_scoped3A : memref<!tpu.dma_semaphore, #tpu.memory_space<semaphore_mem>>) src(%dma_wait3A_14 : memref<64x768xf32, #tpu.memory_space<hbm>>) dst(%arg7 : memref<64x768xf32, #tpu.memory_space<vmem>>)
      tpu.yield
    }) : () -> ()
    %dma_start3A = arith.constant 0 : i32
    %dma_start3A_3 = arith.constant 0 : i32
    %dma_start3A_4 = tpu.memref_slice %arg4[%dma_start3A, %dma_start3A_3] : memref<32768x768xf32, #tpu.memory_space<hbm>> -> memref<32768x768xf32, #tpu.memory_space<hbm>>
    tpu.enqueue_indirect_dma source(%arg7 : memref<64x768xf32, #tpu.memory_space<vmem>>) target(%dma_start3A_4 : memref<32768x768xf32, #tpu.memory_space<hbm>>) offsets(%arg6 : memref<64xi32, #tpu.memory_space<vmem>>) semaphore(%arg8 : memref<!tpu.dma_semaphore, #tpu.memory_space<semaphore_mem>>)
    %dma_wait3A = arith.constant 0 : i32
    %dma_wait3A_5 = arith.constant 0 : i32
    %dma_wait3A_6 = tpu.memref_slice %arg4[%dma_wait3A, %dma_wait3A_5] : memref<32768x768xf32, #tpu.memory_space<hbm>> -> memref<32768x768xf32, #tpu.memory_space<hbm>>
    tpu.wait_indirect_dma semaphore(%arg8 : memref<!tpu.dma_semaphore, #tpu.memory_space<semaphore_mem>>) src(%arg7 : memref<64x768xf32, #tpu.memory_space<vmem>>) dst(%dma_wait3A_6 : memref<32768x768xf32, #tpu.memory_space<hbm>>)
    return
  }
}

#map = affine_map<(d0, d1) -> (0)>
#map1 = affine_map<(d0, d1) -> (0, 0)>
module attributes {stable_mosaic.version = 14 : i64} {
  func.func @_selgat_body(%arg0: i32, %arg1: i32, %arg2: memref<16384xf32, #tpu.memory_space<hbm>>, %arg3: memref<16384xf32, #tpu.memory_space<hbm>>, %arg4: memref<32768x768xf32, #tpu.memory_space<hbm>>, %arg5: memref<2048xi32, #tpu.memory_space<hbm>>, %arg6: memref<2048xf32, #tpu.memory_space<hbm>>, %arg7: memref<2048xf32, #tpu.memory_space<hbm>>, %arg8: memref<2048x768xf32, #tpu.memory_space<hbm>>, %arg9: memref<8192xf32, #tpu.memory_space<vmem>>, %arg10: memref<8192xf32, #tpu.memory_space<vmem>>, %arg11: memref<8192xi32, #tpu.memory_space<vmem>>, %arg12: memref<8208xi32, #tpu.memory_space<vmem>>, %arg13: memref<1024xi32, #tpu.memory_space<vmem>>, %arg14: memref<1024xf32, #tpu.memory_space<vmem>>, %arg15: memref<1024xf32, #tpu.memory_space<vmem>>, %arg16: memref<1024xi32, #tpu.memory_space<vmem_shared>>, %arg17: memref<64xi32, #tpu.memory_space<vmem>>, %arg18: memref<64x768xf32, #tpu.memory_space<vmem>>, %arg19: memref<!tpu.dma_semaphore, #tpu.memory_space<semaphore_mem>>) attributes {dimension_semantics = [#tpu.dimension_semantics<core_parallel>, #tpu.dimension_semantics<subcore_parallel>], iteration_bounds = array<i64: 2, 16>, scalar_prefetch = 0 : i64, scratch_operands = 11 : i64, tpu.core_type = #tpu.core_type<sc_vector_subcore>, window_params = [{transform_indices = #map}, {transform_indices = #map}, {transform_indices = #map1}, {transform_indices = #map}, {transform_indices = #map}, {transform_indices = #map}, {transform_indices = #map1}]} {
    %eq3A = arith.constant 0 : i32
    %eq3A_0 = arith.cmpi eq, %arg1, %eq3A : i32
    %convert_element_type3A = arith.extui %eq3A_0 : i1 to i32
    %cond3A = arith.constant 0 : i32
    %cond3A_1 = arith.cmpi ne, %convert_element_type3A, %cond3A : i32
    scf.if %cond3A_1 {
      %mul3A_11 = arith.constant 8192 : i32
      %mul3A_12 = arith.muli %arg0, %mul3A_11 : i32
      "tpu.region"() ({
        %run_scoped3A = tpu.sem_alloc : memref<!tpu.dma_semaphore, #tpu.memory_space<semaphore_mem>>
        %dma_start3A_134 = tpu.memref_slice %arg2[%mul3A_12] : memref<16384xf32, #tpu.memory_space<hbm>> -> memref<8192xf32, #tpu.memory_space<hbm>>
        %dma_start3A_135 = tpu.memref_slice %arg2[%mul3A_12] : memref<16384xf32, #tpu.memory_space<hbm>> -> memref<8192xf32, #tpu.memory_space<hbm>>
        tpu.enqueue_dma source(%dma_start3A_135 : memref<8192xf32, #tpu.memory_space<hbm>>) target(%arg9 : memref<8192xf32, #tpu.memory_space<vmem>>) target_semaphore(%run_scoped3A : memref<!tpu.dma_semaphore, #tpu.memory_space<semaphore_mem>>)
        %dma_wait3A_136 = tpu.memref_slice %arg2[%mul3A_12] : memref<16384xf32, #tpu.memory_space<hbm>> -> memref<8192xf32, #tpu.memory_space<hbm>>
        %dma_wait3A_137 = tpu.memref_slice %arg2[%mul3A_12] : memref<16384xf32, #tpu.memory_space<hbm>> -> memref<8192xf32, #tpu.memory_space<hbm>>
        tpu.wait_dma2 semaphore(%run_scoped3A : memref<!tpu.dma_semaphore, #tpu.memory_space<semaphore_mem>>) src(%dma_wait3A_137 : memref<8192xf32, #tpu.memory_space<hbm>>) dst(%arg9 : memref<8192xf32, #tpu.memory_space<vmem>>)
        tpu.yield
      }) : () -> ()
      %mul3A_13 = arith.constant 8192 : i32
      %mul3A_14 = arith.muli %arg0, %mul3A_13 : i32
      "tpu.region"() ({
        %run_scoped3A = tpu.sem_alloc : memref<!tpu.dma_semaphore, #tpu.memory_space<semaphore_mem>>
        %dma_start3A_134 = tpu.memref_slice %arg3[%mul3A_14] : memref<16384xf32, #tpu.memory_space<hbm>> -> memref<8192xf32, #tpu.memory_space<hbm>>
        %dma_start3A_135 = tpu.memref_slice %arg3[%mul3A_14] : memref<16384xf32, #tpu.memory_space<hbm>> -> memref<8192xf32, #tpu.memory_space<hbm>>
        tpu.enqueue_dma source(%dma_start3A_135 : memref<8192xf32, #tpu.memory_space<hbm>>) target(%arg10 : memref<8192xf32, #tpu.memory_space<vmem>>) target_semaphore(%run_scoped3A : memref<!tpu.dma_semaphore, #tpu.memory_space<semaphore_mem>>)
        %dma_wait3A_136 = tpu.memref_slice %arg3[%mul3A_14] : memref<16384xf32, #tpu.memory_space<hbm>> -> memref<8192xf32, #tpu.memory_space<hbm>>
        %dma_wait3A_137 = tpu.memref_slice %arg3[%mul3A_14] : memref<16384xf32, #tpu.memory_space<hbm>> -> memref<8192xf32, #tpu.memory_space<hbm>>
        tpu.wait_dma2 semaphore(%run_scoped3A : memref<!tpu.dma_semaphore, #tpu.memory_space<semaphore_mem>>) src(%dma_wait3A_137 : memref<8192xf32, #tpu.memory_space<hbm>>) dst(%arg10 : memref<8192xf32, #tpu.memory_space<vmem>>)
        tpu.yield
      }) : () -> ()
      %scan3A = arith.constant 0 : i32
      %scan3A_15 = arith.constant 0 : i32
      %scan3A_16 = arith.constant 512 : i32
      %scan3A_17 = arith.addi %scan3A_15, %scan3A_16 : i32
      %scan3A_18 = arith.constant 8 : i32
      %scan3A_19 = scf.for %scan3A_134 = %scan3A_15 to %scan3A_17 step %scan3A_18 iter_args(%scan3A_135 = %scan3A) -> (i32)  : i32 {
        %mul3A_136 = arith.constant 16 : i32
        %mul3A_137 = arith.muli %scan3A_134, %mul3A_136 : i32
        %get3A_138 = arith.index_cast %mul3A_137 : i32 to index
        %get3A_139 = tpu.vector_load %arg9[%get3A_138] {strides = array<i32>} : memref<8192xf32, #tpu.memory_space<vmem>>, vector<16xf32>,
        %bitcast3A = vector.bitcast %get3A_139 : vector<16xf32> to vector<16xi32>
        %shift_right_arithmetic3A_140 = arith.constant 31 : i32
        %shift_right_arithmetic3A_141 = vector.broadcast %shift_right_arithmetic3A_140 : i32 to vector<16xi32>
        %shift_right_arithmetic3A_142 = arith.shrsi %bitcast3A, %shift_right_arithmetic3A_141 : vector<16xi32>
        %and3A_143 = arith.constant 2147483647 : i32
        %and3A_144 = vector.broadcast %and3A_143 : i32 to vector<16xi32>
        %and3A_145 = arith.andi %shift_right_arithmetic3A_142, %and3A_144 : vector<16xi32>
        %xor3A = arith.xori %bitcast3A, %and3A_145 : vector<16xi32>
        %mul3A_146 = arith.constant 16 : i32
        %mul3A_147 = arith.muli %scan3A_134, %mul3A_146 : i32
        %swap3A = arith.index_cast %mul3A_147 : i32 to index
        %swap3A_148 = tpu.vector_load %arg11[%swap3A] {strides = array<i32>} : memref<8192xi32, #tpu.memory_space<vmem>>, vector<16xi32>,
        tpu.vector_store %arg11[%swap3A], %xor3A {strides = array<i32>} : memref<8192xi32, #tpu.memory_space<vmem>>, vector<16xi32>,
        %scan3A_149 = arith.constant 0 : i32
        %scan3A_150 = arith.constant 1 : i32
        %scan3A_151 = arith.addi %scan3A_134, %scan3A_150 : i32
        %mul3A_152 = arith.constant 16 : i32
        %mul3A_153 = arith.muli %scan3A_151, %mul3A_152 : i32
        %get3A_154 = arith.index_cast %mul3A_153 : i32 to index
        %get3A_155 = tpu.vector_load %arg9[%get3A_154] {strides = array<i32>} : memref<8192xf32, #tpu.memory_space<vmem>>, vector<16xf32>,
        %bitcast3A_156 = vector.bitcast %get3A_155 : vector<16xf32> to vector<16xi32>
        %shift_right_arithmetic3A_157 = arith.constant 31 : i32
        %shift_right_arithmetic3A_158 = vector.broadcast %shift_right_arithmetic3A_157 : i32 to vector<16xi32>
        %shift_right_arithmetic3A_159 = arith.shrsi %bitcast3A_156, %shift_right_arithmetic3A_158 : vector<16xi32>
        %and3A_160 = arith.constant 2147483647 : i32
        %and3A_161 = vector.broadcast %and3A_160 : i32 to vector<16xi32>
        %and3A_162 = arith.andi %shift_right_arithmetic3A_159, %and3A_161 : vector<16xi32>
        %xor3A_163 = arith.xori %bitcast3A_156, %and3A_162 : vector<16xi32>
        %mul3A_164 = arith.constant 16 : i32
        %mul3A_165 = arith.muli %scan3A_151, %mul3A_164 : i32
        %swap3A_166 = arith.index_cast %mul3A_165 : i32 to index
        %swap3A_167 = tpu.vector_load %arg11[%swap3A_166] {strides = array<i32>} : memref<8192xi32, #tpu.memory_space<vmem>>, vector<16xi32>,
        tpu.vector_store %arg11[%swap3A_166], %xor3A_163 {strides = array<i32>} : memref<8192xi32, #tpu.memory_space<vmem>>, vector<16xi32>,
        %scan3A_168 = arith.constant 0 : i32
        %scan3A_169 = arith.constant 2 : i32
        %scan3A_170 = arith.addi %scan3A_134, %scan3A_169 : i32
        %mul3A_171 = arith.constant 16 : i32
        %mul3A_172 = arith.muli %scan3A_170, %mul3A_171 : i32
        %get3A_173 = arith.index_cast %mul3A_172 : i32 to index
        %get3A_174 = tpu.vector_load %arg9[%get3A_173] {strides = array<i32>} : memref<8192xf32, #tpu.memory_space<vmem>>, vector<16xf32>,
        %bitcast3A_175 = vector.bitcast %get3A_174 : vector<16xf32> to vector<16xi32>
        %shift_right_arithmetic3A_176 = arith.constant 31 : i32
        %shift_right_arithmetic3A_177 = vector.broadcast %shift_right_arithmetic3A_176 : i32 to vector<16xi32>
        %shift_right_arithmetic3A_178 = arith.shrsi %bitcast3A_175, %shift_right_arithmetic3A_177 : vector<16xi32>
        %and3A_179 = arith.constant 2147483647 : i32
        %and3A_180 = vector.broadcast %and3A_179 : i32 to vector<16xi32>
        %and3A_181 = arith.andi %shift_right_arithmetic3A_178, %and3A_180 : vector<16xi32>
        %xor3A_182 = arith.xori %bitcast3A_175, %and3A_181 : vector<16xi32>
        %mul3A_183 = arith.constant 16 : i32
        %mul3A_184 = arith.muli %scan3A_170, %mul3A_183 : i32
        %swap3A_185 = arith.index_cast %mul3A_184 : i32 to index
        %swap3A_186 = tpu.vector_load %arg11[%swap3A_185] {strides = array<i32>} : memref<8192xi32, #tpu.memory_space<vmem>>, vector<16xi32>,
        tpu.vector_store %arg11[%swap3A_185], %xor3A_182 {strides = array<i32>} : memref<8192xi32, #tpu.memory_space<vmem>>, vector<16xi32>,
        %scan3A_187 = arith.constant 0 : i32
        %scan3A_188 = arith.constant 3 : i32
        %scan3A_189 = arith.addi %scan3A_134, %scan3A_188 : i32
        %mul3A_190 = arith.constant 16 : i32
        %mul3A_191 = arith.muli %scan3A_189, %mul3A_190 : i32
        %get3A_192 = arith.index_cast %mul3A_191 : i32 to index
        %get3A_193 = tpu.vector_load %arg9[%get3A_192] {strides = array<i32>} : memref<8192xf32, #tpu.memory_space<vmem>>, vector<16xf32>,
        %bitcast3A_194 = vector.bitcast %get3A_193 : vector<16xf32> to vector<16xi32>
        %shift_right_arithmetic3A_195 = arith.constant 31 : i32
        %shift_right_arithmetic3A_196 = vector.broadcast %shift_right_arithmetic3A_195 : i32 to vector<16xi32>
        %shift_right_arithmetic3A_197 = arith.shrsi %bitcast3A_194, %shift_right_arithmetic3A_196 : vector<16xi32>
        %and3A_198 = arith.constant 2147483647 : i32
        %and3A_199 = vector.broadcast %and3A_198 : i32 to vector<16xi32>
        %and3A_200 = arith.andi %shift_right_arithmetic3A_197, %and3A_199 : vector<16xi32>
        %xor3A_201 = arith.xori %bitcast3A_194, %and3A_200 : vector<16xi32>
        %mul3A_202 = arith.constant 16 : i32
        %mul3A_203 = arith.muli %scan3A_189, %mul3A_202 : i32
        %swap3A_204 = arith.index_cast %mul3A_203 : i32 to index
        %swap3A_205 = tpu.vector_load %arg11[%swap3A_204] {strides = array<i32>} : memref<8192xi32, #tpu.memory_space<vmem>>, vector<16xi32>,
        tpu.vector_store %arg11[%swap3A_204], %xor3A_201 {strides = array<i32>} : memref<8192xi32, #tpu.memory_space<vmem>>, vector<16xi32>,
        %scan3A_206 = arith.constant 0 : i32
        %scan3A_207 = arith.constant 4 : i32
        %scan3A_208 = arith.addi %scan3A_134, %scan3A_207 : i32
        %mul3A_209 = arith.constant 16 : i32
        %mul3A_210 = arith.muli %scan3A_208, %mul3A_209 : i32
        %get3A_211 = arith.index_cast %mul3A_210 : i32 to index
        %get3A_212 = tpu.vector_load %arg9[%get3A_211] {strides = array<i32>} : memref<8192xf32, #tpu.memory_space<vmem>>, vector<16xf32>,
        %bitcast3A_213 = vector.bitcast %get3A_212 : vector<16xf32> to vector<16xi32>
        %shift_right_arithmetic3A_214 = arith.constant 31 : i32
        %shift_right_arithmetic3A_215 = vector.broadcast %shift_right_arithmetic3A_214 : i32 to vector<16xi32>
        %shift_right_arithmetic3A_216 = arith.shrsi %bitcast3A_213, %shift_right_arithmetic3A_215 : vector<16xi32>
        %and3A_217 = arith.constant 2147483647 : i32
        %and3A_218 = vector.broadcast %and3A_217 : i32 to vector<16xi32>
        %and3A_219 = arith.andi %shift_right_arithmetic3A_216, %and3A_218 : vector<16xi32>
        %xor3A_220 = arith.xori %bitcast3A_213, %and3A_219 : vector<16xi32>
        %mul3A_221 = arith.constant 16 : i32
        %mul3A_222 = arith.muli %scan3A_208, %mul3A_221 : i32
        %swap3A_223 = arith.index_cast %mul3A_222 : i32 to index
        %swap3A_224 = tpu.vector_load %arg11[%swap3A_223] {strides = array<i32>} : memref<8192xi32, #tpu.memory_space<vmem>>, vector<16xi32>,
        tpu.vector_store %arg11[%swap3A_223], %xor3A_220 {strides = array<i32>} : memref<8192xi32, #tpu.memory_space<vmem>>, vector<16xi32>,
        %scan3A_225 = arith.constant 0 : i32
        %scan3A_226 = arith.constant 5 : i32
        %scan3A_227 = arith.addi %scan3A_134, %scan3A_226 : i32
        %mul3A_228 = arith.constant 16 : i32
        %mul3A_229 = arith.muli %scan3A_227, %mul3A_228 : i32
        %get3A_230 = arith.index_cast %mul3A_229 : i32 to index
        %get3A_231 = tpu.vector_load %arg9[%get3A_230] {strides = array<i32>} : memref<8192xf32, #tpu.memory_space<vmem>>, vector<16xf32>,
        %bitcast3A_232 = vector.bitcast %get3A_231 : vector<16xf32> to vector<16xi32>
        %shift_right_arithmetic3A_233 = arith.constant 31 : i32
        %shift_right_arithmetic3A_234 = vector.broadcast %shift_right_arithmetic3A_233 : i32 to vector<16xi32>
        %shift_right_arithmetic3A_235 = arith.shrsi %bitcast3A_232, %shift_right_arithmetic3A_234 : vector<16xi32>
        %and3A_236 = arith.constant 2147483647 : i32
        %and3A_237 = vector.broadcast %and3A_236 : i32 to vector<16xi32>
        %and3A_238 = arith.andi %shift_right_arithmetic3A_235, %and3A_237 : vector<16xi32>
        %xor3A_239 = arith.xori %bitcast3A_232, %and3A_238 : vector<16xi32>
        %mul3A_240 = arith.constant 16 : i32
        %mul3A_241 = arith.muli %scan3A_227, %mul3A_240 : i32
        %swap3A_242 = arith.index_cast %mul3A_241 : i32 to index
        %swap3A_243 = tpu.vector_load %arg11[%swap3A_242] {strides = array<i32>} : memref<8192xi32, #tpu.memory_space<vmem>>, vector<16xi32>,
        tpu.vector_store %arg11[%swap3A_242], %xor3A_239 {strides = array<i32>} : memref<8192xi32, #tpu.memory_space<vmem>>, vector<16xi32>,
        %scan3A_244 = arith.constant 0 : i32
        %scan3A_245 = arith.constant 6 : i32
        %scan3A_246 = arith.addi %scan3A_134, %scan3A_245 : i32
        %mul3A_247 = arith.constant 16 : i32
        %mul3A_248 = arith.muli %scan3A_246, %mul3A_247 : i32
        %get3A_249 = arith.index_cast %mul3A_248 : i32 to index
        %get3A_250 = tpu.vector_load %arg9[%get3A_249] {strides = array<i32>} : memref<8192xf32, #tpu.memory_space<vmem>>, vector<16xf32>,
        %bitcast3A_251 = vector.bitcast %get3A_250 : vector<16xf32> to vector<16xi32>
        %shift_right_arithmetic3A_252 = arith.constant 31 : i32
        %shift_right_arithmetic3A_253 = vector.broadcast %shift_right_arithmetic3A_252 : i32 to vector<16xi32>
        %shift_right_arithmetic3A_254 = arith.shrsi %bitcast3A_251, %shift_right_arithmetic3A_253 : vector<16xi32>
        %and3A_255 = arith.constant 2147483647 : i32
        %and3A_256 = vector.broadcast %and3A_255 : i32 to vector<16xi32>
        %and3A_257 = arith.andi %shift_right_arithmetic3A_254, %and3A_256 : vector<16xi32>
        %xor3A_258 = arith.xori %bitcast3A_251, %and3A_257 : vector<16xi32>
        %mul3A_259 = arith.constant 16 : i32
        %mul3A_260 = arith.muli %scan3A_246, %mul3A_259 : i32
        %swap3A_261 = arith.index_cast %mul3A_260 : i32 to index
        %swap3A_262 = tpu.vector_load %arg11[%swap3A_261] {strides = array<i32>} : memref<8192xi32, #tpu.memory_space<vmem>>, vector<16xi32>,
        tpu.vector_store %arg11[%swap3A_261], %xor3A_258 {strides = array<i32>} : memref<8192xi32, #tpu.memory_space<vmem>>, vector<16xi32>,
        %scan3A_263 = arith.constant 0 : i32
        %scan3A_264 = arith.constant 7 : i32
        %scan3A_265 = arith.addi %scan3A_134, %scan3A_264 : i32
        %mul3A_266 = arith.constant 16 : i32
        %mul3A_267 = arith.muli %scan3A_265, %mul3A_266 : i32
        %get3A_268 = arith.index_cast %mul3A_267 : i32 to index
        %get3A_269 = tpu.vector_load %arg9[%get3A_268] {strides = array<i32>} : memref<8192xf32, #tpu.memory_space<vmem>>, vector<16xf32>,
        %bitcast3A_270 = vector.bitcast %get3A_269 : vector<16xf32> to vector<16xi32>
        %shift_right_arithmetic3A_271 = arith.constant 31 : i32
        %shift_right_arithmetic3A_272 = vector.broadcast %shift_right_arithmetic3A_271 : i32 to vector<16xi32>
        %shift_right_arithmetic3A_273 = arith.shrsi %bitcast3A_270, %shift_right_arithmetic3A_272 : vector<16xi32>
        %and3A_274 = arith.constant 2147483647 : i32
        %and3A_275 = vector.broadcast %and3A_274 : i32 to vector<16xi32>
        %and3A_276 = arith.andi %shift_right_arithmetic3A_273, %and3A_275 : vector<16xi32>
        %xor3A_277 = arith.xori %bitcast3A_270, %and3A_276 : vector<16xi32>
        %mul3A_278 = arith.constant 16 : i32
        %mul3A_279 = arith.muli %scan3A_265, %mul3A_278 : i32
        %swap3A_280 = arith.index_cast %mul3A_279 : i32 to index
        %swap3A_281 = tpu.vector_load %arg11[%swap3A_280] {strides = array<i32>} : memref<8192xi32, #tpu.memory_space<vmem>>, vector<16xi32>,
        tpu.vector_store %arg11[%swap3A_280], %xor3A_277 {strides = array<i32>} : memref<8192xi32, #tpu.memory_space<vmem>>, vector<16xi32>,
        %scan3A_282 = arith.constant 0 : i32
        scf.yield %scan3A_282 : i32
      }
      %scan3A_20 = arith.constant 512 : i32
      %broadcast_in_dim3A = arith.constant 0 : i32
      %broadcast_in_dim3A_21 = vector.broadcast %broadcast_in_dim3A : i32 to vector<16xi32>
      %broadcast_in_dim3A_22 = arith.constant 0 : i32
      %broadcast_in_dim3A_23 = vector.broadcast %broadcast_in_dim3A_22 : i32 to vector<16xi32>
      %scan3A_24 = arith.constant 0 : i32
      %scan3A_25 = arith.constant 512 : i32
      %scan3A_26 = arith.addi %scan3A_24, %scan3A_25 : i32
      %scan3A_27 = arith.constant 8 : i32
      %scan3A_28 = scf.for %scan3A_134 = %scan3A_24 to %scan3A_26 step %scan3A_27 iter_args(%scan3A_135 = %broadcast_in_dim3A_23) -> (vector<16xi32>)  : i32 {
        %mul3A_136 = arith.constant 16 : i32
        %mul3A_137 = arith.muli %scan3A_134, %mul3A_136 : i32
        %get3A_138 = arith.index_cast %mul3A_137 : i32 to index
        %get3A_139 = tpu.vector_load %arg11[%get3A_138] {strides = array<i32>} : memref<8192xi32, #tpu.memory_space<vmem>>, vector<16xi32>,
        %ge3A_140 = arith.cmpi sge, %get3A_139, %broadcast_in_dim3A_21 : vector<16xi32>
        %jit3A_141 = arith.constant 1 : i32
        %jit3A_142 = arith.constant 0 : i32
        %broadcast_in_dim3A_143 = vector.broadcast %jit3A_141 : i32 to vector<16xi32>
        %broadcast_in_dim3A_144 = vector.broadcast %jit3A_142 : i32 to vector<16xi32>
        %select_n3A_145 = arith.select %ge3A_140, %broadcast_in_dim3A_143, %broadcast_in_dim3A_144 : vector<16xi1>, vector<16xi32>
        %add3A_146 = arith.addi %scan3A_135, %select_n3A_145 : vector<16xi32>
        %scan3A_147 = arith.constant 1 : i32
        %scan3A_148 = arith.addi %scan3A_134, %scan3A_147 : i32
        %mul3A_149 = arith.constant 16 : i32
        %mul3A_150 = arith.muli %scan3A_148, %mul3A_149 : i32
        %get3A_151 = arith.index_cast %mul3A_150 : i32 to index
        %get3A_152 = tpu.vector_load %arg11[%get3A_151] {strides = array<i32>} : memref<8192xi32, #tpu.memory_space<vmem>>, vector<16xi32>,
        %ge3A_153 = arith.cmpi sge, %get3A_152, %broadcast_in_dim3A_21 : vector<16xi32>
        %jit3A_154 = arith.constant 1 : i32
        %jit3A_155 = arith.constant 0 : i32
        %broadcast_in_dim3A_156 = vector.broadcast %jit3A_154 : i32 to vector<16xi32>
        %broadcast_in_dim3A_157 = vector.broadcast %jit3A_155 : i32 to vector<16xi32>
        %select_n3A_158 = arith.select %ge3A_153, %broadcast_in_dim3A_156, %broadcast_in_dim3A_157 : vector<16xi1>, vector<16xi32>
        %add3A_159 = arith.addi %add3A_146, %select_n3A_158 : vector<16xi32>
        %scan3A_160 = arith.constant 2 : i32
        %scan3A_161 = arith.addi %scan3A_134, %scan3A_160 : i32
        %mul3A_162 = arith.constant 16 : i32
        %mul3A_163 = arith.muli %scan3A_161, %mul3A_162 : i32
        %get3A_164 = arith.index_cast %mul3A_163 : i32 to index
        %get3A_165 = tpu.vector_load %arg11[%get3A_164] {strides = array<i32>} : memref<8192xi32, #tpu.memory_space<vmem>>, vector<16xi32>,
        %ge3A_166 = arith.cmpi sge, %get3A_165, %broadcast_in_dim3A_21 : vector<16xi32>
        %jit3A_167 = arith.constant 1 : i32
        %jit3A_168 = arith.constant 0 : i32
        %broadcast_in_dim3A_169 = vector.broadcast %jit3A_167 : i32 to vector<16xi32>
        %broadcast_in_dim3A_170 = vector.broadcast %jit3A_168 : i32 to vector<16xi32>
        %select_n3A_171 = arith.select %ge3A_166, %broadcast_in_dim3A_169, %broadcast_in_dim3A_170 : vector<16xi1>, vector<16xi32>
        %add3A_172 = arith.addi %add3A_159, %select_n3A_171 : vector<16xi32>
        %scan3A_173 = arith.constant 3 : i32
        %scan3A_174 = arith.addi %scan3A_134, %scan3A_173 : i32
        %mul3A_175 = arith.constant 16 : i32
        %mul3A_176 = arith.muli %scan3A_174, %mul3A_175 : i32
        %get3A_177 = arith.index_cast %mul3A_176 : i32 to index
        %get3A_178 = tpu.vector_load %arg11[%get3A_177] {strides = array<i32>} : memref<8192xi32, #tpu.memory_space<vmem>>, vector<16xi32>,
        %ge3A_179 = arith.cmpi sge, %get3A_178, %broadcast_in_dim3A_21 : vector<16xi32>
        %jit3A_180 = arith.constant 1 : i32
        %jit3A_181 = arith.constant 0 : i32
        %broadcast_in_dim3A_182 = vector.broadcast %jit3A_180 : i32 to vector<16xi32>
        %broadcast_in_dim3A_183 = vector.broadcast %jit3A_181 : i32 to vector<16xi32>
        %select_n3A_184 = arith.select %ge3A_179, %broadcast_in_dim3A_182, %broadcast_in_dim3A_183 : vector<16xi1>, vector<16xi32>
        %add3A_185 = arith.addi %add3A_172, %select_n3A_184 : vector<16xi32>
        %scan3A_186 = arith.constant 4 : i32
        %scan3A_187 = arith.addi %scan3A_134, %scan3A_186 : i32
        %mul3A_188 = arith.constant 16 : i32
        %mul3A_189 = arith.muli %scan3A_187, %mul3A_188 : i32
        %get3A_190 = arith.index_cast %mul3A_189 : i32 to index
        %get3A_191 = tpu.vector_load %arg11[%get3A_190] {strides = array<i32>} : memref<8192xi32, #tpu.memory_space<vmem>>, vector<16xi32>,
        %ge3A_192 = arith.cmpi sge, %get3A_191, %broadcast_in_dim3A_21 : vector<16xi32>
        %jit3A_193 = arith.constant 1 : i32
        %jit3A_194 = arith.constant 0 : i32
        %broadcast_in_dim3A_195 = vector.broadcast %jit3A_193 : i32 to vector<16xi32>
        %broadcast_in_dim3A_196 = vector.broadcast %jit3A_194 : i32 to vector<16xi32>
        %select_n3A_197 = arith.select %ge3A_192, %broadcast_in_dim3A_195, %broadcast_in_dim3A_196 : vector<16xi1>, vector<16xi32>
        %add3A_198 = arith.addi %add3A_185, %select_n3A_197 : vector<16xi32>
        %scan3A_199 = arith.constant 5 : i32
        %scan3A_200 = arith.addi %scan3A_134, %scan3A_199 : i32
        %mul3A_201 = arith.constant 16 : i32
        %mul3A_202 = arith.muli %scan3A_200, %mul3A_201 : i32
        %get3A_203 = arith.index_cast %mul3A_202 : i32 to index
        %get3A_204 = tpu.vector_load %arg11[%get3A_203] {strides = array<i32>} : memref<8192xi32, #tpu.memory_space<vmem>>, vector<16xi32>,
        %ge3A_205 = arith.cmpi sge, %get3A_204, %broadcast_in_dim3A_21 : vector<16xi32>
        %jit3A_206 = arith.constant 1 : i32
        %jit3A_207 = arith.constant 0 : i32
        %broadcast_in_dim3A_208 = vector.broadcast %jit3A_206 : i32 to vector<16xi32>
        %broadcast_in_dim3A_209 = vector.broadcast %jit3A_207 : i32 to vector<16xi32>
        %select_n3A_210 = arith.select %ge3A_205, %broadcast_in_dim3A_208, %broadcast_in_dim3A_209 : vector<16xi1>, vector<16xi32>
        %add3A_211 = arith.addi %add3A_198, %select_n3A_210 : vector<16xi32>
        %scan3A_212 = arith.constant 6 : i32
        %scan3A_213 = arith.addi %scan3A_134, %scan3A_212 : i32
        %mul3A_214 = arith.constant 16 : i32
        %mul3A_215 = arith.muli %scan3A_213, %mul3A_214 : i32
        %get3A_216 = arith.index_cast %mul3A_215 : i32 to index
        %get3A_217 = tpu.vector_load %arg11[%get3A_216] {strides = array<i32>} : memref<8192xi32, #tpu.memory_space<vmem>>, vector<16xi32>,
        %ge3A_218 = arith.cmpi sge, %get3A_217, %broadcast_in_dim3A_21 : vector<16xi32>
        %jit3A_219 = arith.constant 1 : i32
        %jit3A_220 = arith.constant 0 : i32
        %broadcast_in_dim3A_221 = vector.broadcast %jit3A_219 : i32 to vector<16xi32>
        %broadcast_in_dim3A_222 = vector.broadcast %jit3A_220 : i32 to vector<16xi32>
        %select_n3A_223 = arith.select %ge3A_218, %broadcast_in_dim3A_221, %broadcast_in_dim3A_222 : vector<16xi1>, vector<16xi32>
        %add3A_224 = arith.addi %add3A_211, %select_n3A_223 : vector<16xi32>
        %scan3A_225 = arith.constant 7 : i32
        %scan3A_226 = arith.addi %scan3A_134, %scan3A_225 : i32
        %mul3A_227 = arith.constant 16 : i32
        %mul3A_228 = arith.muli %scan3A_226, %mul3A_227 : i32
        %get3A_229 = arith.index_cast %mul3A_228 : i32 to index
        %get3A_230 = tpu.vector_load %arg11[%get3A_229] {strides = array<i32>} : memref<8192xi32, #tpu.memory_space<vmem>>, vector<16xi32>,
        %ge3A_231 = arith.cmpi sge, %get3A_230, %broadcast_in_dim3A_21 : vector<16xi32>
        %jit3A_232 = arith.constant 1 : i32
        %jit3A_233 = arith.constant 0 : i32
        %broadcast_in_dim3A_234 = vector.broadcast %jit3A_232 : i32 to vector<16xi32>
        %broadcast_in_dim3A_235 = vector.broadcast %jit3A_233 : i32 to vector<16xi32>
        %select_n3A_236 = arith.select %ge3A_231, %broadcast_in_dim3A_234, %broadcast_in_dim3A_235 : vector<16xi1>, vector<16xi32>
        %add3A_237 = arith.addi %add3A_224, %select_n3A_236 : vector<16xi32>
        scf.yield %add3A_237 : vector<16xi32>
      }
      %scan3A_29 = arith.constant 512 : i32
      %reduce_sum3A = arith.constant true
      %reduce_sum3A_30 = vector.broadcast %reduce_sum3A : i1 to vector<16xi1>
      %reduce_sum3A_31 = tpu.scan <sum>, %scan3A_28 masked %reduce_sum3A_30 : vector<16xi32>, vector<16xi1> -> vector<16xi32>
      %reduce_sum3A_32 = vector.extract %reduce_sum3A_31[15] : i32 from vector<16xi32>
      %ge3A = arith.constant 1024 : i32
      %ge3A_33 = arith.cmpi sge, %reduce_sum3A_32, %ge3A : i32
      %jit3A = arith.constant 0 : i32
      %jit3A_34 = arith.constant -2147483648 : i32
      %select_n3A = arith.select %ge3A_33, %jit3A, %jit3A_34 : i32
      %scan3A_35 = arith.constant 0 : i32
      %scan3A_36 = arith.constant 10 : i32
      %scan3A_37 = arith.addi %scan3A_35, %scan3A_36 : i32
      %scan3A_38 = arith.constant 1 : i32
      %scan3A_39 = scf.for %scan3A_134 = %scan3A_35 to %scan3A_37 step %scan3A_38 iter_args(%scan3A_135 = %select_n3A) -> (i32)  : i32 {
        %sub3A_136 = arith.constant 30 : i32
        %sub3A_137 = arith.subi %sub3A_136, %scan3A_134 : i32
        %shift_left3A_138 = arith.constant 1 : i32
        %shift_left3A_139 = arith.shli %shift_left3A_138, %sub3A_137 : i32
        %add3A_140 = arith.addi %scan3A_135, %shift_left3A_139 : i32
        %broadcast_in_dim3A_141 = vector.broadcast %add3A_140 : i32 to vector<16xi32>
        %broadcast_in_dim3A_142 = arith.constant 0 : i32
        %broadcast_in_dim3A_143 = vector.broadcast %broadcast_in_dim3A_142 : i32 to vector<16xi32>
        %scan3A_144 = arith.constant 0 : i32
        %scan3A_145 = arith.constant 512 : i32
        %scan3A_146 = arith.addi %scan3A_144, %scan3A_145 : i32
        %scan3A_147 = arith.constant 8 : i32
        %scan3A_148 = scf.for %scan3A_157 = %scan3A_144 to %scan3A_146 step %scan3A_147 iter_args(%scan3A_158 = %broadcast_in_dim3A_143) -> (vector<16xi32>)  : i32 {
          %mul3A_159 = arith.constant 16 : i32
          %mul3A_160 = arith.muli %scan3A_157, %mul3A_159 : i32
          %get3A_161 = arith.index_cast %mul3A_160 : i32 to index
          %get3A_162 = tpu.vector_load %arg11[%get3A_161] {strides = array<i32>} : memref<8192xi32, #tpu.memory_space<vmem>>, vector<16xi32>,
          %ge3A_163 = arith.cmpi sge, %get3A_162, %broadcast_in_dim3A_141 : vector<16xi32>
          %jit3A_164 = arith.constant 1 : i32
          %jit3A_165 = arith.constant 0 : i32
          %broadcast_in_dim3A_166 = vector.broadcast %jit3A_164 : i32 to vector<16xi32>
          %broadcast_in_dim3A_167 = vector.broadcast %jit3A_165 : i32 to vector<16xi32>
          %select_n3A_168 = arith.select %ge3A_163, %broadcast_in_dim3A_166, %broadcast_in_dim3A_167 : vector<16xi1>, vector<16xi32>
          %add3A_169 = arith.addi %scan3A_158, %select_n3A_168 : vector<16xi32>
          %scan3A_170 = arith.constant 1 : i32
          %scan3A_171 = arith.addi %scan3A_157, %scan3A_170 : i32
          %mul3A_172 = arith.constant 16 : i32
          %mul3A_173 = arith.muli %scan3A_171, %mul3A_172 : i32
          %get3A_174 = arith.index_cast %mul3A_173 : i32 to index
          %get3A_175 = tpu.vector_load %arg11[%get3A_174] {strides = array<i32>} : memref<8192xi32, #tpu.memory_space<vmem>>, vector<16xi32>,
          %ge3A_176 = arith.cmpi sge, %get3A_175, %broadcast_in_dim3A_141 : vector<16xi32>
          %jit3A_177 = arith.constant 1 : i32
          %jit3A_178 = arith.constant 0 : i32
          %broadcast_in_dim3A_179 = vector.broadcast %jit3A_177 : i32 to vector<16xi32>
          %broadcast_in_dim3A_180 = vector.broadcast %jit3A_178 : i32 to vector<16xi32>
          %select_n3A_181 = arith.select %ge3A_176, %broadcast_in_dim3A_179, %broadcast_in_dim3A_180 : vector<16xi1>, vector<16xi32>
          %add3A_182 = arith.addi %add3A_169, %select_n3A_181 : vector<16xi32>
          %scan3A_183 = arith.constant 2 : i32
          %scan3A_184 = arith.addi %scan3A_157, %scan3A_183 : i32
          %mul3A_185 = arith.constant 16 : i32
          %mul3A_186 = arith.muli %scan3A_184, %mul3A_185 : i32
          %get3A_187 = arith.index_cast %mul3A_186 : i32 to index
          %get3A_188 = tpu.vector_load %arg11[%get3A_187] {strides = array<i32>} : memref<8192xi32, #tpu.memory_space<vmem>>, vector<16xi32>,
          %ge3A_189 = arith.cmpi sge, %get3A_188, %broadcast_in_dim3A_141 : vector<16xi32>
          %jit3A_190 = arith.constant 1 : i32
          %jit3A_191 = arith.constant 0 : i32
          %broadcast_in_dim3A_192 = vector.broadcast %jit3A_190 : i32 to vector<16xi32>
          %broadcast_in_dim3A_193 = vector.broadcast %jit3A_191 : i32 to vector<16xi32>
          %select_n3A_194 = arith.select %ge3A_189, %broadcast_in_dim3A_192, %broadcast_in_dim3A_193 : vector<16xi1>, vector<16xi32>
          %add3A_195 = arith.addi %add3A_182, %select_n3A_194 : vector<16xi32>
          %scan3A_196 = arith.constant 3 : i32
          %scan3A_197 = arith.addi %scan3A_157, %scan3A_196 : i32
          %mul3A_198 = arith.constant 16 : i32
          %mul3A_199 = arith.muli %scan3A_197, %mul3A_198 : i32
          %get3A_200 = arith.index_cast %mul3A_199 : i32 to index
          %get3A_201 = tpu.vector_load %arg11[%get3A_200] {strides = array<i32>} : memref<8192xi32, #tpu.memory_space<vmem>>, vector<16xi32>,
          %ge3A_202 = arith.cmpi sge, %get3A_201, %broadcast_in_dim3A_141 : vector<16xi32>
          %jit3A_203 = arith.constant 1 : i32
          %jit3A_204 = arith.constant 0 : i32
          %broadcast_in_dim3A_205 = vector.broadcast %jit3A_203 : i32 to vector<16xi32>
          %broadcast_in_dim3A_206 = vector.broadcast %jit3A_204 : i32 to vector<16xi32>
          %select_n3A_207 = arith.select %ge3A_202, %broadcast_in_dim3A_205, %broadcast_in_dim3A_206 : vector<16xi1>, vector<16xi32>
          %add3A_208 = arith.addi %add3A_195, %select_n3A_207 : vector<16xi32>
          %scan3A_209 = arith.constant 4 : i32
          %scan3A_210 = arith.addi %scan3A_157, %scan3A_209 : i32
          %mul3A_211 = arith.constant 16 : i32
          %mul3A_212 = arith.muli %scan3A_210, %mul3A_211 : i32
          %get3A_213 = arith.index_cast %mul3A_212 : i32 to index
          %get3A_214 = tpu.vector_load %arg11[%get3A_213] {strides = array<i32>} : memref<8192xi32, #tpu.memory_space<vmem>>, vector<16xi32>,
          %ge3A_215 = arith.cmpi sge, %get3A_214, %broadcast_in_dim3A_141 : vector<16xi32>
          %jit3A_216 = arith.constant 1 : i32
          %jit3A_217 = arith.constant 0 : i32
          %broadcast_in_dim3A_218 = vector.broadcast %jit3A_216 : i32 to vector<16xi32>
          %broadcast_in_dim3A_219 = vector.broadcast %jit3A_217 : i32 to vector<16xi32>
          %select_n3A_220 = arith.select %ge3A_215, %broadcast_in_dim3A_218, %broadcast_in_dim3A_219 : vector<16xi1>, vector<16xi32>
          %add3A_221 = arith.addi %add3A_208, %select_n3A_220 : vector<16xi32>
          %scan3A_222 = arith.constant 5 : i32
          %scan3A_223 = arith.addi %scan3A_157, %scan3A_222 : i32
          %mul3A_224 = arith.constant 16 : i32
          %mul3A_225 = arith.muli %scan3A_223, %mul3A_224 : i32
          %get3A_226 = arith.index_cast %mul3A_225 : i32 to index
          %get3A_227 = tpu.vector_load %arg11[%get3A_226] {strides = array<i32>} : memref<8192xi32, #tpu.memory_space<vmem>>, vector<16xi32>,
          %ge3A_228 = arith.cmpi sge, %get3A_227, %broadcast_in_dim3A_141 : vector<16xi32>
          %jit3A_229 = arith.constant 1 : i32
          %jit3A_230 = arith.constant 0 : i32
          %broadcast_in_dim3A_231 = vector.broadcast %jit3A_229 : i32 to vector<16xi32>
          %broadcast_in_dim3A_232 = vector.broadcast %jit3A_230 : i32 to vector<16xi32>
          %select_n3A_233 = arith.select %ge3A_228, %broadcast_in_dim3A_231, %broadcast_in_dim3A_232 : vector<16xi1>, vector<16xi32>
          %add3A_234 = arith.addi %add3A_221, %select_n3A_233 : vector<16xi32>
          %scan3A_235 = arith.constant 6 : i32
          %scan3A_236 = arith.addi %scan3A_157, %scan3A_235 : i32
          %mul3A_237 = arith.constant 16 : i32
          %mul3A_238 = arith.muli %scan3A_236, %mul3A_237 : i32
          %get3A_239 = arith.index_cast %mul3A_238 : i32 to index
          %get3A_240 = tpu.vector_load %arg11[%get3A_239] {strides = array<i32>} : memref<8192xi32, #tpu.memory_space<vmem>>, vector<16xi32>,
          %ge3A_241 = arith.cmpi sge, %get3A_240, %broadcast_in_dim3A_141 : vector<16xi32>
          %jit3A_242 = arith.constant 1 : i32
          %jit3A_243 = arith.constant 0 : i32
          %broadcast_in_dim3A_244 = vector.broadcast %jit3A_242 : i32 to vector<16xi32>
          %broadcast_in_dim3A_245 = vector.broadcast %jit3A_243 : i32 to vector<16xi32>
          %select_n3A_246 = arith.select %ge3A_241, %broadcast_in_dim3A_244, %broadcast_in_dim3A_245 : vector<16xi1>, vector<16xi32>
          %add3A_247 = arith.addi %add3A_234, %select_n3A_246 : vector<16xi32>
          %scan3A_248 = arith.constant 7 : i32
          %scan3A_249 = arith.addi %scan3A_157, %scan3A_248 : i32
          %mul3A_250 = arith.constant 16 : i32
          %mul3A_251 = arith.muli %scan3A_249, %mul3A_250 : i32
          %get3A_252 = arith.index_cast %mul3A_251 : i32 to index
          %get3A_253 = tpu.vector_load %arg11[%get3A_252] {strides = array<i32>} : memref<8192xi32, #tpu.memory_space<vmem>>, vector<16xi32>,
          %ge3A_254 = arith.cmpi sge, %get3A_253, %broadcast_in_dim3A_141 : vector<16xi32>
          %jit3A_255 = arith.constant 1 : i32
          %jit3A_256 = arith.constant 0 : i32
          %broadcast_in_dim3A_257 = vector.broadcast %jit3A_255 : i32 to vector<16xi32>
          %broadcast_in_dim3A_258 = vector.broadcast %jit3A_256 : i32 to vector<16xi32>
          %select_n3A_259 = arith.select %ge3A_254, %broadcast_in_dim3A_257, %broadcast_in_dim3A_258 : vector<16xi1>, vector<16xi32>
          %add3A_260 = arith.addi %add3A_247, %select_n3A_259 : vector<16xi32>
          scf.yield %add3A_260 : vector<16xi32>
        }
        %scan3A_149 = arith.constant 512 : i32
        %reduce_sum3A_150 = arith.constant true
        %reduce_sum3A_151 = vector.broadcast %reduce_sum3A_150 : i1 to vector<16xi1>
        %reduce_sum3A_152 = tpu.scan <sum>, %scan3A_148 masked %reduce_sum3A_151 : vector<16xi32>, vector<16xi1> -> vector<16xi32>
        %reduce_sum3A_153 = vector.extract %reduce_sum3A_152[15] : i32 from vector<16xi32>
        %ge3A_154 = arith.constant 1024 : i32
        %ge3A_155 = arith.cmpi sge, %reduce_sum3A_153, %ge3A_154 : i32
        %select_n3A_156 = arith.select %ge3A_155, %add3A_140, %scan3A_135 : i32
        scf.yield %select_n3A_156 : i32
      }
      %scan3A_40 = arith.constant 10 : i32
      %shift_left3A = arith.constant 1 : i32
      %shift_left3A_41 = arith.constant 21 : i32
      %shift_left3A_42 = arith.shli %shift_left3A, %shift_left3A_41 : i32
      %add3A_43 = arith.addi %scan3A_39, %shift_left3A_42 : i32
      %broadcast_in_dim3A_44 = vector.broadcast %add3A_43 : i32 to vector<16xi32>
      %broadcast_in_dim3A_45 = arith.constant 0 : i32
      %broadcast_in_dim3A_46 = vector.broadcast %broadcast_in_dim3A_45 : i32 to vector<16xi32>
      %scan3A_47 = arith.constant 0 : i32
      %scan3A_48 = arith.constant 512 : i32
      %scan3A_49 = arith.addi %scan3A_47, %scan3A_48 : i32
      %scan3A_50 = arith.constant 8 : i32
      %scan3A_51 = scf.for %scan3A_134 = %scan3A_47 to %scan3A_49 step %scan3A_50 iter_args(%scan3A_135 = %broadcast_in_dim3A_46) -> (vector<16xi32>)  : i32 {
        %mul3A_136 = arith.constant 16 : i32
        %mul3A_137 = arith.muli %scan3A_134, %mul3A_136 : i32
        %get3A_138 = arith.index_cast %mul3A_137 : i32 to index
        %get3A_139 = tpu.vector_load %arg11[%get3A_138] {strides = array<i32>} : memref<8192xi32, #tpu.memory_space<vmem>>, vector<16xi32>,
        %ge3A_140 = arith.cmpi sge, %get3A_139, %broadcast_in_dim3A_44 : vector<16xi32>
        %jit3A_141 = arith.constant 1 : i32
        %jit3A_142 = arith.constant 0 : i32
        %broadcast_in_dim3A_143 = vector.broadcast %jit3A_141 : i32 to vector<16xi32>
        %broadcast_in_dim3A_144 = vector.broadcast %jit3A_142 : i32 to vector<16xi32>
        %select_n3A_145 = arith.select %ge3A_140, %broadcast_in_dim3A_143, %broadcast_in_dim3A_144 : vector<16xi1>, vector<16xi32>
        %add3A_146 = arith.addi %scan3A_135, %select_n3A_145 : vector<16xi32>
        %scan3A_147 = arith.constant 1 : i32
        %scan3A_148 = arith.addi %scan3A_134, %scan3A_147 : i32
        %mul3A_149 = arith.constant 16 : i32
        %mul3A_150 = arith.muli %scan3A_148, %mul3A_149 : i32
        %get3A_151 = arith.index_cast %mul3A_150 : i32 to index
        %get3A_152 = tpu.vector_load %arg11[%get3A_151] {strides = array<i32>} : memref<8192xi32, #tpu.memory_space<vmem>>, vector<16xi32>,
        %ge3A_153 = arith.cmpi sge, %get3A_152, %broadcast_in_dim3A_44 : vector<16xi32>
        %jit3A_154 = arith.constant 1 : i32
        %jit3A_155 = arith.constant 0 : i32
        %broadcast_in_dim3A_156 = vector.broadcast %jit3A_154 : i32 to vector<16xi32>
        %broadcast_in_dim3A_157 = vector.broadcast %jit3A_155 : i32 to vector<16xi32>
        %select_n3A_158 = arith.select %ge3A_153, %broadcast_in_dim3A_156, %broadcast_in_dim3A_157 : vector<16xi1>, vector<16xi32>
        %add3A_159 = arith.addi %add3A_146, %select_n3A_158 : vector<16xi32>
        %scan3A_160 = arith.constant 2 : i32
        %scan3A_161 = arith.addi %scan3A_134, %scan3A_160 : i32
        %mul3A_162 = arith.constant 16 : i32
        %mul3A_163 = arith.muli %scan3A_161, %mul3A_162 : i32
        %get3A_164 = arith.index_cast %mul3A_163 : i32 to index
        %get3A_165 = tpu.vector_load %arg11[%get3A_164] {strides = array<i32>} : memref<8192xi32, #tpu.memory_space<vmem>>, vector<16xi32>,
        %ge3A_166 = arith.cmpi sge, %get3A_165, %broadcast_in_dim3A_44 : vector<16xi32>
        %jit3A_167 = arith.constant 1 : i32
        %jit3A_168 = arith.constant 0 : i32
        %broadcast_in_dim3A_169 = vector.broadcast %jit3A_167 : i32 to vector<16xi32>
        %broadcast_in_dim3A_170 = vector.broadcast %jit3A_168 : i32 to vector<16xi32>
        %select_n3A_171 = arith.select %ge3A_166, %broadcast_in_dim3A_169, %broadcast_in_dim3A_170 : vector<16xi1>, vector<16xi32>
        %add3A_172 = arith.addi %add3A_159, %select_n3A_171 : vector<16xi32>
        %scan3A_173 = arith.constant 3 : i32
        %scan3A_174 = arith.addi %scan3A_134, %scan3A_173 : i32
        %mul3A_175 = arith.constant 16 : i32
        %mul3A_176 = arith.muli %scan3A_174, %mul3A_175 : i32
        %get3A_177 = arith.index_cast %mul3A_176 : i32 to index
        %get3A_178 = tpu.vector_load %arg11[%get3A_177] {strides = array<i32>} : memref<8192xi32, #tpu.memory_space<vmem>>, vector<16xi32>,
        %ge3A_179 = arith.cmpi sge, %get3A_178, %broadcast_in_dim3A_44 : vector<16xi32>
        %jit3A_180 = arith.constant 1 : i32
        %jit3A_181 = arith.constant 0 : i32
        %broadcast_in_dim3A_182 = vector.broadcast %jit3A_180 : i32 to vector<16xi32>
        %broadcast_in_dim3A_183 = vector.broadcast %jit3A_181 : i32 to vector<16xi32>
        %select_n3A_184 = arith.select %ge3A_179, %broadcast_in_dim3A_182, %broadcast_in_dim3A_183 : vector<16xi1>, vector<16xi32>
        %add3A_185 = arith.addi %add3A_172, %select_n3A_184 : vector<16xi32>
        %scan3A_186 = arith.constant 4 : i32
        %scan3A_187 = arith.addi %scan3A_134, %scan3A_186 : i32
        %mul3A_188 = arith.constant 16 : i32
        %mul3A_189 = arith.muli %scan3A_187, %mul3A_188 : i32
        %get3A_190 = arith.index_cast %mul3A_189 : i32 to index
        %get3A_191 = tpu.vector_load %arg11[%get3A_190] {strides = array<i32>} : memref<8192xi32, #tpu.memory_space<vmem>>, vector<16xi32>,
        %ge3A_192 = arith.cmpi sge, %get3A_191, %broadcast_in_dim3A_44 : vector<16xi32>
        %jit3A_193 = arith.constant 1 : i32
        %jit3A_194 = arith.constant 0 : i32
        %broadcast_in_dim3A_195 = vector.broadcast %jit3A_193 : i32 to vector<16xi32>
        %broadcast_in_dim3A_196 = vector.broadcast %jit3A_194 : i32 to vector<16xi32>
        %select_n3A_197 = arith.select %ge3A_192, %broadcast_in_dim3A_195, %broadcast_in_dim3A_196 : vector<16xi1>, vector<16xi32>
        %add3A_198 = arith.addi %add3A_185, %select_n3A_197 : vector<16xi32>
        %scan3A_199 = arith.constant 5 : i32
        %scan3A_200 = arith.addi %scan3A_134, %scan3A_199 : i32
        %mul3A_201 = arith.constant 16 : i32
        %mul3A_202 = arith.muli %scan3A_200, %mul3A_201 : i32
        %get3A_203 = arith.index_cast %mul3A_202 : i32 to index
        %get3A_204 = tpu.vector_load %arg11[%get3A_203] {strides = array<i32>} : memref<8192xi32, #tpu.memory_space<vmem>>, vector<16xi32>,
        %ge3A_205 = arith.cmpi sge, %get3A_204, %broadcast_in_dim3A_44 : vector<16xi32>
        %jit3A_206 = arith.constant 1 : i32
        %jit3A_207 = arith.constant 0 : i32
        %broadcast_in_dim3A_208 = vector.broadcast %jit3A_206 : i32 to vector<16xi32>
        %broadcast_in_dim3A_209 = vector.broadcast %jit3A_207 : i32 to vector<16xi32>
        %select_n3A_210 = arith.select %ge3A_205, %broadcast_in_dim3A_208, %broadcast_in_dim3A_209 : vector<16xi1>, vector<16xi32>
        %add3A_211 = arith.addi %add3A_198, %select_n3A_210 : vector<16xi32>
        %scan3A_212 = arith.constant 6 : i32
        %scan3A_213 = arith.addi %scan3A_134, %scan3A_212 : i32
        %mul3A_214 = arith.constant 16 : i32
        %mul3A_215 = arith.muli %scan3A_213, %mul3A_214 : i32
        %get3A_216 = arith.index_cast %mul3A_215 : i32 to index
        %get3A_217 = tpu.vector_load %arg11[%get3A_216] {strides = array<i32>} : memref<8192xi32, #tpu.memory_space<vmem>>, vector<16xi32>,
        %ge3A_218 = arith.cmpi sge, %get3A_217, %broadcast_in_dim3A_44 : vector<16xi32>
        %jit3A_219 = arith.constant 1 : i32
        %jit3A_220 = arith.constant 0 : i32
        %broadcast_in_dim3A_221 = vector.broadcast %jit3A_219 : i32 to vector<16xi32>
        %broadcast_in_dim3A_222 = vector.broadcast %jit3A_220 : i32 to vector<16xi32>
        %select_n3A_223 = arith.select %ge3A_218, %broadcast_in_dim3A_221, %broadcast_in_dim3A_222 : vector<16xi1>, vector<16xi32>
        %add3A_224 = arith.addi %add3A_211, %select_n3A_223 : vector<16xi32>
        %scan3A_225 = arith.constant 7 : i32
        %scan3A_226 = arith.addi %scan3A_134, %scan3A_225 : i32
        %mul3A_227 = arith.constant 16 : i32
        %mul3A_228 = arith.muli %scan3A_226, %mul3A_227 : i32
        %get3A_229 = arith.index_cast %mul3A_228 : i32 to index
        %get3A_230 = tpu.vector_load %arg11[%get3A_229] {strides = array<i32>} : memref<8192xi32, #tpu.memory_space<vmem>>, vector<16xi32>,
        %ge3A_231 = arith.cmpi sge, %get3A_230, %broadcast_in_dim3A_44 : vector<16xi32>
        %jit3A_232 = arith.constant 1 : i32
        %jit3A_233 = arith.constant 0 : i32
        %broadcast_in_dim3A_234 = vector.broadcast %jit3A_232 : i32 to vector<16xi32>
        %broadcast_in_dim3A_235 = vector.broadcast %jit3A_233 : i32 to vector<16xi32>
        %select_n3A_236 = arith.select %ge3A_231, %broadcast_in_dim3A_234, %broadcast_in_dim3A_235 : vector<16xi1>, vector<16xi32>
        %add3A_237 = arith.addi %add3A_224, %select_n3A_236 : vector<16xi32>
        scf.yield %add3A_237 : vector<16xi32>
      }
      %scan3A_52 = arith.constant 512 : i32
      %reduce_sum3A_53 = arith.constant true
      %reduce_sum3A_54 = vector.broadcast %reduce_sum3A_53 : i1 to vector<16xi1>
      %reduce_sum3A_55 = tpu.scan <sum>, %scan3A_51 masked %reduce_sum3A_54 : vector<16xi32>, vector<16xi1> -> vector<16xi32>
      %reduce_sum3A_56 = vector.extract %reduce_sum3A_55[15] : i32 from vector<16xi32>
      %broadcast_in_dim3A_57 = vector.broadcast %scan3A_39 : i32 to vector<16xi32>
      %broadcast_in_dim3A_58 = vector.broadcast %add3A_43 : i32 to vector<16xi32>
      %broadcast_in_dim3A_59 = arith.constant 0 : i32
      %broadcast_in_dim3A_60 = vector.broadcast %broadcast_in_dim3A_59 : i32 to vector<16xi32>
      %scan3A_61 = arith.constant 0 : i32
      %scan3A_62 = arith.constant 512 : i32
      %scan3A_63 = arith.addi %scan3A_61, %scan3A_62 : i32
      %scan3A_64 = arith.constant 4 : i32
      %scan3A_65 = scf.for %scan3A_134 = %scan3A_61 to %scan3A_63 step %scan3A_64 iter_args(%scan3A_135 = %broadcast_in_dim3A_60) -> (vector<16xi32>)  : i32 {
        %mul3A_136 = arith.constant 16 : i32
        %mul3A_137 = arith.muli %scan3A_134, %mul3A_136 : i32
        %get3A_138 = arith.index_cast %mul3A_137 : i32 to index
        %get3A_139 = tpu.vector_load %arg11[%get3A_138] {strides = array<i32>} : memref<8192xi32, #tpu.memory_space<vmem>>, vector<16xi32>,
        %ge3A_140 = arith.cmpi sge, %get3A_139, %broadcast_in_dim3A_57 : vector<16xi32>
        %lt3A_141 = arith.cmpi slt, %get3A_139, %broadcast_in_dim3A_58 : vector<16xi32>
        %and3A_142 = arith.andi %ge3A_140, %lt3A_141 : vector<16xi1>
        %jit3A_143 = arith.constant 1 : i32
        %jit3A_144 = arith.constant 0 : i32
        %broadcast_in_dim3A_145 = vector.broadcast %jit3A_143 : i32 to vector<16xi32>
        %broadcast_in_dim3A_146 = vector.broadcast %jit3A_144 : i32 to vector<16xi32>
        %select_n3A_147 = arith.select %and3A_142, %broadcast_in_dim3A_145, %broadcast_in_dim3A_146 : vector<16xi1>, vector<16xi32>
        %broadcast_in_dim3A_148 = arith.constant true
        %broadcast_in_dim3A_149 = vector.broadcast %broadcast_in_dim3A_148 : i1 to vector<16xi1>
        %masked_cumsum3A = tpu.scan <sum>, %select_n3A_147 masked %broadcast_in_dim3A_149 : vector<16xi32>, vector<16xi1> -> vector<16xi32>
        %add3A_150 = arith.addi %scan3A_135, %masked_cumsum3A : vector<16xi32>
        %sub3A_151 = arith.constant 1 : i32
        %sub3A_152 = vector.broadcast %sub3A_151 : i32 to vector<16xi32>
        %sub3A_153 = arith.subi %add3A_150, %sub3A_152 : vector<16xi32>
        tpu.vector_store_idx %arg12[%sub3A_153], %get3A_139 masked %and3A_142 : memref<8208xi32, #tpu.memory_space<vmem>>[vector<16xi32>], vector<16xi32>, vector<16xi1>
        %all_reduce_population_count3A = tpu.all_reduce %and3A_142 {dim = 0 : i64, kind = #tpu.reduction_kind<sum>} : vector<16xi1> -> vector<16xi32>
        %add3A_154 = arith.addi %scan3A_135, %all_reduce_population_count3A : vector<16xi32>
        %scan3A_155 = arith.constant 1 : i32
        %scan3A_156 = arith.addi %scan3A_134, %scan3A_155 : i32
        %mul3A_157 = arith.constant 16 : i32
        %mul3A_158 = arith.muli %scan3A_156, %mul3A_157 : i32
        %get3A_159 = arith.index_cast %mul3A_158 : i32 to index
        %get3A_160 = tpu.vector_load %arg11[%get3A_159] {strides = array<i32>} : memref<8192xi32, #tpu.memory_space<vmem>>, vector<16xi32>,
        %ge3A_161 = arith.cmpi sge, %get3A_160, %broadcast_in_dim3A_57 : vector<16xi32>
        %lt3A_162 = arith.cmpi slt, %get3A_160, %broadcast_in_dim3A_58 : vector<16xi32>
        %and3A_163 = arith.andi %ge3A_161, %lt3A_162 : vector<16xi1>
        %jit3A_164 = arith.constant 1 : i32
        %jit3A_165 = arith.constant 0 : i32
        %broadcast_in_dim3A_166 = vector.broadcast %jit3A_164 : i32 to vector<16xi32>
        %broadcast_in_dim3A_167 = vector.broadcast %jit3A_165 : i32 to vector<16xi32>
        %select_n3A_168 = arith.select %and3A_163, %broadcast_in_dim3A_166, %broadcast_in_dim3A_167 : vector<16xi1>, vector<16xi32>
        %broadcast_in_dim3A_169 = arith.constant true
        %broadcast_in_dim3A_170 = vector.broadcast %broadcast_in_dim3A_169 : i1 to vector<16xi1>
        %masked_cumsum3A_171 = tpu.scan <sum>, %select_n3A_168 masked %broadcast_in_dim3A_170 : vector<16xi32>, vector<16xi1> -> vector<16xi32>
        %add3A_172 = arith.addi %add3A_154, %masked_cumsum3A_171 : vector<16xi32>
        %sub3A_173 = arith.constant 1 : i32
        %sub3A_174 = vector.broadcast %sub3A_173 : i32 to vector<16xi32>
        %sub3A_175 = arith.subi %add3A_172, %sub3A_174 : vector<16xi32>
        tpu.vector_store_idx %arg12[%sub3A_175], %get3A_160 masked %and3A_163 : memref<8208xi32, #tpu.memory_space<vmem>>[vector<16xi32>], vector<16xi32>, vector<16xi1>
        %all_reduce_population_count3A_176 = tpu.all_reduce %and3A_163 {dim = 0 : i64, kind = #tpu.reduction_kind<sum>} : vector<16xi1> -> vector<16xi32>
        %add3A_177 = arith.addi %add3A_154, %all_reduce_population_count3A_176 : vector<16xi32>
        %scan3A_178 = arith.constant 2 : i32
        %scan3A_179 = arith.addi %scan3A_134, %scan3A_178 : i32
        %mul3A_180 = arith.constant 16 : i32
        %mul3A_181 = arith.muli %scan3A_179, %mul3A_180 : i32
        %get3A_182 = arith.index_cast %mul3A_181 : i32 to index
        %get3A_183 = tpu.vector_load %arg11[%get3A_182] {strides = array<i32>} : memref<8192xi32, #tpu.memory_space<vmem>>, vector<16xi32>,
        %ge3A_184 = arith.cmpi sge, %get3A_183, %broadcast_in_dim3A_57 : vector<16xi32>
        %lt3A_185 = arith.cmpi slt, %get3A_183, %broadcast_in_dim3A_58 : vector<16xi32>
        %and3A_186 = arith.andi %ge3A_184, %lt3A_185 : vector<16xi1>
        %jit3A_187 = arith.constant 1 : i32
        %jit3A_188 = arith.constant 0 : i32
        %broadcast_in_dim3A_189 = vector.broadcast %jit3A_187 : i32 to vector<16xi32>
        %broadcast_in_dim3A_190 = vector.broadcast %jit3A_188 : i32 to vector<16xi32>
        %select_n3A_191 = arith.select %and3A_186, %broadcast_in_dim3A_189, %broadcast_in_dim3A_190 : vector<16xi1>, vector<16xi32>
        %broadcast_in_dim3A_192 = arith.constant true
        %broadcast_in_dim3A_193 = vector.broadcast %broadcast_in_dim3A_192 : i1 to vector<16xi1>
        %masked_cumsum3A_194 = tpu.scan <sum>, %select_n3A_191 masked %broadcast_in_dim3A_193 : vector<16xi32>, vector<16xi1> -> vector<16xi32>
        %add3A_195 = arith.addi %add3A_177, %masked_cumsum3A_194 : vector<16xi32>
        %sub3A_196 = arith.constant 1 : i32
        %sub3A_197 = vector.broadcast %sub3A_196 : i32 to vector<16xi32>
        %sub3A_198 = arith.subi %add3A_195, %sub3A_197 : vector<16xi32>
        tpu.vector_store_idx %arg12[%sub3A_198], %get3A_183 masked %and3A_186 : memref<8208xi32, #tpu.memory_space<vmem>>[vector<16xi32>], vector<16xi32>, vector<16xi1>
        %all_reduce_population_count3A_199 = tpu.all_reduce %and3A_186 {dim = 0 : i64, kind = #tpu.reduction_kind<sum>} : vector<16xi1> -> vector<16xi32>
        %add3A_200 = arith.addi %add3A_177, %all_reduce_population_count3A_199 : vector<16xi32>
        %scan3A_201 = arith.constant 3 : i32
        %scan3A_202 = arith.addi %scan3A_134, %scan3A_201 : i32
        %mul3A_203 = arith.constant 16 : i32
        %mul3A_204 = arith.muli %scan3A_202, %mul3A_203 : i32
        %get3A_205 = arith.index_cast %mul3A_204 : i32 to index
        %get3A_206 = tpu.vector_load %arg11[%get3A_205] {strides = array<i32>} : memref<8192xi32, #tpu.memory_space<vmem>>, vector<16xi32>,
        %ge3A_207 = arith.cmpi sge, %get3A_206, %broadcast_in_dim3A_57 : vector<16xi32>
        %lt3A_208 = arith.cmpi slt, %get3A_206, %broadcast_in_dim3A_58 : vector<16xi32>
        %and3A_209 = arith.andi %ge3A_207, %lt3A_208 : vector<16xi1>
        %jit3A_210 = arith.constant 1 : i32
        %jit3A_211 = arith.constant 0 : i32
        %broadcast_in_dim3A_212 = vector.broadcast %jit3A_210 : i32 to vector<16xi32>
        %broadcast_in_dim3A_213 = vector.broadcast %jit3A_211 : i32 to vector<16xi32>
        %select_n3A_214 = arith.select %and3A_209, %broadcast_in_dim3A_212, %broadcast_in_dim3A_213 : vector<16xi1>, vector<16xi32>
        %broadcast_in_dim3A_215 = arith.constant true
        %broadcast_in_dim3A_216 = vector.broadcast %broadcast_in_dim3A_215 : i1 to vector<16xi1>
        %masked_cumsum3A_217 = tpu.scan <sum>, %select_n3A_214 masked %broadcast_in_dim3A_216 : vector<16xi32>, vector<16xi1> -> vector<16xi32>
        %add3A_218 = arith.addi %add3A_200, %masked_cumsum3A_217 : vector<16xi32>
        %sub3A_219 = arith.constant 1 : i32
        %sub3A_220 = vector.broadcast %sub3A_219 : i32 to vector<16xi32>
        %sub3A_221 = arith.subi %add3A_218, %sub3A_220 : vector<16xi32>
        tpu.vector_store_idx %arg12[%sub3A_221], %get3A_206 masked %and3A_209 : memref<8208xi32, #tpu.memory_space<vmem>>[vector<16xi32>], vector<16xi32>, vector<16xi1>
        %all_reduce_population_count3A_222 = tpu.all_reduce %and3A_209 {dim = 0 : i64, kind = #tpu.reduction_kind<sum>} : vector<16xi1> -> vector<16xi32>
        %add3A_223 = arith.addi %add3A_200, %all_reduce_population_count3A_222 : vector<16xi32>
        scf.yield %add3A_223 : vector<16xi32>
      }
      %scan3A_66 = arith.constant 512 : i32
      %reduce_max3A = arith.constant true
      %reduce_max3A_67 = vector.broadcast %reduce_max3A : i1 to vector<16xi1>
      %reduce_max3A_68 = arith.constant -2147483648 : i32
      %reduce_max3A_69 = vector.broadcast %reduce_max3A_68 : i32 to vector<16xi32>
      %reduce_max3A_70 = arith.xori %scan3A_65, %reduce_max3A_69 : vector<16xi32>
      %reduce_max3A_71 = tpu.scan <max>, %reduce_max3A_70 masked %reduce_max3A_67 : vector<16xi32>, vector<16xi1> -> vector<16xi32>
      %reduce_max3A_72 = arith.xori %reduce_max3A_71, %reduce_max3A_69 : vector<16xi32>
      %reduce_max3A_73 = vector.extract %reduce_max3A_72[15] : i32 from vector<16xi32>
      %shift_right_arithmetic3A = arith.constant 4 : i32
      %shift_right_arithmetic3A_74 = arith.shrsi %reduce_max3A_73, %shift_right_arithmetic3A : i32
      %and3A = arith.constant 15 : i32
      %and3A_75 = arith.andi %reduce_max3A_73, %and3A : i32
      %broadcast_in_dim3A_76 = vector.broadcast %and3A_75 : i32 to vector<16xi32>
      %iota3A = tpu.iota {dimensions = array<i32: 0>} : vector<16xi32>
      %scan3A_77 = arith.constant 0 : i32
      %scan3A_78 = arith.constant 21 : i32
      %scan3A_79 = arith.addi %scan3A_77, %scan3A_78 : i32
      %scan3A_80 = arith.constant 1 : i32
      %scan3A_81 = scf.for %scan3A_134 = %scan3A_77 to %scan3A_79 step %scan3A_80 iter_args(%scan3A_135 = %scan3A_39) -> (i32)  : i32 {
        %sub3A_136 = arith.constant 20 : i32
        %sub3A_137 = arith.subi %sub3A_136, %scan3A_134 : i32
        %shift_left3A_138 = arith.constant 1 : i32
        %shift_left3A_139 = arith.shli %shift_left3A_138, %sub3A_137 : i32
        %add3A_140 = arith.addi %scan3A_135, %shift_left3A_139 : i32
        %broadcast_in_dim3A_141 = vector.broadcast %add3A_140 : i32 to vector<16xi32>
        %while3A_142 = arith.constant 0 : i32
        %while3A_143 = arith.subi %shift_right_arithmetic3A_74, %while3A_142 : i32
        %while3A_144 = arith.addi %while3A_142, %while3A_143 : i32
        %while3A_145 = arith.constant 1 : i32
        %while3A_146 = arith.divsi %while3A_143, %while3A_145 : i32
        %while3A_147 = arith.muli %while3A_146, %while3A_145 : i32
        %while3A_148 = arith.addi %while3A_142, %while3A_147 : i32
        %while3A_149 = arith.constant 1 : i32
        %while3A_150 = scf.for %while3A_174 = %while3A_142 to %while3A_148 step %while3A_149 iter_args(%while3A_175 = %broadcast_in_dim3A_60) -> (vector<16xi32>)  : i32 {
          %mul3A_176 = arith.constant 16 : i32
          %mul3A_177 = arith.muli %while3A_174, %mul3A_176 : i32
          %get3A_178 = arith.index_cast %mul3A_177 : i32 to index
          %get3A_179 = tpu.vector_load %arg12[%get3A_178] {strides = array<i32>} : memref<8208xi32, #tpu.memory_space<vmem>>, vector<16xi32>,
          %ge3A_180 = arith.cmpi sge, %get3A_179, %broadcast_in_dim3A_141 : vector<16xi32>
          %jit3A_181 = arith.constant 1 : i32
          %jit3A_182 = arith.constant 0 : i32
          %broadcast_in_dim3A_183 = vector.broadcast %jit3A_181 : i32 to vector<16xi32>
          %broadcast_in_dim3A_184 = vector.broadcast %jit3A_182 : i32 to vector<16xi32>
          %select_n3A_185 = arith.select %ge3A_180, %broadcast_in_dim3A_183, %broadcast_in_dim3A_184 : vector<16xi1>, vector<16xi32>
          %add3A_186 = arith.addi %while3A_175, %select_n3A_185 : vector<16xi32>
          scf.yield %add3A_186 : vector<16xi32>
        }
        %while3A_151 = arith.constant 1 : i32
        %while3A_152 = scf.for %while3A_174 = %while3A_148 to %while3A_144 step %while3A_151 iter_args(%while3A_175 = %while3A_150) -> (vector<16xi32>)  : i32 {
          %mul3A_176 = arith.constant 16 : i32
          %mul3A_177 = arith.muli %while3A_174, %mul3A_176 : i32
          %get3A_178 = arith.index_cast %mul3A_177 : i32 to index
          %get3A_179 = tpu.vector_load %arg12[%get3A_178] {strides = array<i32>} : memref<8208xi32, #tpu.memory_space<vmem>>, vector<16xi32>,
          %ge3A_180 = arith.cmpi sge, %get3A_179, %broadcast_in_dim3A_141 : vector<16xi32>
          %jit3A_181 = arith.constant 1 : i32
          %jit3A_182 = arith.constant 0 : i32
          %broadcast_in_dim3A_183 = vector.broadcast %jit3A_181 : i32 to vector<16xi32>
          %broadcast_in_dim3A_184 = vector.broadcast %jit3A_182 : i32 to vector<16xi32>
          %select_n3A_185 = arith.select %ge3A_180, %broadcast_in_dim3A_183, %broadcast_in_dim3A_184 : vector<16xi1>, vector<16xi32>
          %add3A_186 = arith.addi %while3A_175, %select_n3A_185 : vector<16xi32>
          scf.yield %add3A_186 : vector<16xi32>
        }
        %mul3A_153 = arith.constant 16 : i32
        %mul3A_154 = arith.muli %shift_right_arithmetic3A_74, %mul3A_153 : i32
        %get3A_155 = arith.index_cast %mul3A_154 : i32 to index
        %get3A_156 = tpu.vector_load %arg12[%get3A_155] {strides = array<i32>} : memref<8208xi32, #tpu.memory_space<vmem>>, vector<16xi32>,
        %lt3A_157 = arith.cmpi slt, %iota3A, %broadcast_in_dim3A_76 : vector<16xi32>
        %ge3A_158 = arith.cmpi sge, %get3A_156, %broadcast_in_dim3A_141 : vector<16xi32>
        %and3A_159 = arith.andi %lt3A_157, %ge3A_158 : vector<16xi1>
        %jit3A_160 = arith.constant 1 : i32
        %jit3A_161 = arith.constant 0 : i32
        %broadcast_in_dim3A_162 = vector.broadcast %jit3A_160 : i32 to vector<16xi32>
        %broadcast_in_dim3A_163 = vector.broadcast %jit3A_161 : i32 to vector<16xi32>
        %select_n3A_164 = arith.select %and3A_159, %broadcast_in_dim3A_162, %broadcast_in_dim3A_163 : vector<16xi1>, vector<16xi32>
        %add3A_165 = arith.addi %while3A_152, %select_n3A_164 : vector<16xi32>
        %reduce_sum3A_166 = arith.constant true
        %reduce_sum3A_167 = vector.broadcast %reduce_sum3A_166 : i1 to vector<16xi1>
        %reduce_sum3A_168 = tpu.scan <sum>, %add3A_165 masked %reduce_sum3A_167 : vector<16xi32>, vector<16xi1> -> vector<16xi32>
        %reduce_sum3A_169 = vector.extract %reduce_sum3A_168[15] : i32 from vector<16xi32>
        %add3A_170 = arith.addi %reduce_sum3A_56, %reduce_sum3A_169 : i32
        %ge3A_171 = arith.constant 1024 : i32
        %ge3A_172 = arith.cmpi sge, %add3A_170, %ge3A_171 : i32
        %select_n3A_173 = arith.select %ge3A_172, %add3A_140, %scan3A_135 : i32
        scf.yield %select_n3A_173 : i32
      }
      %scan3A_82 = arith.constant 21 : i32
      %add3A_83 = arith.constant 1 : i32
      %add3A_84 = arith.addi %scan3A_81, %add3A_83 : i32
      %broadcast_in_dim3A_85 = vector.broadcast %add3A_84 : i32 to vector<16xi32>
      %while3A = arith.constant 0 : i32
      %while3A_86 = arith.subi %shift_right_arithmetic3A_74, %while3A : i32
      %while3A_87 = arith.addi %while3A, %while3A_86 : i32
      %while3A_88 = arith.constant 1 : i32
      %while3A_89 = arith.divsi %while3A_86, %while3A_88 : i32
      %while3A_90 = arith.muli %while3A_89, %while3A_88 : i32
      %while3A_91 = arith.addi %while3A, %while3A_90 : i32
      %while3A_92 = arith.constant 1 : i32
      %while3A_93 = scf.for %while3A_134 = %while3A to %while3A_91 step %while3A_92 iter_args(%while3A_135 = %broadcast_in_dim3A_60) -> (vector<16xi32>)  : i32 {
        %mul3A_136 = arith.constant 16 : i32
        %mul3A_137 = arith.muli %while3A_134, %mul3A_136 : i32
        %get3A_138 = arith.index_cast %mul3A_137 : i32 to index
        %get3A_139 = tpu.vector_load %arg12[%get3A_138] {strides = array<i32>} : memref<8208xi32, #tpu.memory_space<vmem>>, vector<16xi32>,
        %ge3A_140 = arith.cmpi sge, %get3A_139, %broadcast_in_dim3A_85 : vector<16xi32>
        %jit3A_141 = arith.constant 1 : i32
        %jit3A_142 = arith.constant 0 : i32
        %broadcast_in_dim3A_143 = vector.broadcast %jit3A_141 : i32 to vector<16xi32>
        %broadcast_in_dim3A_144 = vector.broadcast %jit3A_142 : i32 to vector<16xi32>
        %select_n3A_145 = arith.select %ge3A_140, %broadcast_in_dim3A_143, %broadcast_in_dim3A_144 : vector<16xi1>, vector<16xi32>
        %add3A_146 = arith.addi %while3A_135, %select_n3A_145 : vector<16xi32>
        scf.yield %add3A_146 : vector<16xi32>
      }
      %while3A_94 = arith.constant 1 : i32
      %while3A_95 = scf.for %while3A_134 = %while3A_91 to %while3A_87 step %while3A_94 iter_args(%while3A_135 = %while3A_93) -> (vector<16xi32>)  : i32 {
        %mul3A_136 = arith.constant 16 : i32
        %mul3A_137 = arith.muli %while3A_134, %mul3A_136 : i32
        %get3A_138 = arith.index_cast %mul3A_137 : i32 to index
        %get3A_139 = tpu.vector_load %arg12[%get3A_138] {strides = array<i32>} : memref<8208xi32, #tpu.memory_space<vmem>>, vector<16xi32>,
        %ge3A_140 = arith.cmpi sge, %get3A_139, %broadcast_in_dim3A_85 : vector<16xi32>
        %jit3A_141 = arith.constant 1 : i32
        %jit3A_142 = arith.constant 0 : i32
        %broadcast_in_dim3A_143 = vector.broadcast %jit3A_141 : i32 to vector<16xi32>
        %broadcast_in_dim3A_144 = vector.broadcast %jit3A_142 : i32 to vector<16xi32>
        %select_n3A_145 = arith.select %ge3A_140, %broadcast_in_dim3A_143, %broadcast_in_dim3A_144 : vector<16xi1>, vector<16xi32>
        %add3A_146 = arith.addi %while3A_135, %select_n3A_145 : vector<16xi32>
        scf.yield %add3A_146 : vector<16xi32>
      }
      %mul3A_96 = arith.constant 16 : i32
      %mul3A_97 = arith.muli %shift_right_arithmetic3A_74, %mul3A_96 : i32
      %get3A = arith.index_cast %mul3A_97 : i32 to index
      %get3A_98 = tpu.vector_load %arg12[%get3A] {strides = array<i32>} : memref<8208xi32, #tpu.memory_space<vmem>>, vector<16xi32>,
      %lt3A = arith.cmpi slt, %iota3A, %broadcast_in_dim3A_76 : vector<16xi32>
      %ge3A_99 = arith.cmpi sge, %get3A_98, %broadcast_in_dim3A_85 : vector<16xi32>
      %and3A_100 = arith.andi %lt3A, %ge3A_99 : vector<16xi1>
      %jit3A_101 = arith.constant 1 : i32
      %jit3A_102 = arith.constant 0 : i32
      %broadcast_in_dim3A_103 = vector.broadcast %jit3A_101 : i32 to vector<16xi32>
      %broadcast_in_dim3A_104 = vector.broadcast %jit3A_102 : i32 to vector<16xi32>
      %select_n3A_105 = arith.select %and3A_100, %broadcast_in_dim3A_103, %broadcast_in_dim3A_104 : vector<16xi1>, vector<16xi32>
      %add3A_106 = arith.addi %while3A_95, %select_n3A_105 : vector<16xi32>
      %reduce_sum3A_107 = arith.constant true
      %reduce_sum3A_108 = vector.broadcast %reduce_sum3A_107 : i1 to vector<16xi1>
      %reduce_sum3A_109 = tpu.scan <sum>, %add3A_106 masked %reduce_sum3A_108 : vector<16xi32>, vector<16xi1> -> vector<16xi32>
      %reduce_sum3A_110 = vector.extract %reduce_sum3A_109[15] : i32 from vector<16xi32>
      %add3A_111 = arith.addi %reduce_sum3A_56, %reduce_sum3A_110 : i32
      %sub3A = arith.constant 1024 : i32
      %sub3A_112 = arith.subi %sub3A, %add3A_111 : i32
      %broadcast_in_dim3A_113 = vector.broadcast %scan3A_81 : i32 to vector<16xi32>
      %broadcast_in_dim3A_114 = vector.broadcast %sub3A_112 : i32 to vector<16xi32>
      %iota3A_115 = tpu.iota {dimensions = array<i32: 0>} : vector<16xi32>
      %add3A_116 = arith.constant 0 : i32
      %add3A_117 = arith.addi %add3A_116, %arg0 : i32
      %mul3A_118 = arith.constant 8192 : i32
      %mul3A_119 = arith.muli %add3A_117, %mul3A_118 : i32
      %broadcast_in_dim3A_120 = arith.constant 0 : i32
      %broadcast_in_dim3A_121 = vector.broadcast %broadcast_in_dim3A_120 : i32 to vector<16xi32>
      %scan3A_122 = arith.constant 0 : i32
      %scan3A_123 = arith.constant 512 : i32
      %scan3A_124 = arith.addi %scan3A_122, %scan3A_123 : i32
      %scan3A_125 = arith.constant 4 : i32
      %scan3A_126:2 = scf.for %scan3A_134 = %scan3A_122 to %scan3A_124 step %scan3A_125 iter_args(%scan3A_135 = %broadcast_in_dim3A_121, %scan3A_136 = %broadcast_in_dim3A_121) -> (vector<16xi32>, vector<16xi32>)  : i32 {
        %mul3A_137 = arith.constant 16 : i32
        %mul3A_138 = arith.muli %scan3A_134, %mul3A_137 : i32
        %get3A_139 = arith.index_cast %mul3A_138 : i32 to index
        %get3A_140 = tpu.vector_load %arg9[%get3A_139] {strides = array<i32>} : memref<8192xf32, #tpu.memory_space<vmem>>, vector<16xf32>,
        %mul3A_141 = arith.constant 16 : i32
        %mul3A_142 = arith.muli %scan3A_134, %mul3A_141 : i32
        %get3A_143 = arith.index_cast %mul3A_142 : i32 to index
        %get3A_144 = tpu.vector_load %arg10[%get3A_143] {strides = array<i32>} : memref<8192xf32, #tpu.memory_space<vmem>>, vector<16xf32>,
        %mul3A_145 = arith.constant 16 : i32
        %mul3A_146 = arith.muli %scan3A_134, %mul3A_145 : i32
        %get3A_147 = arith.index_cast %mul3A_146 : i32 to index
        %get3A_148 = tpu.vector_load %arg11[%get3A_147] {strides = array<i32>} : memref<8192xi32, #tpu.memory_space<vmem>>, vector<16xi32>,
        %gt3A = arith.cmpi sgt, %get3A_148, %broadcast_in_dim3A_113 : vector<16xi32>
        %eq3A_149 = arith.cmpi eq, %get3A_148, %broadcast_in_dim3A_113 : vector<16xi32>
        %jit3A_150 = arith.constant 1 : i32
        %jit3A_151 = arith.constant 0 : i32
        %broadcast_in_dim3A_152 = vector.broadcast %jit3A_150 : i32 to vector<16xi32>
        %broadcast_in_dim3A_153 = vector.broadcast %jit3A_151 : i32 to vector<16xi32>
        %select_n3A_154 = arith.select %eq3A_149, %broadcast_in_dim3A_152, %broadcast_in_dim3A_153 : vector<16xi1>, vector<16xi32>
        %broadcast_in_dim3A_155 = arith.constant true
        %broadcast_in_dim3A_156 = vector.broadcast %broadcast_in_dim3A_155 : i1 to vector<16xi1>
        %masked_cumsum3A = tpu.scan <sum>, %select_n3A_154 masked %broadcast_in_dim3A_156 : vector<16xi32>, vector<16xi1> -> vector<16xi32>
        %add3A_157 = arith.addi %scan3A_136, %masked_cumsum3A : vector<16xi32>
        %le3A = arith.cmpi sle, %add3A_157, %broadcast_in_dim3A_114 : vector<16xi32>
        %and3A_158 = arith.andi %eq3A_149, %le3A : vector<16xi1>
        %or3A = arith.ori %gt3A, %and3A_158 : vector<16xi1>
        %jit3A_159 = arith.constant 1 : i32
        %jit3A_160 = arith.constant 0 : i32
        %broadcast_in_dim3A_161 = vector.broadcast %jit3A_159 : i32 to vector<16xi32>
        %broadcast_in_dim3A_162 = vector.broadcast %jit3A_160 : i32 to vector<16xi32>
        %select_n3A_163 = arith.select %or3A, %broadcast_in_dim3A_161, %broadcast_in_dim3A_162 : vector<16xi1>, vector<16xi32>
        %broadcast_in_dim3A_164 = arith.constant true
        %broadcast_in_dim3A_165 = vector.broadcast %broadcast_in_dim3A_164 : i1 to vector<16xi1>
        %masked_cumsum3A_166 = tpu.scan <sum>, %select_n3A_163 masked %broadcast_in_dim3A_165 : vector<16xi32>, vector<16xi1> -> vector<16xi32>
        %add3A_167 = arith.addi %scan3A_135, %masked_cumsum3A_166 : vector<16xi32>
        %sub3A_168 = arith.constant 1 : i32
        %sub3A_169 = vector.broadcast %sub3A_168 : i32 to vector<16xi32>
        %sub3A_170 = arith.subi %add3A_167, %sub3A_169 : vector<16xi32>
        %mul3A_171 = arith.constant 16 : i32
        %mul3A_172 = arith.muli %scan3A_134, %mul3A_171 : i32
        %add3A_173 = arith.addi %mul3A_172, %mul3A_119 : i32
        %add3A_174 = vector.broadcast %add3A_173 : i32 to vector<16xi32>
        %add3A_175 = arith.addi %iota3A_115, %add3A_174 : vector<16xi32>
        tpu.vector_store_idx %arg14[%sub3A_170], %get3A_140 masked %or3A : memref<1024xf32, #tpu.memory_space<vmem>>[vector<16xi32>], vector<16xf32>, vector<16xi1>
        tpu.vector_store_idx %arg15[%sub3A_170], %get3A_144 masked %or3A : memref<1024xf32, #tpu.memory_space<vmem>>[vector<16xi32>], vector<16xf32>, vector<16xi1>
        tpu.vector_store_idx %arg13[%sub3A_170], %add3A_175 masked %or3A : memref<1024xi32, #tpu.memory_space<vmem>>[vector<16xi32>], vector<16xi32>, vector<16xi1>
        %all_reduce_population_count3A = tpu.all_reduce %or3A {dim = 0 : i64, kind = #tpu.reduction_kind<sum>} : vector<16xi1> -> vector<16xi32>
        %add3A_176 = arith.addi %scan3A_135, %all_reduce_population_count3A : vector<16xi32>
        %all_reduce_population_count3A_177 = tpu.all_reduce %eq3A_149 {dim = 0 : i64, kind = #tpu.reduction_kind<sum>} : vector<16xi1> -> vector<16xi32>
        %add3A_178 = arith.addi %scan3A_136, %all_reduce_population_count3A_177 : vector<16xi32>
        %scan3A_179 = arith.constant 1 : i32
        %scan3A_180 = arith.addi %scan3A_134, %scan3A_179 : i32
        %mul3A_181 = arith.constant 16 : i32
        %mul3A_182 = arith.muli %scan3A_180, %mul3A_181 : i32
        %get3A_183 = arith.index_cast %mul3A_182 : i32 to index
        %get3A_184 = tpu.vector_load %arg9[%get3A_183] {strides = array<i32>} : memref<8192xf32, #tpu.memory_space<vmem>>, vector<16xf32>,
        %mul3A_185 = arith.constant 16 : i32
        %mul3A_186 = arith.muli %scan3A_180, %mul3A_185 : i32
        %get3A_187 = arith.index_cast %mul3A_186 : i32 to index
        %get3A_188 = tpu.vector_load %arg10[%get3A_187] {strides = array<i32>} : memref<8192xf32, #tpu.memory_space<vmem>>, vector<16xf32>,
        %mul3A_189 = arith.constant 16 : i32
        %mul3A_190 = arith.muli %scan3A_180, %mul3A_189 : i32
        %get3A_191 = arith.index_cast %mul3A_190 : i32 to index
        %get3A_192 = tpu.vector_load %arg11[%get3A_191] {strides = array<i32>} : memref<8192xi32, #tpu.memory_space<vmem>>, vector<16xi32>,
        %gt3A_193 = arith.cmpi sgt, %get3A_192, %broadcast_in_dim3A_113 : vector<16xi32>
        %eq3A_194 = arith.cmpi eq, %get3A_192, %broadcast_in_dim3A_113 : vector<16xi32>
        %jit3A_195 = arith.constant 1 : i32
        %jit3A_196 = arith.constant 0 : i32
        %broadcast_in_dim3A_197 = vector.broadcast %jit3A_195 : i32 to vector<16xi32>
        %broadcast_in_dim3A_198 = vector.broadcast %jit3A_196 : i32 to vector<16xi32>
        %select_n3A_199 = arith.select %eq3A_194, %broadcast_in_dim3A_197, %broadcast_in_dim3A_198 : vector<16xi1>, vector<16xi32>
        %broadcast_in_dim3A_200 = arith.constant true
        %broadcast_in_dim3A_201 = vector.broadcast %broadcast_in_dim3A_200 : i1 to vector<16xi1>
        %masked_cumsum3A_202 = tpu.scan <sum>, %select_n3A_199 masked %broadcast_in_dim3A_201 : vector<16xi32>, vector<16xi1> -> vector<16xi32>
        %add3A_203 = arith.addi %add3A_178, %masked_cumsum3A_202 : vector<16xi32>
        %le3A_204 = arith.cmpi sle, %add3A_203, %broadcast_in_dim3A_114 : vector<16xi32>
        %and3A_205 = arith.andi %eq3A_194, %le3A_204 : vector<16xi1>
        %or3A_206 = arith.ori %gt3A_193, %and3A_205 : vector<16xi1>
        %jit3A_207 = arith.constant 1 : i32
        %jit3A_208 = arith.constant 0 : i32
        %broadcast_in_dim3A_209 = vector.broadcast %jit3A_207 : i32 to vector<16xi32>
        %broadcast_in_dim3A_210 = vector.broadcast %jit3A_208 : i32 to vector<16xi32>
        %select_n3A_211 = arith.select %or3A_206, %broadcast_in_dim3A_209, %broadcast_in_dim3A_210 : vector<16xi1>, vector<16xi32>
        %broadcast_in_dim3A_212 = arith.constant true
        %broadcast_in_dim3A_213 = vector.broadcast %broadcast_in_dim3A_212 : i1 to vector<16xi1>
        %masked_cumsum3A_214 = tpu.scan <sum>, %select_n3A_211 masked %broadcast_in_dim3A_213 : vector<16xi32>, vector<16xi1> -> vector<16xi32>
        %add3A_215 = arith.addi %add3A_176, %masked_cumsum3A_214 : vector<16xi32>
        %sub3A_216 = arith.constant 1 : i32
        %sub3A_217 = vector.broadcast %sub3A_216 : i32 to vector<16xi32>
        %sub3A_218 = arith.subi %add3A_215, %sub3A_217 : vector<16xi32>
        %mul3A_219 = arith.constant 16 : i32
        %mul3A_220 = arith.muli %scan3A_180, %mul3A_219 : i32
        %add3A_221 = arith.addi %mul3A_220, %mul3A_119 : i32
        %add3A_222 = vector.broadcast %add3A_221 : i32 to vector<16xi32>
        %add3A_223 = arith.addi %iota3A_115, %add3A_222 : vector<16xi32>
        tpu.vector_store_idx %arg14[%sub3A_218], %get3A_184 masked %or3A_206 : memref<1024xf32, #tpu.memory_space<vmem>>[vector<16xi32>], vector<16xf32>, vector<16xi1>
        tpu.vector_store_idx %arg15[%sub3A_218], %get3A_188 masked %or3A_206 : memref<1024xf32, #tpu.memory_space<vmem>>[vector<16xi32>], vector<16xf32>, vector<16xi1>
        tpu.vector_store_idx %arg13[%sub3A_218], %add3A_223 masked %or3A_206 : memref<1024xi32, #tpu.memory_space<vmem>>[vector<16xi32>], vector<16xi32>, vector<16xi1>
        %all_reduce_population_count3A_224 = tpu.all_reduce %or3A_206 {dim = 0 : i64, kind = #tpu.reduction_kind<sum>} : vector<16xi1> -> vector<16xi32>
        %add3A_225 = arith.addi %add3A_176, %all_reduce_population_count3A_224 : vector<16xi32>
        %all_reduce_population_count3A_226 = tpu.all_reduce %eq3A_194 {dim = 0 : i64, kind = #tpu.reduction_kind<sum>} : vector<16xi1> -> vector<16xi32>
        %add3A_227 = arith.addi %add3A_178, %all_reduce_population_count3A_226 : vector<16xi32>
        %scan3A_228 = arith.constant 2 : i32
        %scan3A_229 = arith.addi %scan3A_134, %scan3A_228 : i32
        %mul3A_230 = arith.constant 16 : i32
        %mul3A_231 = arith.muli %scan3A_229, %mul3A_230 : i32
        %get3A_232 = arith.index_cast %mul3A_231 : i32 to index
        %get3A_233 = tpu.vector_load %arg9[%get3A_232] {strides = array<i32>} : memref<8192xf32, #tpu.memory_space<vmem>>, vector<16xf32>,
        %mul3A_234 = arith.constant 16 : i32
        %mul3A_235 = arith.muli %scan3A_229, %mul3A_234 : i32
        %get3A_236 = arith.index_cast %mul3A_235 : i32 to index
        %get3A_237 = tpu.vector_load %arg10[%get3A_236] {strides = array<i32>} : memref<8192xf32, #tpu.memory_space<vmem>>, vector<16xf32>,
        %mul3A_238 = arith.constant 16 : i32
        %mul3A_239 = arith.muli %scan3A_229, %mul3A_238 : i32
        %get3A_240 = arith.index_cast %mul3A_239 : i32 to index
        %get3A_241 = tpu.vector_load %arg11[%get3A_240] {strides = array<i32>} : memref<8192xi32, #tpu.memory_space<vmem>>, vector<16xi32>,
        %gt3A_242 = arith.cmpi sgt, %get3A_241, %broadcast_in_dim3A_113 : vector<16xi32>
        %eq3A_243 = arith.cmpi eq, %get3A_241, %broadcast_in_dim3A_113 : vector<16xi32>
        %jit3A_244 = arith.constant 1 : i32
        %jit3A_245 = arith.constant 0 : i32
        %broadcast_in_dim3A_246 = vector.broadcast %jit3A_244 : i32 to vector<16xi32>
        %broadcast_in_dim3A_247 = vector.broadcast %jit3A_245 : i32 to vector<16xi32>
        %select_n3A_248 = arith.select %eq3A_243, %broadcast_in_dim3A_246, %broadcast_in_dim3A_247 : vector<16xi1>, vector<16xi32>
        %broadcast_in_dim3A_249 = arith.constant true
        %broadcast_in_dim3A_250 = vector.broadcast %broadcast_in_dim3A_249 : i1 to vector<16xi1>
        %masked_cumsum3A_251 = tpu.scan <sum>, %select_n3A_248 masked %broadcast_in_dim3A_250 : vector<16xi32>, vector<16xi1> -> vector<16xi32>
        %add3A_252 = arith.addi %add3A_227, %masked_cumsum3A_251 : vector<16xi32>
        %le3A_253 = arith.cmpi sle, %add3A_252, %broadcast_in_dim3A_114 : vector<16xi32>
        %and3A_254 = arith.andi %eq3A_243, %le3A_253 : vector<16xi1>
        %or3A_255 = arith.ori %gt3A_242, %and3A_254 : vector<16xi1>
        %jit3A_256 = arith.constant 1 : i32
        %jit3A_257 = arith.constant 0 : i32
        %broadcast_in_dim3A_258 = vector.broadcast %jit3A_256 : i32 to vector<16xi32>
        %broadcast_in_dim3A_259 = vector.broadcast %jit3A_257 : i32 to vector<16xi32>
        %select_n3A_260 = arith.select %or3A_255, %broadcast_in_dim3A_258, %broadcast_in_dim3A_259 : vector<16xi1>, vector<16xi32>
        %broadcast_in_dim3A_261 = arith.constant true
        %broadcast_in_dim3A_262 = vector.broadcast %broadcast_in_dim3A_261 : i1 to vector<16xi1>
        %masked_cumsum3A_263 = tpu.scan <sum>, %select_n3A_260 masked %broadcast_in_dim3A_262 : vector<16xi32>, vector<16xi1> -> vector<16xi32>
        %add3A_264 = arith.addi %add3A_225, %masked_cumsum3A_263 : vector<16xi32>
        %sub3A_265 = arith.constant 1 : i32
        %sub3A_266 = vector.broadcast %sub3A_265 : i32 to vector<16xi32>
        %sub3A_267 = arith.subi %add3A_264, %sub3A_266 : vector<16xi32>
        %mul3A_268 = arith.constant 16 : i32
        %mul3A_269 = arith.muli %scan3A_229, %mul3A_268 : i32
        %add3A_270 = arith.addi %mul3A_269, %mul3A_119 : i32
        %add3A_271 = vector.broadcast %add3A_270 : i32 to vector<16xi32>
        %add3A_272 = arith.addi %iota3A_115, %add3A_271 : vector<16xi32>
        tpu.vector_store_idx %arg14[%sub3A_267], %get3A_233 masked %or3A_255 : memref<1024xf32, #tpu.memory_space<vmem>>[vector<16xi32>], vector<16xf32>, vector<16xi1>
        tpu.vector_store_idx %arg15[%sub3A_267], %get3A_237 masked %or3A_255 : memref<1024xf32, #tpu.memory_space<vmem>>[vector<16xi32>], vector<16xf32>, vector<16xi1>
        tpu.vector_store_idx %arg13[%sub3A_267], %add3A_272 masked %or3A_255 : memref<1024xi32, #tpu.memory_space<vmem>>[vector<16xi32>], vector<16xi32>, vector<16xi1>
        %all_reduce_population_count3A_273 = tpu.all_reduce %or3A_255 {dim = 0 : i64, kind = #tpu.reduction_kind<sum>} : vector<16xi1> -> vector<16xi32>
        %add3A_274 = arith.addi %add3A_225, %all_reduce_population_count3A_273 : vector<16xi32>
        %all_reduce_population_count3A_275 = tpu.all_reduce %eq3A_243 {dim = 0 : i64, kind = #tpu.reduction_kind<sum>} : vector<16xi1> -> vector<16xi32>
        %add3A_276 = arith.addi %add3A_227, %all_reduce_population_count3A_275 : vector<16xi32>
        %scan3A_277 = arith.constant 3 : i32
        %scan3A_278 = arith.addi %scan3A_134, %scan3A_277 : i32
        %mul3A_279 = arith.constant 16 : i32
        %mul3A_280 = arith.muli %scan3A_278, %mul3A_279 : i32
        %get3A_281 = arith.index_cast %mul3A_280 : i32 to index
        %get3A_282 = tpu.vector_load %arg9[%get3A_281] {strides = array<i32>} : memref<8192xf32, #tpu.memory_space<vmem>>, vector<16xf32>,
        %mul3A_283 = arith.constant 16 : i32
        %mul3A_284 = arith.muli %scan3A_278, %mul3A_283 : i32
        %get3A_285 = arith.index_cast %mul3A_284 : i32 to index
        %get3A_286 = tpu.vector_load %arg10[%get3A_285] {strides = array<i32>} : memref<8192xf32, #tpu.memory_space<vmem>>, vector<16xf32>,
        %mul3A_287 = arith.constant 16 : i32
        %mul3A_288 = arith.muli %scan3A_278, %mul3A_287 : i32
        %get3A_289 = arith.index_cast %mul3A_288 : i32 to index
        %get3A_290 = tpu.vector_load %arg11[%get3A_289] {strides = array<i32>} : memref<8192xi32, #tpu.memory_space<vmem>>, vector<16xi32>,
        %gt3A_291 = arith.cmpi sgt, %get3A_290, %broadcast_in_dim3A_113 : vector<16xi32>
        %eq3A_292 = arith.cmpi eq, %get3A_290, %broadcast_in_dim3A_113 : vector<16xi32>
        %jit3A_293 = arith.constant 1 : i32
        %jit3A_294 = arith.constant 0 : i32
        %broadcast_in_dim3A_295 = vector.broadcast %jit3A_293 : i32 to vector<16xi32>
        %broadcast_in_dim3A_296 = vector.broadcast %jit3A_294 : i32 to vector<16xi32>
        %select_n3A_297 = arith.select %eq3A_292, %broadcast_in_dim3A_295, %broadcast_in_dim3A_296 : vector<16xi1>, vector<16xi32>
        %broadcast_in_dim3A_298 = arith.constant true
        %broadcast_in_dim3A_299 = vector.broadcast %broadcast_in_dim3A_298 : i1 to vector<16xi1>
        %masked_cumsum3A_300 = tpu.scan <sum>, %select_n3A_297 masked %broadcast_in_dim3A_299 : vector<16xi32>, vector<16xi1> -> vector<16xi32>
        %add3A_301 = arith.addi %add3A_276, %masked_cumsum3A_300 : vector<16xi32>
        %le3A_302 = arith.cmpi sle, %add3A_301, %broadcast_in_dim3A_114 : vector<16xi32>
        %and3A_303 = arith.andi %eq3A_292, %le3A_302 : vector<16xi1>
        %or3A_304 = arith.ori %gt3A_291, %and3A_303 : vector<16xi1>
        %jit3A_305 = arith.constant 1 : i32
        %jit3A_306 = arith.constant 0 : i32
        %broadcast_in_dim3A_307 = vector.broadcast %jit3A_305 : i32 to vector<16xi32>
        %broadcast_in_dim3A_308 = vector.broadcast %jit3A_306 : i32 to vector<16xi32>
        %select_n3A_309 = arith.select %or3A_304, %broadcast_in_dim3A_307, %broadcast_in_dim3A_308 : vector<16xi1>, vector<16xi32>
        %broadcast_in_dim3A_310 = arith.constant true
        %broadcast_in_dim3A_311 = vector.broadcast %broadcast_in_dim3A_310 : i1 to vector<16xi1>
        %masked_cumsum3A_312 = tpu.scan <sum>, %select_n3A_309 masked %broadcast_in_dim3A_311 : vector<16xi32>, vector<16xi1> -> vector<16xi32>
        %add3A_313 = arith.addi %add3A_274, %masked_cumsum3A_312 : vector<16xi32>
        %sub3A_314 = arith.constant 1 : i32
        %sub3A_315 = vector.broadcast %sub3A_314 : i32 to vector<16xi32>
        %sub3A_316 = arith.subi %add3A_313, %sub3A_315 : vector<16xi32>
        %mul3A_317 = arith.constant 16 : i32
        %mul3A_318 = arith.muli %scan3A_278, %mul3A_317 : i32
        %add3A_319 = arith.addi %mul3A_318, %mul3A_119 : i32
        %add3A_320 = vector.broadcast %add3A_319 : i32 to vector<16xi32>
        %add3A_321 = arith.addi %iota3A_115, %add3A_320 : vector<16xi32>
        tpu.vector_store_idx %arg14[%sub3A_316], %get3A_282 masked %or3A_304 : memref<1024xf32, #tpu.memory_space<vmem>>[vector<16xi32>], vector<16xf32>, vector<16xi1>
        tpu.vector_store_idx %arg15[%sub3A_316], %get3A_286 masked %or3A_304 : memref<1024xf32, #tpu.memory_space<vmem>>[vector<16xi32>], vector<16xf32>, vector<16xi1>
        tpu.vector_store_idx %arg13[%sub3A_316], %add3A_321 masked %or3A_304 : memref<1024xi32, #tpu.memory_space<vmem>>[vector<16xi32>], vector<16xi32>, vector<16xi1>
        %all_reduce_population_count3A_322 = tpu.all_reduce %or3A_304 {dim = 0 : i64, kind = #tpu.reduction_kind<sum>} : vector<16xi1> -> vector<16xi32>
        %add3A_323 = arith.addi %add3A_274, %all_reduce_population_count3A_322 : vector<16xi32>
        %all_reduce_population_count3A_324 = tpu.all_reduce %eq3A_292 {dim = 0 : i64, kind = #tpu.reduction_kind<sum>} : vector<16xi1> -> vector<16xi32>
        %add3A_325 = arith.addi %add3A_276, %all_reduce_population_count3A_324 : vector<16xi32>
        scf.yield %add3A_323, %add3A_325 : vector<16xi32>, vector<16xi32>
      }
      %scan3A_127 = arith.constant 512 : i32
      "tpu.region"() ({
        %run_scoped3A = tpu.sem_alloc : memref<!tpu.dma_semaphore, #tpu.memory_space<semaphore_mem>>
        tpu.enqueue_dma source(%arg13 : memref<1024xi32, #tpu.memory_space<vmem>>) target(%arg16 : memref<1024xi32, #tpu.memory_space<vmem_shared>>) target_semaphore(%run_scoped3A : memref<!tpu.dma_semaphore, #tpu.memory_space<semaphore_mem>>)
        tpu.wait_dma2 semaphore(%run_scoped3A : memref<!tpu.dma_semaphore, #tpu.memory_space<semaphore_mem>>) src(%arg13 : memref<1024xi32, #tpu.memory_space<vmem>>) dst(%arg16 : memref<1024xi32, #tpu.memory_space<vmem_shared>>)
        tpu.yield
      }) : () -> ()
      %mul3A_128 = arith.constant 1024 : i32
      %mul3A_129 = arith.muli %arg0, %mul3A_128 : i32
      "tpu.region"() ({
        %run_scoped3A = tpu.sem_alloc : memref<!tpu.dma_semaphore, #tpu.memory_space<semaphore_mem>>
        %dma_start3A_134 = tpu.memref_slice %arg5[%mul3A_129] : memref<2048xi32, #tpu.memory_space<hbm>> -> memref<1024xi32, #tpu.memory_space<hbm>>
        %dma_start3A_135 = tpu.memref_slice %arg5[%mul3A_129] : memref<2048xi32, #tpu.memory_space<hbm>> -> memref<1024xi32, #tpu.memory_space<hbm>>
        tpu.enqueue_dma source(%arg13 : memref<1024xi32, #tpu.memory_space<vmem>>) target(%dma_start3A_135 : memref<1024xi32, #tpu.memory_space<hbm>>) target_semaphore(%run_scoped3A : memref<!tpu.dma_semaphore, #tpu.memory_space<semaphore_mem>>)
        %dma_wait3A_136 = tpu.memref_slice %arg5[%mul3A_129] : memref<2048xi32, #tpu.memory_space<hbm>> -> memref<1024xi32, #tpu.memory_space<hbm>>
        %dma_wait3A_137 = tpu.memref_slice %arg5[%mul3A_129] : memref<2048xi32, #tpu.memory_space<hbm>> -> memref<1024xi32, #tpu.memory_space<hbm>>
        tpu.wait_dma2 semaphore(%run_scoped3A : memref<!tpu.dma_semaphore, #tpu.memory_space<semaphore_mem>>) src(%arg13 : memref<1024xi32, #tpu.memory_space<vmem>>) dst(%dma_wait3A_137 : memref<1024xi32, #tpu.memory_space<hbm>>)
        tpu.yield
      }) : () -> ()
      %mul3A_130 = arith.constant 1024 : i32
      %mul3A_131 = arith.muli %arg0, %mul3A_130 : i32
      "tpu.region"() ({
        %run_scoped3A = tpu.sem_alloc : memref<!tpu.dma_semaphore, #tpu.memory_space<semaphore_mem>>
        %dma_start3A_134 = tpu.memref_slice %arg6[%mul3A_131] : memref<2048xf32, #tpu.memory_space<hbm>> -> memref<1024xf32, #tpu.memory_space<hbm>>
        %dma_start3A_135 = tpu.memref_slice %arg6[%mul3A_131] : memref<2048xf32, #tpu.memory_space<hbm>> -> memref<1024xf32, #tpu.memory_space<hbm>>
        tpu.enqueue_dma source(%arg14 : memref<1024xf32, #tpu.memory_space<vmem>>) target(%dma_start3A_135 : memref<1024xf32, #tpu.memory_space<hbm>>) target_semaphore(%run_scoped3A : memref<!tpu.dma_semaphore, #tpu.memory_space<semaphore_mem>>)
        %dma_wait3A_136 = tpu.memref_slice %arg6[%mul3A_131] : memref<2048xf32, #tpu.memory_space<hbm>> -> memref<1024xf32, #tpu.memory_space<hbm>>
        %dma_wait3A_137 = tpu.memref_slice %arg6[%mul3A_131] : memref<2048xf32, #tpu.memory_space<hbm>> -> memref<1024xf32, #tpu.memory_space<hbm>>
        tpu.wait_dma2 semaphore(%run_scoped3A : memref<!tpu.dma_semaphore, #tpu.memory_space<semaphore_mem>>) src(%arg14 : memref<1024xf32, #tpu.memory_space<vmem>>) dst(%dma_wait3A_137 : memref<1024xf32, #tpu.memory_space<hbm>>)
        tpu.yield
      }) : () -> ()
      %mul3A_132 = arith.constant 1024 : i32
      %mul3A_133 = arith.muli %arg0, %mul3A_132 : i32
      "tpu.region"() ({
        %run_scoped3A = tpu.sem_alloc : memref<!tpu.dma_semaphore, #tpu.memory_space<semaphore_mem>>
        %dma_start3A_134 = tpu.memref_slice %arg7[%mul3A_133] : memref<2048xf32, #tpu.memory_space<hbm>> -> memref<1024xf32, #tpu.memory_space<hbm>>
        %dma_start3A_135 = tpu.memref_slice %arg7[%mul3A_133] : memref<2048xf32, #tpu.memory_space<hbm>> -> memref<1024xf32, #tpu.memory_space<hbm>>
        tpu.enqueue_dma source(%arg15 : memref<1024xf32, #tpu.memory_space<vmem>>) target(%dma_start3A_135 : memref<1024xf32, #tpu.memory_space<hbm>>) target_semaphore(%run_scoped3A : memref<!tpu.dma_semaphore, #tpu.memory_space<semaphore_mem>>)
        %dma_wait3A_136 = tpu.memref_slice %arg7[%mul3A_133] : memref<2048xf32, #tpu.memory_space<hbm>> -> memref<1024xf32, #tpu.memory_space<hbm>>
        %dma_wait3A_137 = tpu.memref_slice %arg7[%mul3A_133] : memref<2048xf32, #tpu.memory_space<hbm>> -> memref<1024xf32, #tpu.memory_space<hbm>>
        tpu.wait_dma2 semaphore(%run_scoped3A : memref<!tpu.dma_semaphore, #tpu.memory_space<semaphore_mem>>) src(%arg15 : memref<1024xf32, #tpu.memory_space<vmem>>) dst(%dma_wait3A_137 : memref<1024xf32, #tpu.memory_space<hbm>>)
        tpu.yield
      }) : () -> ()
    } else {
    }
    %barrier3A = arith.constant 0 : index
    tpu.barrier barrier_id(%barrier3A)
    %mul3A = arith.constant 1024 : i32
    %mul3A_2 = arith.muli %arg0, %mul3A : i32
    %mul3A_3 = arith.constant 64 : i32
    %mul3A_4 = arith.muli %arg1, %mul3A_3 : i32
    %add3A = arith.addi %mul3A_2, %mul3A_4 : i32
    %mul3A_5 = arith.constant 64 : i32
    %mul3A_6 = arith.muli %arg1, %mul3A_5 : i32
    "tpu.region"() ({
      %run_scoped3A = tpu.sem_alloc : memref<!tpu.dma_semaphore, #tpu.memory_space<semaphore_mem>>
      %dma_start3A_11 = tpu.memref_slice %arg16[%mul3A_6] : memref<1024xi32, #tpu.memory_space<vmem_shared>> -> memref<64xi32, #tpu.memory_space<vmem_shared>>
      %dma_start3A_12 = tpu.memref_slice %arg16[%mul3A_6] : memref<1024xi32, #tpu.memory_space<vmem_shared>> -> memref<64xi32, #tpu.memory_space<vmem_shared>>
      tpu.enqueue_dma source(%dma_start3A_12 : memref<64xi32, #tpu.memory_space<vmem_shared>>) target(%arg17 : memref<64xi32, #tpu.memory_space<vmem>>) target_semaphore(%run_scoped3A : memref<!tpu.dma_semaphore, #tpu.memory_space<semaphore_mem>>)
      %dma_wait3A_13 = tpu.memref_slice %arg16[%mul3A_6] : memref<1024xi32, #tpu.memory_space<vmem_shared>> -> memref<64xi32, #tpu.memory_space<vmem_shared>>
      %dma_wait3A_14 = tpu.memref_slice %arg16[%mul3A_6] : memref<1024xi32, #tpu.memory_space<vmem_shared>> -> memref<64xi32, #tpu.memory_space<vmem_shared>>
      tpu.wait_dma2 semaphore(%run_scoped3A : memref<!tpu.dma_semaphore, #tpu.memory_space<semaphore_mem>>) src(%dma_wait3A_14 : memref<64xi32, #tpu.memory_space<vmem_shared>>) dst(%arg17 : memref<64xi32, #tpu.memory_space<vmem>>)
      tpu.yield
    }) : () -> ()
    %dma_start3A = arith.constant 0 : i32
    %dma_start3A_7 = arith.constant 0 : i32
    %dma_start3A_8 = tpu.memref_slice %arg4[%dma_start3A, %dma_start3A_7] : memref<32768x768xf32, #tpu.memory_space<hbm>> -> memref<32768x768xf32, #tpu.memory_space<hbm>>
    tpu.enqueue_indirect_dma source(%dma_start3A_8 : memref<32768x768xf32, #tpu.memory_space<hbm>>) target(%arg18 : memref<64x768xf32, #tpu.memory_space<vmem>>) offsets(%arg17 : memref<64xi32, #tpu.memory_space<vmem>>) semaphore(%arg19 : memref<!tpu.dma_semaphore, #tpu.memory_space<semaphore_mem>>)
    %dma_wait3A = arith.constant 0 : i32
    %dma_wait3A_9 = arith.constant 0 : i32
    %dma_wait3A_10 = tpu.memref_slice %arg4[%dma_wait3A, %dma_wait3A_9] : memref<32768x768xf32, #tpu.memory_space<hbm>> -> memref<32768x768xf32, #tpu.memory_space<hbm>>
    tpu.wait_indirect_dma semaphore(%arg19 : memref<!tpu.dma_semaphore, #tpu.memory_space<semaphore_mem>>) src(%dma_wait3A_10 : memref<32768x768xf32, #tpu.memory_space<hbm>>) dst(%arg18 : memref<64x768xf32, #tpu.memory_space<vmem>>)
    "tpu.region"() ({
      %run_scoped3A = tpu.sem_alloc : memref<!tpu.dma_semaphore, #tpu.memory_space<semaphore_mem>>
      %dma_start3A_11 = arith.constant 0 : i32
      %dma_start3A_12 = tpu.memref_slice %arg8[%add3A, %dma_start3A_11] : memref<2048x768xf32, #tpu.memory_space<hbm>> -> memref<64x768xf32, #tpu.memory_space<hbm>>
      %dma_start3A_13 = arith.constant 0 : i32
      %dma_start3A_14 = tpu.memref_slice %arg8[%add3A, %dma_start3A_13] : memref<2048x768xf32, #tpu.memory_space<hbm>> -> memref<64x768xf32, #tpu.memory_space<hbm>>
      tpu.enqueue_dma source(%arg18 : memref<64x768xf32, #tpu.memory_space<vmem>>) target(%dma_start3A_14 : memref<64x768xf32, #tpu.memory_space<hbm>>) target_semaphore(%run_scoped3A : memref<!tpu.dma_semaphore, #tpu.memory_space<semaphore_mem>>)
      %dma_wait3A_15 = arith.constant 0 : i32
      %dma_wait3A_16 = tpu.memref_slice %arg8[%add3A, %dma_wait3A_15] : memref<2048x768xf32, #tpu.memory_space<hbm>> -> memref<64x768xf32, #tpu.memory_space<hbm>>
      %dma_wait3A_17 = arith.constant 0 : i32
      %dma_wait3A_18 = tpu.memref_slice %arg8[%add3A, %dma_wait3A_17] : memref<2048x768xf32, #tpu.memory_space<hbm>> -> memref<64x768xf32, #tpu.memory_space<hbm>>
      tpu.wait_dma2 semaphore(%run_scoped3A : memref<!tpu.dma_semaphore, #tpu.memory_space<semaphore_mem>>) src(%arg18 : memref<64x768xf32, #tpu.memory_space<vmem>>) dst(%dma_wait3A_18 : memref<64x768xf32, #tpu.memory_space<hbm>>)
      tpu.yield
    }) : () -> ()
    return
  }
}

#map = affine_map<(d0, d1) -> (0, 0)>
#map1 = affine_map<(d0, d1) -> (0)>
module attributes {stable_mosaic.version = 14 : i64} {
  func.func @new_body(%arg0: i32, %arg1: i32, %arg2: memref<2048x768xf32, #tpu.memory_space<hbm>>, %arg3: memref<2048xi32, #tpu.memory_space<hbm>>, %arg4: memref<32768x768xf32, #tpu.memory_space<hbm>>, %arg5: memref<32768x768xf32, #tpu.memory_space<hbm>>, %arg6: memref<64xi32, #tpu.memory_space<vmem>>, %arg7: memref<64x768xf32, #tpu.memory_space<vmem>>, %arg8: memref<!tpu.dma_semaphore, #tpu.memory_space<semaphore_mem>>) attributes {dimension_semantics = [#tpu.dimension_semantics<core_parallel>, #tpu.dimension_semantics<subcore_parallel>], iteration_bounds = array<i64: 2, 16>, scalar_prefetch = 0 : i64, scratch_operands = 3 : i64, tpu.core_type = #tpu.core_type<sc_vector_subcore>, window_params = [{transform_indices = #map}, {transform_indices = #map1}, {transform_indices = #map}, {transform_indices = #map}]} {
    %mul3A = arith.constant 2 : i32
    %mul3A_0 = arith.muli %arg1, %mul3A : i32
    %add3A = arith.addi %mul3A_0, %arg0 : i32
    %mul3A_1 = arith.constant 64 : i32
    %mul3A_2 = arith.muli %add3A, %mul3A_1 : i32
    "tpu.region"() ({
      %run_scoped3A = tpu.sem_alloc : memref<!tpu.dma_semaphore, #tpu.memory_space<semaphore_mem>>
      %dma_start3A_7 = tpu.memref_slice %arg3[%mul3A_2] : memref<2048xi32, #tpu.memory_space<hbm>> -> memref<64xi32, #tpu.memory_space<hbm>>
      %dma_start3A_8 = tpu.memref_slice %arg3[%mul3A_2] : memref<2048xi32, #tpu.memory_space<hbm>> -> memref<64xi32, #tpu.memory_space<hbm>>
      tpu.enqueue_dma source(%dma_start3A_8 : memref<64xi32, #tpu.memory_space<hbm>>) target(%arg6 : memref<64xi32, #tpu.memory_space<vmem>>) target_semaphore(%run_scoped3A : memref<!tpu.dma_semaphore, #tpu.memory_space<semaphore_mem>>)
      %dma_wait3A_9 = tpu.memref_slice %arg3[%mul3A_2] : memref<2048xi32, #tpu.memory_space<hbm>> -> memref<64xi32, #tpu.memory_space<hbm>>
      %dma_wait3A_10 = tpu.memref_slice %arg3[%mul3A_2] : memref<2048xi32, #tpu.memory_space<hbm>> -> memref<64xi32, #tpu.memory_space<hbm>>
      tpu.wait_dma2 semaphore(%run_scoped3A : memref<!tpu.dma_semaphore, #tpu.memory_space<semaphore_mem>>) src(%dma_wait3A_10 : memref<64xi32, #tpu.memory_space<hbm>>) dst(%arg6 : memref<64xi32, #tpu.memory_space<vmem>>)
      tpu.yield
    }) : () -> ()
    "tpu.region"() ({
      %run_scoped3A = tpu.sem_alloc : memref<!tpu.dma_semaphore, #tpu.memory_space<semaphore_mem>>
      %dma_start3A_7 = arith.constant 0 : i32
      %dma_start3A_8 = tpu.memref_slice %arg2[%mul3A_2, %dma_start3A_7] : memref<2048x768xf32, #tpu.memory_space<hbm>> -> memref<64x768xf32, #tpu.memory_space<hbm>>
      %dma_start3A_9 = arith.constant 0 : i32
      %dma_start3A_10 = tpu.memref_slice %arg2[%mul3A_2, %dma_start3A_9] : memref<2048x768xf32, #tpu.memory_space<hbm>> -> memref<64x768xf32, #tpu.memory_space<hbm>>
      tpu.enqueue_dma source(%dma_start3A_10 : memref<64x768xf32, #tpu.memory_space<hbm>>) target(%arg7 : memref<64x768xf32, #tpu.memory_space<vmem>>) target_semaphore(%run_scoped3A : memref<!tpu.dma_semaphore, #tpu.memory_space<semaphore_mem>>)
      %dma_wait3A_11 = arith.constant 0 : i32
      %dma_wait3A_12 = tpu.memref_slice %arg2[%mul3A_2, %dma_wait3A_11] : memref<2048x768xf32, #tpu.memory_space<hbm>> -> memref<64x768xf32, #tpu.memory_space<hbm>>
      %dma_wait3A_13 = arith.constant 0 : i32
      %dma_wait3A_14 = tpu.memref_slice %arg2[%mul3A_2, %dma_wait3A_13] : memref<2048x768xf32, #tpu.memory_space<hbm>> -> memref<64x768xf32, #tpu.memory_space<hbm>>
      tpu.wait_dma2 semaphore(%run_scoped3A : memref<!tpu.dma_semaphore, #tpu.memory_space<semaphore_mem>>) src(%dma_wait3A_14 : memref<64x768xf32, #tpu.memory_space<hbm>>) dst(%arg7 : memref<64x768xf32, #tpu.memory_space<vmem>>)
      tpu.yield
    }) : () -> ()
    %dma_start3A = arith.constant 0 : i32
    %dma_start3A_3 = arith.constant 0 : i32
    %dma_start3A_4 = tpu.memref_slice %arg4[%dma_start3A, %dma_start3A_3] : memref<32768x768xf32, #tpu.memory_space<hbm>> -> memref<32768x768xf32, #tpu.memory_space<hbm>>
    tpu.enqueue_indirect_dma source(%arg7 : memref<64x768xf32, #tpu.memory_space<vmem>>) target(%dma_start3A_4 : memref<32768x768xf32, #tpu.memory_space<hbm>>) offsets(%arg6 : memref<64xi32, #tpu.memory_space<vmem>>) semaphore(%arg8 : memref<!tpu.dma_semaphore, #tpu.memory_space<semaphore_mem>>)
    %dma_wait3A = arith.constant 0 : i32
    %dma_wait3A_5 = arith.constant 0 : i32
    %dma_wait3A_6 = tpu.memref_slice %arg4[%dma_wait3A, %dma_wait3A_5] : memref<32768x768xf32, #tpu.memory_space<hbm>> -> memref<32768x768xf32, #tpu.memory_space<hbm>>
    tpu.wait_indirect_dma semaphore(%arg8 : memref<!tpu.dma_semaphore, #tpu.memory_space<semaphore_mem>>) src(%arg7 : memref<64x768xf32, #tpu.memory_space<vmem>>) dst(%dma_wait3A_6 : memref<32768x768xf32, #tpu.memory_space<hbm>>)
    return
  }
}

module attributes {stable_mosaic.version = 14 : i64} {
  func.func @body(%arg0: i32, %arg1: memref<32768x768xf32, #tpu.memory_space<any>>, %arg2: memref<1024x768xf32, #tpu.memory_space<vmem>>, %arg3: memref<768x1xf32, #tpu.memory_space<vmem>>, %arg4: memref<768x192xbf16, #tpu.memory_space<vmem>>, %arg5: memref<1x192xf32, #tpu.memory_space<vmem>>, %arg6: memref<192x1xf32, #tpu.memory_space<vmem>>, %arg7: memref<1x1xf32, #tpu.memory_space<vmem>>, %arg8: memref<1024x768xf32, #tpu.memory_space<vmem>>, %arg9: memref<8x128xf32, #tpu.memory_space<vmem>>, %arg10: memref<8x128xf32, #tpu.memory_space<vmem>>, %arg11: memref<2x128xf32, #tpu.memory_space<vmem>>) attributes {dimension_semantics = [#tpu.dimension_semantics<arbitrary>], iteration_bounds = array<i64: 16>, scalar_prefetch = 0 : i64, scratch_operands = 0 : i64, tpu.core_type = #tpu.core_type<tc>, window_params = [{}, {transform_indices = @transform_1, window_bounds = array<i64: 1024, 768>}, {pipeline_mode = #tpu.pipeline_mode<synchronous>, transform_indices = @transform_2, window_bounds = array<i64: 768, 1>}, {pipeline_mode = #tpu.pipeline_mode<synchronous>, transform_indices = @transform_3, window_bounds = array<i64: 768, 192>}, {pipeline_mode = #tpu.pipeline_mode<synchronous>, transform_indices = @transform_4, window_bounds = array<i64: 1, 192>}, {pipeline_mode = #tpu.pipeline_mode<synchronous>, transform_indices = @transform_5, window_bounds = array<i64: 192, 1>}, {pipeline_mode = #tpu.pipeline_mode<synchronous>, transform_indices = @transform_6, window_bounds = array<i64: 1, 1>}, {transform_indices = @transform_7, window_bounds = array<i64: 1024, 768>}, {transform_indices = @transform_8, window_bounds = array<i64: 8, 128>}, {transform_indices = @transform_9, window_bounds = array<i64: 8, 128>}, {pipeline_mode = #tpu.pipeline_mode<synchronous>, transform_indices = @transform_10, window_bounds = array<i64: 2, 128>}]} {
    %get3A = arith.constant 0 : index
    %get3A_0 = arith.constant 0 : index
    %get3A_1 = vector.load %arg2[%get3A, %get3A_0] : memref<1024x768xf32, #tpu.memory_space<vmem>>, vector<1024x768xf32>
    %swap3A = arith.constant 0 : index
    %swap3A_2 = arith.constant 0 : index
    %swap3A_3 = vector.load %arg8[%swap3A, %swap3A_2] : memref<1024x768xf32, #tpu.memory_space<vmem>>, vector<1024x768xf32>
    tpu.vector_store %arg8[%swap3A, %swap3A_2], %get3A_1 {strides = array<i32>} : memref<1024x768xf32, #tpu.memory_space<vmem>>, vector<1024x768xf32>,
    %get3A_4 = arith.constant 0 : index
    %get3A_5 = arith.constant 0 : index
    %get3A_6 = vector.load %arg3[%get3A_4, %get3A_5] : memref<768x1xf32, #tpu.memory_space<vmem>>, vector<768x1xf32>
    %dot_general3A = arith.constant dense<0.000000e+00> : vector<1024x1xf32>
    %dot_general3A_7 = tpu.matmul %get3A_1, %get3A_6, %dot_general3A {dimension_numbers = #tpu.dot_dimension_numbers<[1], [0], [0], [1], [0, 0, 1, 1], [], []>, transpose_lhs_hint = false} : vector<1024x768xf32>, vector<768x1xf32>, vector<1024x1xf32> -> vector<1024x1xf32>
    %reshape3A = vector.shape_cast %dot_general3A_7 : vector<1024x1xf32> to vector<8x128xf32>
    %swap3A_8 = arith.constant 0 : index
    %swap3A_9 = arith.constant 0 : index
    %swap3A_10 = vector.load %arg9[%swap3A_8, %swap3A_9] : memref<8x128xf32, #tpu.memory_space<vmem>>, vector<8x128xf32>
    tpu.vector_store %arg9[%swap3A_8, %swap3A_9], %reshape3A {strides = array<i32>} : memref<8x128xf32, #tpu.memory_space<vmem>>, vector<8x128xf32>,
    %convert_element_type3A = arith.truncf %get3A_1 : vector<1024x768xf32> to vector<1024x768xbf16>
    %get3A_11 = arith.constant 0 : index
    %get3A_12 = arith.constant 0 : index
    %get3A_13 = vector.load %arg4[%get3A_11, %get3A_12] : memref<768x192xbf16, #tpu.memory_space<vmem>>, vector<768x192xbf16>
    %dot_general3A_14 = arith.constant dense<0.000000e+00> : vector<1024x192xf32>
    %dot_general3A_15 = tpu.matmul %convert_element_type3A, %get3A_13, %dot_general3A_14 {dimension_numbers = #tpu.dot_dimension_numbers<[1], [0], [0], [1], [0, 0, 1, 1], [], []>, transpose_lhs_hint = false} : vector<1024x768xbf16>, vector<768x192xbf16>, vector<1024x192xf32> -> vector<1024x192xf32>
    %get3A_16 = arith.constant 0 : index
    %get3A_17 = arith.constant 0 : index
    %get3A_18 = vector.load %arg5[%get3A_16, %get3A_17] : memref<1x192xf32, #tpu.memory_space<vmem>>, vector<1x192xf32>
    %add3A = vector.broadcast %get3A_18 : vector<1x192xf32> to vector<1024x192xf32>
    %add3A_19 = arith.addf %dot_general3A_15, %add3A : vector<1024x192xf32>
    %mul3A = arith.constant 5.000000e-01 : f32
    %mul3A_20 = vector.broadcast %mul3A : f32 to vector<1024x192xf32>
    %mul3A_21 = arith.mulf %add3A_19, %mul3A_20 : vector<1024x192xf32>
    %mul3A_22 = arith.constant 0.707106769 : f32
    %mul3A_23 = vector.broadcast %mul3A_22 : f32 to vector<1024x192xf32>
    %mul3A_24 = arith.mulf %add3A_19, %mul3A_23 : vector<1024x192xf32>
    %erf3A = math.erf %mul3A_24 : vector<1024x192xf32>
    %add3A_25 = arith.constant 1.000000e+00 : f32
    %add3A_26 = vector.broadcast %add3A_25 : f32 to vector<1024x192xf32>
    %add3A_27 = arith.addf %add3A_26, %erf3A : vector<1024x192xf32>
    %mul3A_28 = arith.mulf %mul3A_21, %add3A_27 : vector<1024x192xf32>
    %get3A_29 = arith.constant 0 : index
    %get3A_30 = arith.constant 0 : index
    %get3A_31 = vector.load %arg6[%get3A_29, %get3A_30] : memref<192x1xf32, #tpu.memory_space<vmem>>, vector<192x1xf32>
    %dot_general3A_32 = arith.constant dense<0.000000e+00> : vector<1024x1xf32>
    %dot_general3A_33 = tpu.matmul %mul3A_28, %get3A_31, %dot_general3A_32 {dimension_numbers = #tpu.dot_dimension_numbers<[1], [0], [0], [1], [0, 0, 1, 1], [], []>, transpose_lhs_hint = false} : vector<1024x192xf32>, vector<192x1xf32>, vector<1024x1xf32> -> vector<1024x1xf32>
    %get3A_34 = arith.constant 0 : index
    %get3A_35 = arith.constant 0 : index
    %get3A_36 = vector.load %arg7[%get3A_34, %get3A_35] : memref<1x1xf32, #tpu.memory_space<vmem>>, vector<1x1xf32>
    %add3A_37 = vector.broadcast %get3A_36 : vector<1x1xf32> to vector<1024x1xf32>
    %add3A_38 = arith.addf %dot_general3A_33, %add3A_37 : vector<1024x1xf32>
    %reshape3A_39 = vector.shape_cast %add3A_38 : vector<1024x1xf32> to vector<8x128xf32>
    %swap3A_40 = arith.constant 0 : index
    %swap3A_41 = arith.constant 0 : index
    %swap3A_42 = vector.load %arg10[%swap3A_40, %swap3A_41] : memref<8x128xf32, #tpu.memory_space<vmem>>, vector<8x128xf32>
    tpu.vector_store %arg10[%swap3A_40, %swap3A_41], %reshape3A_39 {strides = array<i32>} : memref<8x128xf32, #tpu.memory_space<vmem>>, vector<8x128xf32>,
    %get3A_43 = arith.constant 0 : index
    %get3A_44 = arith.constant 0 : index
    %get3A_45 = vector.load %arg9[%get3A_43, %get3A_44] : memref<8x128xf32, #tpu.memory_space<vmem>>, vector<8x128xf32>
    %max3A = arith.constant 0.000000e+00 : f32
    %max3A_46 = vector.broadcast %max3A : f32 to vector<8x128xf32>
    %max3A_47 = arith.maximumf %get3A_45, %max3A_46 : vector<8x128xf32>
    %abs3A = math.absf %get3A_45 : vector<8x128xf32>
    %neg3A = arith.constant 0.000000e+00 : f32
    %neg3A_48 = vector.broadcast %neg3A : f32 to vector<8x128xf32>
    %neg3A_49 = arith.subf %neg3A_48, %abs3A : vector<8x128xf32>
    %exp3A = math.exp %neg3A_49 : vector<8x128xf32>
    %log1p3A = math.log1p %exp3A : vector<8x128xf32>
    %add3A_50 = arith.addf %max3A_47, %log1p3A : vector<8x128xf32>
    %reduce_sum3A = arith.constant dense<0.000000e+00> : vector<128xf32>
    %reduce_sum3A_51 = vector.multi_reduction <add>, %add3A_50, %reduce_sum3A [0] : vector<8x128xf32> to vector<128xf32>
    %broadcast_in_dim3A = vector.shape_cast %reduce_sum3A_51 : vector<128xf32> to vector<1x128xf32>
    %get3A_52 = arith.constant 0 : index
    %get3A_53 = arith.constant 0 : index
    %get3A_54 = vector.load %arg10[%get3A_52, %get3A_53] : memref<8x128xf32, #tpu.memory_space<vmem>>, vector<8x128xf32>
    %max3A_55 = arith.constant 0.000000e+00 : f32
    %max3A_56 = vector.broadcast %max3A_55 : f32 to vector<8x128xf32>
    %max3A_57 = arith.maximumf %get3A_54, %max3A_56 : vector<8x128xf32>
    %abs3A_58 = math.absf %get3A_54 : vector<8x128xf32>
    %neg3A_59 = arith.constant 0.000000e+00 : f32
    %neg3A_60 = vector.broadcast %neg3A_59 : f32 to vector<8x128xf32>
    %neg3A_61 = arith.subf %neg3A_60, %abs3A_58 : vector<8x128xf32>
    %exp3A_62 = math.exp %neg3A_61 : vector<8x128xf32>
    %log1p3A_63 = math.log1p %exp3A_62 : vector<8x128xf32>
    %add3A_64 = arith.addf %max3A_57, %log1p3A_63 : vector<8x128xf32>
    %reduce_sum3A_65 = arith.constant dense<0.000000e+00> : vector<128xf32>
    %reduce_sum3A_66 = vector.multi_reduction <add>, %add3A_64, %reduce_sum3A_65 [0] : vector<8x128xf32> to vector<128xf32>
    %broadcast_in_dim3A_67 = vector.shape_cast %reduce_sum3A_66 : vector<128xf32> to vector<1x128xf32>
    %concatenate3A = tpu.concatenate %broadcast_in_dim3A, %broadcast_in_dim3A_67 in 0 : vector<1x128xf32>, vector<1x128xf32> -> vector<2x128xf32>
    %eq3A = arith.constant 0 : i32
    %eq3A_68 = arith.cmpi eq, %arg0, %eq3A : i32
    %convert_element_type3A_69 = arith.extui %eq3A_68 : i1 to i32
    %cond3A = arith.constant 0 : i32
    %cond3A_70 = arith.cmpi ne, %convert_element_type3A_69, %cond3A : i32
    scf.if %cond3A_70 {
      %broadcast_in_dim3A_78 = arith.constant 0.000000e+00 : f32
      %broadcast_in_dim3A_79 = vector.broadcast %broadcast_in_dim3A_78 : f32 to vector<2x128xf32>
      %swap3A_80 = arith.constant 0 : index
      %swap3A_81 = arith.constant 0 : index
      %swap3A_82 = vector.load %arg11[%swap3A_80, %swap3A_81] : memref<2x128xf32, #tpu.memory_space<vmem>>, vector<2x128xf32>
      tpu.vector_store %arg11[%swap3A_80, %swap3A_81], %broadcast_in_dim3A_79 {strides = array<i32>} : memref<2x128xf32, #tpu.memory_space<vmem>>, vector<2x128xf32>,
    } else {
    }
    %get3A_71 = arith.constant 0 : index
    %get3A_72 = arith.constant 0 : index
    %get3A_73 = vector.load %arg11[%get3A_71, %get3A_72] : memref<2x128xf32, #tpu.memory_space<vmem>>, vector<2x128xf32>
    %add3A_74 = arith.addf %get3A_73, %concatenate3A : vector<2x128xf32>
    %swap3A_75 = arith.constant 0 : index
    %swap3A_76 = arith.constant 0 : index
    %swap3A_77 = vector.load %arg11[%swap3A_75, %swap3A_76] : memref<2x128xf32, #tpu.memory_space<vmem>>, vector<2x128xf32>
    tpu.vector_store %arg11[%swap3A_75, %swap3A_76], %add3A_74 {strides = array<i32>} : memref<2x128xf32, #tpu.memory_space<vmem>>, vector<2x128xf32>,
    return
  }
  func.func @transform_1(%arg0: i32) -> (i32, i32) {
    %add3A = arith.constant 16 : i32
    %add3A_0 = arith.addi %arg0, %add3A : i32
    %c0_i32 = arith.constant 0 : i32
    %c0_i32_1 = arith.constant 0 : i32
    return %add3A_0, %c0_i32 : i32, i32
  }
  func.func @transform_2(%arg0: i32) -> (i32, i32) {
    %c0_i32 = arith.constant 0 : i32
    %c0_i32_0 = arith.constant 0 : i32
    %c0_i32_1 = arith.constant 0 : i32
    return %c0_i32, %c0_i32_0 : i32, i32
  }
  func.func @transform_3(%arg0: i32) -> (i32, i32) {
    %c0_i32 = arith.constant 0 : i32
    %c0_i32_0 = arith.constant 0 : i32
    %c0_i32_1 = arith.constant 0 : i32
    return %c0_i32, %c0_i32_0 : i32, i32
  }
  func.func @transform_4(%arg0: i32) -> (i32, i32) {
    %c0_i32 = arith.constant 0 : i32
    %c0_i32_0 = arith.constant 0 : i32
    %c0_i32_1 = arith.constant 0 : i32
    return %c0_i32, %c0_i32_0 : i32, i32
  }
  func.func @transform_5(%arg0: i32) -> (i32, i32) {
    %c0_i32 = arith.constant 0 : i32
    %c0_i32_0 = arith.constant 0 : i32
    %c0_i32_1 = arith.constant 0 : i32
    return %c0_i32, %c0_i32_0 : i32, i32
  }
  func.func @transform_6(%arg0: i32) -> (i32, i32) {
    %c0_i32 = arith.constant 0 : i32
    %c0_i32_0 = arith.constant 0 : i32
    %c0_i32_1 = arith.constant 0 : i32
    return %c0_i32, %c0_i32_0 : i32, i32
  }
  func.func @transform_7(%arg0: i32) -> (i32, i32) {
    %add3A = arith.constant 16 : i32
    %add3A_0 = arith.addi %arg0, %add3A : i32
    %c0_i32 = arith.constant 0 : i32
    %c0_i32_1 = arith.constant 0 : i32
    return %add3A_0, %c0_i32 : i32, i32
  }
  func.func @transform_8(%arg0: i32) -> (i32, i32) {
    %c0_i32 = arith.constant 0 : i32
    %c0_i32_0 = arith.constant 0 : i32
    return %arg0, %c0_i32 : i32, i32
  }
  func.func @transform_9(%arg0: i32) -> (i32, i32) {
    %c0_i32 = arith.constant 0 : i32
    %c0_i32_0 = arith.constant 0 : i32
    return %arg0, %c0_i32 : i32, i32
  }
  func.func @transform_10(%arg0: i32) -> (i32, i32) {
    %c0_i32 = arith.constant 0 : i32
    %c0_i32_0 = arith.constant 0 : i32
    %c0_i32_1 = arith.constant 0 : i32
    return %c0_i32, %c0_i32_0 : i32, i32
  }
}

module attributes {stable_mosaic.version = 14 : i64} {
  func.func @_pass1_body(%arg0: i32, %arg1: memref<1024x768xf32, #tpu.memory_space<vmem>>, %arg2: memref<768x1xf32, #tpu.memory_space<vmem>>, %arg3: memref<768x192xbf16, #tpu.memory_space<vmem>>, %arg4: memref<1x192xf32, #tpu.memory_space<vmem>>, %arg5: memref<192x1xf32, #tpu.memory_space<vmem>>, %arg6: memref<1x1xf32, #tpu.memory_space<vmem>>, %arg7: memref<1024x768xf32, #tpu.memory_space<vmem>>, %arg8: memref<8x128xf32, #tpu.memory_space<vmem>>, %arg9: memref<8x128xf32, #tpu.memory_space<vmem>>, %arg10: memref<2x128xf32, #tpu.memory_space<vmem>>) attributes {dimension_semantics = [#tpu.dimension_semantics<arbitrary>], iteration_bounds = array<i64: 16>, scalar_prefetch = 0 : i64, scratch_operands = 0 : i64, tpu.core_type = #tpu.core_type<tc>, window_params = [{transform_indices = @transform_0, window_bounds = array<i64: 1024, 768>}, {pipeline_mode = #tpu.pipeline_mode<synchronous>, transform_indices = @transform_1, window_bounds = array<i64: 768, 1>}, {pipeline_mode = #tpu.pipeline_mode<synchronous>, transform_indices = @transform_2, window_bounds = array<i64: 768, 192>}, {pipeline_mode = #tpu.pipeline_mode<synchronous>, transform_indices = @transform_3, window_bounds = array<i64: 1, 192>}, {pipeline_mode = #tpu.pipeline_mode<synchronous>, transform_indices = @transform_4, window_bounds = array<i64: 192, 1>}, {pipeline_mode = #tpu.pipeline_mode<synchronous>, transform_indices = @transform_5, window_bounds = array<i64: 1, 1>}, {transform_indices = @transform_6, window_bounds = array<i64: 1024, 768>}, {transform_indices = @transform_7, window_bounds = array<i64: 8, 128>}, {transform_indices = @transform_8, window_bounds = array<i64: 8, 128>}, {pipeline_mode = #tpu.pipeline_mode<synchronous>, transform_indices = @transform_9, window_bounds = array<i64: 2, 128>}]} {
    %get3A = arith.constant 0 : index
    %get3A_0 = arith.constant 0 : index
    %get3A_1 = vector.load %arg1[%get3A, %get3A_0] : memref<1024x768xf32, #tpu.memory_space<vmem>>, vector<1024x768xf32>
    %swap3A = arith.constant 0 : index
    %swap3A_2 = arith.constant 0 : index
    %swap3A_3 = vector.load %arg7[%swap3A, %swap3A_2] : memref<1024x768xf32, #tpu.memory_space<vmem>>, vector<1024x768xf32>
    tpu.vector_store %arg7[%swap3A, %swap3A_2], %get3A_1 {strides = array<i32>} : memref<1024x768xf32, #tpu.memory_space<vmem>>, vector<1024x768xf32>,
    %get3A_4 = arith.constant 0 : index
    %get3A_5 = arith.constant 0 : index
    %get3A_6 = vector.load %arg2[%get3A_4, %get3A_5] : memref<768x1xf32, #tpu.memory_space<vmem>>, vector<768x1xf32>
    %dot_general3A = arith.constant dense<0.000000e+00> : vector<1024x1xf32>
    %dot_general3A_7 = tpu.matmul %get3A_1, %get3A_6, %dot_general3A {dimension_numbers = #tpu.dot_dimension_numbers<[1], [0], [0], [1], [0, 0, 1, 1], [], []>, transpose_lhs_hint = false} : vector<1024x768xf32>, vector<768x1xf32>, vector<1024x1xf32> -> vector<1024x1xf32>
    %reshape3A = vector.shape_cast %dot_general3A_7 : vector<1024x1xf32> to vector<8x128xf32>
    %swap3A_8 = arith.constant 0 : index
    %swap3A_9 = arith.constant 0 : index
    %swap3A_10 = vector.load %arg8[%swap3A_8, %swap3A_9] : memref<8x128xf32, #tpu.memory_space<vmem>>, vector<8x128xf32>
    tpu.vector_store %arg8[%swap3A_8, %swap3A_9], %reshape3A {strides = array<i32>} : memref<8x128xf32, #tpu.memory_space<vmem>>, vector<8x128xf32>,
    %convert_element_type3A = arith.truncf %get3A_1 : vector<1024x768xf32> to vector<1024x768xbf16>
    %get3A_11 = arith.constant 0 : index
    %get3A_12 = arith.constant 0 : index
    %get3A_13 = vector.load %arg3[%get3A_11, %get3A_12] : memref<768x192xbf16, #tpu.memory_space<vmem>>, vector<768x192xbf16>
    %dot_general3A_14 = arith.constant dense<0.000000e+00> : vector<1024x192xf32>
    %dot_general3A_15 = tpu.matmul %convert_element_type3A, %get3A_13, %dot_general3A_14 {dimension_numbers = #tpu.dot_dimension_numbers<[1], [0], [0], [1], [0, 0, 1, 1], [], []>, transpose_lhs_hint = false} : vector<1024x768xbf16>, vector<768x192xbf16>, vector<1024x192xf32> -> vector<1024x192xf32>
    %get3A_16 = arith.constant 0 : index
    %get3A_17 = arith.constant 0 : index
    %get3A_18 = vector.load %arg4[%get3A_16, %get3A_17] : memref<1x192xf32, #tpu.memory_space<vmem>>, vector<1x192xf32>
    %add3A = vector.broadcast %get3A_18 : vector<1x192xf32> to vector<1024x192xf32>
    %add3A_19 = arith.addf %dot_general3A_15, %add3A : vector<1024x192xf32>
    %mul3A = arith.constant 5.000000e-01 : f32
    %mul3A_20 = vector.broadcast %mul3A : f32 to vector<1024x192xf32>
    %mul3A_21 = arith.mulf %add3A_19, %mul3A_20 : vector<1024x192xf32>
    %mul3A_22 = arith.constant 0.707106769 : f32
    %mul3A_23 = vector.broadcast %mul3A_22 : f32 to vector<1024x192xf32>
    %mul3A_24 = arith.mulf %add3A_19, %mul3A_23 : vector<1024x192xf32>
    %erf3A = math.erf %mul3A_24 : vector<1024x192xf32>
    %add3A_25 = arith.constant 1.000000e+00 : f32
    %add3A_26 = vector.broadcast %add3A_25 : f32 to vector<1024x192xf32>
    %add3A_27 = arith.addf %add3A_26, %erf3A : vector<1024x192xf32>
    %mul3A_28 = arith.mulf %mul3A_21, %add3A_27 : vector<1024x192xf32>
    %get3A_29 = arith.constant 0 : index
    %get3A_30 = arith.constant 0 : index
    %get3A_31 = vector.load %arg5[%get3A_29, %get3A_30] : memref<192x1xf32, #tpu.memory_space<vmem>>, vector<192x1xf32>
    %dot_general3A_32 = arith.constant dense<0.000000e+00> : vector<1024x1xf32>
    %dot_general3A_33 = tpu.matmul %mul3A_28, %get3A_31, %dot_general3A_32 {dimension_numbers = #tpu.dot_dimension_numbers<[1], [0], [0], [1], [0, 0, 1, 1], [], []>, transpose_lhs_hint = false} : vector<1024x192xf32>, vector<192x1xf32>, vector<1024x1xf32> -> vector<1024x1xf32>
    %get3A_34 = arith.constant 0 : index
    %get3A_35 = arith.constant 0 : index
    %get3A_36 = vector.load %arg6[%get3A_34, %get3A_35] : memref<1x1xf32, #tpu.memory_space<vmem>>, vector<1x1xf32>
    %add3A_37 = vector.broadcast %get3A_36 : vector<1x1xf32> to vector<1024x1xf32>
    %add3A_38 = arith.addf %dot_general3A_33, %add3A_37 : vector<1024x1xf32>
    %reshape3A_39 = vector.shape_cast %add3A_38 : vector<1024x1xf32> to vector<8x128xf32>
    %swap3A_40 = arith.constant 0 : index
    %swap3A_41 = arith.constant 0 : index
    %swap3A_42 = vector.load %arg9[%swap3A_40, %swap3A_41] : memref<8x128xf32, #tpu.memory_space<vmem>>, vector<8x128xf32>
    tpu.vector_store %arg9[%swap3A_40, %swap3A_41], %reshape3A_39 {strides = array<i32>} : memref<8x128xf32, #tpu.memory_space<vmem>>, vector<8x128xf32>,
    %get3A_43 = arith.constant 0 : index
    %get3A_44 = arith.constant 0 : index
    %get3A_45 = vector.load %arg8[%get3A_43, %get3A_44] : memref<8x128xf32, #tpu.memory_space<vmem>>, vector<8x128xf32>
    %max3A = arith.constant 0.000000e+00 : f32
    %max3A_46 = vector.broadcast %max3A : f32 to vector<8x128xf32>
    %max3A_47 = arith.maximumf %get3A_45, %max3A_46 : vector<8x128xf32>
    %abs3A = math.absf %get3A_45 : vector<8x128xf32>
    %neg3A = arith.constant 0.000000e+00 : f32
    %neg3A_48 = vector.broadcast %neg3A : f32 to vector<8x128xf32>
    %neg3A_49 = arith.subf %neg3A_48, %abs3A : vector<8x128xf32>
    %exp3A = math.exp %neg3A_49 : vector<8x128xf32>
    %log1p3A = math.log1p %exp3A : vector<8x128xf32>
    %add3A_50 = arith.addf %max3A_47, %log1p3A : vector<8x128xf32>
    %reduce_sum3A = arith.constant dense<0.000000e+00> : vector<128xf32>
    %reduce_sum3A_51 = vector.multi_reduction <add>, %add3A_50, %reduce_sum3A [0] : vector<8x128xf32> to vector<128xf32>
    %broadcast_in_dim3A = vector.shape_cast %reduce_sum3A_51 : vector<128xf32> to vector<1x128xf32>
    %get3A_52 = arith.constant 0 : index
    %get3A_53 = arith.constant 0 : index
    %get3A_54 = vector.load %arg9[%get3A_52, %get3A_53] : memref<8x128xf32, #tpu.memory_space<vmem>>, vector<8x128xf32>
    %max3A_55 = arith.constant 0.000000e+00 : f32
    %max3A_56 = vector.broadcast %max3A_55 : f32 to vector<8x128xf32>
    %max3A_57 = arith.maximumf %get3A_54, %max3A_56 : vector<8x128xf32>
    %abs3A_58 = math.absf %get3A_54 : vector<8x128xf32>
    %neg3A_59 = arith.constant 0.000000e+00 : f32
    %neg3A_60 = vector.broadcast %neg3A_59 : f32 to vector<8x128xf32>
    %neg3A_61 = arith.subf %neg3A_60, %abs3A_58 : vector<8x128xf32>
    %exp3A_62 = math.exp %neg3A_61 : vector<8x128xf32>
    %log1p3A_63 = math.log1p %exp3A_62 : vector<8x128xf32>
    %add3A_64 = arith.addf %max3A_57, %log1p3A_63 : vector<8x128xf32>
    %reduce_sum3A_65 = arith.constant dense<0.000000e+00> : vector<128xf32>
    %reduce_sum3A_66 = vector.multi_reduction <add>, %add3A_64, %reduce_sum3A_65 [0] : vector<8x128xf32> to vector<128xf32>
    %broadcast_in_dim3A_67 = vector.shape_cast %reduce_sum3A_66 : vector<128xf32> to vector<1x128xf32>
    %concatenate3A = tpu.concatenate %broadcast_in_dim3A, %broadcast_in_dim3A_67 in 0 : vector<1x128xf32>, vector<1x128xf32> -> vector<2x128xf32>
    %eq3A = arith.constant 0 : i32
    %eq3A_68 = arith.cmpi eq, %arg0, %eq3A : i32
    %convert_element_type3A_69 = arith.extui %eq3A_68 : i1 to i32
    %cond3A = arith.constant 0 : i32
    %cond3A_70 = arith.cmpi ne, %convert_element_type3A_69, %cond3A : i32
    scf.if %cond3A_70 {
      %broadcast_in_dim3A_78 = arith.constant 0.000000e+00 : f32
      %broadcast_in_dim3A_79 = vector.broadcast %broadcast_in_dim3A_78 : f32 to vector<2x128xf32>
      %swap3A_80 = arith.constant 0 : index
      %swap3A_81 = arith.constant 0 : index
      %swap3A_82 = vector.load %arg10[%swap3A_80, %swap3A_81] : memref<2x128xf32, #tpu.memory_space<vmem>>, vector<2x128xf32>
      tpu.vector_store %arg10[%swap3A_80, %swap3A_81], %broadcast_in_dim3A_79 {strides = array<i32>} : memref<2x128xf32, #tpu.memory_space<vmem>>, vector<2x128xf32>,
    } else {
    }
    %get3A_71 = arith.constant 0 : index
    %get3A_72 = arith.constant 0 : index
    %get3A_73 = vector.load %arg10[%get3A_71, %get3A_72] : memref<2x128xf32, #tpu.memory_space<vmem>>, vector<2x128xf32>
    %add3A_74 = arith.addf %get3A_73, %concatenate3A : vector<2x128xf32>
    %swap3A_75 = arith.constant 0 : index
    %swap3A_76 = arith.constant 0 : index
    %swap3A_77 = vector.load %arg10[%swap3A_75, %swap3A_76] : memref<2x128xf32, #tpu.memory_space<vmem>>, vector<2x128xf32>
    tpu.vector_store %arg10[%swap3A_75, %swap3A_76], %add3A_74 {strides = array<i32>} : memref<2x128xf32, #tpu.memory_space<vmem>>, vector<2x128xf32>,
    return
  }
  func.func @transform_0(%arg0: i32) -> (i32, i32) {
    %add3A = arith.constant 0 : i32
    %add3A_0 = arith.addi %arg0, %add3A : i32
    %c0_i32 = arith.constant 0 : i32
    %c0_i32_1 = arith.constant 0 : i32
    return %add3A_0, %c0_i32 : i32, i32
  }
  func.func @transform_1(%arg0: i32) -> (i32, i32) {
    %c0_i32 = arith.constant 0 : i32
    %c0_i32_0 = arith.constant 0 : i32
    %c0_i32_1 = arith.constant 0 : i32
    return %c0_i32, %c0_i32_0 : i32, i32
  }
  func.func @transform_2(%arg0: i32) -> (i32, i32) {
    %c0_i32 = arith.constant 0 : i32
    %c0_i32_0 = arith.constant 0 : i32
    %c0_i32_1 = arith.constant 0 : i32
    return %c0_i32, %c0_i32_0 : i32, i32
  }
  func.func @transform_3(%arg0: i32) -> (i32, i32) {
    %c0_i32 = arith.constant 0 : i32
    %c0_i32_0 = arith.constant 0 : i32
    %c0_i32_1 = arith.constant 0 : i32
    return %c0_i32, %c0_i32_0 : i32, i32
  }
  func.func @transform_4(%arg0: i32) -> (i32, i32) {
    %c0_i32 = arith.constant 0 : i32
    %c0_i32_0 = arith.constant 0 : i32
    %c0_i32_1 = arith.constant 0 : i32
    return %c0_i32, %c0_i32_0 : i32, i32
  }
  func.func @transform_5(%arg0: i32) -> (i32, i32) {
    %c0_i32 = arith.constant 0 : i32
    %c0_i32_0 = arith.constant 0 : i32
    %c0_i32_1 = arith.constant 0 : i32
    return %c0_i32, %c0_i32_0 : i32, i32
  }
  func.func @transform_6(%arg0: i32) -> (i32, i32) {
    %add3A = arith.constant 0 : i32
    %add3A_0 = arith.addi %arg0, %add3A : i32
    %c0_i32 = arith.constant 0 : i32
    %c0_i32_1 = arith.constant 0 : i32
    return %add3A_0, %c0_i32 : i32, i32
  }
  func.func @transform_7(%arg0: i32) -> (i32, i32) {
    %c0_i32 = arith.constant 0 : i32
    %c0_i32_0 = arith.constant 0 : i32
    return %arg0, %c0_i32 : i32, i32
  }
  func.func @transform_8(%arg0: i32) -> (i32, i32) {
    %c0_i32 = arith.constant 0 : i32
    %c0_i32_0 = arith.constant 0 : i32
    return %arg0, %c0_i32 : i32, i32
  }
  func.func @transform_9(%arg0: i32) -> (i32, i32) {
    %c0_i32 = arith.constant 0 : i32
    %c0_i32_0 = arith.constant 0 : i32
    %c0_i32_1 = arith.constant 0 : i32
    return %c0_i32, %c0_i32_0 : i32, i32
  }
}

module attributes {stable_mosaic.version = 14 : i64} {
  func.func @_mlp_body(%arg0: i32, %arg1: memref<1024x768xf32, #tpu.memory_space<vmem>>, %arg2: memref<1024x1xf32, #tpu.memory_space<vmem>>, %arg3: memref<1x768xf32, #tpu.memory_space<vmem>>, %arg4: memref<768x2048xbf16, #tpu.memory_space<vmem>>, %arg5: memref<768x2048xbf16, #tpu.memory_space<vmem>>, %arg6: memref<2048x768xbf16, #tpu.memory_space<vmem>>, %arg7: memref<1024x768xf32, #tpu.memory_space<vmem>>) attributes {dimension_semantics = [#tpu.dimension_semantics<arbitrary>], iteration_bounds = array<i64: 2>, scalar_prefetch = 0 : i64, scratch_operands = 0 : i64, tpu.core_type = #tpu.core_type<tc>, window_params = [{transform_indices = @transform_0, window_bounds = array<i64: 1024, 768>}, {transform_indices = @transform_1, window_bounds = array<i64: 1024, 1>}, {pipeline_mode = #tpu.pipeline_mode<synchronous>, transform_indices = @transform_2, window_bounds = array<i64: 1, 768>}, {pipeline_mode = #tpu.pipeline_mode<synchronous>, transform_indices = @transform_3, window_bounds = array<i64: 768, 2048>}, {pipeline_mode = #tpu.pipeline_mode<synchronous>, transform_indices = @transform_4, window_bounds = array<i64: 768, 2048>}, {pipeline_mode = #tpu.pipeline_mode<synchronous>, transform_indices = @transform_5, window_bounds = array<i64: 2048, 768>}, {transform_indices = @transform_6, window_bounds = array<i64: 1024, 768>}]} {
    %get3A = arith.constant 0 : index
    %get3A_0 = arith.constant 0 : index
    %get3A_1 = vector.load %arg1[%get3A, %get3A_0] : memref<1024x768xf32, #tpu.memory_space<vmem>>, vector<1024x768xf32>
    %mul3A = arith.mulf %get3A_1, %get3A_1 : vector<1024x768xf32>
    %reduce_sum3A = arith.constant dense<0.000000e+00> : vector<1024xf32>
    %reduce_sum3A_2 = vector.multi_reduction <add>, %mul3A, %reduce_sum3A [1] : vector<1024x768xf32> to vector<1024xf32>
    %broadcast_in_dim3A = vector.shape_cast %reduce_sum3A_2 : vector<1024xf32> to vector<1024x1xf32>
    %div3A = arith.constant 7.680000e+02 : f32
    %div3A_3 = vector.broadcast %div3A : f32 to vector<1024x1xf32>
    %div3A_4 = arith.divf %broadcast_in_dim3A, %div3A_3 : vector<1024x1xf32>
    %add3A = arith.constant 9.99999997E-7 : f32
    %add3A_5 = vector.broadcast %add3A : f32 to vector<1024x1xf32>
    %add3A_6 = arith.addf %div3A_4, %add3A_5 : vector<1024x1xf32>
    %rsqrt3A = math.rsqrt %add3A_6 : vector<1024x1xf32>
    %mul3A_7 = vector.broadcast %rsqrt3A : vector<1024x1xf32> to vector<1024x768xf32>
    %mul3A_8 = arith.mulf %get3A_1, %mul3A_7 : vector<1024x768xf32>
    %get3A_9 = arith.constant 0 : index
    %get3A_10 = arith.constant 0 : index
    %get3A_11 = vector.load %arg3[%get3A_9, %get3A_10] : memref<1x768xf32, #tpu.memory_space<vmem>>, vector<1x768xf32>
    %mul3A_12 = vector.broadcast %get3A_11 : vector<1x768xf32> to vector<1024x768xf32>
    %mul3A_13 = arith.mulf %mul3A_8, %mul3A_12 : vector<1024x768xf32>
    %convert_element_type3A = arith.truncf %mul3A_13 : vector<1024x768xf32> to vector<1024x768xbf16>
    %get3A_14 = arith.constant 0 : index
    %get3A_15 = arith.constant 0 : index
    %get3A_16 = vector.load %arg4[%get3A_14, %get3A_15] : memref<768x2048xbf16, #tpu.memory_space<vmem>>, vector<768x2048xbf16>
    %dot_general3A = arith.constant dense<0.000000e+00> : vector<1024x2048xf32>
    %dot_general3A_17 = tpu.matmul %convert_element_type3A, %get3A_16, %dot_general3A {dimension_numbers = #tpu.dot_dimension_numbers<[1], [0], [0], [1], [0, 0, 1, 1], [], []>, transpose_lhs_hint = false} : vector<1024x768xbf16>, vector<768x2048xbf16>, vector<1024x2048xf32> -> vector<1024x2048xf32>
    %convert_element_type3A_18 = arith.truncf %dot_general3A_17 : vector<1024x2048xf32> to vector<1024x2048xbf16>
    %get3A_19 = arith.constant 0 : index
    %get3A_20 = arith.constant 0 : index
    %get3A_21 = vector.load %arg5[%get3A_19, %get3A_20] : memref<768x2048xbf16, #tpu.memory_space<vmem>>, vector<768x2048xbf16>
    %dot_general3A_22 = arith.constant dense<0.000000e+00> : vector<1024x2048xf32>
    %dot_general3A_23 = tpu.matmul %convert_element_type3A, %get3A_21, %dot_general3A_22 {dimension_numbers = #tpu.dot_dimension_numbers<[1], [0], [0], [1], [0, 0, 1, 1], [], []>, transpose_lhs_hint = false} : vector<1024x768xbf16>, vector<768x2048xbf16>, vector<1024x2048xf32> -> vector<1024x2048xf32>
    %convert_element_type3A_24 = arith.truncf %dot_general3A_23 : vector<1024x2048xf32> to vector<1024x2048xbf16>
    %logistic3A = arith.negf %convert_element_type3A_18 : vector<1024x2048xbf16>
    %logistic3A_25 = math.exp %logistic3A : vector<1024x2048xbf16>
    %logistic3A_26 = arith.constant 1.000000e+00 : bf16
    %logistic3A_27 = vector.broadcast %logistic3A_26 : bf16 to vector<1024x2048xbf16>
    %logistic3A_28 = arith.addf %logistic3A_27, %logistic3A_25 : vector<1024x2048xbf16>
    %logistic3A_29 = arith.divf %logistic3A_27, %logistic3A_28 : vector<1024x2048xbf16>
    %mul3A_30 = arith.mulf %convert_element_type3A_18, %logistic3A_29 : vector<1024x2048xbf16>
    %mul3A_31 = arith.mulf %mul3A_30, %convert_element_type3A_24 : vector<1024x2048xbf16>
    %get3A_32 = arith.constant 0 : index
    %get3A_33 = arith.constant 0 : index
    %get3A_34 = vector.load %arg6[%get3A_32, %get3A_33] : memref<2048x768xbf16, #tpu.memory_space<vmem>>, vector<2048x768xbf16>
    %dot_general3A_35 = arith.constant dense<0.000000e+00> : vector<1024x768xf32>
    %dot_general3A_36 = tpu.matmul %mul3A_31, %get3A_34, %dot_general3A_35 {dimension_numbers = #tpu.dot_dimension_numbers<[1], [0], [0], [1], [0, 0, 1, 1], [], []>, transpose_lhs_hint = false} : vector<1024x2048xbf16>, vector<2048x768xbf16>, vector<1024x768xf32> -> vector<1024x768xf32>
    %get3A_37 = arith.constant 0 : index
    %get3A_38 = arith.constant 0 : index
    %get3A_39 = vector.load %arg2[%get3A_37, %get3A_38] : memref<1024x1xf32, #tpu.memory_space<vmem>>, vector<1024x1xf32>
    %logistic3A_40 = arith.negf %get3A_39 : vector<1024x1xf32>
    %logistic3A_41 = math.exp %logistic3A_40 : vector<1024x1xf32>
    %logistic3A_42 = arith.constant 1.000000e+00 : f32
    %logistic3A_43 = vector.broadcast %logistic3A_42 : f32 to vector<1024x1xf32>
    %logistic3A_44 = arith.addf %logistic3A_43, %logistic3A_41 : vector<1024x1xf32>
    %logistic3A_45 = arith.divf %logistic3A_43, %logistic3A_44 : vector<1024x1xf32>
    %mul3A_46 = vector.broadcast %logistic3A_45 : vector<1024x1xf32> to vector<1024x768xf32>
    %mul3A_47 = arith.mulf %mul3A_46, %dot_general3A_36 : vector<1024x768xf32>
    %add3A_48 = arith.addf %get3A_1, %mul3A_47 : vector<1024x768xf32>
    %swap3A = arith.constant 0 : index
    %swap3A_49 = arith.constant 0 : index
    %swap3A_50 = vector.load %arg7[%swap3A, %swap3A_49] : memref<1024x768xf32, #tpu.memory_space<vmem>>, vector<1024x768xf32>
    tpu.vector_store %arg7[%swap3A, %swap3A_49], %add3A_48 {strides = array<i32>} : memref<1024x768xf32, #tpu.memory_space<vmem>>, vector<1024x768xf32>,
    return
  }
  func.func @transform_0(%arg0: i32) -> (i32, i32) {
    %c0_i32 = arith.constant 0 : i32
    %c0_i32_0 = arith.constant 0 : i32
    return %arg0, %c0_i32 : i32, i32
  }
  func.func @transform_1(%arg0: i32) -> (i32, i32) {
    %c0_i32 = arith.constant 0 : i32
    %c0_i32_0 = arith.constant 0 : i32
    return %arg0, %c0_i32 : i32, i32
  }
  func.func @transform_2(%arg0: i32) -> (i32, i32) {
    %c0_i32 = arith.constant 0 : i32
    %c0_i32_0 = arith.constant 0 : i32
    %c0_i32_1 = arith.constant 0 : i32
    return %c0_i32, %c0_i32_0 : i32, i32
  }
  func.func @transform_3(%arg0: i32) -> (i32, i32) {
    %c0_i32 = arith.constant 0 : i32
    %c0_i32_0 = arith.constant 0 : i32
    %c0_i32_1 = arith.constant 0 : i32
    return %c0_i32, %c0_i32_0 : i32, i32
  }
  func.func @transform_4(%arg0: i32) -> (i32, i32) {
    %c0_i32 = arith.constant 0 : i32
    %c0_i32_0 = arith.constant 0 : i32
    %c0_i32_1 = arith.constant 0 : i32
    return %c0_i32, %c0_i32_0 : i32, i32
  }
  func.func @transform_5(%arg0: i32) -> (i32, i32) {
    %c0_i32 = arith.constant 0 : i32
    %c0_i32_0 = arith.constant 0 : i32
    %c0_i32_1 = arith.constant 0 : i32
    return %c0_i32, %c0_i32_0 : i32, i32
  }
  func.func @transform_6(%arg0: i32) -> (i32, i32) {
    %c0_i32 = arith.constant 0 : i32
    %c0_i32_0 = arith.constant 0 : i32
    return %arg0, %c0_i32 : i32, i32
  }
}

</mosaic_0001>

<sc_bundles>
// kernel: kernel.10.cloned.1.call-start
scs
__scs_entry_jumppad:
0x0: {  	(pc) =	sbr.rel $0x88, $3  }
0x1: {  	(tag) =	ssettag $0x0;
	lr =	simm.s32 $0x1  }
0x2: {  	[smem:$0x3F97] =	sst lr;
	_ =	strace $0xD0000000  }
0x3: {  	_ = 	snop  }
0x4: {  	_ = 	snop  }
0x5: {  	_ = 	snop  }
0x6: {  	_ = 	snop  }
0x7: {  	_ = 	snop  }
__scs_overlays_trampoline_lowered:
0x8: {  	[smem:$0x3FA6] =	sst s0  }
0x9: {  	[smem:$0x3FA7] =	sst s1  }
0xa: {  	[smem:$0x3FA8] =	sst s2  }
0xb: {  	[smem:$0x3FA9] =	sst s3  }
0xc: {  	[smem:$0x3FAA] =	sst s4  }
0xd: {  	[smem:$0x3FAB] =	sst s5  }
0xe: {  	[smem:$0x3FAC] =	sst s6  }
0xf: {  	[smem:$0x3FAD] =	sst s7  }
0x10: {  	[smem:$0x3FAE] =	sst s8  }
0x11: {  	[smem:$0x3FAF] =	sst s9;
	s0 =	simm.s32 @!p0 $0x0  }
0x12: {  	s1 =	sld [smem:$0x3F95];
	s0 =	simm.s32 @p0 $0x1  }
0x13: {  	[smem:$0x3FB0] =	sst s0;
	s0 =	simm.s32 @!p1 $0x0  }
0x14: {  	s2 =	sld [smem:$0x3F94];
	s0 =	simm.s32 @p1 $0x1  }
0x15: {  	[smem:$0x3FB1] =	sst s0;
	s0 =	simm.s32 @!p2 $0x0  }
0x16: {  	s3 =	sld [smem:$0x3FDB];
	s0 =	simm.s32 @p2 $0x1  }
0x17: {  	s4 =	simm.s32 $0x1BF5;
	[smem:$0x3FB3] =	sst s0  }
0x18: {  	s0 =	sld [smem:$0x3F96];
	_ =	swait.ge [sflag:s4], $0x0  }
0x19: {  	s7 =	sld [smem:$0x3F97]  }
0x1a: {  	s8 =	sadd.s32 $0xFFFFE003, lr  }
0x1b: {  	s9 =	sadd.s32 $0xFFFFFEF7, lr;
	s5 =	simm.s32 $0xFFFFFFFF;
	p2 =	slt.u32 s8, $0xFFFFF086  }
0x1c: {  	p1 =	slt.u32 s9, $0xF7A;
	s5 =	simm.s32 @!p2 $0x0  }
0x1d: {  	s5 =	simm.s32 @p1 $0x1;
	p0 =	seq.s32 s7, s2  }
0x1e: {  	s7 =	smul.u32 @!p0 $0xF7A, s2;
	p2 =	seq.s32 @!p0 s5, $0x0  }
0x1f: {  	s9 =	smul.u32 $0xF7A, s1;
	s8 =	simm.s32 @!p0 $0x1BF5;
	p2 =	por !p2, p0  }
0x20: {  	[sflag:s8] =	ssyncset.s32 @!p0 $0xFFFFF086;
	s6 =	sadd.s32 @!p0 s3, s7;
	s7 =	simm.s32 @!p0 $0x108  }
0x21: {  	s3 =	sadd.s32 s3, s9;
	s6 =	sadd.s32 @!p0 $0x88, s6;
	s7 =	simm.s32 @p2 $0x1082  }
0x22: {  	[simem:s7], [sflag:s8] =	dma.local @!p0 [hbm:s6], $0xF7A  }
0x23: {  	s9 =	sor.u32 $0xD0000000, s2;
	s6 =	simm.s32 $0x108;
	_ =	swait.ge @!p0 [sflag:s8], $0x0  }
0x24: {  	s3 =	sadd.s32 $0x88, s3;
	s6 =	simm.s32 @!p1 $0x1082;
	[sflag:s4] =	ssyncset.s32 $0xFFFFF086  }
0x25: {  	[simem:s6], [sflag:s4] =	dma.local [hbm:s3], $0xF7A  }
0x26: {  	[smem:$0x3F97] =	sst s1;
	(tag) =	ssettag s2;
	_ =	strace s9  }
0x27: {  	s1 =	sld [smem:$0x3FA7]  }
0x28: {  	s2 =	sld [smem:$0x3FA8]  }
0x29: {  	s4 =	sld [smem:$0x3FAA]  }
0x2a: {  	p0 =	seq.s32 s5, $0x0;
	s5 =	sld [smem:$0x3FAB]  }
0x2b: {  	s6 =	sld [smem:$0x3FAC]  }
0x2c: {  	s7 =	sld [smem:$0x3FAD]  }
0x2d: {  	s3 =	simm.s32 $0x108;
	s8 =	sld [smem:$0x3FAE]  }
0x2e: {  	s3 =	simm.s32 @!p0 $0x1082;
	s9 =	sld [smem:$0x3FAF]  }
0x2f: {  	lr =	sadd.s32 s0, s3;
	s0 =	sld [smem:$0x3FA6]  }
0x30: {  	s3 =	sld [smem:$0x3FA9]  }
0x31: {  	[smem:$0x3FB2] =	sst s10  }
0x32: {  	s10 =	sld [smem:$0x3FB0];
	_ =	sdelay $0x3  }
0x33: {  	p0 =	seq.s32 s10, $0x1;
	s10 =	sld [smem:$0x3FB2];
	_ =	sdelay $0x3  }
0x34: {  	[smem:$0x3FB2] =	sst s10  }
0x35: {  	s10 =	sld [smem:$0x3FB1];
	_ =	sdelay $0x3  }
0x36: {  	p1 =	seq.s32 s10, $0x1;
	s10 =	sld [smem:$0x3FB2];
	_ =	sdelay $0x3  }
0x37: {  	[smem:$0x3FB2] =	sst s10  }
0x38: {  	s10 =	sld [smem:$0x3FB3]  }
0x39: {  	_ = 	snop;
	(pc) =	sbr.ind lr, $3  }
0x3a: {  	_ = 	snop  }
0x3b: {  	_ = 	snop  }
0x3c: {  	p2 =	seq.s32 s10, $0x1;
	s10 =	sld [smem:$0x3FB2]  }
0x3d: {  	_ =	shalt  }
0x3e: {  	_ =	shalt  }
0x3f: {  	_ =	shalt  }
0x40: {  	_ =	shalt  }
0x41: {  	_ =	shalt  }
0x42: {  	_ =	shalt  }
0x43: {  	_ =	shalt  }
0x44: {  	_ =	shalt  }
0x45: {  	_ =	shalt  }
0x46: {  	_ =	shalt  }
0x47: {  	_ =	shalt  }
0x48: {  	_ =	shalt  }
0x49: {  	_ =	shalt  }
0x4a: {  	_ =	shalt  }
0x4b: {  	_ =	shalt  }
0x4c: {  	_ =	shalt  }
0x4d: {  	_ =	shalt  }
0x4e: {  	_ =	shalt  }
0x4f: {  	_ =	shalt  }
0x50: {  	_ =	shalt  }
0x51: {  	_ =	shalt  }
0x52: {  	_ =	shalt  }
0x53: {  	_ =	shalt  }
0x54: {  	_ =	shalt  }
0x55: {  	_ =	shalt  }
0x56: {  	_ =	shalt  }
0x57: {  	_ =	shalt  }
0x58: {  	_ =	shalt  }
0x59: {  	_ =	shalt  }
0x5a: {  	_ =	shalt  }
0x5b: {  	_ =	shalt  }
0x5c: {  	_ =	shalt  }
0x5d: {  	_ =	shalt  }
0x5e: {  	_ =	shalt  }
0x5f: {  	_ =	shalt  }
0x60: {  	_ =	shalt  }
0x61: {  	_ =	shalt  }
0x62: {  	_ =	shalt  }
0x63: {  	_ =	shalt  }
0x64: {  	_ =	shalt  }
0x65: {  	_ =	shalt  }
0x66: {  	_ =	shalt  }
0x67: {  	_ =	shalt  }
0x68: {  	_ =	shalt  }
0x69: {  	_ =	shalt  }
0x6a: {  	_ =	shalt  }
0x6b: {  	_ =	shalt  }
0x6c: {  	_ =	shalt  }
0x6d: {  	_ =	shalt  }
0x6e: {  	_ =	shalt  }
0x6f: {  	_ =	shalt  }
0x70: {  	_ =	shalt  }
0x71: {  	_ =	shalt  }
0x72: {  	_ =	shalt  }
0x73: {  	_ =	shalt  }
0x74: {  	_ =	shalt  }
0x75: {  	_ =	shalt  }
0x76: {  	_ =	shalt  }
0x77: {  	_ =	shalt  }
0x78: {  	_ =	shalt  }
0x79: {  	_ =	shalt  }
0x7a: {  	_ =	shalt  }
0x7b: {  	_ =	shalt  }
0x7c: {  	_ =	shalt  }
0x7d: {  	_ =	shalt  }
0x7e: {  	_ =	shalt  }
0x7f: {  	_ =	shalt  }
0x80: {  	_ =	shalt  }
0x81: {  	_ =	shalt  }
0x82: {  	_ =	shalt  }
0x83: {  	_ =	shalt  }
0x84: {  	_ =	shalt  }
0x85: {  	_ =	shalt  }
0x86: {  	_ =	shalt  }
0x87: {  	_ =	shalt  }
.Lfunc_end0:
.L_simem_size_0:
called_computation_lowered:
.L_overlay_start_0:
0x88: {  	s2 =	sld [smem:$0x3FD9]  }
0x89: {  	s3 =	sld [smem:$0x3FFE];
	_ =	sdelay $0x1  }
0x8a: {  	s1 =	srdreg.scid  }
0x8b: {  	s0 =	sand.u32 $0x1, s1  }
0x8c: {  	s17 =	sshll.u32 s0, $0xA;
	s2 =	sadd.s32 s3, s2  }
0x8d: {  	s2 =	sadd.s32 s2, s17  }
0x8e: {  	[smem:$0x3FBE] =	sst s2  }
0x8f: {  	_ = 	snop  }
0x90: {  	s2 =	sld [smem:$0x3FC9];
	(tm) =	ssettm $0x1  }
0x91: {  	s18 =	sld [smem:$0x3FFB];
	_ =	sdelay $0x3  }
0x92: {  	_ =	strace s18  }
0x93: {  	s3 =	sld [smem:$0x3FFC];
	_ =	sdelay $0x3  }
0x94: {  	_ =	strace s3  }
0x95: {  	s3 =	sld [smem:$0x3FFD];
	_ =	sdelay $0x3  }
0x96: {  	_ =	strace s3  }
0x97: {  	_ =	strace $0x8FFFFFFF  }
0x98: {  	s19 =	sld [smem:$0x3FDB];
	_ =	sdelay $0x1  }
0x99: {  	s4 =	simm.s32 $_scs_section_size  }
0x9a: {  	s5 =	simm.s32 $_size__tile_overlayer_lowered;
	s6 =	simm.s32 $_tile_overlayer_lowered  }
0x9b: {  	s22 =	simm.s32 $0x1BFF;
	s21 =	sshll.u32 s6, $0x1;
	s3 =	sadd.s32 s4, s19  }
0x9c: {  	s7 =	simm.s32 $0x0;
	s20 =	sshll.u32 s5, $0x1;
	s5 =	sadd.s32 s21, s3  }
0x9d: {  	[timem:s7], [sflag:s22] =	dma.local [hbm:s5], s20  }
0x9e: {  	_ =	swait.ge [sflag:s22], s20  }
0x9f: {  	s4 =	ssub.s32 $0x0, s20;
	[sflag:s22] =	ssyncset.done $0x0  }
0xa0: {  	[sflag:s22] =	ssyncadd.s32 s4;
	_ =	sdelay $0x1  }
0xa1: {  	s23 =	simm.s32 $0x1B8B  }
0xa2: {  	_ =	swait.ge [sflag:s23], $0x1  }
0xa3: {  	[sflag:s23] =	ssyncset.done $0x0  }
0xa4: {  	s25 =	simm.s32 $0x1B8E;
	s24 =	sld [smem:$0x3FFE];
	[sflag:s23] =	ssyncadd.s32 $0xFFFFFFFF  }
0xa5: {  	s26 =	simm.s32 $execute0_lowered;
	[smem:$0x3FD2] =	sst s25  }
0xa6: {  	s5 =	sshll.u32 s26, $0x1;
	_ =	strace $0x80000046;
	[dreg:$0x1] =	wrdreg $0xFFFFFFFF  }
0xa7: {  	s28 =	simm.s32 $_size_execute0_lowered;
	s3 =	sadd.s32 s3, s5;
	[dreg:$0x0] =	wrdreg $0x0  }
0xa8: {  	s5 =	sshll.u32 s28, $0x1;
	[dreg:$0x2] =	wrdreg s3  }
0xa9: {  	[dreg:$0x3] =	wrdreg s5  }
0xaa: {  	[dreg:$0x4] =	wrdreg $0xC0  }
0xab: {  	_ =	task [dreg:s7], $0x5FFFF  }
0xac: {  	[dreg:$0x1] =	wrdreg $0xFFFFFFFF  }
0xad: {  	[dreg:$0x0] =	wrdreg $0x60  }
0xae: {  	[dreg:$0x2] =	wrdreg s24  }
0xaf: {  	[dreg:$0x3] =	wrdreg s2  }
0xb0: {  	[dreg:$0x4] =	wrdreg $0x8C800  }
0xb1: {  	[dreg:$0x5] =	wrdreg $0xA  }
0xb2: {  	_ =	task.clear_ibuf [dreg:s7], $0x6FFFF;
	_ =	strace $0x90000046  }
0xb3: {  	s29 =	simm.s32 $0xA;
	_ =	strace $0x80000048  }
0xb4: {  	_ =	swait.ge [sflag:s29], $0x1  }
0xb5: {  	[sflag:s29] =	ssyncadd.s32 $0xFFFFFFFF  }
0xb6: {  	_ =	strace $0x90000048  }
0xb7: {  	_ =	sfence  }
0xb8: {  	s30 =	sld [smem:$0x0];
	_ =	sdelay $0x2  }
0xb9: {  	s31 =	sshll.u32 s1, $0xD;
	s1 =	sshrl.u32 s1, $0x2  }
0xba: {  	s3 =	sand.u32 $0x4000, s31;
	s1 =	sadd.s32 s1, s30  }
0xbb: {  	s0 =	sor.u32 s3, s0;
	s1 =	sshll.u32 s1, $0x11  }
0xbc: {  	s0 =	sor.u32 s1, s0  }
0xbd: {  	s0 =	sadd.s32 $0x8F2B, s0  }
0xbe: {  	[sflag:s0] =	ssyncadd.remote.s32 $0x1  }
0xbf: {  	_ =	sfence.sel $0xFFFF  }
0xc0: {  	[dreg:$0x0] =	wrdreg $0xFFFFFFFF;
	(pc) =	sbr.abs _section_cstart, $3  }
0xc1: {  	[dreg:$0x1] =	wrdreg $0xFFFFFFFF  }
0xc2: {  	_ =	task.clear_ibuf [dreg:s7], $0x2FFFF;
	_ =	strace $0x9FFFFFFF  }
0xc3: {  	(tm) =	ssettm $0x7FFFFFFF  }
tec
execute0_lowered:
.L_overlay_start_1:
0x0: {  	(tag) =	ssettag $0x1  }
0x1: {  	s1 =	rddreg [dreg:$0x0];
	s2 =	srdreg.scid  }
0x2: {  	s0 =	rddreg [dreg:$0x1];
	s4 =	stileid.u32  }
0x3: {  	s11 =	rddreg [dreg:$0x2];
	s3 =	simm.s32 $0x0;
	s15 =	simm.s32 $0x2  }
0x4: {  	s17 =	simm.s32 $0x40000000;
	s18 =	simm.s32 $0x6000;
	s19 =	simm.s32 $0x100000  }
0x5: {  	s20 =	simm.s32 $0x8480;
	s14 =	simm.s32 $0xB540;
	s28 =	simm.s32 $0x12540  }
0x6: {  	s29 =	simm.s32 $0x12D40;
	s30 =	simm.s32 $0x13540;
	s31 =	simm.s32 $0x13D40  }
0x7: {  	s16 =	simm.s32 $0x1;
	s2 =	sand.u32 $0x1, s2;
	s6 =	sshll.u32 s4, $0x6  }
0x8: {  	[smem:$0x7FF] =	sst s3;
	p0 =	sne.s32 s4, $0x0;
	s4 =	simm.s32 $0x8CC0  }
0x9: {  	s5 =	sshll.u32 s2, $0xA;
	_ =	strace $0x80000047;
	s8 =	ssub.s32 $0x2, s2  }
0xa: {  	s9 =	sshll.u32 s2, $0x7;
	s2 =	sshll.u32 s2, $0xD;
	s7 =	sor.u32 s6, s5  }
0xb: {  	s5 =	sadd.s32 s5, s1;
	s10 =	sshrl.u32 s8, $0x1;
	s9 =	sadd.s32 s9, s1  }
0xc: {  	s26 =	sor.u32 $0x30, s2;
	s2 =	simm.s32 $0x0;
	s7 =	sshrl.u32 s7, $0x3  }
0xd: {  	s21 =	ssub.s32 s8, s10;
	s22 =	sadd.s32 $0x4400, s5;
	s5 =	sadd.s32 $0x4C00, s5  }
0xe: {  	s23 =	sadd.s32 $0x35600, s9;
	s24 =	sadd.s32 $0x35800, s9;
	[dreg:$0x9] =	wrdreg s26  }
0xf: {  	s25 =	sadd.s32 $0x35A00, s9;
	s9 =	sadd.s32 s6, s11;
	[dreg:$0x4] =	wrdreg s22  }
0x10: {  	s10 =	sadd.s32 $0x100, s0;
	s11 =	sadd.s32 $0x200, s0;
	[dreg:$0x5] =	wrdreg s5  }
0x11: {  	s6 =	simm.s32 $0x9D40;
	s8 =	simm.s32 $0xAD40;
	[dreg:$0x6] =	wrdreg s23  }
.Ltmp0:
0x12: {  	s26 =	simm.s32 $0x11D40;
	[dreg:$0x7] =	wrdreg s24;
	(pc) =	sbr.rel .LBB2_1-.Ltmp0, $4  }
0x13: {  	s7 =	smul.u32 $0x300, s7;
	[dreg:$0x8] =	wrdreg s25;
	s13 =	smax.u32 s21, $0x1  }
0x14: {  	s21 =	simm.s32 $0x8880;
	s22 =	simm.s32 $0x8080;
	s24 =	simm.s32 $0x8D40  }
0x15: {  	s5 =	simm.s32 $0x9540;
	s23 =	simm.s32 $0xBD40;
	s1 =	sadd.s32 s7, s1  }
0x16: {  	v0 =	vimm.s32 $0x0;
	v1 =	vlaneseq.u32;
	s7 =	simm.s32 $0xA540;
	s12 =	sadd.s32 $0x5600, s1;
	s1 =	simm.s32 $0x14540  }
.LBB2_27:
0x17: {  	[bflag:$0x0] =	sbarrier.arrive $0xFFFF  }
0x18: {  	[tilespmem:s4], [sflag:$0x2] =	stream.linear.gather [spmem:s9], $0x40, $0x38;
	[tilespmem:$0x14D40] =	vst v63  }
0x19: {  	_ =	swait.ge [sflag:s15], $0x40  }
0x1a: {  	[sflag:s15] =	ssyncset.done $0x0  }
0x1b: {  	[sflag:s15] =	ssyncadd.s32 $0xFFFFFFC0  }
0x1c: {  	v2 =	vld [tilespmem:$0x8CC0];
	_ =	sdelay $0x4  }
0x1d: {  	v3 =	vshrl.u32 v2, $0x3  }
0x1e: {  	v3 =	vmul.u32 $0x30, v3  }
0x1f: {  	v2 =	vand.u32 $0x7, v2  }
0x20: {  	v4 =	vshrl.u32 v1, $0x3;
	v2 =	vor.u32 v2, v3;
	v3 =	vand.u32 $0x7, v1  }
0x21: {  	v4 =	vmul.u32 $0x8, v4;
	v5 =	vperm.xlane v2, v3;
	_ =	sdelay $0x1  }
0x22: {  	v5 =	vadd.s32 v4, v5;
	_ =	sdelay $0x2  }
0x23: {  	v6 =	vor.u32 $0x8, v1  }
0x24: {  	vm0 =	vmmov $0xffff;
	v2 =	vperm.xlane v2, v6  }
0x25: {  	[tilespmem:s24], [sflag:$0x1] =	stream.indirect_vreg.gather [hbm4b:s0+s3], $0x80, v5, vm0, $0xb8;
	[tilespmem:$0x14D40] =	vst v63  }
0x26: {  	v2 =	vadd.s32 v4, v2  }
0x27: {  	[tilespmem:s5], [sflag:$0x1] =	stream.indirect_vreg.gather [hbm4b:s10+s3], $0x80, v5, vm0, $0xb8;
	[tilespmem:$0x14D40] =	vst v63  }
0x28: {  	_ = 	snop  }
0x29: {  	[tilespmem:s6], [sflag:$0x1] =	stream.indirect_vreg.gather [hbm4b:s11+s3], $0x80, v5, vm0, $0xb8;
	[tilespmem:$0x14D40] =	vst v63  }
0x2a: {  	_ = 	snop  }
0x2b: {  	[tilespmem:s7], [sflag:$0x1] =	stream.indirect_vreg.gather [hbm4b:s0+s3], $0x80, v2, vm0, $0xb8;
	[tilespmem:$0x14D40] =	vst v63  }
0x2c: {  	_ = 	snop  }
0x2d: {  	[tilespmem:s8], [sflag:$0x1] =	stream.indirect_vreg.gather [hbm4b:s10+s3], $0x80, v2, vm0, $0xb8;
	[tilespmem:$0x14D40] =	vst v63  }
0x2e: {  	_ = 	snop  }
0x2f: {  	[tilespmem:s14], [sflag:$0x1] =	stream.indirect_vreg.gather [hbm4b:s11+s3], $0x80, v2, vm0, $0xb8;
	[tilespmem:$0x14D40] =	vst v63  }
0x30: {  	v2 =	vld [tilespmem:$0x8CD0];
	_ =	sdelay $0x4  }
0x31: {  	v61 =	vshrl.u32 v2, $0x3  }
0x32: {  	v5 =	vmul.u32 $0x30, v61  }
0x33: {  	v2 =	vand.u32 $0x7, v2  }
0x34: {  	v2 =	vor.u32 v2, v5  }
0x35: {  	v5 =	vperm.xlane v2, v3;
	_ =	sdelay $0x1  }
0x36: {  	v5 =	vadd.s32 v4, v5;
	_ =	sdelay $0x3  }
0x37: {  	v2 =	vperm.xlane v2, v6  }
0x38: {  	[tilespmem:s23], [sflag:$0x1] =	stream.indirect_vreg.gather [hbm4b:s0+s3], $0x80, v5, vm0, $0xb8;
	[tilespmem:$0x14D40] =	vst v63  }
0x39: {  	s25 =	simm.s32 $0xC540;
	v2 =	vadd.s32 v4, v2  }
0x3a: {  	[tilespmem:s25], [sflag:$0x1] =	stream.indirect_vreg.gather [hbm4b:s10+s3], $0x80, v5, vm0, $0xb8;
	[tilespmem:$0x14D40] =	vst v63  }
0x3b: {  	s25 =	simm.s32 $0xCD40  }
0x3c: {  	[tilespmem:s25], [sflag:$0x1] =	stream.indirect_vreg.gather [hbm4b:s11+s3], $0x80, v5, vm0, $0xb8;
	[tilespmem:$0x14D40] =	vst v63  }
0x3d: {  	s25 =	simm.s32 $0xD540  }
0x3e: {  	[tilespmem:s25], [sflag:$0x1] =	stream.indirect_vreg.gather [hbm4b:s0+s3], $0x80, v2, vm0, $0xb8;
	[tilespmem:$0x14D40] =	vst v63  }
0x3f: {  	s25 =	simm.s32 $0xDD40  }
0x40: {  	[tilespmem:s25], [sflag:$0x1] =	stream.indirect_vreg.gather [hbm4b:s10+s3], $0x80, v2, vm0, $0xb8;
	[tilespmem:$0x14D40] =	vst v63  }
0x41: {  	s25 =	simm.s32 $0xE540  }
0x42: {  	[tilespmem:s25], [sflag:$0x1] =	stream.indirect_vreg.gather [hbm4b:s11+s3], $0x80, v2, vm0, $0xb8;
	[tilespmem:$0x14D40] =	vst v63  }
0x43: {  	v2 =	vld [tilespmem:$0x8CE0];
	_ =	sdelay $0x4  }
0x44: {  	v62 =	vshrl.u32 v2, $0x3  }
0x45: {  	v5 =	vmul.u32 $0x30, v62  }
0x46: {  	v2 =	vand.u32 $0x7, v2  }
0x47: {  	v2 =	vor.u32 v2, v5  }
0x48: {  	v5 =	vperm.xlane v2, v3;
	_ =	sdelay $0x1  }
0x49: {  	v5 =	vadd.s32 v4, v5;
	_ =	sdelay $0x3  }
0x4a: {  	s25 =	simm.s32 $0xED40;
	v2 =	vperm.xlane v2, v6  }
0x4b: {  	[tilespmem:s25], [sflag:$0x1] =	stream.indirect_vreg.gather [hbm4b:s0+s3], $0x80, v5, vm0, $0xb8;
	[tilespmem:$0x14D40] =	vst v63  }
0x4c: {  	v2 =	vadd.s32 v4, v2;
	s25 =	simm.s32 $0xF540  }
0x4d: {  	[tilespmem:s25], [sflag:$0x1] =	stream.indirect_vreg.gather [hbm4b:s10+s3], $0x80, v5, vm0, $0xb8;
	[tilespmem:$0x14D40] =	vst v63  }
0x4e: {  	s25 =	simm.s32 $0xFD40  }
0x4f: {  	[tilespmem:s25], [sflag:$0x1] =	stream.indirect_vreg.gather [hbm4b:s11+s3], $0x80, v5, vm0, $0xb8;
	[tilespmem:$0x14D40] =	vst v63  }
0x50: {  	s25 =	simm.s32 $0x10540  }
0x51: {  	[tilespmem:s25], [sflag:$0x1] =	stream.indirect_vreg.gather [hbm4b:s0+s3], $0x80, v2, vm0, $0xb8;
	[tilespmem:$0x14D40] =	vst v63  }
0x52: {  	s25 =	simm.s32 $0x10D40  }
0x53: {  	[tilespmem:s25], [sflag:$0x1] =	stream.indirect_vreg.gather [hbm4b:s10+s3], $0x80, v2, vm0, $0xb8;
	[tilespmem:$0x14D40] =	vst v63  }
0x54: {  	s25 =	simm.s32 $0x11540  }
0x55: {  	[tilespmem:s25], [sflag:$0x1] =	stream.indirect_vreg.gather [hbm4b:s11+s3], $0x80, v2, vm0, $0xb8;
	[tilespmem:$0x14D40] =	vst v63  }
0x56: {  	v2 =	vld [tilespmem:$0x8CF0];
	_ =	sdelay $0x4  }
0x57: {  	v63 =	vshrl.u32 v2, $0x3  }
0x58: {  	v5 =	vmul.u32 $0x30, v63  }
0x59: {  	v2 =	vand.u32 $0x7, v2  }
0x5a: {  	v2 =	vor.u32 v2, v5  }
0x5b: {  	v3 =	vperm.xlane v2, v3;
	_ =	sdelay $0x1  }
0x5c: {  	v3 =	vadd.s32 v4, v3;
	_ =	sdelay $0x3  }
0x5d: {  	v2 =	vperm.xlane v2, v6  }
0x5e: {  	[tilespmem:s26], [sflag:$0x1] =	stream.indirect_vreg.gather [hbm4b:s0+s3], $0x80, v3, vm0, $0xb8;
	[tilespmem:$0x14D40] =	vst v63  }
0x5f: {  	v2 =	vadd.s32 v4, v2  }
0x60: {  	[tilespmem:s28], [sflag:$0x1] =	stream.indirect_vreg.gather [hbm4b:s10+s3], $0x80, v3, vm0, $0xb8;
	[tilespmem:$0x14D40] =	vst v63  }
0x61: {  	_ = 	snop  }
0x62: {  	[tilespmem:s29], [sflag:$0x1] =	stream.indirect_vreg.gather [hbm4b:s11+s3], $0x80, v3, vm0, $0xb8;
	[tilespmem:$0x14D40] =	vst v63  }
0x63: {  	_ = 	snop  }
0x64: {  	[tilespmem:s30], [sflag:$0x1] =	stream.indirect_vreg.gather [hbm4b:s0+s3], $0x80, v2, vm0, $0xb8;
	[tilespmem:$0x14D40] =	vst v63  }
0x65: {  	_ = 	snop  }
0x66: {  	[tilespmem:s31], [sflag:$0x1] =	stream.indirect_vreg.gather [hbm4b:s10+s3], $0x80, v2, vm0, $0xb8;
	[tilespmem:$0x14D40] =	vst v63  }
0x67: {  	_ = 	snop  }
0x68: {  	[tilespmem:s1], [sflag:$0x1] =	stream.indirect_vreg.gather [hbm4b:s11+s3], $0x80, v2, vm0, $0xb8;
	[tilespmem:$0x14D40] =	vst v63  }
0x69: {  	s2 =	sadd.s32 $0x1, s2;
	_ =	swait.ge [sflag:s16], $0xC000  }
0x6a: {  	p1 =	sne.s32 s2, s13;
	[sflag:s16] =	ssyncset.done $0x0  }
.Ltmp1:
0x6b: {  	[sflag:s16] =	ssyncadd.s32 $0xFFFF4000;
	(pc) =	sbr.rel @!p1 .LBB2_28-.Ltmp1, $4  }
0x6c: {  	[hbm4b:s12+s3] =	stream.linear.scatter [tilespmem:s24], [sflag:$0x2], $0xC000, $0x38;
	[tilespmem:$0x14D40] =	vst v63  }
0x6d: {  	_ =	swait.ge [sflag:s15], $0xC000  }
0x6e: {  	[sflag:s15] =	ssyncset.done $0x0  }
0x6f: {  	[sflag:s15] =	ssyncadd.s32 $0xFFFF4000  }
.LBB2_1:
.Ltmp2:
0x70: {  	(pc) =	sbr.rel @p0 .LBB2_27-.Ltmp2, $1  }
0x71: {  	_ =	sdelay $0x3  }
0x72: {  	s4 =	rddreg [dreg:$0x4]  }
0x73: {  	[tilespmem:s3], [sflag:$0x2] =	stream.linear.gather [hbm4b:s4+s3], $0x2000, $0x38;
	[tilespmem:$0x14D40] =	vst v63  }
0x74: {  	_ =	swait.ge [sflag:s15], $0x2000  }
0x75: {  	[sflag:s15] =	ssyncset.done $0x0  }
0x76: {  	s5 =	simm.s32 $0x2000;
	s23 =	rddreg [dreg:$0x5];
	[sflag:s15] =	ssyncadd.s32 $0xFFFFE000  }
0x77: {  	[tilespmem:s5], [sflag:$0x2] =	stream.linear.gather [hbm4b:s23+s3], $0x2000, $0x38;
	[tilespmem:$0x14D40] =	vst v63  }
0x78: {  	_ =	swait.ge [sflag:s15], $0x2000  }
0x79: {  	[sflag:s15] =	ssyncset.done $0x0  }
0x7a: {  	s25 =	simm.s32 $0x40;
	[sflag:s15] =	ssyncadd.s32 $0xFFFFE000  }
0x7b: {  	v2 =	vld [tilespmem:s25+$0xFFFFFFC0];
	_ =	sdelay $0x4  }
0x7c: {  	v3 =	vshra.s32 v2, $0x1F  }
0x7d: {  	v3 =	vand.u32 $0x7FFFFFFF, v3  }
0x7e: {  	s4 =	simm.s32 $0x4040;
	v2 =	vxor.u32 v2, v3  }
0x7f: {  	[tilespmem:s4+$0xFFFFFFC0] =	vst v2  }
0x80: {  	v2 =	vld [tilespmem:s25+$0xFFFFFFD0];
	_ =	sdelay $0x4  }
0x81: {  	v3 =	vshra.s32 v2, $0x1F  }
0x82: {  	v3 =	vand.u32 $0x7FFFFFFF, v3  }
0x83: {  	v2 =	vxor.u32 v2, v3  }
0x84: {  	[tilespmem:s4+$0xFFFFFFD0] =	vst v2  }
0x85: {  	v2 =	vld [tilespmem:s25+$0xFFFFFFE0];
	_ =	sdelay $0x4  }
0x86: {  	v3 =	vshra.s32 v2, $0x1F  }
0x87: {  	v3 =	vand.u32 $0x7FFFFFFF, v3  }
0x88: {  	v2 =	vxor.u32 v2, v3  }
0x89: {  	[tilespmem:s4+$0xFFFFFFE0] =	vst v2  }
0x8a: {  	v2 =	vld [tilespmem:s25+$0xFFFFFFF0];
	_ =	sdelay $0x4  }
0x8b: {  	v3 =	vshra.s32 v2, $0x1F  }
0x8c: {  	v3 =	vand.u32 $0x7FFFFFFF, v3  }
0x8d: {  	v2 =	vxor.u32 v2, v3  }
0x8e: {  	[tilespmem:s4+$0xFFFFFFF0] =	vst v2  }
0x8f: {  	v2 =	vld [tilespmem:s25+$0x0];
	_ =	sdelay $0x4  }
0x90: {  	v3 =	vshra.s32 v2, $0x1F  }
0x91: {  	v3 =	vand.u32 $0x7FFFFFFF, v3  }
0x92: {  	v2 =	vxor.u32 v2, v3  }
0x93: {  	[tilespmem:s4+$0x0] =	vst v2  }
0x94: {  	v2 =	vld [tilespmem:s25+$0x10];
	_ =	sdelay $0x4  }
0x95: {  	v3 =	vshra.s32 v2, $0x1F  }
0x96: {  	v3 =	vand.u32 $0x7FFFFFFF, v3  }
0x97: {  	v2 =	vxor.u32 v2, v3  }
0x98: {  	[tilespmem:s4+$0x10] =	vst v2  }
0x99: {  	v2 =	vld [tilespmem:s25+$0x20];
	_ =	sdelay $0x4  }
0x9a: {  	v3 =	vshra.s32 v2, $0x1F  }
0x9b: {  	v3 =	vand.u32 $0x7FFFFFFF, v3  }
0x9c: {  	v2 =	vxor.u32 v2, v3  }
0x9d: {  	[tilespmem:s4+$0x20] =	vst v2  }
0x9e: {  	v2 =	vld [tilespmem:s25+$0x30];
	_ =	sdelay $0x4  }
0x9f: {  	v3 =	vshra.s32 v2, $0x1F  }
0xa0: {  	v3 =	vand.u32 $0x7FFFFFFF, v3  }
0xa1: {  	v2 =	vxor.u32 v2, v3  }
0xa2: {  	s6 =	simm.s32 $0xC0;
	s7 =	simm.s32 $0x4040;
	s5 =	simm.s32 $0x0;
	[tilespmem:s4+$0x30] =	vst v2  }
.LBB2_3:
0xa3: {  	v2 =	vld [tilespmem:s6+$0xFFFFFFC0];
	s5 =	sadd.s32 $0x8, s5  }
0xa4: {  	p1 =	slt.u32 s5, $0x1F8;
	_ =	sdelay $0x3  }
0xa5: {  	v3 =	vshra.s32 v2, $0x1F  }
0xa6: {  	v3 =	vand.u32 $0x7FFFFFFF, v3  }
0xa7: {  	s7 =	sadd.s32 $0x80, s7;
	v2 =	vxor.u32 v2, v3  }
0xa8: {  	[tilespmem:s7+$0xFFFFFFC0] =	vst v2  }
0xa9: {  	v2 =	vld [tilespmem:s6+$0xFFFFFFD0];
	_ =	sdelay $0x4  }
0xaa: {  	v3 =	vshra.s32 v2, $0x1F  }
0xab: {  	v3 =	vand.u32 $0x7FFFFFFF, v3  }
0xac: {  	v2 =	vxor.u32 v2, v3  }
0xad: {  	[tilespmem:s7+$0xFFFFFFD0] =	vst v2  }
0xae: {  	v2 =	vld [tilespmem:s6+$0xFFFFFFE0];
	_ =	sdelay $0x4  }
0xaf: {  	v3 =	vshra.s32 v2, $0x1F  }
0xb0: {  	v3 =	vand.u32 $0x7FFFFFFF, v3  }
0xb1: {  	v2 =	vxor.u32 v2, v3  }
0xb2: {  	[tilespmem:s7+$0xFFFFFFE0] =	vst v2  }
0xb3: {  	v2 =	vld [tilespmem:s6+$0xFFFFFFF0];
	_ =	sdelay $0x4  }
0xb4: {  	v3 =	vshra.s32 v2, $0x1F  }
0xb5: {  	v3 =	vand.u32 $0x7FFFFFFF, v3  }
0xb6: {  	v2 =	vxor.u32 v2, v3  }
0xb7: {  	[tilespmem:s7+$0xFFFFFFF0] =	vst v2  }
0xb8: {  	v2 =	vld [tilespmem:s6+$0x0];
	_ =	sdelay $0x4  }
0xb9: {  	v3 =	vshra.s32 v2, $0x1F  }
0xba: {  	v3 =	vand.u32 $0x7FFFFFFF, v3  }
0xbb: {  	v2 =	vxor.u32 v2, v3  }
0xbc: {  	[tilespmem:s7+$0x0] =	vst v2  }
0xbd: {  	v2 =	vld [tilespmem:s6+$0x10];
	_ =	sdelay $0x4  }
0xbe: {  	v3 =	vshra.s32 v2, $0x1F  }
0xbf: {  	v3 =	vand.u32 $0x7FFFFFFF, v3  }
0xc0: {  	v2 =	vxor.u32 v2, v3  }
0xc1: {  	[tilespmem:s7+$0x10] =	vst v2  }
0xc2: {  	v2 =	vld [tilespmem:s6+$0x20];
	_ =	sdelay $0x4  }
0xc3: {  	v3 =	vshra.s32 v2, $0x1F  }
0xc4: {  	v3 =	vand.u32 $0x7FFFFFFF, v3  }
0xc5: {  	v2 =	vxor.u32 v2, v3  }
0xc6: {  	[tilespmem:s7+$0x20] =	vst v2  }
0xc7: {  	v2 =	vld [tilespmem:s6+$0x30];
	_ =	sdelay $0x3  }
.Ltmp3:
0xc8: {  	(pc) =	sbr.rel @p1 .LBB2_3-.Ltmp3, $4  }
0xc9: {  	v3 =	vshra.s32 v2, $0x1F  }
0xca: {  	v3 =	vand.u32 $0x7FFFFFFF, v3  }
0xcb: {  	v2 =	vxor.u32 v2, v3  }
0xcc: {  	v6 =	vimm.s32 $0x0;
	s6 =	sadd.s32 $0x80, s6;
	[tilespmem:s7+$0x30] =	vst v2  }
0xcd: {  	v3 =	vld [tilespmem:s4+$0xFFFFFFC0]  }
0xce: {  	v4 =	vld [tilespmem:s4+$0xFFFFFFD0]  }
0xcf: {  	v9 =	vld [tilespmem:s4+$0xFFFFFFE0]  }
0xd0: {  	v5 =	vld [tilespmem:s4+$0xFFFFFFF0]  }
0xd1: {  	v2 =	vld [tilespmem:s4+$0x0]  }
0xd2: {  	vm0 =	vgt.s32 v3, $0xFFFFFFFF;
	v3 =	vld [tilespmem:s4+$0x10]  }
0xd3: {  	v7 =	vsel vm0, $0x1, v0;
	vm0 =	vgt.s32 v4, $0xFFFFFFFF;
	v4 =	vld [tilespmem:s4+$0x20]  }
0xd4: {  	s5 =	simm.s32 $0x0;
	v7 =	vadd.s32 v7, v6;
	v8 =	vsel vm0, $0x1, v0;
	vm0 =	vgt.s32 v9, $0xFFFFFFFF;
	v6 =	vld [tilespmem:s4+$0x30];
	s4 =	simm.s32 $0x40C0  }
.LBB2_5:
0xd5: {  	v9 =	vld [tilespmem:s4+$0xFFFFFFC0];
	s5 =	sadd.s32 $0x8, s5;
	v7 =	vadd.s32 v8, v7;
	v8 =	vsel vm0, $0x1, v0;
	vm0 =	vgt.s32 v5, $0xFFFFFFFF  }
0xd6: {  	v10 =	vld [tilespmem:s4+$0xFFFFFFD0];
	p1 =	slt.u32 s5, $0x1F8;
	v5 =	vadd.s32 v8, v7;
	v7 =	vsel vm0, $0x1, v0;
	vm0 =	vgt.s32 v2, $0xFFFFFFFF  }
0xd7: {  	v11 =	vld [tilespmem:s4+$0xFFFFFFE0];
	v2 =	vadd.s32 v7, v5;
	v7 =	vsel vm0, $0x1, v0;
	vm0 =	vgt.s32 v3, $0xFFFFFFFF  }
.Ltmp4:
0xd8: {  	v5 =	vld [tilespmem:s4+$0xFFFFFFF0];
	v3 =	vadd.s32 v7, v2;
	v7 =	vsel vm0, $0x1, v0;
	vm0 =	vgt.s32 v4, $0xFFFFFFFF;
	(pc) =	sbr.rel @p1 .LBB2_5-.Ltmp4, $4  }
0xd9: {  	v2 =	vld [tilespmem:s4+$0x0];
	v4 =	vadd.s32 v7, v3;
	v7 =	vsel vm0, $0x1, v0;
	vm0 =	vgt.s32 v6, $0xFFFFFFFF  }
0xda: {  	vm1 =	vgt.s32 v9, $0xFFFFFFFF;
	v3 =	vld [tilespmem:s4+$0x10];
	v6 =	vadd.s32 v7, v4;
	v7 =	vsel vm0, $0x1, v0  }
0xdb: {  	v8 =	vsel vm1, $0x1, v0;
	vm0 =	vgt.s32 v10, $0xFFFFFFFF;
	v4 =	vld [tilespmem:s4+$0x20];
	v6 =	vadd.s32 v7, v6  }
0xdc: {  	v7 =	vadd.s32 v8, v6;
	v8 =	vsel vm0, $0x1, v0;
	vm0 =	vgt.s32 v11, $0xFFFFFFFF;
	v6 =	vld [tilespmem:s4+$0x30];
	s4 =	sadd.s32 $0x80, s4  }
0xdd: {  	v7 =	vadd.s32 v8, v7;
	v60 =	vsel vm0, $0x1, v0;
	vm11 =	vgt.s32 v5, $0xFFFFFFFF  }
0xde: {  	v61 =	vadd.s32 v60, v7;
	v62 =	vsel vm11, $0x1, v0;
	vm12 =	vgt.s32 v2, $0xFFFFFFFF  }
0xdf: {  	v2 =	vadd.s32 v62, v61;
	v63 =	vsel vm12, $0x1, v0;
	vm13 =	vgt.s32 v3, $0xFFFFFFFF  }
0xe0: {  	v2 =	vadd.s32 v63, v2;
	v3 =	vsel vm13, $0x1, v0;
	vm14 =	vgt.s32 v4, $0xFFFFFFFF  }
0xe1: {  	v2 =	vadd.s32 v3, v2;
	v3 =	vsel vm14, $0x1, v0;
	vm15 =	vgt.s32 v6, $0xFFFFFFFF  }
0xe2: {  	v2 =	vadd.s32 v3, v2;
	v3 =	vsel vm15, $0x1, v0  }
0xe3: {  	v2 =	vadd.s32 v3, v2  }
0xe4: {  	(xrf0) =	vadd.scan.msk.s32 $0xffff, v2;
	_ =	sdelay $0x5  }
0xe5: {  	v2, _, _ =	vpop (xrf0)  }
0xe6: {  	(v2sf) =	vpush v2, $0xF;
	_ =	sdelay $0xe  }
0xe7: {  	s4 =	spop (v2sf)  }
0xe8: {  	p1 =	sgt.s32 s4, $0x3FF;
	s4 =	simm.s32 $0x0  }
0xe9: {  	s5 =	simm.s32 $0x0;
	s4 =	simm.s32 @!p1 $0x80000000  }
.LBB2_7:
0xea: {  	s8 =	simm.s32 $0x4040  }
0xeb: {  	v4 =	vld [tilespmem:s8+$0xFFFFFFC0]  }
0xec: {  	v6 =	vld [tilespmem:s8+$0xFFFFFFD0]  }
0xed: {  	s6 =	sshrl.u32 s17, s5;
	v7 =	vld [tilespmem:s8+$0xFFFFFFE0]  }
0xee: {  	s6 =	sadd.s32 s6, s4;
	v5 =	vld [tilespmem:s8+$0xFFFFFFF0]  }
0xef: {  	v3 =	vld [tilespmem:s8+$0x0];
	v2 =	vmov s6  }
0xf0: {  	vm0 =	vge.s32 v4, v2;
	v4 =	vld [tilespmem:s8+$0x10]  }
0xf1: {  	v8 =	vimm.s32 $0x0;
	v9 =	vsel vm0, $0x1, v0;
	vm0 =	vge.s32 v6, v2;
	v6 =	vld [tilespmem:s8+$0x20]  }
0xf2: {  	s7 =	simm.s32 $0x0;
	v8 =	vadd.s32 v9, v8;
	v9 =	vsel vm0, $0x1, v0;
	vm0 =	vge.s32 v7, v2;
	v7 =	vld [tilespmem:s8+$0x30];
	s8 =	simm.s32 $0x40C0  }
.LBB2_8:
0xf3: {  	v10 =	vld [tilespmem:s8+$0xFFFFFFC0];
	s7 =	sadd.s32 $0x8, s7;
	v8 =	vadd.s32 v9, v8;
	v9 =	vsel vm0, $0x1, v0;
	vm0 =	vge.s32 v5, v2  }
0xf4: {  	v11 =	vld [tilespmem:s8+$0xFFFFFFD0];
	p1 =	slt.u32 s7, $0x1F8;
	v5 =	vadd.s32 v9, v8;
	v8 =	vsel vm0, $0x1, v0;
	vm0 =	vge.s32 v3, v2  }
0xf5: {  	v12 =	vld [tilespmem:s8+$0xFFFFFFE0];
	v3 =	vadd.s32 v8, v5;
	v8 =	vsel vm0, $0x1, v0;
	vm0 =	vge.s32 v4, v2  }
.Ltmp5:
0xf6: {  	v5 =	vld [tilespmem:s8+$0xFFFFFFF0];
	v4 =	vadd.s32 v8, v3;
	v8 =	vsel vm0, $0x1, v0;
	vm0 =	vge.s32 v6, v2;
	(pc) =	sbr.rel @p1 .LBB2_8-.Ltmp5, $4  }
0xf7: {  	v3 =	vld [tilespmem:s8+$0x0];
	v6 =	vadd.s32 v8, v4;
	v8 =	vsel vm0, $0x1, v0;
	vm0 =	vge.s32 v7, v2  }
0xf8: {  	vm1 =	vge.s32 v10, v2;
	v4 =	vld [tilespmem:s8+$0x10];
	v7 =	vadd.s32 v8, v6;
	v8 =	vsel vm0, $0x1, v0  }
0xf9: {  	v9 =	vsel vm1, $0x1, v0;
	vm0 =	vge.s32 v11, v2;
	v6 =	vld [tilespmem:s8+$0x20];
	v7 =	vadd.s32 v8, v7  }
0xfa: {  	v8 =	vadd.s32 v9, v7;
	v9 =	vsel vm0, $0x1, v0;
	vm0 =	vge.s32 v12, v2;
	v7 =	vld [tilespmem:s8+$0x30];
	s8 =	sadd.s32 $0x80, s8  }
0xfb: {  	v8 =	vadd.s32 v9, v8;
	v59 =	vsel vm0, $0x1, v0;
	vm11 =	vge.s32 v5, v2  }
0xfc: {  	v60 =	vadd.s32 v59, v8;
	v61 =	vsel vm11, $0x1, v0;
	vm12 =	vge.s32 v3, v2  }
0xfd: {  	v3 =	vadd.s32 v61, v60;
	v62 =	vsel vm12, $0x1, v0;
	vm13 =	vge.s32 v4, v2  }
0xfe: {  	v3 =	vadd.s32 v62, v3;
	v4 =	vsel vm13, $0x1, v0;
	vm14 =	vge.s32 v6, v2  }
0xff: {  	v3 =	vadd.s32 v4, v3;
	v63 =	vsel vm14, $0x1, v0;
	vm15 =	vge.s32 v7, v2  }
0x100: {  	v2 =	vadd.s32 v63, v3;
	v3 =	vsel vm15, $0x1, v0  }
0x101: {  	v2 =	vadd.s32 v3, v2  }
0x102: {  	(xrf0) =	vadd.scan.msk.s32 $0xffff, v2;
	_ =	sdelay $0x5  }
0x103: {  	v2, _, _ =	vpop (xrf0)  }
0x104: {  	(v2sf) =	vpush v2, $0xF;
	_ =	sdelay $0xa  }
0x105: {  	s5 =	sadd.s32 $0x1, s5  }
0x106: {  	p2 =	sne.s32 s5, $0xA  }
.Ltmp6:
0x107: {  	_ = 	snop;
	(pc) =	sbr.rel @p2 .LBB2_7-.Ltmp6, $4  }
0x108: {  	_ = 	snop  }
0x109: {  	s7 =	spop (v2sf)  }
0x10a: {  	p1 =	sgt.s32 s7, $0x3FF  }
0x10b: {  	s4 =	smov.u32 @p1 s6  }
0x10c: {  	s6 =	simm.s32 $0x4040  }
0x10d: {  	v4 =	vld [tilespmem:s6+$0xFFFFFFC0]  }
0x10e: {  	v6 =	vld [tilespmem:s6+$0xFFFFFFD0]  }
0x10f: {  	v7 =	vld [tilespmem:s6+$0xFFFFFFE0]  }
0x110: {  	s5 =	sadd.s32 $0x200000, s4;
	v5 =	vld [tilespmem:s6+$0xFFFFFFF0]  }
0x111: {  	v2 =	vmov s5;
	v3 =	vld [tilespmem:s6+$0x0]  }
0x112: {  	vm0 =	vge.s32 v4, v2;
	v4 =	vld [tilespmem:s6+$0x10]  }
0x113: {  	v8 =	vimm.s32 $0x0;
	v9 =	vsel vm0, $0x1, v0;
	vm0 =	vge.s32 v6, v2;
	v6 =	vld [tilespmem:s6+$0x20]  }
0x114: {  	s5 =	simm.s32 $0x0;
	v8 =	vadd.s32 v9, v8;
	v9 =	vsel vm0, $0x1, v0;
	vm0 =	vge.s32 v7, v2;
	v7 =	vld [tilespmem:s6+$0x30];
	s6 =	simm.s32 $0x40C0  }
.LBB2_11:
0x115: {  	v10 =	vld [tilespmem:s6+$0xFFFFFFC0];
	s5 =	sadd.s32 $0x8, s5;
	v8 =	vadd.s32 v9, v8;
	v9 =	vsel vm0, $0x1, v0;
	vm0 =	vge.s32 v5, v2  }
0x116: {  	v11 =	vld [tilespmem:s6+$0xFFFFFFD0];
	p1 =	slt.u32 s5, $0x1F8;
	v5 =	vadd.s32 v9, v8;
	v8 =	vsel vm0, $0x1, v0;
	vm0 =	vge.s32 v3, v2  }
0x117: {  	v12 =	vld [tilespmem:s6+$0xFFFFFFE0];
	v3 =	vadd.s32 v8, v5;
	v8 =	vsel vm0, $0x1, v0;
	vm0 =	vge.s32 v4, v2  }
.Ltmp7:
0x118: {  	v5 =	vld [tilespmem:s6+$0xFFFFFFF0];
	v4 =	vadd.s32 v8, v3;
	v8 =	vsel vm0, $0x1, v0;
	vm0 =	vge.s32 v6, v2;
	(pc) =	sbr.rel @p1 .LBB2_11-.Ltmp7, $4  }
0x119: {  	v3 =	vld [tilespmem:s6+$0x0];
	v6 =	vadd.s32 v8, v4;
	v8 =	vsel vm0, $0x1, v0;
	vm0 =	vge.s32 v7, v2  }
0x11a: {  	vm1 =	vge.s32 v10, v2;
	v4 =	vld [tilespmem:s6+$0x10];
	v7 =	vadd.s32 v8, v6;
	v8 =	vsel vm0, $0x1, v0  }
0x11b: {  	v9 =	vsel vm1, $0x1, v0;
	vm0 =	vge.s32 v11, v2;
	v6 =	vld [tilespmem:s6+$0x20];
	v7 =	vadd.s32 v8, v7  }
0x11c: {  	v8 =	vadd.s32 v9, v7;
	v9 =	vsel vm0, $0x1, v0;
	vm0 =	vge.s32 v12, v2;
	v7 =	vld [tilespmem:s6+$0x30];
	s6 =	sadd.s32 $0x80, s6  }
0x11d: {  	v8 =	vadd.s32 v9, v8;
	v62 =	vsel vm0, $0x1, v0;
	vm11 =	vge.s32 v5, v2  }
0x11e: {  	v5 =	vadd.s32 v62, v8;
	v63 =	vsel vm11, $0x1, v0;
	vm12 =	vge.s32 v3, v2  }
0x11f: {  	v3 =	vadd.s32 v63, v5;
	v5 =	vsel vm12, $0x1, v0;
	vm13 =	vge.s32 v4, v2  }
0x120: {  	v3 =	vadd.s32 v5, v3;
	v4 =	vsel vm13, $0x1, v0;
	vm14 =	vge.s32 v6, v2  }
0x121: {  	v3 =	vadd.s32 v4, v3;
	v4 =	vsel vm14, $0x1, v0;
	vm15 =	vge.s32 v7, v2  }
0x122: {  	v3 =	vadd.s32 v4, v3;
	v4 =	vsel vm15, $0x1, v0  }
0x123: {  	s5 =	simm.s32 $0xFFFFFFFC;
	s6 =	simm.s32 $0x4020;
	v5 =	vimm.s32 $0x0;
	v3 =	vadd.s32 v4, v3;
	v4 =	vmov s4  }
.LBB2_13:
0x124: {  	v6 =	vld [tilespmem:s6+$0xFFFFFFE0];
	_ =	sdelay $0x4  }
0x125: {  	vm0 =	vge.s32 v6, v4;
	vm1 =	vlt.s32 v6, v2  }
0x126: {  	vm0 =	vmand vm0, vm1  }
0x127: {  	v7 =	vsel vm0, $0x1, v0  }
0x128: {  	(xrf0) =	vadd.scan.msk.s32 $0xffff, v7;
	_ =	sdelay $0x5  }
0x129: {  	v7, _, _ =	vpop (xrf0)  }
0x12a: {  	v7 =	vadd.s32 v7, v5  }
0x12b: {  	v7 =	vadd.s32 $0xFFFFFFFF, v7;
	_ =	sdelay $0x4  }
0x12c: {  	[tilespmem:v7+s18+$0x0] =	vst.idx.msk vm0, v6  }
0x12d: {  	v6 =	vld [tilespmem:s6+$0xFFFFFFF0];
	_ =	sdelay $0x4  }
0x12e: {  	vm11 =	vge.s32 v6, v4;
	vm2 =	vlt.s32 v6, v2  }
0x12f: {  	vm1 =	vmand vm11, vm2  }
0x130: {  	v7 =	vsel vm1, $0x1, v0  }
0x131: {  	(xrf0) =	vadd.scan.msk.s32 $0xffff, v7;
	_ =	sdelay $0x1  }
0x132: {  	v7 =	vmpcnt.ones.xlane vm0;
	_ =	sdelay $0x3  }
0x133: {  	v5 =	vadd.s32 v5, v7;
	v7, _, _ =	vpop (xrf0)  }
0x134: {  	v7 =	vadd.s32 v7, v5  }
0x135: {  	v7 =	vadd.s32 $0xFFFFFFFF, v7;
	_ =	sdelay $0x4  }
0x136: {  	[tilespmem:v7+s18+$0x0] =	vst.idx.msk vm1, v6  }
0x137: {  	v6 =	vld [tilespmem:s6+$0x0];
	_ =	sdelay $0x4  }
0x138: {  	vm12 =	vge.s32 v6, v4;
	vm13 =	vlt.s32 v6, v2  }
0x139: {  	vm0 =	vmand vm12, vm13  }
0x13a: {  	v7 =	vsel vm0, $0x1, v0  }
0x13b: {  	(xrf0) =	vadd.scan.msk.s32 $0xffff, v7;
	_ =	sdelay $0x1  }
0x13c: {  	v7 =	vmpcnt.ones.xlane vm1;
	_ =	sdelay $0x3  }
0x13d: {  	v5 =	vadd.s32 v5, v7;
	v7, _, _ =	vpop (xrf0)  }
0x13e: {  	v7 =	vadd.s32 v7, v5  }
0x13f: {  	v7 =	vadd.s32 $0xFFFFFFFF, v7;
	_ =	sdelay $0x4  }
0x140: {  	[tilespmem:v7+s18+$0x0] =	vst.idx.msk vm0, v6  }
0x141: {  	v6 =	vld [tilespmem:s6+$0x10];
	_ =	sdelay $0x4  }
0x142: {  	vm14 =	vge.s32 v6, v4;
	vm15 =	vlt.s32 v6, v2  }
0x143: {  	vm1 =	vmand vm14, vm15  }
0x144: {  	v7 =	vsel vm1, $0x1, v0  }
0x145: {  	(xrf0) =	vadd.scan.msk.s32 $0xffff, v7;
	_ =	sdelay $0x1  }
0x146: {  	v7 =	vmpcnt.ones.xlane vm0;
	_ =	sdelay $0x3  }
0x147: {  	v5 =	vadd.s32 v5, v7;
	v7, _, _ =	vpop (xrf0)  }
0x148: {  	s5 =	sadd.s32 $0x4, s5;
	v7 =	vadd.s32 v7, v5  }
0x149: {  	p1 =	slt.u32 s5, $0x1FC;
	v7 =	vadd.s32 $0xFFFFFFFF, v7  }
.Ltmp8:
0x14a: {  	_ = 	snop;
	(pc) =	sbr.rel @p1 .LBB2_13-.Ltmp8, $3  }
0x14b: {  	_ = 	snop  }
0x14c: {  	v8 =	vmpcnt.ones.xlane vm1;
	_ =	sdelay $0x1  }
0x14d: {  	s6 =	sadd.s32 $0x40, s6;
	v5 =	vadd.s32 v5, v8;
	[tilespmem:v7+s18+$0x0] =	vst.idx.msk vm1, v6  }
0x14e: {  	(xrf0) =	vadd.scan.msk.s32 $0xffff, v3;
	v2 =	vxor.u32 $0x80000000, v5  }
0x14f: {  	(xrf0) =	vmax.scan.msk.u32 $0xffff, v2;
	_ =	sdelay $0x4  }
0x150: {  	v2, _, _ =	vpop (xrf0)  }
0x151: {  	(v2sf) =	vpush v2, $0xF;
	v2, _, _ =	vpop (xrf0)  }
0x152: {  	(v2sf) =	vpush v2, $0xF;
	_ =	sdelay $0xd  }
0x153: {  	s5 =	spop (v2sf)  }
.Ltmp9:
0x154: {  	s6 =	spop (v2sf);
	(pc) =	sbr.rel .LBB2_15-.Ltmp9, $4  }
0x155: {  	s7 =	sshra.s32 s6, $0x4  }
0x156: {  	s8 =	sand.u32 $0xF, s6;
	s14 =	sshll.u32 s7, $0x6  }
0x157: {  	s6 =	sxor.u32 $0xF8000000, s7;
	v3 =	vmov s8;
	s25 =	sshra.s32 s14, $0x2  }
0x158: {  	s7 =	simm.s32 $0x0;
	p1 =	slt.s32 s6, $0x1;
	vm0 =	vgt.u32 v3, v1;
	v2 =	vld [tilespmem:s25+$0x6000]  }
.LBB2_18:
0x159: {  	v5 =	vsel vm1, $0x1, v0  }
0x15a: {  	v3 =	vadd.s32 v5, v3  }
.LBB2_19:
0x15b: {  	vm1 =	vge.s32 v2, v4  }
0x15c: {  	vm1 =	vmand vm0, vm1  }
0x15d: {  	v63 =	vsel vm1, $0x1, v0  }
0x15e: {  	v3 =	vadd.s32 v63, v3  }
0x15f: {  	(xrf0) =	vadd.scan.msk.s32 $0xffff, v3;
	_ =	sdelay $0x5  }
0x160: {  	v3, _, _ =	vpop (xrf0)  }
0x161: {  	(v2sf) =	vpush v3, $0xF;
	_ =	sdelay $0xb  }
0x162: {  	s7 =	sadd.s32 $0x1, s7  }
0x163: {  	p3 =	sne.s32 s7, $0x15  }
.Ltmp10:
0x164: {  	_ = 	snop;
	(pc) =	sbr.rel @!p3 .LBB2_20-.Ltmp10, $4  }
0x165: {  	s14 =	spop (v2sf)  }
0x166: {  	s14 =	sadd.s32 s5, s14  }
0x167: {  	p2 =	sgt.s32 s14, $0x3FF  }
0x168: {  	s4 =	smov.u32 @p2 s8  }
.LBB2_15:
.Ltmp11:
0x169: {  	(pc) =	sbr.rel @p1 .LBB2_19-.Ltmp11, $4  }
0x16a: {  	_ = 	snop  }
0x16b: {  	s8 =	sshrl.u32 s19, s7  }
0x16c: {  	s8 =	sadd.s32 s8, s4  }
0x16d: {  	v3 =	vimm.s32 $0x0;
	s23 =	simm.s32 $0x6000;
	v4 =	vmov s8  }
0x16e: {  	v5 =	vld [tilespmem:s23+$0x0];
	p2 =	sne.s32 s6, $0x1  }
.Ltmp12:
0x16f: {  	_ = 	snop;
	(pc) =	sbr.rel @!p2 .LBB2_18-.Ltmp12, $2  }
0x170: {  	_ =	sdelay $0x2  }
0x171: {  	s14 =	sadd.s32 $0xFFFFFFFF, s6;
	s23 =	sadd.s32 $0x10, s23;
	vm1 =	vge.s32 v5, v4  }
.LBB2_17:
0x172: {  	v5 =	vld [tilespmem:s23+$0x0];
	p2 =	sne.s32 s14, $0x1;
	s14 =	sadd.s32 $0xFFFFFFFF, s14;
	v6 =	vsel vm1, $0x1, v0  }
.Ltmp13:
0x173: {  	v3 =	vadd.s32 v6, v3;
	(pc) =	sbr.rel @p2 .LBB2_17-.Ltmp13, $2  }
0x174: {  	_ =	sdelay $0x2  }
0x175: {  	s23 =	sadd.s32 $0x10, s23;
	vm1 =	vge.s32 v5, v4  }
.Ltmp14:
0x176: {  	_ = 	snop;
	(pc) =	sbr.rel .LBB2_18-.Ltmp14, $1  }
0x177: {  	_ =	sdelay $0x3  }
.LBB2_20:
.Ltmp15:
0x178: {  	(pc) =	sbr.rel @p1 .LBB2_24-.Ltmp15, $3  }
0x179: {  	_ =	sdelay $0x1  }
0x17a: {  	s7 =	sadd.s32 $0x1, s4  }
0x17b: {  	v4 =	vimm.s32 $0x0;
	v5 =	vimm.s32 $0x0;
	s23 =	simm.s32 $0xBD40;
	v3 =	vmov s7;
	s7 =	simm.s32 $0x6000  }
0x17c: {  	v5 =	vld [tilespmem:s7+$0x0];
	p1 =	sne.s32 s6, $0x1  }
.Ltmp16:
0x17d: {  	_ = 	snop;
	(pc) =	sbr.rel @!p1 .LBB2_23-.Ltmp16, $2  }
0x17e: {  	_ =	sdelay $0x2  }
0x17f: {  	s6 =	sadd.s32 $0xFFFFFFFF, s6;
	s7 =	sadd.s32 $0x10, s7;
	vm1 =	vge.s32 v5, v3;
	v5 =	vimm.s32 $0x0  }
.LBB2_22:
0x180: {  	v6 =	vld [tilespmem:s7+$0x0];
	p1 =	sne.s32 s6, $0x1;
	s6 =	sadd.s32 $0xFFFFFFFF, s6;
	v7 =	vsel vm1, $0x1, v0  }
.Ltmp17:
0x181: {  	v5 =	vadd.s32 v7, v5;
	(pc) =	sbr.rel @p1 .LBB2_22-.Ltmp17, $2  }
0x182: {  	_ =	sdelay $0x2  }
0x183: {  	s7 =	sadd.s32 $0x10, s7;
	vm1 =	vge.s32 v6, v3  }
.LBB2_23:
0x184: {  	v6 =	vsel vm1, $0x1, v0  }
0x185: {  	v5 =	vadd.s32 v6, v5  }
.LBB2_24:
0x186: {  	vm1 =	vge.s32 v2, v3  }
0x187: {  	vm0 =	vmand vm0, vm1  }
0x188: {  	v2 =	vsel vm0, $0x1, v0  }
0x189: {  	v2 =	vadd.s32 v2, v5  }
0x18a: {  	(xrf0) =	vadd.scan.msk.s32 $0xffff, v2;
	_ =	sdelay $0x5  }
0x18b: {  	v2, _, _ =	vpop (xrf0)  }
0x18c: {  	(v2sf) =	vpush v2, $0xF;
	_ =	sdelay $0xe  }
0x18d: {  	s6 =	spop (v2sf)  }
0x18e: {  	s5 =	sadd.s32 s6, s5  }
0x18f: {  	s7 =	simm.s32 $0x2020;
	s8 =	rddreg [dreg:$0x9];
	s6 =	ssub.s32 $0x400, s5  }
0x190: {  	v5 =	vimm.s32 $0x0;
	v2 =	vmov s4;
	s4 =	simm.s32 $0x4020;
	s5 =	simm.s32 $0xFFFFFFFC;
	v3 =	vmov s6;
	s6 =	simm.s32 $0x20  }
.LBB2_25:
0x191: {  	v6 =	vld [tilespmem:s4+$0xFFFFFFE0];
	_ =	sdelay $0x4  }
0x192: {  	vm0 =	veq.s32 v6, v2  }
0x193: {  	v7 =	vsel vm0, $0x1, v0  }
0x194: {  	(xrf0) =	vadd.scan.msk.s32 $0xffff, v7;
	_ =	sdelay $0x5  }
0x195: {  	v7, _, _ =	vpop (xrf0)  }
0x196: {  	v7 =	vadd.s32 v4, v7  }
0x197: {  	vm1 =	vle.s32 v7, v3  }
0x198: {  	vm2 =	vgt.s32 v6, v2;
	vm1 =	vmand vm0, vm1  }
0x199: {  	vm1 =	vmor vm2, vm1  }
0x19a: {  	v6 =	vsel vm1, $0x1, v0  }
0x19b: {  	(xrf0) =	vadd.scan.msk.s32 $0xffff, v6;
	_ =	sdelay $0x5  }
0x19c: {  	v6, _, _ =	vpop (xrf0)  }
0x19d: {  	v6 =	vadd.s32 v6, v5  }
0x19e: {  	v7 =	vld [tilespmem:s6+$0xFFFFFFE0];
	v6 =	vadd.s32 $0xFFFFFFFF, v6  }
0x19f: {  	v8 =	vld [tilespmem:s7+$0xFFFFFFE0];
	_ =	sdelay $0x3  }
0x1a0: {  	s14 =	sadd.s32 $0xFFFFFFD0, s8;
	[tilespmem:v6+s20+$0x0] =	vst.idx.msk vm1, v7  }
0x1a1: {  	v7 =	vor.u32 s14, v1;
	[tilespmem:v6+s21+$0x0] =	vst.idx.msk vm1, v8  }
0x1a2: {  	[tilespmem:v6+s22+$0x0] =	vst.idx.msk vm1, v7  }
0x1a3: {  	v6 =	vld [tilespmem:s4+$0xFFFFFFF0];
	_ =	sdelay $0x4  }
0x1a4: {  	vm8 =	veq.s32 v6, v2  }
0x1a5: {  	v7 =	vsel vm8, $0x1, v0  }
0x1a6: {  	(xrf0) =	vadd.scan.msk.s32 $0xffff, v7;
	_ =	sdelay $0x1  }
0x1a7: {  	v7 =	vmpcnt.ones.xlane vm0;
	_ =	sdelay $0x3  }
0x1a8: {  	v4 =	vadd.s32 v4, v7;
	v7, _, _ =	vpop (xrf0)  }
0x1a9: {  	v7 =	vadd.s32 v4, v7  }
0x1aa: {  	vm9 =	vle.s32 v7, v3  }
0x1ab: {  	vm3 =	vgt.s32 v6, v2;
	vm0 =	vmand vm8, vm9  }
0x1ac: {  	vm0 =	vmor vm3, vm0  }
0x1ad: {  	v6 =	vsel vm0, $0x1, v0  }
0x1ae: {  	(xrf0) =	vadd.scan.msk.s32 $0xffff, v6;
	_ =	sdelay $0x1  }
0x1af: {  	v6 =	vmpcnt.ones.xlane vm1;
	_ =	sdelay $0x3  }
0x1b0: {  	v5 =	vadd.s32 v5, v6;
	v6, _, _ =	vpop (xrf0)  }
0x1b1: {  	v6 =	vadd.s32 v6, v5  }
0x1b2: {  	v7 =	vld [tilespmem:s6+$0xFFFFFFF0];
	v6 =	vadd.s32 $0xFFFFFFFF, v6  }
0x1b3: {  	v8 =	vld [tilespmem:s7+$0xFFFFFFF0];
	_ =	sdelay $0x3  }
0x1b4: {  	s25 =	sadd.s32 $0xFFFFFFE0, s8;
	[tilespmem:v6+s20+$0x0] =	vst.idx.msk vm0, v7  }
0x1b5: {  	v7 =	vor.u32 s25, v1;
	[tilespmem:v6+s21+$0x0] =	vst.idx.msk vm0, v8  }
0x1b6: {  	[tilespmem:v6+s22+$0x0] =	vst.idx.msk vm0, v7  }
0x1b7: {  	v6 =	vld [tilespmem:s4+$0x0];
	_ =	sdelay $0x4  }
0x1b8: {  	vm10 =	veq.s32 v6, v2  }
0x1b9: {  	v7 =	vsel vm10, $0x1, v0  }
0x1ba: {  	(xrf0) =	vadd.scan.msk.s32 $0xffff, v7;
	_ =	sdelay $0x1  }
0x1bb: {  	v7 =	vmpcnt.ones.xlane vm8;
	_ =	sdelay $0x3  }
0x1bc: {  	v4 =	vadd.s32 v4, v7;
	v7, _, _ =	vpop (xrf0)  }
0x1bd: {  	v7 =	vadd.s32 v4, v7  }
0x1be: {  	vm11 =	vle.s32 v7, v3  }
0x1bf: {  	vm12 =	vgt.s32 v6, v2;
	vm2 =	vmand vm10, vm11  }
0x1c0: {  	vm2 =	vmor vm12, vm2  }
0x1c1: {  	v6 =	vsel vm2, $0x1, v0  }
0x1c2: {  	(xrf0) =	vadd.scan.msk.s32 $0xffff, v6;
	_ =	sdelay $0x1  }
0x1c3: {  	v6 =	vmpcnt.ones.xlane vm0;
	_ =	sdelay $0x3  }
0x1c4: {  	v5 =	vadd.s32 v5, v6;
	v6, _, _ =	vpop (xrf0)  }
0x1c5: {  	v6 =	vadd.s32 v6, v5  }
0x1c6: {  	v7 =	vld [tilespmem:s6+$0x0];
	v6 =	vadd.s32 $0xFFFFFFFF, v6  }
0x1c7: {  	v8 =	vld [tilespmem:s7+$0x0];
	_ =	sdelay $0x3  }
0x1c8: {  	s25 =	sadd.s32 $0xFFFFFFF0, s8;
	[tilespmem:v6+s20+$0x0] =	vst.idx.msk vm2, v7  }
0x1c9: {  	v7 =	vor.u32 s25, v1;
	[tilespmem:v6+s21+$0x0] =	vst.idx.msk vm2, v8  }
0x1ca: {  	[tilespmem:v6+s22+$0x0] =	vst.idx.msk vm2, v7  }
0x1cb: {  	v6 =	vld [tilespmem:s4+$0x10];
	_ =	sdelay $0x4  }
0x1cc: {  	vm13 =	veq.s32 v6, v2  }
0x1cd: {  	v7 =	vsel vm13, $0x1, v0  }
0x1ce: {  	(xrf0) =	vadd.scan.msk.s32 $0xffff, v7;
	_ =	sdelay $0x1  }
0x1cf: {  	v7 =	vmpcnt.ones.xlane vm10;
	_ =	sdelay $0x3  }
0x1d0: {  	v4 =	vadd.s32 v4, v7;
	v7, _, _ =	vpop (xrf0)  }
0x1d1: {  	v7 =	vadd.s32 v4, v7  }
0x1d2: {  	vm14 =	vle.s32 v7, v3  }
0x1d3: {  	vm15 =	vgt.s32 v6, v2;
	vm1 =	vmand vm13, vm14  }
0x1d4: {  	vm1 =	vmor vm15, vm1  }
0x1d5: {  	v6 =	vsel vm1, $0x1, v0  }
0x1d6: {  	(xrf0) =	vadd.scan.msk.s32 $0xffff, v6;
	_ =	sdelay $0x1  }
0x1d7: {  	v6 =	vmpcnt.ones.xlane vm2;
	_ =	sdelay $0x3  }
0x1d8: {  	v5 =	vadd.s32 v5, v6;
	v6, _, _ =	vpop (xrf0)  }
0x1d9: {  	v6 =	vadd.s32 v6, v5  }
0x1da: {  	v7 =	vld [tilespmem:s6+$0x10];
	v6 =	vadd.s32 $0xFFFFFFFF, v6  }
0x1db: {  	s5 =	sadd.s32 $0x4, s5;
	v8 =	vld [tilespmem:s7+$0x10]  }
0x1dc: {  	p1 =	slt.u32 s5, $0x1FC  }
.Ltmp18:
0x1dd: {  	_ = 	snop;
	(pc) =	sbr.rel @p1 .LBB2_25-.Ltmp18, $4  }
0x1de: {  	_ = 	snop  }
0x1df: {  	v10 =	vmpcnt.ones.xlane vm13;
	[tilespmem:v6+s20+$0x0] =	vst.idx.msk vm1, v7;
	v7 =	vmpcnt.ones.xlane vm1  }
0x1e0: {  	v9 =	vor.u32 s8, v1;
	s8 =	sadd.s32 $0x40, s8;
	[tilespmem:v6+s21+$0x0] =	vst.idx.msk vm1, v8  }
0x1e1: {  	s4 =	sadd.s32 $0x40, s4;
	s7 =	sadd.s32 $0x40, s7;
	v4 =	vadd.s32 v4, v10;
	s6 =	sadd.s32 $0x40, s6;
	[tilespmem:v6+s22+$0x0] =	vst.idx.msk vm1, v9;
	v5 =	vadd.s32 v5, v7  }
0x1e2: {  	s4 =	rddreg [dreg:$0x2]  }
0x1e3: {  	[spmem:s4] =	stream.linear.scatter [tilespmem:s22], [sflag:$0x2], $0x400, $0x38;
	[tilespmem:$0x14D40] =	vst v63  }
0x1e4: {  	_ =	swait.ge [sflag:s15], $0x400  }
0x1e5: {  	[sflag:s15] =	ssyncset.done $0x0  }
0x1e6: {  	s8 =	rddreg [dreg:$0x6];
	[sflag:s15] =	ssyncadd.s32 $0xFFFFFC00  }
0x1e7: {  	[hbm4b:s8+s3] =	stream.linear.scatter [tilespmem:s22], [sflag:$0x2], $0x400, $0x38;
	[tilespmem:$0x14D40] =	vst v63  }
0x1e8: {  	_ =	swait.ge [sflag:s15], $0x400  }
0x1e9: {  	[sflag:s15] =	ssyncset.done $0x0  }
0x1ea: {  	s14 =	rddreg [dreg:$0x7];
	[sflag:s15] =	ssyncadd.s32 $0xFFFFFC00  }
0x1eb: {  	[hbm4b:s14+s3] =	stream.linear.scatter [tilespmem:s20], [sflag:$0x2], $0x400, $0x38;
	[tilespmem:$0x14D40] =	vst v63  }
0x1ec: {  	_ =	swait.ge [sflag:s15], $0x400  }
0x1ed: {  	[sflag:s15] =	ssyncset.done $0x0  }
.Ltmp19:
0x1ee: {  	s25 =	rddreg [dreg:$0x8];
	[sflag:s15] =	ssyncadd.s32 $0xFFFFFC00;
	(pc) =	sbr.rel .LBB2_27-.Ltmp19, $4  }
0x1ef: {  	[hbm4b:s25+s3] =	stream.linear.scatter [tilespmem:s21], [sflag:$0x2], $0x400, $0x38;
	[tilespmem:$0x14D40] =	vst v63  }
0x1f0: {  	s5 =	simm.s32 $0x9540;
	s6 =	simm.s32 $0x9D40;
	_ =	swait.ge [sflag:s15], $0x400  }
0x1f1: {  	s7 =	simm.s32 $0xA540;
	s4 =	simm.s32 $0x8CC0;
	[sflag:s15] =	ssyncset.done $0x0  }
0x1f2: {  	s8 =	simm.s32 $0xAD40;
	s14 =	simm.s32 $0xB540;
	[sflag:s15] =	ssyncadd.s32 $0xFFFFFC00  }
.LBB2_28:
0x1f3: {  	_ =	sfence.sel $0x180000  }
0x1f4: {  	[bflag:$0x0] =	sbarrier.arrive $0xFFFF  }
0x1f5: {  	_ =	strace $0x90000047  }
0x1f6: {  	[bflag:$0x2] =	sbarrier.arrive $0xFFFF  }
0x1f7: {  	s0 =	rddreg [dreg:$0x3]  }
0x1f8: {  	s0 =	sadd.s32 @!p0 $0x100000, s0  }
0x1f9: {  	[sflag:s0] =	ssyncadd.tile.s32 @!p0 $0x1;
	_ =	shalt  }
.Lfunc_end2:
_tile_overlayer_lowered:
.L_overlay_start_2:
0x1fa: {  	(tag) =	ssettag $0x2  }
0x1fb: {  	s0 =	rddreg [dreg:$0x0];
	s2 =	stileid.u32  }
0x1fc: {  	s1 =	rddreg [dreg:$0x1];
	p0 =	sne.s32 s2, $0x0  }
0x1fd: {  	s3 =	rddreg [dreg:$0x2];
	[bflag:$0x3] =	sbarrier.arrive $0xFFFF;
	s2 =	simm.s32 @!p0 $0x1C02  }
0x1fe: {  	[timem:s3], [sflag:s2] =	dma.local @!p0 [hbm:s0], s1  }
0x1ff: {  	s0 =	simm.s32 @!p0 $0x2  }
0x200: {  	_ =	swait.ge @!p0 [sflag:s0], s1  }
0x201: {  	s1 =	ssub.s32 @!p0 $0x0, s1;
	[sflag:s0] =	ssyncset.done @!p0 $0x0  }
0x202: {  	[sflag:s0] =	ssyncadd.s32 @!p0 s1  }
0x203: {  	[bflag:$0x3] =	sbarrier.arrive $0xFFFF  }
0x204: {  	_ =	shalt  }

// kernel: kernel.13.cloned.1.call-start
scs
__scs_entry_jumppad:
0x0: {  	(pc) =	sbr.rel $0x88, $3  }
0x1: {  	(tag) =	ssettag $0x0;
	lr =	simm.s32 $0x1  }
0x2: {  	[smem:$0x3F97] =	sst lr;
	_ =	strace $0xD0000000  }
0x3: {  	_ = 	snop  }
0x4: {  	_ = 	snop  }
0x5: {  	_ = 	snop  }
0x6: {  	_ = 	snop  }
0x7: {  	_ = 	snop  }
__scs_overlays_trampoline_lowered:
0x8: {  	[smem:$0x3FA6] =	sst s0  }
0x9: {  	[smem:$0x3FA7] =	sst s1  }
0xa: {  	[smem:$0x3FA8] =	sst s2  }
0xb: {  	[smem:$0x3FA9] =	sst s3  }
0xc: {  	[smem:$0x3FAA] =	sst s4  }
0xd: {  	[smem:$0x3FAB] =	sst s5  }
0xe: {  	[smem:$0x3FAC] =	sst s6  }
0xf: {  	[smem:$0x3FAD] =	sst s7  }
0x10: {  	[smem:$0x3FAE] =	sst s8  }
0x11: {  	[smem:$0x3FAF] =	sst s9;
	s0 =	simm.s32 @!p0 $0x0  }
0x12: {  	s1 =	sld [smem:$0x3F95];
	s0 =	simm.s32 @p0 $0x1  }
0x13: {  	[smem:$0x3FB0] =	sst s0;
	s0 =	simm.s32 @!p1 $0x0  }
0x14: {  	s2 =	sld [smem:$0x3F94];
	s0 =	simm.s32 @p1 $0x1  }
0x15: {  	[smem:$0x3FB1] =	sst s0;
	s0 =	simm.s32 @!p2 $0x0  }
0x16: {  	s3 =	sld [smem:$0x3FDB];
	s0 =	simm.s32 @p2 $0x1  }
0x17: {  	s4 =	simm.s32 $0x1BF5;
	[smem:$0x3FB3] =	sst s0  }
0x18: {  	s0 =	sld [smem:$0x3F96];
	_ =	swait.ge [sflag:s4], $0x0  }
0x19: {  	s7 =	sld [smem:$0x3F97]  }
0x1a: {  	s8 =	sadd.s32 $0xFFFFE003, lr  }
0x1b: {  	s9 =	sadd.s32 $0xFFFFFEF7, lr;
	s5 =	simm.s32 $0xFFFFFFFF;
	p2 =	slt.u32 s8, $0xFFFFF086  }
0x1c: {  	p1 =	slt.u32 s9, $0xF7A;
	s5 =	simm.s32 @!p2 $0x0  }
0x1d: {  	s5 =	simm.s32 @p1 $0x1;
	p0 =	seq.s32 s7, s2  }
0x1e: {  	s7 =	smul.u32 @!p0 $0xF7A, s2;
	p2 =	seq.s32 @!p0 s5, $0x0  }
0x1f: {  	s9 =	smul.u32 $0xF7A, s1;
	s8 =	simm.s32 @!p0 $0x1BF5;
	p2 =	por !p2, p0  }
0x20: {  	[sflag:s8] =	ssyncset.s32 @!p0 $0xFFFFF086;
	s6 =	sadd.s32 @!p0 s3, s7;
	s7 =	simm.s32 @!p0 $0x108  }
0x21: {  	s3 =	sadd.s32 s3, s9;
	s6 =	sadd.s32 @!p0 $0x88, s6;
	s7 =	simm.s32 @p2 $0x1082  }
0x22: {  	[simem:s7], [sflag:s8] =	dma.local @!p0 [hbm:s6], $0xF7A  }
0x23: {  	s9 =	sor.u32 $0xD0000000, s2;
	s6 =	simm.s32 $0x108;
	_ =	swait.ge @!p0 [sflag:s8], $0x0  }
0x24: {  	s3 =	sadd.s32 $0x88, s3;
	s6 =	simm.s32 @!p1 $0x1082;
	[sflag:s4] =	ssyncset.s32 $0xFFFFF086  }
0x25: {  	[simem:s6], [sflag:s4] =	dma.local [hbm:s3], $0xF7A  }
0x26: {  	[smem:$0x3F97] =	sst s1;
	(tag) =	ssettag s2;
	_ =	strace s9  }
0x27: {  	s1 =	sld [smem:$0x3FA7]  }
0x28: {  	s2 =	sld [smem:$0x3FA8]  }
0x29: {  	s4 =	sld [smem:$0x3FAA]  }
0x2a: {  	p0 =	seq.s32 s5, $0x0;
	s5 =	sld [smem:$0x3FAB]  }
0x2b: {  	s6 =	sld [smem:$0x3FAC]  }
0x2c: {  	s7 =	sld [smem:$0x3FAD]  }
0x2d: {  	s3 =	simm.s32 $0x108;
	s8 =	sld [smem:$0x3FAE]  }
0x2e: {  	s3 =	simm.s32 @!p0 $0x1082;
	s9 =	sld [smem:$0x3FAF]  }
0x2f: {  	lr =	sadd.s32 s0, s3;
	s0 =	sld [smem:$0x3FA6]  }
0x30: {  	s3 =	sld [smem:$0x3FA9]  }
0x31: {  	[smem:$0x3FB2] =	sst s10  }
0x32: {  	s10 =	sld [smem:$0x3FB0];
	_ =	sdelay $0x3  }
0x33: {  	p0 =	seq.s32 s10, $0x1;
	s10 =	sld [smem:$0x3FB2];
	_ =	sdelay $0x3  }
0x34: {  	[smem:$0x3FB2] =	sst s10  }
0x35: {  	s10 =	sld [smem:$0x3FB1];
	_ =	sdelay $0x3  }
0x36: {  	p1 =	seq.s32 s10, $0x1;
	s10 =	sld [smem:$0x3FB2];
	_ =	sdelay $0x3  }
0x37: {  	[smem:$0x3FB2] =	sst s10  }
0x38: {  	s10 =	sld [smem:$0x3FB3]  }
0x39: {  	_ = 	snop;
	(pc) =	sbr.ind lr, $3  }
0x3a: {  	_ = 	snop  }
0x3b: {  	_ = 	snop  }
0x3c: {  	p2 =	seq.s32 s10, $0x1;
	s10 =	sld [smem:$0x3FB2]  }
0x3d: {  	_ =	shalt  }
0x3e: {  	_ =	shalt  }
0x3f: {  	_ =	shalt  }
0x40: {  	_ =	shalt  }
0x41: {  	_ =	shalt  }
0x42: {  	_ =	shalt  }
0x43: {  	_ =	shalt  }
0x44: {  	_ =	shalt  }
0x45: {  	_ =	shalt  }
0x46: {  	_ =	shalt  }
0x47: {  	_ =	shalt  }
0x48: {  	_ =	shalt  }
0x49: {  	_ =	shalt  }
0x4a: {  	_ =	shalt  }
0x4b: {  	_ =	shalt  }
0x4c: {  	_ =	shalt  }
0x4d: {  	_ =	shalt  }
0x4e: {  	_ =	shalt  }
0x4f: {  	_ =	shalt  }
0x50: {  	_ =	shalt  }
0x51: {  	_ =	shalt  }
0x52: {  	_ =	shalt  }
0x53: {  	_ =	shalt  }
0x54: {  	_ =	shalt  }
0x55: {  	_ =	shalt  }
0x56: {  	_ =	shalt  }
0x57: {  	_ =	shalt  }
0x58: {  	_ =	shalt  }
0x59: {  	_ =	shalt  }
0x5a: {  	_ =	shalt  }
0x5b: {  	_ =	shalt  }
0x5c: {  	_ =	shalt  }
0x5d: {  	_ =	shalt  }
0x5e: {  	_ =	shalt  }
0x5f: {  	_ =	shalt  }
0x60: {  	_ =	shalt  }
0x61: {  	_ =	shalt  }
0x62: {  	_ =	shalt  }
0x63: {  	_ =	shalt  }
0x64: {  	_ =	shalt  }
0x65: {  	_ =	shalt  }
0x66: {  	_ =	shalt  }
0x67: {  	_ =	shalt  }
0x68: {  	_ =	shalt  }
0x69: {  	_ =	shalt  }
0x6a: {  	_ =	shalt  }
0x6b: {  	_ =	shalt  }
0x6c: {  	_ =	shalt  }
0x6d: {  	_ =	shalt  }
0x6e: {  	_ =	shalt  }
0x6f: {  	_ =	shalt  }
0x70: {  	_ =	shalt  }
0x71: {  	_ =	shalt  }
0x72: {  	_ =	shalt  }
0x73: {  	_ =	shalt  }
0x74: {  	_ =	shalt  }
0x75: {  	_ =	shalt  }
0x76: {  	_ =	shalt  }
0x77: {  	_ =	shalt  }
0x78: {  	_ =	shalt  }
0x79: {  	_ =	shalt  }
0x7a: {  	_ =	shalt  }
0x7b: {  	_ =	shalt  }
0x7c: {  	_ =	shalt  }
0x7d: {  	_ =	shalt  }
0x7e: {  	_ =	shalt  }
0x7f: {  	_ =	shalt  }
0x80: {  	_ =	shalt  }
0x81: {  	_ =	shalt  }
0x82: {  	_ =	shalt  }
0x83: {  	_ =	shalt  }
0x84: {  	_ =	shalt  }
0x85: {  	_ =	shalt  }
0x86: {  	_ =	shalt  }
0x87: {  	_ =	shalt  }
.Lfunc_end0:
.L_simem_size_0:
called_computation.1_lowered:
.L_overlay_start_0:
0x88: {  	s2 =	sld [smem:$0x3FD9]  }
0x89: {  	s3 =	sld [smem:$0x3FFE];
	_ =	sdelay $0x1  }
0x8a: {  	s1 =	srdreg.scid  }
0x8b: {  	s0 =	sand.u32 $0x1, s1  }
0x8c: {  	s17 =	sshll.u32 s0, $0xA;
	s2 =	sadd.s32 s3, s2  }
0x8d: {  	s2 =	sadd.s32 s2, s17  }
0x8e: {  	[smem:$0x3FBE] =	sst s2  }
0x8f: {  	_ = 	snop  }
0x90: {  	s18 =	sld [smem:$0x3FC9];
	(tm) =	ssettm $0x1  }
0x91: {  	s19 =	sld [smem:$0x3FFB];
	_ =	sdelay $0x3  }
0x92: {  	_ =	strace s19  }
0x93: {  	s2 =	sld [smem:$0x3FFC];
	_ =	sdelay $0x3  }
0x94: {  	_ =	strace s2  }
0x95: {  	s2 =	sld [smem:$0x3FFD];
	_ =	sdelay $0x3  }
0x96: {  	_ =	strace s2  }
0x97: {  	_ =	strace $0x8FFFFFFF  }
0x98: {  	s20 =	sld [smem:$0x3FDB];
	_ =	sdelay $0x1  }
0x99: {  	s4 =	simm.s32 $_scs_section_size  }
0x9a: {  	s5 =	simm.s32 $_size__tile_overlayer_lowered;
	s6 =	simm.s32 $_tile_overlayer_lowered  }
0x9b: {  	s7 =	simm.s32 $0x1BFF;
	s21 =	sshll.u32 s6, $0x1;
	s4 =	sadd.s32 s4, s20  }
0x9c: {  	s22 =	simm.s32 $0x0;
	s5 =	sshll.u32 s5, $0x1;
	s6 =	sadd.s32 s21, s4  }
0x9d: {  	[timem:s22], [sflag:s7] =	dma.local [hbm:s6], s5  }
0x9e: {  	_ =	swait.ge [sflag:s7], s5  }
0x9f: {  	s5 =	ssub.s32 $0x0, s5;
	[sflag:s7] =	ssyncset.done $0x0  }
0xa0: {  	[sflag:s7] =	ssyncadd.s32 s5;
	_ =	sdelay $0x1  }
0xa1: {  	s23 =	simm.s32 $0x1B8B  }
0xa2: {  	_ =	swait.ge [sflag:s23], $0x1  }
0xa3: {  	[sflag:s23] =	ssyncset.done $0x0  }
0xa4: {  	[sflag:s23] =	ssyncadd.s32 $0xFFFFFFFF  }
0xa5: {  	s5 =	sld [smem:$0x0]  }
0xa6: {  	s6 =	sand.u32 $0xFFFFFFFE, s1  }
0xa7: {  	p0 =	sne.s32 s1, s6  }
0xa8: {  	s6 =	sshll.u32 @p0 s6, $0xE  }
0xa9: {  	s6 =	sadd.s32 @p0 $0x11B8D, s6;
	s7 =	sshll.u32 @p0 s5, $0x11  }
0xaa: {  	s6 =	sor.u32 @p0 s7, s6  }
0xab: {  	[sflag:s6] =	ssyncadd.remote.s32 @p0 $0x1;
	_ =	sdelay $0x1  }
0xac: {  	s6 =	simm.s32 @p0 $0x1B8D  }
0xad: {  	_ =	swait.eq @p0 [sflag:s6], $0x1  }
0xae: {  	[sflag:s6] =	ssyncadd.s32 @p0 $0xFFFFFFFF  }
0xaf: {  	s7 =	sshll.u32 @!p0 s1, $0xE  }
0xb0: {  	s7 =	sor.u32 @!p0 $0x4000, s7;
	s6 =	simm.s32 @!p0 $0x1B8D  }
0xb1: {  	s5 =	sshll.u32 @!p0 s5, $0x11;
	s7 =	sadd.s32 @!p0 $0x11B8D, s7;
	_ =	swait.eq @!p0 [sflag:s6], $0x1  }
0xb2: {  	s5 =	sor.u32 @!p0 s5, s7;
	[sflag:s6] =	ssyncadd.s32 @!p0 $0xFFFFFFFF  }
0xb3: {  	s25 =	simm.s32 $0x1B8E;
	s24 =	sld [smem:$0x3FFE];
	[sflag:s5] =	ssyncadd.remote.s32 @!p0 $0x1  }
0xb4: {  	s26 =	simm.s32 $execute0_lowered;
	[smem:$0x3FD2] =	sst s25  }
0xb5: {  	s6 =	sshll.u32 s26, $0x1;
	_ =	strace $0x80000049;
	[dreg:$0x1] =	wrdreg $0xFFFFFFFF  }
0xb6: {  	s28 =	simm.s32 $_size_execute0_lowered;
	s4 =	sadd.s32 s4, s6;
	[dreg:$0x0] =	wrdreg $0x0  }
0xb7: {  	s6 =	sshll.u32 s28, $0x1;
	[dreg:$0x2] =	wrdreg s4  }
0xb8: {  	[dreg:$0x3] =	wrdreg s6  }
0xb9: {  	[dreg:$0x4] =	wrdreg $0xC0  }
0xba: {  	_ =	task [dreg:s22], $0x5FFFF  }
0xbb: {  	[dreg:$0x1] =	wrdreg $0xFFFFFFFF  }
0xbc: {  	[dreg:$0x0] =	wrdreg $0x60  }
0xbd: {  	[dreg:$0x2] =	wrdreg s24  }
0xbe: {  	[dreg:$0x3] =	wrdreg s18  }
0xbf: {  	[dreg:$0x4] =	wrdreg $0x8C800  }
0xc0: {  	[dreg:$0x5] =	wrdreg $0x9  }
0xc1: {  	_ =	task.clear_ibuf [dreg:s22], $0x6FFFF;
	_ =	strace $0x90000049  }
0xc2: {  	s29 =	simm.s32 $0x9;
	_ =	strace $0x8000004B  }
0xc3: {  	_ =	swait.ge [sflag:s29], $0x1  }
0xc4: {  	[sflag:s29] =	ssyncadd.s32 $0xFFFFFFFF  }
0xc5: {  	_ =	strace $0x9000004B  }
0xc6: {  	_ =	sfence  }
0xc7: {  	s30 =	sld [smem:$0x0];
	_ =	sdelay $0x2  }
0xc8: {  	s31 =	sshll.u32 s1, $0xD;
	s1 =	sshrl.u32 s1, $0x2  }
0xc9: {  	s4 =	sand.u32 $0x4000, s31;
	s1 =	sadd.s32 s1, s30  }
0xca: {  	s0 =	sor.u32 s4, s0;
	s1 =	sshll.u32 s1, $0x11  }
0xcb: {  	s0 =	sor.u32 s1, s0  }
0xcc: {  	s0 =	sadd.s32 $0x8F2B, s0  }
0xcd: {  	[sflag:s0] =	ssyncadd.remote.s32 $0x1  }
0xce: {  	_ =	sfence.sel $0xFFFF  }
0xcf: {  	[dreg:$0x0] =	wrdreg $0xFFFFFFFF;
	(pc) =	sbr.abs _section_cstart, $3  }
0xd0: {  	[dreg:$0x1] =	wrdreg $0xFFFFFFFF  }
0xd1: {  	_ =	task.clear_ibuf [dreg:s22], $0x2FFFF;
	_ =	strace $0x9FFFFFFF  }
0xd2: {  	(tm) =	ssettm $0x7FFFFFFF  }
0xd3: {  	_ =	shalt  }
tec
execute0_lowered:
.L_overlay_start_1:
0x0: {  	(tag) =	ssettag $0x1  }
0x1: {  	s1 =	rddreg [dreg:$0x0];
	s2 =	srdreg.scid  }
0x2: {  	s0 =	rddreg [dreg:$0x1];
	s4 =	stileid.u32  }
0x3: {  	s11 =	rddreg [dreg:$0x2];
	s3 =	simm.s32 $0x0;
	s15 =	simm.s32 $0x2  }
0x4: {  	s17 =	simm.s32 $0x40000000;
	s18 =	simm.s32 $0x6000;
	s19 =	simm.s32 $0x100000  }
0x5: {  	s20 =	simm.s32 $0x8480;
	s14 =	simm.s32 $0xB540;
	s28 =	simm.s32 $0x12540  }
0x6: {  	s29 =	simm.s32 $0x12D40;
	s30 =	simm.s32 $0x13540;
	s31 =	simm.s32 $0x13D40  }
0x7: {  	s16 =	simm.s32 $0x1;
	s2 =	sand.u32 $0x1, s2;
	s6 =	sshll.u32 s4, $0x6  }
0x8: {  	[smem:$0x7FF] =	sst s3;
	p0 =	sne.s32 s4, $0x0;
	s4 =	simm.s32 $0x8CC0  }
0x9: {  	s5 =	sshll.u32 s2, $0xA;
	_ =	strace $0x8000004A;
	s8 =	ssub.s32 $0x2, s2  }
0xa: {  	s9 =	sshll.u32 s2, $0x7;
	s2 =	sshll.u32 s2, $0xD;
	s7 =	sor.u32 s6, s5  }
0xb: {  	s5 =	sadd.s32 s5, s1;
	s10 =	sshrl.u32 s8, $0x1;
	s9 =	sadd.s32 s9, s1  }
0xc: {  	s26 =	sor.u32 $0x4030, s2;
	s2 =	simm.s32 $0x0;
	s7 =	sshrl.u32 s7, $0x3  }
0xd: {  	s21 =	ssub.s32 s8, s10;
	s22 =	sadd.s32 $0x35C00, s5;
	s5 =	sadd.s32 $0x36400, s5  }
0xe: {  	s23 =	sadd.s32 $0x67200, s9;
	s24 =	sadd.s32 $0x66E00, s9;
	[dreg:$0x9] =	wrdreg s26  }
0xf: {  	s25 =	sadd.s32 $0x67000, s9;
	s9 =	sadd.s32 s6, s11;
	[dreg:$0x4] =	wrdreg s22  }
0x10: {  	s10 =	sadd.s32 $0x100, s0;
	s11 =	sadd.s32 $0x200, s0;
	[dreg:$0x5] =	wrdreg s5  }
0x11: {  	s6 =	simm.s32 $0x9D40;
	s8 =	simm.s32 $0xAD40;
	[dreg:$0x6] =	wrdreg s23  }
.Ltmp0:
0x12: {  	s26 =	simm.s32 $0x11D40;
	[dreg:$0x7] =	wrdreg s24;
	(pc) =	sbr.rel .LBB2_1-.Ltmp0, $4  }
0x13: {  	s7 =	smul.u32 $0x300, s7;
	[dreg:$0x8] =	wrdreg s25;
	s13 =	smax.u32 s21, $0x1  }
0x14: {  	s21 =	simm.s32 $0x8880;
	s22 =	simm.s32 $0x8080;
	s24 =	simm.s32 $0x8D40  }
0x15: {  	s5 =	simm.s32 $0x9540;
	s23 =	simm.s32 $0xBD40;
	s1 =	sadd.s32 s7, s1  }
0x16: {  	v0 =	vimm.s32 $0x0;
	v1 =	vlaneseq.u32;
	s7 =	simm.s32 $0xA540;
	s12 =	sadd.s32 $0x36E00, s1;
	s1 =	simm.s32 $0x14540  }
.LBB2_27:
0x17: {  	[bflag:$0x0] =	sbarrier.arrive $0xFFFF  }
0x18: {  	[tilespmem:s4], [sflag:$0x2] =	stream.linear.gather [spmem:s9], $0x40, $0x38;
	[tilespmem:$0x14D40] =	vst v63  }
0x19: {  	_ =	swait.ge [sflag:s15], $0x40  }
0x1a: {  	[sflag:s15] =	ssyncset.done $0x0  }
0x1b: {  	[sflag:s15] =	ssyncadd.s32 $0xFFFFFFC0  }
0x1c: {  	v2 =	vld [tilespmem:$0x8CC0];
	_ =	sdelay $0x4  }
0x1d: {  	v3 =	vshrl.u32 v2, $0x3  }
0x1e: {  	v3 =	vmul.u32 $0x30, v3  }
0x1f: {  	v2 =	vand.u32 $0x7, v2  }
0x20: {  	v4 =	vshrl.u32 v1, $0x3;
	v2 =	vor.u32 v2, v3;
	v3 =	vand.u32 $0x7, v1  }
0x21: {  	v4 =	vmul.u32 $0x8, v4;
	v5 =	vperm.xlane v2, v3;
	_ =	sdelay $0x1  }
0x22: {  	v5 =	vadd.s32 v4, v5;
	_ =	sdelay $0x2  }
0x23: {  	v6 =	vor.u32 $0x8, v1  }
0x24: {  	vm0 =	vmmov $0xffff;
	v2 =	vperm.xlane v2, v6  }
0x25: {  	[tilespmem:s24], [sflag:$0x1] =	stream.indirect_vreg.gather [hbm4b:s0+s3], $0x80, v5, vm0, $0xb8;
	[tilespmem:$0x14D40] =	vst v63  }
0x26: {  	v2 =	vadd.s32 v4, v2  }
0x27: {  	[tilespmem:s5], [sflag:$0x1] =	stream.indirect_vreg.gather [hbm4b:s10+s3], $0x80, v5, vm0, $0xb8;
	[tilespmem:$0x14D40] =	vst v63  }
0x28: {  	_ = 	snop  }
0x29: {  	[tilespmem:s6], [sflag:$0x1] =	stream.indirect_vreg.gather [hbm4b:s11+s3], $0x80, v5, vm0, $0xb8;
	[tilespmem:$0x14D40] =	vst v63  }
0x2a: {  	_ = 	snop  }
0x2b: {  	[tilespmem:s7], [sflag:$0x1] =	stream.indirect_vreg.gather [hbm4b:s0+s3], $0x80, v2, vm0, $0xb8;
	[tilespmem:$0x14D40] =	vst v63  }
0x2c: {  	_ = 	snop  }
0x2d: {  	[tilespmem:s8], [sflag:$0x1] =	stream.indirect_vreg.gather [hbm4b:s10+s3], $0x80, v2, vm0, $0xb8;
	[tilespmem:$0x14D40] =	vst v63  }
0x2e: {  	_ = 	snop  }
0x2f: {  	[tilespmem:s14], [sflag:$0x1] =	stream.indirect_vreg.gather [hbm4b:s11+s3], $0x80, v2, vm0, $0xb8;
	[tilespmem:$0x14D40] =	vst v63  }
0x30: {  	v2 =	vld [tilespmem:$0x8CD0];
	_ =	sdelay $0x4  }
0x31: {  	v61 =	vshrl.u32 v2, $0x3  }
0x32: {  	v5 =	vmul.u32 $0x30, v61  }
0x33: {  	v2 =	vand.u32 $0x7, v2  }
0x34: {  	v2 =	vor.u32 v2, v5  }
0x35: {  	v5 =	vperm.xlane v2, v3;
	_ =	sdelay $0x1  }
0x36: {  	v5 =	vadd.s32 v4, v5;
	_ =	sdelay $0x3  }
0x37: {  	v2 =	vperm.xlane v2, v6  }
0x38: {  	[tilespmem:s23], [sflag:$0x1] =	stream.indirect_vreg.gather [hbm4b:s0+s3], $0x80, v5, vm0, $0xb8;
	[tilespmem:$0x14D40] =	vst v63  }
0x39: {  	s25 =	simm.s32 $0xC540;
	v2 =	vadd.s32 v4, v2  }
0x3a: {  	[tilespmem:s25], [sflag:$0x1] =	stream.indirect_vreg.gather [hbm4b:s10+s3], $0x80, v5, vm0, $0xb8;
	[tilespmem:$0x14D40] =	vst v63  }
0x3b: {  	s25 =	simm.s32 $0xCD40  }
0x3c: {  	[tilespmem:s25], [sflag:$0x1] =	stream.indirect_vreg.gather [hbm4b:s11+s3], $0x80, v5, vm0, $0xb8;
	[tilespmem:$0x14D40] =	vst v63  }
0x3d: {  	s25 =	simm.s32 $0xD540  }
0x3e: {  	[tilespmem:s25], [sflag:$0x1] =	stream.indirect_vreg.gather [hbm4b:s0+s3], $0x80, v2, vm0, $0xb8;
	[tilespmem:$0x14D40] =	vst v63  }
0x3f: {  	s25 =	simm.s32 $0xDD40  }
0x40: {  	[tilespmem:s25], [sflag:$0x1] =	stream.indirect_vreg.gather [hbm4b:s10+s3], $0x80, v2, vm0, $0xb8;
	[tilespmem:$0x14D40] =	vst v63  }
0x41: {  	s25 =	simm.s32 $0xE540  }
0x42: {  	[tilespmem:s25], [sflag:$0x1] =	stream.indirect_vreg.gather [hbm4b:s11+s3], $0x80, v2, vm0, $0xb8;
	[tilespmem:$0x14D40] =	vst v63  }
0x43: {  	v2 =	vld [tilespmem:$0x8CE0];
	_ =	sdelay $0x4  }
0x44: {  	v62 =	vshrl.u32 v2, $0x3  }
0x45: {  	v5 =	vmul.u32 $0x30, v62  }
0x46: {  	v2 =	vand.u32 $0x7, v2  }
0x47: {  	v2 =	vor.u32 v2, v5  }
0x48: {  	v5 =	vperm.xlane v2, v3;
	_ =	sdelay $0x1  }
0x49: {  	v5 =	vadd.s32 v4, v5;
	_ =	sdelay $0x3  }
0x4a: {  	s25 =	simm.s32 $0xED40;
	v2 =	vperm.xlane v2, v6  }
0x4b: {  	[tilespmem:s25], [sflag:$0x1] =	stream.indirect_vreg.gather [hbm4b:s0+s3], $0x80, v5, vm0, $0xb8;
	[tilespmem:$0x14D40] =	vst v63  }
0x4c: {  	v2 =	vadd.s32 v4, v2;
	s25 =	simm.s32 $0xF540  }
0x4d: {  	[tilespmem:s25], [sflag:$0x1] =	stream.indirect_vreg.gather [hbm4b:s10+s3], $0x80, v5, vm0, $0xb8;
	[tilespmem:$0x14D40] =	vst v63  }
0x4e: {  	s25 =	simm.s32 $0xFD40  }
0x4f: {  	[tilespmem:s25], [sflag:$0x1] =	stream.indirect_vreg.gather [hbm4b:s11+s3], $0x80, v5, vm0, $0xb8;
	[tilespmem:$0x14D40] =	vst v63  }
0x50: {  	s25 =	simm.s32 $0x10540  }
0x51: {  	[tilespmem:s25], [sflag:$0x1] =	stream.indirect_vreg.gather [hbm4b:s0+s3], $0x80, v2, vm0, $0xb8;
	[tilespmem:$0x14D40] =	vst v63  }
0x52: {  	s25 =	simm.s32 $0x10D40  }
0x53: {  	[tilespmem:s25], [sflag:$0x1] =	stream.indirect_vreg.gather [hbm4b:s10+s3], $0x80, v2, vm0, $0xb8;
	[tilespmem:$0x14D40] =	vst v63  }
0x54: {  	s25 =	simm.s32 $0x11540  }
0x55: {  	[tilespmem:s25], [sflag:$0x1] =	stream.indirect_vreg.gather [hbm4b:s11+s3], $0x80, v2, vm0, $0xb8;
	[tilespmem:$0x14D40] =	vst v63  }
0x56: {  	v2 =	vld [tilespmem:$0x8CF0];
	_ =	sdelay $0x4  }
0x57: {  	v63 =	vshrl.u32 v2, $0x3  }
0x58: {  	v5 =	vmul.u32 $0x30, v63  }
0x59: {  	v2 =	vand.u32 $0x7, v2  }
0x5a: {  	v2 =	vor.u32 v2, v5  }
0x5b: {  	v3 =	vperm.xlane v2, v3;
	_ =	sdelay $0x1  }
0x5c: {  	v3 =	vadd.s32 v4, v3;
	_ =	sdelay $0x3  }
0x5d: {  	v2 =	vperm.xlane v2, v6  }
0x5e: {  	[tilespmem:s26], [sflag:$0x1] =	stream.indirect_vreg.gather [hbm4b:s0+s3], $0x80, v3, vm0, $0xb8;
	[tilespmem:$0x14D40] =	vst v63  }
0x5f: {  	v2 =	vadd.s32 v4, v2  }
0x60: {  	[tilespmem:s28], [sflag:$0x1] =	stream.indirect_vreg.gather [hbm4b:s10+s3], $0x80, v3, vm0, $0xb8;
	[tilespmem:$0x14D40] =	vst v63  }
0x61: {  	_ = 	snop  }
0x62: {  	[tilespmem:s29], [sflag:$0x1] =	stream.indirect_vreg.gather [hbm4b:s11+s3], $0x80, v3, vm0, $0xb8;
	[tilespmem:$0x14D40] =	vst v63  }
0x63: {  	_ = 	snop  }
0x64: {  	[tilespmem:s30], [sflag:$0x1] =	stream.indirect_vreg.gather [hbm4b:s0+s3], $0x80, v2, vm0, $0xb8;
	[tilespmem:$0x14D40] =	vst v63  }
0x65: {  	_ = 	snop  }
0x66: {  	[tilespmem:s31], [sflag:$0x1] =	stream.indirect_vreg.gather [hbm4b:s10+s3], $0x80, v2, vm0, $0xb8;
	[tilespmem:$0x14D40] =	vst v63  }
0x67: {  	_ = 	snop  }
0x68: {  	[tilespmem:s1], [sflag:$0x1] =	stream.indirect_vreg.gather [hbm4b:s11+s3], $0x80, v2, vm0, $0xb8;
	[tilespmem:$0x14D40] =	vst v63  }
0x69: {  	s2 =	sadd.s32 $0x1, s2;
	_ =	swait.ge [sflag:s16], $0xC000  }
0x6a: {  	p1 =	sne.s32 s2, s13;
	[sflag:s16] =	ssyncset.done $0x0  }
.Ltmp1:
0x6b: {  	[sflag:s16] =	ssyncadd.s32 $0xFFFF4000;
	(pc) =	sbr.rel @!p1 .LBB2_28-.Ltmp1, $4  }
0x6c: {  	[hbm4b:s12+s3] =	stream.linear.scatter [tilespmem:s24], [sflag:$0x2], $0xC000, $0x38;
	[tilespmem:$0x14D40] =	vst v63  }
0x6d: {  	_ =	swait.ge [sflag:s15], $0xC000  }
0x6e: {  	[sflag:s15] =	ssyncset.done $0x0  }
0x6f: {  	[sflag:s15] =	ssyncadd.s32 $0xFFFF4000  }
.LBB2_1:
.Ltmp2:
0x70: {  	(pc) =	sbr.rel @p0 .LBB2_27-.Ltmp2, $1  }
0x71: {  	_ =	sdelay $0x3  }
0x72: {  	s4 =	rddreg [dreg:$0x4]  }
0x73: {  	[tilespmem:s3], [sflag:$0x2] =	stream.linear.gather [hbm4b:s4+s3], $0x2000, $0x38;
	[tilespmem:$0x14D40] =	vst v63  }
0x74: {  	_ =	swait.ge [sflag:s15], $0x2000  }
0x75: {  	[sflag:s15] =	ssyncset.done $0x0  }
0x76: {  	s5 =	simm.s32 $0x2000;
	s23 =	rddreg [dreg:$0x5];
	[sflag:s15] =	ssyncadd.s32 $0xFFFFE000  }
0x77: {  	[tilespmem:s5], [sflag:$0x2] =	stream.linear.gather [hbm4b:s23+s3], $0x2000, $0x38;
	[tilespmem:$0x14D40] =	vst v63  }
0x78: {  	_ =	swait.ge [sflag:s15], $0x2000  }
0x79: {  	[sflag:s15] =	ssyncset.done $0x0  }
0x7a: {  	s25 =	simm.s32 $0x40;
	[sflag:s15] =	ssyncadd.s32 $0xFFFFE000  }
0x7b: {  	v2 =	vld [tilespmem:s25+$0xFFFFFFC0];
	_ =	sdelay $0x4  }
0x7c: {  	v3 =	vshra.s32 v2, $0x1F  }
0x7d: {  	v3 =	vand.u32 $0x7FFFFFFF, v3  }
0x7e: {  	s4 =	simm.s32 $0x4040;
	v2 =	vxor.u32 v2, v3  }
0x7f: {  	[tilespmem:s4+$0xFFFFFFC0] =	vst v2  }
0x80: {  	v2 =	vld [tilespmem:s25+$0xFFFFFFD0];
	_ =	sdelay $0x4  }
0x81: {  	v3 =	vshra.s32 v2, $0x1F  }
0x82: {  	v3 =	vand.u32 $0x7FFFFFFF, v3  }
0x83: {  	v2 =	vxor.u32 v2, v3  }
0x84: {  	[tilespmem:s4+$0xFFFFFFD0] =	vst v2  }
0x85: {  	v2 =	vld [tilespmem:s25+$0xFFFFFFE0];
	_ =	sdelay $0x4  }
0x86: {  	v3 =	vshra.s32 v2, $0x1F  }
0x87: {  	v3 =	vand.u32 $0x7FFFFFFF, v3  }
0x88: {  	v2 =	vxor.u32 v2, v3  }
0x89: {  	[tilespmem:s4+$0xFFFFFFE0] =	vst v2  }
0x8a: {  	v2 =	vld [tilespmem:s25+$0xFFFFFFF0];
	_ =	sdelay $0x4  }
0x8b: {  	v3 =	vshra.s32 v2, $0x1F  }
0x8c: {  	v3 =	vand.u32 $0x7FFFFFFF, v3  }
0x8d: {  	v2 =	vxor.u32 v2, v3  }
0x8e: {  	[tilespmem:s4+$0xFFFFFFF0] =	vst v2  }
0x8f: {  	v2 =	vld [tilespmem:s25+$0x0];
	_ =	sdelay $0x4  }
0x90: {  	v3 =	vshra.s32 v2, $0x1F  }
0x91: {  	v3 =	vand.u32 $0x7FFFFFFF, v3  }
0x92: {  	v2 =	vxor.u32 v2, v3  }
0x93: {  	[tilespmem:s4+$0x0] =	vst v2  }
0x94: {  	v2 =	vld [tilespmem:s25+$0x10];
	_ =	sdelay $0x4  }
0x95: {  	v3 =	vshra.s32 v2, $0x1F  }
0x96: {  	v3 =	vand.u32 $0x7FFFFFFF, v3  }
0x97: {  	v2 =	vxor.u32 v2, v3  }
0x98: {  	[tilespmem:s4+$0x10] =	vst v2  }
0x99: {  	v2 =	vld [tilespmem:s25+$0x20];
	_ =	sdelay $0x4  }
0x9a: {  	v3 =	vshra.s32 v2, $0x1F  }
0x9b: {  	v3 =	vand.u32 $0x7FFFFFFF, v3  }
0x9c: {  	v2 =	vxor.u32 v2, v3  }
0x9d: {  	[tilespmem:s4+$0x20] =	vst v2  }
0x9e: {  	v2 =	vld [tilespmem:s25+$0x30];
	_ =	sdelay $0x4  }
0x9f: {  	v3 =	vshra.s32 v2, $0x1F  }
0xa0: {  	v3 =	vand.u32 $0x7FFFFFFF, v3  }
0xa1: {  	v2 =	vxor.u32 v2, v3  }
0xa2: {  	s6 =	simm.s32 $0xC0;
	s7 =	simm.s32 $0x4040;
	s5 =	simm.s32 $0x0;
	[tilespmem:s4+$0x30] =	vst v2  }
.LBB2_3:
0xa3: {  	v2 =	vld [tilespmem:s6+$0xFFFFFFC0];
	s5 =	sadd.s32 $0x8, s5  }
0xa4: {  	p1 =	slt.u32 s5, $0x1F8;
	_ =	sdelay $0x3  }
0xa5: {  	v3 =	vshra.s32 v2, $0x1F  }
0xa6: {  	v3 =	vand.u32 $0x7FFFFFFF, v3  }
0xa7: {  	s7 =	sadd.s32 $0x80, s7;
	v2 =	vxor.u32 v2, v3  }
0xa8: {  	[tilespmem:s7+$0xFFFFFFC0] =	vst v2  }
0xa9: {  	v2 =	vld [tilespmem:s6+$0xFFFFFFD0];
	_ =	sdelay $0x4  }
0xaa: {  	v3 =	vshra.s32 v2, $0x1F  }
0xab: {  	v3 =	vand.u32 $0x7FFFFFFF, v3  }
0xac: {  	v2 =	vxor.u32 v2, v3  }
0xad: {  	[tilespmem:s7+$0xFFFFFFD0] =	vst v2  }
0xae: {  	v2 =	vld [tilespmem:s6+$0xFFFFFFE0];
	_ =	sdelay $0x4  }
0xaf: {  	v3 =	vshra.s32 v2, $0x1F  }
0xb0: {  	v3 =	vand.u32 $0x7FFFFFFF, v3  }
0xb1: {  	v2 =	vxor.u32 v2, v3  }
0xb2: {  	[tilespmem:s7+$0xFFFFFFE0] =	vst v2  }
0xb3: {  	v2 =	vld [tilespmem:s6+$0xFFFFFFF0];
	_ =	sdelay $0x4  }
0xb4: {  	v3 =	vshra.s32 v2, $0x1F  }
0xb5: {  	v3 =	vand.u32 $0x7FFFFFFF, v3  }
0xb6: {  	v2 =	vxor.u32 v2, v3  }
0xb7: {  	[tilespmem:s7+$0xFFFFFFF0] =	vst v2  }
0xb8: {  	v2 =	vld [tilespmem:s6+$0x0];
	_ =	sdelay $0x4  }
0xb9: {  	v3 =	vshra.s32 v2, $0x1F  }
0xba: {  	v3 =	vand.u32 $0x7FFFFFFF, v3  }
0xbb: {  	v2 =	vxor.u32 v2, v3  }
0xbc: {  	[tilespmem:s7+$0x0] =	vst v2  }
0xbd: {  	v2 =	vld [tilespmem:s6+$0x10];
	_ =	sdelay $0x4  }
0xbe: {  	v3 =	vshra.s32 v2, $0x1F  }
0xbf: {  	v3 =	vand.u32 $0x7FFFFFFF, v3  }
0xc0: {  	v2 =	vxor.u32 v2, v3  }
0xc1: {  	[tilespmem:s7+$0x10] =	vst v2  }
0xc2: {  	v2 =	vld [tilespmem:s6+$0x20];
	_ =	sdelay $0x4  }
0xc3: {  	v3 =	vshra.s32 v2, $0x1F  }
0xc4: {  	v3 =	vand.u32 $0x7FFFFFFF, v3  }
0xc5: {  	v2 =	vxor.u32 v2, v3  }
0xc6: {  	[tilespmem:s7+$0x20] =	vst v2  }
0xc7: {  	v2 =	vld [tilespmem:s6+$0x30];
	_ =	sdelay $0x3  }
.Ltmp3:
0xc8: {  	(pc) =	sbr.rel @p1 .LBB2_3-.Ltmp3, $4  }
0xc9: {  	v3 =	vshra.s32 v2, $0x1F  }
0xca: {  	v3 =	vand.u32 $0x7FFFFFFF, v3  }
0xcb: {  	v2 =	vxor.u32 v2, v3  }
0xcc: {  	v6 =	vimm.s32 $0x0;
	s6 =	sadd.s32 $0x80, s6;
	[tilespmem:s7+$0x30] =	vst v2  }
0xcd: {  	v3 =	vld [tilespmem:s4+$0xFFFFFFC0]  }
0xce: {  	v4 =	vld [tilespmem:s4+$0xFFFFFFD0]  }
0xcf: {  	v9 =	vld [tilespmem:s4+$0xFFFFFFE0]  }
0xd0: {  	v5 =	vld [tilespmem:s4+$0xFFFFFFF0]  }
0xd1: {  	v2 =	vld [tilespmem:s4+$0x0]  }
0xd2: {  	vm0 =	vgt.s32 v3, $0xFFFFFFFF;
	v3 =	vld [tilespmem:s4+$0x10]  }
0xd3: {  	v7 =	vsel vm0, $0x1, v0;
	vm0 =	vgt.s32 v4, $0xFFFFFFFF;
	v4 =	vld [tilespmem:s4+$0x20]  }
0xd4: {  	s5 =	simm.s32 $0x0;
	v7 =	vadd.s32 v7, v6;
	v8 =	vsel vm0, $0x1, v0;
	vm0 =	vgt.s32 v9, $0xFFFFFFFF;
	v6 =	vld [tilespmem:s4+$0x30];
	s4 =	simm.s32 $0x40C0  }
.LBB2_5:
0xd5: {  	v9 =	vld [tilespmem:s4+$0xFFFFFFC0];
	s5 =	sadd.s32 $0x8, s5;
	v7 =	vadd.s32 v8, v7;
	v8 =	vsel vm0, $0x1, v0;
	vm0 =	vgt.s32 v5, $0xFFFFFFFF  }
0xd6: {  	v10 =	vld [tilespmem:s4+$0xFFFFFFD0];
	p1 =	slt.u32 s5, $0x1F8;
	v5 =	vadd.s32 v8, v7;
	v7 =	vsel vm0, $0x1, v0;
	vm0 =	vgt.s32 v2, $0xFFFFFFFF  }
0xd7: {  	v11 =	vld [tilespmem:s4+$0xFFFFFFE0];
	v2 =	vadd.s32 v7, v5;
	v7 =	vsel vm0, $0x1, v0;
	vm0 =	vgt.s32 v3, $0xFFFFFFFF  }
.Ltmp4:
0xd8: {  	v5 =	vld [tilespmem:s4+$0xFFFFFFF0];
	v3 =	vadd.s32 v7, v2;
	v7 =	vsel vm0, $0x1, v0;
	vm0 =	vgt.s32 v4, $0xFFFFFFFF;
	(pc) =	sbr.rel @p1 .LBB2_5-.Ltmp4, $4  }
0xd9: {  	v2 =	vld [tilespmem:s4+$0x0];
	v4 =	vadd.s32 v7, v3;
	v7 =	vsel vm0, $0x1, v0;
	vm0 =	vgt.s32 v6, $0xFFFFFFFF  }
0xda: {  	vm1 =	vgt.s32 v9, $0xFFFFFFFF;
	v3 =	vld [tilespmem:s4+$0x10];
	v6 =	vadd.s32 v7, v4;
	v7 =	vsel vm0, $0x1, v0  }
0xdb: {  	v8 =	vsel vm1, $0x1, v0;
	vm0 =	vgt.s32 v10, $0xFFFFFFFF;
	v4 =	vld [tilespmem:s4+$0x20];
	v6 =	vadd.s32 v7, v6  }
0xdc: {  	v7 =	vadd.s32 v8, v6;
	v8 =	vsel vm0, $0x1, v0;
	vm0 =	vgt.s32 v11, $0xFFFFFFFF;
	v6 =	vld [tilespmem:s4+$0x30];
	s4 =	sadd.s32 $0x80, s4  }
0xdd: {  	v7 =	vadd.s32 v8, v7;
	v60 =	vsel vm0, $0x1, v0;
	vm11 =	vgt.s32 v5, $0xFFFFFFFF  }
0xde: {  	v61 =	vadd.s32 v60, v7;
	v62 =	vsel vm11, $0x1, v0;
	vm12 =	vgt.s32 v2, $0xFFFFFFFF  }
0xdf: {  	v2 =	vadd.s32 v62, v61;
	v63 =	vsel vm12, $0x1, v0;
	vm13 =	vgt.s32 v3, $0xFFFFFFFF  }
0xe0: {  	v2 =	vadd.s32 v63, v2;
	v3 =	vsel vm13, $0x1, v0;
	vm14 =	vgt.s32 v4, $0xFFFFFFFF  }
0xe1: {  	v2 =	vadd.s32 v3, v2;
	v3 =	vsel vm14, $0x1, v0;
	vm15 =	vgt.s32 v6, $0xFFFFFFFF  }
0xe2: {  	v2 =	vadd.s32 v3, v2;
	v3 =	vsel vm15, $0x1, v0  }
0xe3: {  	v2 =	vadd.s32 v3, v2  }
0xe4: {  	(xrf0) =	vadd.scan.msk.s32 $0xffff, v2;
	_ =	sdelay $0x5  }
0xe5: {  	v2, _, _ =	vpop (xrf0)  }
0xe6: {  	(v2sf) =	vpush v2, $0xF;
	_ =	sdelay $0xe  }
0xe7: {  	s4 =	spop (v2sf)  }
0xe8: {  	p1 =	sgt.s32 s4, $0x3FF;
	s4 =	simm.s32 $0x0  }
0xe9: {  	s5 =	simm.s32 $0x0;
	s4 =	simm.s32 @!p1 $0x80000000  }
.LBB2_7:
0xea: {  	s8 =	simm.s32 $0x4040  }
0xeb: {  	v4 =	vld [tilespmem:s8+$0xFFFFFFC0]  }
0xec: {  	v6 =	vld [tilespmem:s8+$0xFFFFFFD0]  }
0xed: {  	s6 =	sshrl.u32 s17, s5;
	v7 =	vld [tilespmem:s8+$0xFFFFFFE0]  }
0xee: {  	s6 =	sadd.s32 s6, s4;
	v5 =	vld [tilespmem:s8+$0xFFFFFFF0]  }
0xef: {  	v3 =	vld [tilespmem:s8+$0x0];
	v2 =	vmov s6  }
0xf0: {  	vm0 =	vge.s32 v4, v2;
	v4 =	vld [tilespmem:s8+$0x10]  }
0xf1: {  	v8 =	vimm.s32 $0x0;
	v9 =	vsel vm0, $0x1, v0;
	vm0 =	vge.s32 v6, v2;
	v6 =	vld [tilespmem:s8+$0x20]  }
0xf2: {  	s7 =	simm.s32 $0x0;
	v8 =	vadd.s32 v9, v8;
	v9 =	vsel vm0, $0x1, v0;
	vm0 =	vge.s32 v7, v2;
	v7 =	vld [tilespmem:s8+$0x30];
	s8 =	simm.s32 $0x40C0  }
.LBB2_8:
0xf3: {  	v10 =	vld [tilespmem:s8+$0xFFFFFFC0];
	s7 =	sadd.s32 $0x8, s7;
	v8 =	vadd.s32 v9, v8;
	v9 =	vsel vm0, $0x1, v0;
	vm0 =	vge.s32 v5, v2  }
0xf4: {  	v11 =	vld [tilespmem:s8+$0xFFFFFFD0];
	p1 =	slt.u32 s7, $0x1F8;
	v5 =	vadd.s32 v9, v8;
	v8 =	vsel vm0, $0x1, v0;
	vm0 =	vge.s32 v3, v2  }
0xf5: {  	v12 =	vld [tilespmem:s8+$0xFFFFFFE0];
	v3 =	vadd.s32 v8, v5;
	v8 =	vsel vm0, $0x1, v0;
	vm0 =	vge.s32 v4, v2  }
.Ltmp5:
0xf6: {  	v5 =	vld [tilespmem:s8+$0xFFFFFFF0];
	v4 =	vadd.s32 v8, v3;
	v8 =	vsel vm0, $0x1, v0;
	vm0 =	vge.s32 v6, v2;
	(pc) =	sbr.rel @p1 .LBB2_8-.Ltmp5, $4  }
0xf7: {  	v3 =	vld [tilespmem:s8+$0x0];
	v6 =	vadd.s32 v8, v4;
	v8 =	vsel vm0, $0x1, v0;
	vm0 =	vge.s32 v7, v2  }
0xf8: {  	vm1 =	vge.s32 v10, v2;
	v4 =	vld [tilespmem:s8+$0x10];
	v7 =	vadd.s32 v8, v6;
	v8 =	vsel vm0, $0x1, v0  }
0xf9: {  	v9 =	vsel vm1, $0x1, v0;
	vm0 =	vge.s32 v11, v2;
	v6 =	vld [tilespmem:s8+$0x20];
	v7 =	vadd.s32 v8, v7  }
0xfa: {  	v8 =	vadd.s32 v9, v7;
	v9 =	vsel vm0, $0x1, v0;
	vm0 =	vge.s32 v12, v2;
	v7 =	vld [tilespmem:s8+$0x30];
	s8 =	sadd.s32 $0x80, s8  }
0xfb: {  	v8 =	vadd.s32 v9, v8;
	v59 =	vsel vm0, $0x1, v0;
	vm11 =	vge.s32 v5, v2  }
0xfc: {  	v60 =	vadd.s32 v59, v8;
	v61 =	vsel vm11, $0x1, v0;
	vm12 =	vge.s32 v3, v2  }
0xfd: {  	v3 =	vadd.s32 v61, v60;
	v62 =	vsel vm12, $0x1, v0;
	vm13 =	vge.s32 v4, v2  }
0xfe: {  	v3 =	vadd.s32 v62, v3;
	v4 =	vsel vm13, $0x1, v0;
	vm14 =	vge.s32 v6, v2  }
0xff: {  	v3 =	vadd.s32 v4, v3;
	v63 =	vsel vm14, $0x1, v0;
	vm15 =	vge.s32 v7, v2  }
0x100: {  	v2 =	vadd.s32 v63, v3;
	v3 =	vsel vm15, $0x1, v0  }
0x101: {  	v2 =	vadd.s32 v3, v2  }
0x102: {  	(xrf0) =	vadd.scan.msk.s32 $0xffff, v2;
	_ =	sdelay $0x5  }
0x103: {  	v2, _, _ =	vpop (xrf0)  }
0x104: {  	(v2sf) =	vpush v2, $0xF;
	_ =	sdelay $0xa  }
0x105: {  	s5 =	sadd.s32 $0x1, s5  }
0x106: {  	p2 =	sne.s32 s5, $0xA  }
.Ltmp6:
0x107: {  	_ = 	snop;
	(pc) =	sbr.rel @p2 .LBB2_7-.Ltmp6, $4  }
0x108: {  	_ = 	snop  }
0x109: {  	s7 =	spop (v2sf)  }
0x10a: {  	p1 =	sgt.s32 s7, $0x3FF  }
0x10b: {  	s4 =	smov.u32 @p1 s6  }
0x10c: {  	s6 =	simm.s32 $0x4040  }
0x10d: {  	v4 =	vld [tilespmem:s6+$0xFFFFFFC0]  }
0x10e: {  	v6 =	vld [tilespmem:s6+$0xFFFFFFD0]  }
0x10f: {  	v7 =	vld [tilespmem:s6+$0xFFFFFFE0]  }
0x110: {  	s5 =	sadd.s32 $0x200000, s4;
	v5 =	vld [tilespmem:s6+$0xFFFFFFF0]  }
0x111: {  	v2 =	vmov s5;
	v3 =	vld [tilespmem:s6+$0x0]  }
0x112: {  	vm0 =	vge.s32 v4, v2;
	v4 =	vld [tilespmem:s6+$0x10]  }
0x113: {  	v8 =	vimm.s32 $0x0;
	v9 =	vsel vm0, $0x1, v0;
	vm0 =	vge.s32 v6, v2;
	v6 =	vld [tilespmem:s6+$0x20]  }
0x114: {  	s5 =	simm.s32 $0x0;
	v8 =	vadd.s32 v9, v8;
	v9 =	vsel vm0, $0x1, v0;
	vm0 =	vge.s32 v7, v2;
	v7 =	vld [tilespmem:s6+$0x30];
	s6 =	simm.s32 $0x40C0  }
.LBB2_11:
0x115: {  	v10 =	vld [tilespmem:s6+$0xFFFFFFC0];
	s5 =	sadd.s32 $0x8, s5;
	v8 =	vadd.s32 v9, v8;
	v9 =	vsel vm0, $0x1, v0;
	vm0 =	vge.s32 v5, v2  }
0x116: {  	v11 =	vld [tilespmem:s6+$0xFFFFFFD0];
	p1 =	slt.u32 s5, $0x1F8;
	v5 =	vadd.s32 v9, v8;
	v8 =	vsel vm0, $0x1, v0;
	vm0 =	vge.s32 v3, v2  }
0x117: {  	v12 =	vld [tilespmem:s6+$0xFFFFFFE0];
	v3 =	vadd.s32 v8, v5;
	v8 =	vsel vm0, $0x1, v0;
	vm0 =	vge.s32 v4, v2  }
.Ltmp7:
0x118: {  	v5 =	vld [tilespmem:s6+$0xFFFFFFF0];
	v4 =	vadd.s32 v8, v3;
	v8 =	vsel vm0, $0x1, v0;
	vm0 =	vge.s32 v6, v2;
	(pc) =	sbr.rel @p1 .LBB2_11-.Ltmp7, $4  }
0x119: {  	v3 =	vld [tilespmem:s6+$0x0];
	v6 =	vadd.s32 v8, v4;
	v8 =	vsel vm0, $0x1, v0;
	vm0 =	vge.s32 v7, v2  }
0x11a: {  	vm1 =	vge.s32 v10, v2;
	v4 =	vld [tilespmem:s6+$0x10];
	v7 =	vadd.s32 v8, v6;
	v8 =	vsel vm0, $0x1, v0  }
0x11b: {  	v9 =	vsel vm1, $0x1, v0;
	vm0 =	vge.s32 v11, v2;
	v6 =	vld [tilespmem:s6+$0x20];
	v7 =	vadd.s32 v8, v7  }
0x11c: {  	v8 =	vadd.s32 v9, v7;
	v9 =	vsel vm0, $0x1, v0;
	vm0 =	vge.s32 v12, v2;
	v7 =	vld [tilespmem:s6+$0x30];
	s6 =	sadd.s32 $0x80, s6  }
0x11d: {  	v8 =	vadd.s32 v9, v8;
	v62 =	vsel vm0, $0x1, v0;
	vm11 =	vge.s32 v5, v2  }
0x11e: {  	v5 =	vadd.s32 v62, v8;
	v63 =	vsel vm11, $0x1, v0;
	vm12 =	vge.s32 v3, v2  }
0x11f: {  	v3 =	vadd.s32 v63, v5;
	v5 =	vsel vm12, $0x1, v0;
	vm13 =	vge.s32 v4, v2  }
0x120: {  	v3 =	vadd.s32 v5, v3;
	v4 =	vsel vm13, $0x1, v0;
	vm14 =	vge.s32 v6, v2  }
0x121: {  	v3 =	vadd.s32 v4, v3;
	v4 =	vsel vm14, $0x1, v0;
	vm15 =	vge.s32 v7, v2  }
0x122: {  	v3 =	vadd.s32 v4, v3;
	v4 =	vsel vm15, $0x1, v0  }
0x123: {  	s5 =	simm.s32 $0xFFFFFFFC;
	s6 =	simm.s32 $0x4020;
	v5 =	vimm.s32 $0x0;
	v3 =	vadd.s32 v4, v3;
	v4 =	vmov s4  }
.LBB2_13:
0x124: {  	v6 =	vld [tilespmem:s6+$0xFFFFFFE0];
	_ =	sdelay $0x4  }
0x125: {  	vm0 =	vge.s32 v6, v4;
	vm1 =	vlt.s32 v6, v2  }
0x126: {  	vm0 =	vmand vm0, vm1  }
0x127: {  	v7 =	vsel vm0, $0x1, v0  }
0x128: {  	(xrf0) =	vadd.scan.msk.s32 $0xffff, v7;
	_ =	sdelay $0x5  }
0x129: {  	v7, _, _ =	vpop (xrf0)  }
0x12a: {  	v7 =	vadd.s32 v7, v5  }
0x12b: {  	v7 =	vadd.s32 $0xFFFFFFFF, v7;
	_ =	sdelay $0x4  }
0x12c: {  	[tilespmem:v7+s18+$0x0] =	vst.idx.msk vm0, v6  }
0x12d: {  	v6 =	vld [tilespmem:s6+$0xFFFFFFF0];
	_ =	sdelay $0x4  }
0x12e: {  	vm11 =	vge.s32 v6, v4;
	vm2 =	vlt.s32 v6, v2  }
0x12f: {  	vm1 =	vmand vm11, vm2  }
0x130: {  	v7 =	vsel vm1, $0x1, v0  }
0x131: {  	(xrf0) =	vadd.scan.msk.s32 $0xffff, v7;
	_ =	sdelay $0x1  }
0x132: {  	v7 =	vmpcnt.ones.xlane vm0;
	_ =	sdelay $0x3  }
0x133: {  	v5 =	vadd.s32 v5, v7;
	v7, _, _ =	vpop (xrf0)  }
0x134: {  	v7 =	vadd.s32 v7, v5  }
0x135: {  	v7 =	vadd.s32 $0xFFFFFFFF, v7;
	_ =	sdelay $0x4  }
0x136: {  	[tilespmem:v7+s18+$0x0] =	vst.idx.msk vm1, v6  }
0x137: {  	v6 =	vld [tilespmem:s6+$0x0];
	_ =	sdelay $0x4  }
0x138: {  	vm12 =	vge.s32 v6, v4;
	vm13 =	vlt.s32 v6, v2  }
0x139: {  	vm0 =	vmand vm12, vm13  }
0x13a: {  	v7 =	vsel vm0, $0x1, v0  }
0x13b: {  	(xrf0) =	vadd.scan.msk.s32 $0xffff, v7;
	_ =	sdelay $0x1  }
0x13c: {  	v7 =	vmpcnt.ones.xlane vm1;
	_ =	sdelay $0x3  }
0x13d: {  	v5 =	vadd.s32 v5, v7;
	v7, _, _ =	vpop (xrf0)  }
0x13e: {  	v7 =	vadd.s32 v7, v5  }
0x13f: {  	v7 =	vadd.s32 $0xFFFFFFFF, v7;
	_ =	sdelay $0x4  }
0x140: {  	[tilespmem:v7+s18+$0x0] =	vst.idx.msk vm0, v6  }
0x141: {  	v6 =	vld [tilespmem:s6+$0x10];
	_ =	sdelay $0x4  }
0x142: {  	vm14 =	vge.s32 v6, v4;
	vm15 =	vlt.s32 v6, v2  }
0x143: {  	vm1 =	vmand vm14, vm15  }
0x144: {  	v7 =	vsel vm1, $0x1, v0  }
0x145: {  	(xrf0) =	vadd.scan.msk.s32 $0xffff, v7;
	_ =	sdelay $0x1  }
0x146: {  	v7 =	vmpcnt.ones.xlane vm0;
	_ =	sdelay $0x3  }
0x147: {  	v5 =	vadd.s32 v5, v7;
	v7, _, _ =	vpop (xrf0)  }
0x148: {  	s5 =	sadd.s32 $0x4, s5;
	v7 =	vadd.s32 v7, v5  }
0x149: {  	p1 =	slt.u32 s5, $0x1FC;
	v7 =	vadd.s32 $0xFFFFFFFF, v7  }
.Ltmp8:
0x14a: {  	_ = 	snop;
	(pc) =	sbr.rel @p1 .LBB2_13-.Ltmp8, $3  }
0x14b: {  	_ = 	snop  }
0x14c: {  	v8 =	vmpcnt.ones.xlane vm1;
	_ =	sdelay $0x1  }
0x14d: {  	s6 =	sadd.s32 $0x40, s6;
	v5 =	vadd.s32 v5, v8;
	[tilespmem:v7+s18+$0x0] =	vst.idx.msk vm1, v6  }
0x14e: {  	(xrf0) =	vadd.scan.msk.s32 $0xffff, v3;
	v2 =	vxor.u32 $0x80000000, v5  }
0x14f: {  	(xrf0) =	vmax.scan.msk.u32 $0xffff, v2;
	_ =	sdelay $0x4  }
0x150: {  	v2, _, _ =	vpop (xrf0)  }
0x151: {  	(v2sf) =	vpush v2, $0xF;
	v2, _, _ =	vpop (xrf0)  }
0x152: {  	(v2sf) =	vpush v2, $0xF;
	_ =	sdelay $0xd  }
0x153: {  	s5 =	spop (v2sf)  }
.Ltmp9:
0x154: {  	s6 =	spop (v2sf);
	(pc) =	sbr.rel .LBB2_15-.Ltmp9, $4  }
0x155: {  	s7 =	sshra.s32 s6, $0x4  }
0x156: {  	s8 =	sand.u32 $0xF, s6;
	s14 =	sshll.u32 s7, $0x6  }
0x157: {  	s6 =	sxor.u32 $0xF8000000, s7;
	v3 =	vmov s8;
	s25 =	sshra.s32 s14, $0x2  }
0x158: {  	s7 =	simm.s32 $0x0;
	p1 =	slt.s32 s6, $0x1;
	vm0 =	vgt.u32 v3, v1;
	v2 =	vld [tilespmem:s25+$0x6000]  }
.LBB2_18:
0x159: {  	v5 =	vsel vm1, $0x1, v0  }
0x15a: {  	v3 =	vadd.s32 v5, v3  }
.LBB2_19:
0x15b: {  	vm1 =	vge.s32 v2, v4  }
0x15c: {  	vm1 =	vmand vm0, vm1  }
0x15d: {  	v63 =	vsel vm1, $0x1, v0  }
0x15e: {  	v3 =	vadd.s32 v63, v3  }
0x15f: {  	(xrf0) =	vadd.scan.msk.s32 $0xffff, v3;
	_ =	sdelay $0x5  }
0x160: {  	v3, _, _ =	vpop (xrf0)  }
0x161: {  	(v2sf) =	vpush v3, $0xF;
	_ =	sdelay $0xb  }
0x162: {  	s7 =	sadd.s32 $0x1, s7  }
0x163: {  	p3 =	sne.s32 s7, $0x15  }
.Ltmp10:
0x164: {  	_ = 	snop;
	(pc) =	sbr.rel @!p3 .LBB2_20-.Ltmp10, $4  }
0x165: {  	s14 =	spop (v2sf)  }
0x166: {  	s14 =	sadd.s32 s5, s14  }
0x167: {  	p2 =	sgt.s32 s14, $0x3FF  }
0x168: {  	s4 =	smov.u32 @p2 s8  }
.LBB2_15:
.Ltmp11:
0x169: {  	(pc) =	sbr.rel @p1 .LBB2_19-.Ltmp11, $4  }
0x16a: {  	_ = 	snop  }
0x16b: {  	s8 =	sshrl.u32 s19, s7  }
0x16c: {  	s8 =	sadd.s32 s8, s4  }
0x16d: {  	v3 =	vimm.s32 $0x0;
	s23 =	simm.s32 $0x6000;
	v4 =	vmov s8  }
0x16e: {  	v5 =	vld [tilespmem:s23+$0x0];
	p2 =	sne.s32 s6, $0x1  }
.Ltmp12:
0x16f: {  	_ = 	snop;
	(pc) =	sbr.rel @!p2 .LBB2_18-.Ltmp12, $2  }
0x170: {  	_ =	sdelay $0x2  }
0x171: {  	s14 =	sadd.s32 $0xFFFFFFFF, s6;
	s23 =	sadd.s32 $0x10, s23;
	vm1 =	vge.s32 v5, v4  }
.LBB2_17:
0x172: {  	v5 =	vld [tilespmem:s23+$0x0];
	p2 =	sne.s32 s14, $0x1;
	s14 =	sadd.s32 $0xFFFFFFFF, s14;
	v6 =	vsel vm1, $0x1, v0  }
.Ltmp13:
0x173: {  	v3 =	vadd.s32 v6, v3;
	(pc) =	sbr.rel @p2 .LBB2_17-.Ltmp13, $2  }
0x174: {  	_ =	sdelay $0x2  }
0x175: {  	s23 =	sadd.s32 $0x10, s23;
	vm1 =	vge.s32 v5, v4  }
.Ltmp14:
0x176: {  	_ = 	snop;
	(pc) =	sbr.rel .LBB2_18-.Ltmp14, $1  }
0x177: {  	_ =	sdelay $0x3  }
.LBB2_20:
.Ltmp15:
0x178: {  	(pc) =	sbr.rel @p1 .LBB2_24-.Ltmp15, $3  }
0x179: {  	_ =	sdelay $0x1  }
0x17a: {  	s7 =	sadd.s32 $0x1, s4  }
0x17b: {  	v4 =	vimm.s32 $0x0;
	v5 =	vimm.s32 $0x0;
	s23 =	simm.s32 $0xBD40;
	v3 =	vmov s7;
	s7 =	simm.s32 $0x6000  }
0x17c: {  	v5 =	vld [tilespmem:s7+$0x0];
	p1 =	sne.s32 s6, $0x1  }
.Ltmp16:
0x17d: {  	_ = 	snop;
	(pc) =	sbr.rel @!p1 .LBB2_23-.Ltmp16, $2  }
0x17e: {  	_ =	sdelay $0x2  }
0x17f: {  	s6 =	sadd.s32 $0xFFFFFFFF, s6;
	s7 =	sadd.s32 $0x10, s7;
	vm1 =	vge.s32 v5, v3;
	v5 =	vimm.s32 $0x0  }
.LBB2_22:
0x180: {  	v6 =	vld [tilespmem:s7+$0x0];
	p1 =	sne.s32 s6, $0x1;
	s6 =	sadd.s32 $0xFFFFFFFF, s6;
	v7 =	vsel vm1, $0x1, v0  }
.Ltmp17:
0x181: {  	v5 =	vadd.s32 v7, v5;
	(pc) =	sbr.rel @p1 .LBB2_22-.Ltmp17, $2  }
0x182: {  	_ =	sdelay $0x2  }
0x183: {  	s7 =	sadd.s32 $0x10, s7;
	vm1 =	vge.s32 v6, v3  }
.LBB2_23:
0x184: {  	v6 =	vsel vm1, $0x1, v0  }
0x185: {  	v5 =	vadd.s32 v6, v5  }
.LBB2_24:
0x186: {  	vm1 =	vge.s32 v2, v3  }
0x187: {  	vm0 =	vmand vm0, vm1  }
0x188: {  	v2 =	vsel vm0, $0x1, v0  }
0x189: {  	v2 =	vadd.s32 v2, v5  }
0x18a: {  	(xrf0) =	vadd.scan.msk.s32 $0xffff, v2;
	_ =	sdelay $0x5  }
0x18b: {  	v2, _, _ =	vpop (xrf0)  }
0x18c: {  	(v2sf) =	vpush v2, $0xF;
	_ =	sdelay $0xe  }
0x18d: {  	s6 =	spop (v2sf)  }
0x18e: {  	s5 =	sadd.s32 s6, s5  }
0x18f: {  	s7 =	simm.s32 $0x2020;
	s8 =	rddreg [dreg:$0x9];
	s6 =	ssub.s32 $0x400, s5  }
0x190: {  	v5 =	vimm.s32 $0x0;
	v2 =	vmov s4;
	s4 =	simm.s32 $0x4020;
	s5 =	simm.s32 $0xFFFFFFFC;
	v3 =	vmov s6;
	s6 =	simm.s32 $0x20  }
.LBB2_25:
0x191: {  	v6 =	vld [tilespmem:s4+$0xFFFFFFE0];
	_ =	sdelay $0x4  }
0x192: {  	vm0 =	veq.s32 v6, v2  }
0x193: {  	v7 =	vsel vm0, $0x1, v0  }
0x194: {  	(xrf0) =	vadd.scan.msk.s32 $0xffff, v7;
	_ =	sdelay $0x5  }
0x195: {  	v7, _, _ =	vpop (xrf0)  }
0x196: {  	v7 =	vadd.s32 v4, v7  }
0x197: {  	vm1 =	vle.s32 v7, v3  }
0x198: {  	vm2 =	vgt.s32 v6, v2;
	vm1 =	vmand vm0, vm1  }
0x199: {  	vm1 =	vmor vm2, vm1  }
0x19a: {  	v6 =	vsel vm1, $0x1, v0  }
0x19b: {  	(xrf0) =	vadd.scan.msk.s32 $0xffff, v6;
	_ =	sdelay $0x5  }
0x19c: {  	v6, _, _ =	vpop (xrf0)  }
0x19d: {  	v6 =	vadd.s32 v6, v5  }
0x19e: {  	v7 =	vld [tilespmem:s6+$0xFFFFFFE0];
	v6 =	vadd.s32 $0xFFFFFFFF, v6  }
0x19f: {  	v8 =	vld [tilespmem:s7+$0xFFFFFFE0];
	_ =	sdelay $0x3  }
0x1a0: {  	s14 =	sadd.s32 $0xFFFFFFD0, s8;
	[tilespmem:v6+s20+$0x0] =	vst.idx.msk vm1, v7  }
0x1a1: {  	v7 =	vor.u32 s14, v1;
	[tilespmem:v6+s21+$0x0] =	vst.idx.msk vm1, v8  }
0x1a2: {  	[tilespmem:v6+s22+$0x0] =	vst.idx.msk vm1, v7  }
0x1a3: {  	v6 =	vld [tilespmem:s4+$0xFFFFFFF0];
	_ =	sdelay $0x4  }
0x1a4: {  	vm8 =	veq.s32 v6, v2  }
0x1a5: {  	v7 =	vsel vm8, $0x1, v0  }
0x1a6: {  	(xrf0) =	vadd.scan.msk.s32 $0xffff, v7;
	_ =	sdelay $0x1  }
0x1a7: {  	v7 =	vmpcnt.ones.xlane vm0;
	_ =	sdelay $0x3  }
0x1a8: {  	v4 =	vadd.s32 v4, v7;
	v7, _, _ =	vpop (xrf0)  }
0x1a9: {  	v7 =	vadd.s32 v4, v7  }
0x1aa: {  	vm9 =	vle.s32 v7, v3  }
0x1ab: {  	vm3 =	vgt.s32 v6, v2;
	vm0 =	vmand vm8, vm9  }
0x1ac: {  	vm0 =	vmor vm3, vm0  }
0x1ad: {  	v6 =	vsel vm0, $0x1, v0  }
0x1ae: {  	(xrf0) =	vadd.scan.msk.s32 $0xffff, v6;
	_ =	sdelay $0x1  }
0x1af: {  	v6 =	vmpcnt.ones.xlane vm1;
	_ =	sdelay $0x3  }
0x1b0: {  	v5 =	vadd.s32 v5, v6;
	v6, _, _ =	vpop (xrf0)  }
0x1b1: {  	v6 =	vadd.s32 v6, v5  }
0x1b2: {  	v7 =	vld [tilespmem:s6+$0xFFFFFFF0];
	v6 =	vadd.s32 $0xFFFFFFFF, v6  }
0x1b3: {  	v8 =	vld [tilespmem:s7+$0xFFFFFFF0];
	_ =	sdelay $0x3  }
0x1b4: {  	s25 =	sadd.s32 $0xFFFFFFE0, s8;
	[tilespmem:v6+s20+$0x0] =	vst.idx.msk vm0, v7  }
0x1b5: {  	v7 =	vor.u32 s25, v1;
	[tilespmem:v6+s21+$0x0] =	vst.idx.msk vm0, v8  }
0x1b6: {  	[tilespmem:v6+s22+$0x0] =	vst.idx.msk vm0, v7  }
0x1b7: {  	v6 =	vld [tilespmem:s4+$0x0];
	_ =	sdelay $0x4  }
0x1b8: {  	vm10 =	veq.s32 v6, v2  }
0x1b9: {  	v7 =	vsel vm10, $0x1, v0  }
0x1ba: {  	(xrf0) =	vadd.scan.msk.s32 $0xffff, v7;
	_ =	sdelay $0x1  }
0x1bb: {  	v7 =	vmpcnt.ones.xlane vm8;
	_ =	sdelay $0x3  }
0x1bc: {  	v4 =	vadd.s32 v4, v7;
	v7, _, _ =	vpop (xrf0)  }
0x1bd: {  	v7 =	vadd.s32 v4, v7  }
0x1be: {  	vm11 =	vle.s32 v7, v3  }
0x1bf: {  	vm12 =	vgt.s32 v6, v2;
	vm2 =	vmand vm10, vm11  }
0x1c0: {  	vm2 =	vmor vm12, vm2  }
0x1c1: {  	v6 =	vsel vm2, $0x1, v0  }
0x1c2: {  	(xrf0) =	vadd.scan.msk.s32 $0xffff, v6;
	_ =	sdelay $0x1  }
0x1c3: {  	v6 =	vmpcnt.ones.xlane vm0;
	_ =	sdelay $0x3  }
0x1c4: {  	v5 =	vadd.s32 v5, v6;
	v6, _, _ =	vpop (xrf0)  }
0x1c5: {  	v6 =	vadd.s32 v6, v5  }
0x1c6: {  	v7 =	vld [tilespmem:s6+$0x0];
	v6 =	vadd.s32 $0xFFFFFFFF, v6  }
0x1c7: {  	v8 =	vld [tilespmem:s7+$0x0];
	_ =	sdelay $0x3  }
0x1c8: {  	s25 =	sadd.s32 $0xFFFFFFF0, s8;
	[tilespmem:v6+s20+$0x0] =	vst.idx.msk vm2, v7  }
0x1c9: {  	v7 =	vor.u32 s25, v1;
	[tilespmem:v6+s21+$0x0] =	vst.idx.msk vm2, v8  }
0x1ca: {  	[tilespmem:v6+s22+$0x0] =	vst.idx.msk vm2, v7  }
0x1cb: {  	v6 =	vld [tilespmem:s4+$0x10];
	_ =	sdelay $0x4  }
0x1cc: {  	vm13 =	veq.s32 v6, v2  }
0x1cd: {  	v7 =	vsel vm13, $0x1, v0  }
0x1ce: {  	(xrf0) =	vadd.scan.msk.s32 $0xffff, v7;
	_ =	sdelay $0x1  }
0x1cf: {  	v7 =	vmpcnt.ones.xlane vm10;
	_ =	sdelay $0x3  }
0x1d0: {  	v4 =	vadd.s32 v4, v7;
	v7, _, _ =	vpop (xrf0)  }
0x1d1: {  	v7 =	vadd.s32 v4, v7  }
0x1d2: {  	vm14 =	vle.s32 v7, v3  }
0x1d3: {  	vm15 =	vgt.s32 v6, v2;
	vm1 =	vmand vm13, vm14  }
0x1d4: {  	vm1 =	vmor vm15, vm1  }
0x1d5: {  	v6 =	vsel vm1, $0x1, v0  }
0x1d6: {  	(xrf0) =	vadd.scan.msk.s32 $0xffff, v6;
	_ =	sdelay $0x1  }
0x1d7: {  	v6 =	vmpcnt.ones.xlane vm2;
	_ =	sdelay $0x3  }
0x1d8: {  	v5 =	vadd.s32 v5, v6;
	v6, _, _ =	vpop (xrf0)  }
0x1d9: {  	v6 =	vadd.s32 v6, v5  }
0x1da: {  	v7 =	vld [tilespmem:s6+$0x10];
	v6 =	vadd.s32 $0xFFFFFFFF, v6  }
0x1db: {  	s5 =	sadd.s32 $0x4, s5;
	v8 =	vld [tilespmem:s7+$0x10]  }
0x1dc: {  	p1 =	slt.u32 s5, $0x1FC  }
.Ltmp18:
0x1dd: {  	_ = 	snop;
	(pc) =	sbr.rel @p1 .LBB2_25-.Ltmp18, $4  }
0x1de: {  	_ = 	snop  }
0x1df: {  	v10 =	vmpcnt.ones.xlane vm13;
	[tilespmem:v6+s20+$0x0] =	vst.idx.msk vm1, v7;
	v7 =	vmpcnt.ones.xlane vm1  }
0x1e0: {  	v9 =	vor.u32 s8, v1;
	s8 =	sadd.s32 $0x40, s8;
	[tilespmem:v6+s21+$0x0] =	vst.idx.msk vm1, v8  }
0x1e1: {  	s4 =	sadd.s32 $0x40, s4;
	s7 =	sadd.s32 $0x40, s7;
	v4 =	vadd.s32 v4, v10;
	s6 =	sadd.s32 $0x40, s6;
	[tilespmem:v6+s22+$0x0] =	vst.idx.msk vm1, v9;
	v5 =	vadd.s32 v5, v7  }
0x1e2: {  	s4 =	rddreg [dreg:$0x2]  }
0x1e3: {  	[spmem:s4] =	stream.linear.scatter [tilespmem:s22], [sflag:$0x2], $0x400, $0x38;
	[tilespmem:$0x14D40] =	vst v63  }
0x1e4: {  	_ =	swait.ge [sflag:s15], $0x400  }
0x1e5: {  	[sflag:s15] =	ssyncset.done $0x0  }
0x1e6: {  	s8 =	rddreg [dreg:$0x6];
	[sflag:s15] =	ssyncadd.s32 $0xFFFFFC00  }
0x1e7: {  	[hbm4b:s8+s3] =	stream.linear.scatter [tilespmem:s22], [sflag:$0x2], $0x400, $0x38;
	[tilespmem:$0x14D40] =	vst v63  }
0x1e8: {  	_ =	swait.ge [sflag:s15], $0x400  }
0x1e9: {  	[sflag:s15] =	ssyncset.done $0x0  }
0x1ea: {  	s14 =	rddreg [dreg:$0x7];
	[sflag:s15] =	ssyncadd.s32 $0xFFFFFC00  }
0x1eb: {  	[hbm4b:s14+s3] =	stream.linear.scatter [tilespmem:s20], [sflag:$0x2], $0x400, $0x38;
	[tilespmem:$0x14D40] =	vst v63  }
0x1ec: {  	_ =	swait.ge [sflag:s15], $0x400  }
0x1ed: {  	[sflag:s15] =	ssyncset.done $0x0  }
.Ltmp19:
0x1ee: {  	s25 =	rddreg [dreg:$0x8];
	[sflag:s15] =	ssyncadd.s32 $0xFFFFFC00;
	(pc) =	sbr.rel .LBB2_27-.Ltmp19, $4  }
0x1ef: {  	[hbm4b:s25+s3] =	stream.linear.scatter [tilespmem:s21], [sflag:$0x2], $0x400, $0x38;
	[tilespmem:$0x14D40] =	vst v63  }
0x1f0: {  	s5 =	simm.s32 $0x9540;
	s6 =	simm.s32 $0x9D40;
	_ =	swait.ge [sflag:s15], $0x400  }
0x1f1: {  	s7 =	simm.s32 $0xA540;
	s4 =	simm.s32 $0x8CC0;
	[sflag:s15] =	ssyncset.done $0x0  }
0x1f2: {  	s8 =	simm.s32 $0xAD40;
	s14 =	simm.s32 $0xB540;
	[sflag:s15] =	ssyncadd.s32 $0xFFFFFC00  }
.LBB2_28:
0x1f3: {  	_ =	sfence.sel $0x180000  }
0x1f4: {  	[bflag:$0x0] =	sbarrier.arrive $0xFFFF  }
0x1f5: {  	_ =	strace $0x9000004A  }
0x1f6: {  	[bflag:$0x2] =	sbarrier.arrive $0xFFFF  }
0x1f7: {  	s0 =	rddreg [dreg:$0x3]  }
0x1f8: {  	s0 =	sadd.s32 @!p0 $0x100000, s0  }
0x1f9: {  	[sflag:s0] =	ssyncadd.tile.s32 @!p0 $0x1;
	_ =	shalt  }
.Lfunc_end2:
_tile_overlayer_lowered:
.L_overlay_start_2:
0x1fa: {  	(tag) =	ssettag $0x2  }
0x1fb: {  	s0 =	rddreg [dreg:$0x0];
	s2 =	stileid.u32  }
0x1fc: {  	s1 =	rddreg [dreg:$0x1];
	p0 =	sne.s32 s2, $0x0  }
0x1fd: {  	s3 =	rddreg [dreg:$0x2];
	[bflag:$0x3] =	sbarrier.arrive $0xFFFF;
	s2 =	simm.s32 @!p0 $0x1C02  }
0x1fe: {  	[timem:s3], [sflag:s2] =	dma.local @!p0 [hbm:s0], s1  }
0x1ff: {  	s0 =	simm.s32 @!p0 $0x2  }
0x200: {  	_ =	swait.ge @!p0 [sflag:s0], s1  }
0x201: {  	s1 =	ssub.s32 @!p0 $0x0, s1;
	[sflag:s0] =	ssyncset.done @!p0 $0x0  }
0x202: {  	[sflag:s0] =	ssyncadd.s32 @!p0 s1  }
0x203: {  	[bflag:$0x3] =	sbarrier.arrive $0xFFFF  }
0x204: {  	_ =	shalt  }

// kernel: kernel.16.cloned.1.call-start
scs
__scs_entry_jumppad:
0x0: {  	(pc) =	sbr.rel $0x88, $3  }
0x1: {  	(tag) =	ssettag $0x0;
	lr =	simm.s32 $0x1  }
0x2: {  	[smem:$0x3F97] =	sst lr;
	_ =	strace $0xD0000000  }
0x3: {  	_ = 	snop  }
0x4: {  	_ = 	snop  }
0x5: {  	_ = 	snop  }
0x6: {  	_ = 	snop  }
0x7: {  	_ = 	snop  }
__scs_overlays_trampoline_lowered:
0x8: {  	[smem:$0x3FA6] =	sst s0  }
0x9: {  	[smem:$0x3FA7] =	sst s1  }
0xa: {  	[smem:$0x3FA8] =	sst s2  }
0xb: {  	[smem:$0x3FA9] =	sst s3  }
0xc: {  	[smem:$0x3FAA] =	sst s4  }
0xd: {  	[smem:$0x3FAB] =	sst s5  }
0xe: {  	[smem:$0x3FAC] =	sst s6  }
0xf: {  	[smem:$0x3FAD] =	sst s7  }
0x10: {  	[smem:$0x3FAE] =	sst s8  }
0x11: {  	[smem:$0x3FAF] =	sst s9;
	s0 =	simm.s32 @!p0 $0x0  }
0x12: {  	s1 =	sld [smem:$0x3F95];
	s0 =	simm.s32 @p0 $0x1  }
0x13: {  	[smem:$0x3FB0] =	sst s0;
	s0 =	simm.s32 @!p1 $0x0  }
0x14: {  	s2 =	sld [smem:$0x3F94];
	s0 =	simm.s32 @p1 $0x1  }
0x15: {  	[smem:$0x3FB1] =	sst s0;
	s0 =	simm.s32 @!p2 $0x0  }
0x16: {  	s3 =	sld [smem:$0x3FDB];
	s0 =	simm.s32 @p2 $0x1  }
0x17: {  	s4 =	simm.s32 $0x1BF5;
	[smem:$0x3FB3] =	sst s0  }
0x18: {  	s0 =	sld [smem:$0x3F96];
	_ =	swait.ge [sflag:s4], $0x0  }
0x19: {  	s7 =	sld [smem:$0x3F97]  }
0x1a: {  	s8 =	sadd.s32 $0xFFFFE003, lr  }
0x1b: {  	s9 =	sadd.s32 $0xFFFFFEF7, lr;
	s5 =	simm.s32 $0xFFFFFFFF;
	p2 =	slt.u32 s8, $0xFFFFF086  }
0x1c: {  	p1 =	slt.u32 s9, $0xF7A;
	s5 =	simm.s32 @!p2 $0x0  }
0x1d: {  	s5 =	simm.s32 @p1 $0x1;
	p0 =	seq.s32 s7, s2  }
0x1e: {  	s7 =	smul.u32 @!p0 $0xF7A, s2;
	p2 =	seq.s32 @!p0 s5, $0x0  }
0x1f: {  	s9 =	smul.u32 $0xF7A, s1;
	s8 =	simm.s32 @!p0 $0x1BF5;
	p2 =	por !p2, p0  }
0x20: {  	[sflag:s8] =	ssyncset.s32 @!p0 $0xFFFFF086;
	s6 =	sadd.s32 @!p0 s3, s7;
	s7 =	simm.s32 @!p0 $0x108  }
0x21: {  	s3 =	sadd.s32 s3, s9;
	s6 =	sadd.s32 @!p0 $0x88, s6;
	s7 =	simm.s32 @p2 $0x1082  }
0x22: {  	[simem:s7], [sflag:s8] =	dma.local @!p0 [hbm:s6], $0xF7A  }
0x23: {  	s9 =	sor.u32 $0xD0000000, s2;
	s6 =	simm.s32 $0x108;
	_ =	swait.ge @!p0 [sflag:s8], $0x0  }
0x24: {  	s3 =	sadd.s32 $0x88, s3;
	s6 =	simm.s32 @!p1 $0x1082;
	[sflag:s4] =	ssyncset.s32 $0xFFFFF086  }
0x25: {  	[simem:s6], [sflag:s4] =	dma.local [hbm:s3], $0xF7A  }
0x26: {  	[smem:$0x3F97] =	sst s1;
	(tag) =	ssettag s2;
	_ =	strace s9  }
0x27: {  	s1 =	sld [smem:$0x3FA7]  }
0x28: {  	s2 =	sld [smem:$0x3FA8]  }
0x29: {  	s4 =	sld [smem:$0x3FAA]  }
0x2a: {  	p0 =	seq.s32 s5, $0x0;
	s5 =	sld [smem:$0x3FAB]  }
0x2b: {  	s6 =	sld [smem:$0x3FAC]  }
0x2c: {  	s7 =	sld [smem:$0x3FAD]  }
0x2d: {  	s3 =	simm.s32 $0x108;
	s8 =	sld [smem:$0x3FAE]  }
0x2e: {  	s3 =	simm.s32 @!p0 $0x1082;
	s9 =	sld [smem:$0x3FAF]  }
0x2f: {  	lr =	sadd.s32 s0, s3;
	s0 =	sld [smem:$0x3FA6]  }
0x30: {  	s3 =	sld [smem:$0x3FA9]  }
0x31: {  	[smem:$0x3FB2] =	sst s10  }
0x32: {  	s10 =	sld [smem:$0x3FB0];
	_ =	sdelay $0x3  }
0x33: {  	p0 =	seq.s32 s10, $0x1;
	s10 =	sld [smem:$0x3FB2];
	_ =	sdelay $0x3  }
0x34: {  	[smem:$0x3FB2] =	sst s10  }
0x35: {  	s10 =	sld [smem:$0x3FB1];
	_ =	sdelay $0x3  }
0x36: {  	p1 =	seq.s32 s10, $0x1;
	s10 =	sld [smem:$0x3FB2];
	_ =	sdelay $0x3  }
0x37: {  	[smem:$0x3FB2] =	sst s10  }
0x38: {  	s10 =	sld [smem:$0x3FB3]  }
0x39: {  	_ = 	snop;
	(pc) =	sbr.ind lr, $3  }
0x3a: {  	_ = 	snop  }
0x3b: {  	_ = 	snop  }
0x3c: {  	p2 =	seq.s32 s10, $0x1;
	s10 =	sld [smem:$0x3FB2]  }
0x3d: {  	_ =	shalt  }
0x3e: {  	_ =	shalt  }
0x3f: {  	_ =	shalt  }
0x40: {  	_ =	shalt  }
0x41: {  	_ =	shalt  }
0x42: {  	_ =	shalt  }
0x43: {  	_ =	shalt  }
0x44: {  	_ =	shalt  }
0x45: {  	_ =	shalt  }
0x46: {  	_ =	shalt  }
0x47: {  	_ =	shalt  }
0x48: {  	_ =	shalt  }
0x49: {  	_ =	shalt  }
0x4a: {  	_ =	shalt  }
0x4b: {  	_ =	shalt  }
0x4c: {  	_ =	shalt  }
0x4d: {  	_ =	shalt  }
0x4e: {  	_ =	shalt  }
0x4f: {  	_ =	shalt  }
0x50: {  	_ =	shalt  }
0x51: {  	_ =	shalt  }
0x52: {  	_ =	shalt  }
0x53: {  	_ =	shalt  }
0x54: {  	_ =	shalt  }
0x55: {  	_ =	shalt  }
0x56: {  	_ =	shalt  }
0x57: {  	_ =	shalt  }
0x58: {  	_ =	shalt  }
0x59: {  	_ =	shalt  }
0x5a: {  	_ =	shalt  }
0x5b: {  	_ =	shalt  }
0x5c: {  	_ =	shalt  }
0x5d: {  	_ =	shalt  }
0x5e: {  	_ =	shalt  }
0x5f: {  	_ =	shalt  }
0x60: {  	_ =	shalt  }
0x61: {  	_ =	shalt  }
0x62: {  	_ =	shalt  }
0x63: {  	_ =	shalt  }
0x64: {  	_ =	shalt  }
0x65: {  	_ =	shalt  }
0x66: {  	_ =	shalt  }
0x67: {  	_ =	shalt  }
0x68: {  	_ =	shalt  }
0x69: {  	_ =	shalt  }
0x6a: {  	_ =	shalt  }
0x6b: {  	_ =	shalt  }
0x6c: {  	_ =	shalt  }
0x6d: {  	_ =	shalt  }
0x6e: {  	_ =	shalt  }
0x6f: {  	_ =	shalt  }
0x70: {  	_ =	shalt  }
0x71: {  	_ =	shalt  }
0x72: {  	_ =	shalt  }
0x73: {  	_ =	shalt  }
0x74: {  	_ =	shalt  }
0x75: {  	_ =	shalt  }
0x76: {  	_ =	shalt  }
0x77: {  	_ =	shalt  }
0x78: {  	_ =	shalt  }
0x79: {  	_ =	shalt  }
0x7a: {  	_ =	shalt  }
0x7b: {  	_ =	shalt  }
0x7c: {  	_ =	shalt  }
0x7d: {  	_ =	shalt  }
0x7e: {  	_ =	shalt  }
0x7f: {  	_ =	shalt  }
0x80: {  	_ =	shalt  }
0x81: {  	_ =	shalt  }
0x82: {  	_ =	shalt  }
0x83: {  	_ =	shalt  }
0x84: {  	_ =	shalt  }
0x85: {  	_ =	shalt  }
0x86: {  	_ =	shalt  }
0x87: {  	_ =	shalt  }
.Lfunc_end0:
.L_simem_size_0:
called_computation.2_lowered:
.L_overlay_start_0:
0x88: {  	s2 =	sld [smem:$0x3FD9]  }
0x89: {  	s3 =	sld [smem:$0x3FFE];
	_ =	sdelay $0x1  }
0x8a: {  	s1 =	srdreg.scid  }
0x8b: {  	s0 =	sand.u32 $0x1, s1  }
0x8c: {  	s15 =	sshll.u32 s0, $0xA;
	s2 =	sadd.s32 s3, s2  }
0x8d: {  	s2 =	sadd.s32 s2, s15  }
0x8e: {  	[smem:$0x3FBE] =	sst s2  }
0x8f: {  	_ = 	snop  }
0x90: {  	s2 =	sld [smem:$0x3FD0];
	_ =	sdelay $0x2  }
0x91: {  	s16 =	simm.s32 $0xB;
	s4 =	simm.s32 $0x10  }
0x92: {  	[smem:s4], [sflag:s16] =	dma.local [hbm:s2], $0x1  }
0x93: {  	_ =	swait.eq [sflag:s16], $0x1  }
0x94: {  	[sflag:s16] =	ssyncset.done $0x0  }
0x95: {  	[sflag:s16] =	ssyncadd.s32 $0xFFFFFFFF  }
0x96: {  	s17 =	sld [smem:$0x10];
	(tm) =	ssettm $0x1  }
0x97: {  	s18 =	sld [smem:$0x3FFB];
	_ =	sdelay $0x3  }
0x98: {  	_ =	strace s18  }
0x99: {  	s2 =	sld [smem:$0x3FFC];
	_ =	sdelay $0x3  }
0x9a: {  	_ =	strace s2  }
0x9b: {  	s2 =	sld [smem:$0x3FFD];
	_ =	sdelay $0x3  }
0x9c: {  	_ =	strace s2  }
0x9d: {  	_ =	strace $0x8FFFFFFF  }
0x9e: {  	s19 =	sld [smem:$0x3FDB];
	_ =	sdelay $0x1  }
0x9f: {  	s20 =	simm.s32 $_scs_section_size  }
0xa0: {  	s5 =	simm.s32 $_size__tile_overlayer_lowered;
	s6 =	simm.s32 $_tile_overlayer_lowered  }
0xa1: {  	s7 =	simm.s32 $0x1BFF;
	s21 =	sshll.u32 s6, $0x1;
	s4 =	sadd.s32 s20, s19  }
0xa2: {  	s22 =	simm.s32 $0x0;
	s5 =	sshll.u32 s5, $0x1;
	s6 =	sadd.s32 s21, s4  }
0xa3: {  	[timem:s22], [sflag:s7] =	dma.local [hbm:s6], s5  }
0xa4: {  	_ =	swait.ge [sflag:s7], s5  }
0xa5: {  	s5 =	ssub.s32 $0x0, s5;
	[sflag:s7] =	ssyncset.done $0x0  }
0xa6: {  	[sflag:s7] =	ssyncadd.s32 s5;
	_ =	sdelay $0x1  }
0xa7: {  	s23 =	simm.s32 $0x1B8B  }
0xa8: {  	_ =	swait.ge [sflag:s23], $0x1  }
0xa9: {  	[sflag:s23] =	ssyncset.done $0x0  }
0xaa: {  	[sflag:s23] =	ssyncadd.s32 $0xFFFFFFFF  }
0xab: {  	s5 =	sld [smem:$0x0]  }
0xac: {  	s6 =	sand.u32 $0xFFFFFFFE, s1  }
0xad: {  	p0 =	sne.s32 s1, s6  }
0xae: {  	s6 =	sshll.u32 @p0 s6, $0xE  }
0xaf: {  	s6 =	sadd.s32 @p0 $0x11B8D, s6;
	s7 =	sshll.u32 @p0 s5, $0x11  }
0xb0: {  	s6 =	sor.u32 @p0 s7, s6  }
0xb1: {  	[sflag:s6] =	ssyncadd.remote.s32 @p0 $0x1;
	_ =	sdelay $0x1  }
0xb2: {  	s6 =	simm.s32 @p0 $0x1B8D  }
0xb3: {  	_ =	swait.eq @p0 [sflag:s6], $0x1  }
0xb4: {  	[sflag:s6] =	ssyncadd.s32 @p0 $0xFFFFFFFF  }
0xb5: {  	s7 =	sshll.u32 @!p0 s1, $0xE  }
0xb6: {  	s7 =	sor.u32 @!p0 $0x4000, s7;
	s6 =	simm.s32 @!p0 $0x1B8D  }
0xb7: {  	s5 =	sshll.u32 @!p0 s5, $0x11;
	s7 =	sadd.s32 @!p0 $0x11B8D, s7;
	_ =	swait.eq @!p0 [sflag:s6], $0x1  }
0xb8: {  	s5 =	sor.u32 @!p0 s5, s7;
	[sflag:s6] =	ssyncadd.s32 @!p0 $0xFFFFFFFF  }
0xb9: {  	s25 =	simm.s32 $0x1B8E;
	s24 =	sld [smem:$0x3FFE];
	[sflag:s5] =	ssyncadd.remote.s32 @!p0 $0x1  }
0xba: {  	s26 =	simm.s32 $execute0_lowered;
	[smem:$0x3FD2] =	sst s25  }
0xbb: {  	s6 =	sshll.u32 s26, $0x1;
	_ =	strace $0x8000004C;
	[dreg:$0x1] =	wrdreg $0xFFFFFFFF  }
0xbc: {  	s28 =	simm.s32 $_size_execute0_lowered;
	s4 =	sadd.s32 s4, s6;
	[dreg:$0x0] =	wrdreg $0x0  }
0xbd: {  	s6 =	sshll.u32 s28, $0x1;
	[dreg:$0x2] =	wrdreg s4  }
0xbe: {  	[dreg:$0x3] =	wrdreg s6  }
0xbf: {  	[dreg:$0x4] =	wrdreg $0xC0  }
0xc0: {  	_ =	task [dreg:s22], $0x5FFFF  }
0xc1: {  	[dreg:$0x1] =	wrdreg $0xFFFFFFFF  }
0xc2: {  	[dreg:$0x0] =	wrdreg $0x60  }
0xc3: {  	[dreg:$0x2] =	wrdreg s24  }
0xc4: {  	[dreg:$0x3] =	wrdreg s17  }
0xc5: {  	[dreg:$0x4] =	wrdreg $0xA  }
0xc6: {  	_ =	task.clear_ibuf [dreg:s22], $0x5FFFF;
	_ =	strace $0x9000004C  }
0xc7: {  	s29 =	simm.s32 $0xA;
	_ =	strace $0x8000004E  }
0xc8: {  	_ =	swait.ge [sflag:s29], $0x1  }
0xc9: {  	[sflag:s29] =	ssyncadd.s32 $0xFFFFFFFF  }
0xca: {  	_ =	strace $0x9000004E  }
0xcb: {  	_ =	sfence  }
0xcc: {  	s30 =	sld [smem:$0x0];
	_ =	sdelay $0x2  }
0xcd: {  	s31 =	sshll.u32 s1, $0xD;
	s1 =	sshrl.u32 s1, $0x2  }
0xce: {  	s4 =	sand.u32 $0x4000, s31;
	s1 =	sadd.s32 s1, s30  }
0xcf: {  	s0 =	sor.u32 s4, s0;
	s1 =	sshll.u32 s1, $0x11  }
0xd0: {  	s0 =	sor.u32 s1, s0  }
0xd1: {  	s0 =	sadd.s32 $0x8F2B, s0  }
0xd2: {  	[sflag:s0] =	ssyncadd.remote.s32 $0x1  }
0xd3: {  	_ =	sfence.sel $0xFFFF  }
0xd4: {  	[dreg:$0x0] =	wrdreg $0xFFFFFFFF;
	(pc) =	sbr.abs _section_cstart, $3  }
0xd5: {  	[dreg:$0x1] =	wrdreg $0xFFFFFFFF  }
0xd6: {  	_ =	task.clear_ibuf [dreg:s22], $0x2FFFF;
	_ =	strace $0x9FFFFFFF  }
0xd7: {  	(tm) =	ssettm $0x7FFFFFFF  }
tec
execute0_lowered:
.L_overlay_start_1:
0x0: {  	(tag) =	ssettag $0x1  }
0x1: {  	s1 =	srdreg.scid  }
0x2: {  	s4 =	rddreg [dreg:$0x0];
	s0 =	stileid.u32  }
0x3: {  	s2 =	rddreg [dreg:$0x1];
	s3 =	simm.s32 $0x0;
	s7 =	simm.s32 $0x2  }
0x4: {  	s8 =	simm.s32 $0x80;
	s26 =	simm.s32 $0x880;
	s9 =	simm.s32 $0x1080  }
0x5: {  	s10 =	simm.s32 $0x1880;
	s11 =	simm.s32 $0x2080;
	s12 =	simm.s32 $0x2880  }
0x6: {  	s13 =	simm.s32 $0x3080;
	s14 =	simm.s32 $0x3880;
	s15 =	simm.s32 $0x4080  }
0x7: {  	s16 =	simm.s32 $0x4880;
	s17 =	simm.s32 $0x5080;
	s18 =	simm.s32 $0x5880  }
0x8: {  	s19 =	simm.s32 $0x6080;
	s20 =	simm.s32 $0x6880;
	s21 =	simm.s32 $0x7080  }
0x9: {  	s22 =	simm.s32 $0x7880;
	s23 =	simm.s32 $0x8080;
	s24 =	simm.s32 $0x8880  }
0xa: {  	s28 =	simm.s32 $0xA080;
	s29 =	simm.s32 $0xA880;
	s30 =	simm.s32 $0xB080  }
0xb: {  	s31 =	simm.s32 $0xB880;
	s1 =	sand.u32 $0x1, s1;
	[smem:$0x7FF] =	sst s3  }
0xc: {  	s5 =	sshll.u32 s0, $0x4;
	s6 =	sshll.u32 s1, $0x3;
	_ =	strace $0x8000004D  }
0xd: {  	s1 =	ssub.s32 $0x2, s1;
	[dreg:$0x5] =	wrdreg s26;
	s5 =	sor.u32 s6, s5  }
0xe: {  	s25 =	sshrl.u32 s1, $0x1;
	s6 =	smul.u32 $0x300, s5;
	s5 =	sadd.s32 s5, s4  }
0xf: {  	s26 =	simm.s32 $0x9880;
	s1 =	ssub.s32 s1, s25;
	s5 =	sadd.s32 $0x35600, s5  }
0x10: {  	v2 =	vlaneseq.u32;
	s25 =	simm.s32 $0x9080;
	s4 =	sadd.s32 s6, s4;
	[dreg:$0x3] =	wrdreg s5  }
0x11: {  	vm0 =	vmmov $0xffff;
	v1 =	vshrl.u32 v2, $0x3;
	s5 =	sadd.s32 $0x200, s2;
	s6 =	smax.u32 s1, $0x1;
	s4 =	sadd.s32 $0x5600, s4  }
0x12: {  	v0 =	vand.u32 $0x7, v2;
	v2 =	vor.u32 $0x8, v2;
	v1 =	vmul.u32 $0x8, v1;
	s1 =	simm.s32 $0x1;
	[dreg:$0x4] =	wrdreg s4;
	s4 =	sadd.s32 $0x100, s2  }
.LBB2_1:
0x13: {  	s0 =	rddreg [dreg:$0x3]  }
0x14: {  	[tilespmem:s3], [sflag:$0x2] =	stream.linear.gather [hbm4b:s0+s3], $0x40, $0x38;
	[tilespmem:$0xC080] =	vst v63  }
0x15: {  	_ =	swait.ge [sflag:s7], $0x40  }
0x16: {  	[sflag:s7] =	ssyncset.done $0x0  }
0x17: {  	s0 =	rddreg [dreg:$0x4];
	[sflag:s7] =	ssyncadd.s32 $0xFFFFFFC0  }
0x18: {  	[tilespmem:s8], [sflag:$0x2] =	stream.linear.gather [hbm4b:s0+s3], $0xC000, $0x38;
	[tilespmem:$0xC080] =	vst v63  }
0x19: {  	_ =	swait.ge [sflag:s7], $0xC000  }
0x1a: {  	[sflag:s7] =	ssyncset.done $0x0  }
0x1b: {  	[sflag:s7] =	ssyncadd.s32 $0xFFFF4000  }
0x1c: {  	v3 =	vld [tilespmem:$0x0];
	_ =	sdelay $0x4  }
0x1d: {  	v4 =	vshrl.u32 v3, $0x3  }
0x1e: {  	v4 =	vmul.u32 $0x30, v4  }
0x1f: {  	v3 =	vand.u32 $0x7, v3  }
0x20: {  	v3 =	vor.u32 v3, v4  }
0x21: {  	v4 =	vperm.xlane v3, v0;
	_ =	sdelay $0x1  }
0x22: {  	v4 =	vadd.s32 v1, v4;
	_ =	sdelay $0x3  }
0x23: {  	v3 =	vperm.xlane v3, v2  }
0x24: {  	[hbm4b:s2+s3] =	stream.indirect_vreg.scatter [tilespmem:s8], [sflag:$0x1], $0x80, v4, vm0, $0xb8;
	[tilespmem:$0xC080] =	vst v63  }
0x25: {  	s0 =	rddreg [dreg:$0x5];
	v3 =	vadd.s32 v1, v3  }
0x26: {  	[hbm4b:s4+s3] =	stream.indirect_vreg.scatter [tilespmem:s0], [sflag:$0x1], $0x80, v4, vm0, $0xb8;
	[tilespmem:$0xC080] =	vst v63  }
0x27: {  	_ = 	snop  }
0x28: {  	[hbm4b:s5+s3] =	stream.indirect_vreg.scatter [tilespmem:s9], [sflag:$0x1], $0x80, v4, vm0, $0xb8;
	[tilespmem:$0xC080] =	vst v63  }
0x29: {  	_ = 	snop  }
0x2a: {  	[hbm4b:s2+s3] =	stream.indirect_vreg.scatter [tilespmem:s10], [sflag:$0x1], $0x80, v3, vm0, $0xb8;
	[tilespmem:$0xC080] =	vst v63  }
0x2b: {  	_ = 	snop  }
0x2c: {  	[hbm4b:s4+s3] =	stream.indirect_vreg.scatter [tilespmem:s11], [sflag:$0x1], $0x80, v3, vm0, $0xb8;
	[tilespmem:$0xC080] =	vst v63  }
0x2d: {  	_ = 	snop  }
0x2e: {  	[hbm4b:s5+s3] =	stream.indirect_vreg.scatter [tilespmem:s12], [sflag:$0x1], $0x80, v3, vm0, $0xb8;
	[tilespmem:$0xC080] =	vst v63  }
0x2f: {  	v3 =	vld [tilespmem:$0x10];
	_ =	sdelay $0x4  }
0x30: {  	v61 =	vshrl.u32 v3, $0x3  }
0x31: {  	v4 =	vmul.u32 $0x30, v61  }
0x32: {  	v3 =	vand.u32 $0x7, v3  }
0x33: {  	v3 =	vor.u32 v3, v4  }
0x34: {  	v4 =	vperm.xlane v3, v0;
	_ =	sdelay $0x1  }
0x35: {  	v4 =	vadd.s32 v1, v4;
	_ =	sdelay $0x3  }
0x36: {  	v3 =	vperm.xlane v3, v2  }
0x37: {  	[hbm4b:s2+s3] =	stream.indirect_vreg.scatter [tilespmem:s13], [sflag:$0x1], $0x80, v4, vm0, $0xb8;
	[tilespmem:$0xC080] =	vst v63  }
0x38: {  	v3 =	vadd.s32 v1, v3  }
0x39: {  	[hbm4b:s4+s3] =	stream.indirect_vreg.scatter [tilespmem:s14], [sflag:$0x1], $0x80, v4, vm0, $0xb8;
	[tilespmem:$0xC080] =	vst v63  }
0x3a: {  	_ = 	snop  }
0x3b: {  	[hbm4b:s5+s3] =	stream.indirect_vreg.scatter [tilespmem:s15], [sflag:$0x1], $0x80, v4, vm0, $0xb8;
	[tilespmem:$0xC080] =	vst v63  }
0x3c: {  	_ = 	snop  }
0x3d: {  	[hbm4b:s2+s3] =	stream.indirect_vreg.scatter [tilespmem:s16], [sflag:$0x1], $0x80, v3, vm0, $0xb8;
	[tilespmem:$0xC080] =	vst v63  }
0x3e: {  	_ = 	snop  }
0x3f: {  	[hbm4b:s4+s3] =	stream.indirect_vreg.scatter [tilespmem:s17], [sflag:$0x1], $0x80, v3, vm0, $0xb8;
	[tilespmem:$0xC080] =	vst v63  }
0x40: {  	_ = 	snop  }
0x41: {  	[hbm4b:s5+s3] =	stream.indirect_vreg.scatter [tilespmem:s18], [sflag:$0x1], $0x80, v3, vm0, $0xb8;
	[tilespmem:$0xC080] =	vst v63  }
0x42: {  	v3 =	vld [tilespmem:$0x20];
	_ =	sdelay $0x4  }
0x43: {  	v62 =	vshrl.u32 v3, $0x3  }
0x44: {  	v4 =	vmul.u32 $0x30, v62  }
0x45: {  	v3 =	vand.u32 $0x7, v3  }
0x46: {  	v3 =	vor.u32 v3, v4  }
0x47: {  	v4 =	vperm.xlane v3, v0;
	_ =	sdelay $0x1  }
0x48: {  	v4 =	vadd.s32 v1, v4;
	_ =	sdelay $0x3  }
0x49: {  	v3 =	vperm.xlane v3, v2  }
0x4a: {  	[hbm4b:s2+s3] =	stream.indirect_vreg.scatter [tilespmem:s19], [sflag:$0x1], $0x80, v4, vm0, $0xb8;
	[tilespmem:$0xC080] =	vst v63  }
0x4b: {  	v3 =	vadd.s32 v1, v3  }
0x4c: {  	[hbm4b:s4+s3] =	stream.indirect_vreg.scatter [tilespmem:s20], [sflag:$0x1], $0x80, v4, vm0, $0xb8;
	[tilespmem:$0xC080] =	vst v63  }
0x4d: {  	_ = 	snop  }
0x4e: {  	[hbm4b:s5+s3] =	stream.indirect_vreg.scatter [tilespmem:s21], [sflag:$0x1], $0x80, v4, vm0, $0xb8;
	[tilespmem:$0xC080] =	vst v63  }
0x4f: {  	_ = 	snop  }
0x50: {  	[hbm4b:s2+s3] =	stream.indirect_vreg.scatter [tilespmem:s22], [sflag:$0x1], $0x80, v3, vm0, $0xb8;
	[tilespmem:$0xC080] =	vst v63  }
0x51: {  	_ = 	snop  }
0x52: {  	[hbm4b:s4+s3] =	stream.indirect_vreg.scatter [tilespmem:s23], [sflag:$0x1], $0x80, v3, vm0, $0xb8;
	[tilespmem:$0xC080] =	vst v63  }
0x53: {  	_ = 	snop  }
0x54: {  	[hbm4b:s5+s3] =	stream.indirect_vreg.scatter [tilespmem:s24], [sflag:$0x1], $0x80, v3, vm0, $0xb8;
	[tilespmem:$0xC080] =	vst v63  }
0x55: {  	v3 =	vld [tilespmem:$0x30];
	_ =	sdelay $0x4  }
0x56: {  	v63 =	vshrl.u32 v3, $0x3  }
0x57: {  	v4 =	vmul.u32 $0x30, v63  }
0x58: {  	v3 =	vand.u32 $0x7, v3  }
0x59: {  	v3 =	vor.u32 v3, v4  }
0x5a: {  	v4 =	vperm.xlane v3, v0;
	_ =	sdelay $0x1  }
0x5b: {  	v4 =	vadd.s32 v1, v4;
	_ =	sdelay $0x3  }
0x5c: {  	v3 =	vperm.xlane v3, v2  }
0x5d: {  	[hbm4b:s2+s3] =	stream.indirect_vreg.scatter [tilespmem:s25], [sflag:$0x1], $0x80, v4, vm0, $0xb8;
	[tilespmem:$0xC080] =	vst v63  }
0x5e: {  	v3 =	vadd.s32 v1, v3  }
0x5f: {  	[hbm4b:s4+s3] =	stream.indirect_vreg.scatter [tilespmem:s26], [sflag:$0x1], $0x80, v4, vm0, $0xb8;
	[tilespmem:$0xC080] =	vst v63  }
0x60: {  	_ = 	snop  }
0x61: {  	[hbm4b:s5+s3] =	stream.indirect_vreg.scatter [tilespmem:s28], [sflag:$0x1], $0x80, v4, vm0, $0xb8;
	[tilespmem:$0xC080] =	vst v63  }
0x62: {  	_ = 	snop  }
0x63: {  	[hbm4b:s2+s3] =	stream.indirect_vreg.scatter [tilespmem:s29], [sflag:$0x1], $0x80, v3, vm0, $0xb8;
	[tilespmem:$0xC080] =	vst v63  }
0x64: {  	p0 =	sne.s32 s6, $0x1  }
0x65: {  	[hbm4b:s4+s3] =	stream.indirect_vreg.scatter [tilespmem:s30], [sflag:$0x1], $0x80, v3, vm0, $0xb8;
	[tilespmem:$0xC080] =	vst v63  }
.Ltmp0:
0x66: {  	_ = 	snop;
	(pc) =	sbr.rel @p0 .LBB2_1-.Ltmp0, $4  }
0x67: {  	[hbm4b:s5+s3] =	stream.indirect_vreg.scatter [tilespmem:s31], [sflag:$0x1], $0x80, v3, vm0, $0xb8;
	[tilespmem:$0xC080] =	vst v63  }
0x68: {  	_ =	swait.ge [sflag:s1], $0xC000  }
0x69: {  	[sflag:s1] =	ssyncset.done $0x0  }
0x6a: {  	s6 =	sadd.s32 $0xFFFFFFFF, s6;
	[sflag:s1] =	ssyncadd.s32 $0xFFFF4000  }
0x6b: {  	_ =	sfence.sel $0x180000  }
0x6c: {  	[bflag:$0x0] =	sbarrier.arrive $0xFFFF  }
0x6d: {  	_ =	strace $0x9000004D  }
0x6e: {  	s0 =	stileid.u32;
	[bflag:$0x2] =	sbarrier.arrive $0xFFFF  }
0x6f: {  	p0 =	sne.s32 s0, $0x0;
	s0 =	rddreg [dreg:$0x2]  }
0x70: {  	s0 =	sadd.s32 @!p0 $0x100000, s0  }
0x71: {  	[sflag:s0] =	ssyncadd.tile.s32 @!p0 $0x1;
	_ =	shalt  }
.Lfunc_end2:
_tile_overlayer_lowered:
.L_overlay_start_2:
0x72: {  	(tag) =	ssettag $0x2  }
0x73: {  	s0 =	rddreg [dreg:$0x0];
	s2 =	stileid.u32  }
0x74: {  	s1 =	rddreg [dreg:$0x1];
	p0 =	sne.s32 s2, $0x0  }
0x75: {  	s3 =	rddreg [dreg:$0x2];
	[bflag:$0x3] =	sbarrier.arrive $0xFFFF;
	s2 =	simm.s32 @!p0 $0x1C02  }
0x76: {  	[timem:s3], [sflag:s2] =	dma.local @!p0 [hbm:s0], s1  }
0x77: {  	s0 =	simm.s32 @!p0 $0x2  }
0x78: {  	_ =	swait.ge @!p0 [sflag:s0], s1  }
0x79: {  	s1 =	ssub.s32 @!p0 $0x0, s1;
	[sflag:s0] =	ssyncset.done @!p0 $0x0  }
0x7a: {  	[sflag:s0] =	ssyncadd.s32 @!p0 s1  }
0x7b: {  	[bflag:$0x3] =	sbarrier.arrive $0xFFFF  }
0x7c: {  	_ =	shalt  }

// kernel: kernel.19.cloned.1.call-start
scs
__scs_entry_jumppad:
0x0: {  	(pc) =	sbr.rel $0x88, $3  }
0x1: {  	(tag) =	ssettag $0x0;
	lr =	simm.s32 $0x1  }
0x2: {  	[smem:$0x3F97] =	sst lr;
	_ =	strace $0xD0000000  }
0x3: {  	_ = 	snop  }
0x4: {  	_ = 	snop  }
0x5: {  	_ = 	snop  }
0x6: {  	_ = 	snop  }
0x7: {  	_ = 	snop  }
__scs_overlays_trampoline_lowered:
0x8: {  	[smem:$0x3FA6] =	sst s0  }
0x9: {  	[smem:$0x3FA7] =	sst s1  }
0xa: {  	[smem:$0x3FA8] =	sst s2  }
0xb: {  	[smem:$0x3FA9] =	sst s3  }
0xc: {  	[smem:$0x3FAA] =	sst s4  }
0xd: {  	[smem:$0x3FAB] =	sst s5  }
0xe: {  	[smem:$0x3FAC] =	sst s6  }
0xf: {  	[smem:$0x3FAD] =	sst s7  }
0x10: {  	[smem:$0x3FAE] =	sst s8  }
0x11: {  	[smem:$0x3FAF] =	sst s9;
	s0 =	simm.s32 @!p0 $0x0  }
0x12: {  	s1 =	sld [smem:$0x3F95];
	s0 =	simm.s32 @p0 $0x1  }
0x13: {  	[smem:$0x3FB0] =	sst s0;
	s0 =	simm.s32 @!p1 $0x0  }
0x14: {  	s2 =	sld [smem:$0x3F94];
	s0 =	simm.s32 @p1 $0x1  }
0x15: {  	[smem:$0x3FB1] =	sst s0;
	s0 =	simm.s32 @!p2 $0x0  }
0x16: {  	s3 =	sld [smem:$0x3FDB];
	s0 =	simm.s32 @p2 $0x1  }
0x17: {  	s4 =	simm.s32 $0x1BF5;
	[smem:$0x3FB3] =	sst s0  }
0x18: {  	s0 =	sld [smem:$0x3F96];
	_ =	swait.ge [sflag:s4], $0x0  }
0x19: {  	s7 =	sld [smem:$0x3F97]  }
0x1a: {  	s8 =	sadd.s32 $0xFFFFE003, lr  }
0x1b: {  	s9 =	sadd.s32 $0xFFFFFEF7, lr;
	s5 =	simm.s32 $0xFFFFFFFF;
	p2 =	slt.u32 s8, $0xFFFFF086  }
0x1c: {  	p1 =	slt.u32 s9, $0xF7A;
	s5 =	simm.s32 @!p2 $0x0  }
0x1d: {  	s5 =	simm.s32 @p1 $0x1;
	p0 =	seq.s32 s7, s2  }
0x1e: {  	s7 =	smul.u32 @!p0 $0xF7A, s2;
	p2 =	seq.s32 @!p0 s5, $0x0  }
0x1f: {  	s9 =	smul.u32 $0xF7A, s1;
	s8 =	simm.s32 @!p0 $0x1BF5;
	p2 =	por !p2, p0  }
0x20: {  	[sflag:s8] =	ssyncset.s32 @!p0 $0xFFFFF086;
	s6 =	sadd.s32 @!p0 s3, s7;
	s7 =	simm.s32 @!p0 $0x108  }
0x21: {  	s3 =	sadd.s32 s3, s9;
	s6 =	sadd.s32 @!p0 $0x88, s6;
	s7 =	simm.s32 @p2 $0x1082  }
0x22: {  	[simem:s7], [sflag:s8] =	dma.local @!p0 [hbm:s6], $0xF7A  }
0x23: {  	s9 =	sor.u32 $0xD0000000, s2;
	s6 =	simm.s32 $0x108;
	_ =	swait.ge @!p0 [sflag:s8], $0x0  }
0x24: {  	s3 =	sadd.s32 $0x88, s3;
	s6 =	simm.s32 @!p1 $0x1082;
	[sflag:s4] =	ssyncset.s32 $0xFFFFF086  }
0x25: {  	[simem:s6], [sflag:s4] =	dma.local [hbm:s3], $0xF7A  }
0x26: {  	[smem:$0x3F97] =	sst s1;
	(tag) =	ssettag s2;
	_ =	strace s9  }
0x27: {  	s1 =	sld [smem:$0x3FA7]  }
0x28: {  	s2 =	sld [smem:$0x3FA8]  }
0x29: {  	s4 =	sld [smem:$0x3FAA]  }
0x2a: {  	p0 =	seq.s32 s5, $0x0;
	s5 =	sld [smem:$0x3FAB]  }
0x2b: {  	s6 =	sld [smem:$0x3FAC]  }
0x2c: {  	s7 =	sld [smem:$0x3FAD]  }
0x2d: {  	s3 =	simm.s32 $0x108;
	s8 =	sld [smem:$0x3FAE]  }
0x2e: {  	s3 =	simm.s32 @!p0 $0x1082;
	s9 =	sld [smem:$0x3FAF]  }
0x2f: {  	lr =	sadd.s32 s0, s3;
	s0 =	sld [smem:$0x3FA6]  }
0x30: {  	s3 =	sld [smem:$0x3FA9]  }
0x31: {  	[smem:$0x3FB2] =	sst s10  }
0x32: {  	s10 =	sld [smem:$0x3FB0];
	_ =	sdelay $0x3  }
0x33: {  	p0 =	seq.s32 s10, $0x1;
	s10 =	sld [smem:$0x3FB2];
	_ =	sdelay $0x3  }
0x34: {  	[smem:$0x3FB2] =	sst s10  }
0x35: {  	s10 =	sld [smem:$0x3FB1];
	_ =	sdelay $0x3  }
0x36: {  	p1 =	seq.s32 s10, $0x1;
	s10 =	sld [smem:$0x3FB2];
	_ =	sdelay $0x3  }
0x37: {  	[smem:$0x3FB2] =	sst s10  }
0x38: {  	s10 =	sld [smem:$0x3FB3]  }
0x39: {  	_ = 	snop;
	(pc) =	sbr.ind lr, $3  }
0x3a: {  	_ = 	snop  }
0x3b: {  	_ = 	snop  }
0x3c: {  	p2 =	seq.s32 s10, $0x1;
	s10 =	sld [smem:$0x3FB2]  }
0x3d: {  	_ =	shalt  }
0x3e: {  	_ =	shalt  }
0x3f: {  	_ =	shalt  }
0x40: {  	_ =	shalt  }
0x41: {  	_ =	shalt  }
0x42: {  	_ =	shalt  }
0x43: {  	_ =	shalt  }
0x44: {  	_ =	shalt  }
0x45: {  	_ =	shalt  }
0x46: {  	_ =	shalt  }
0x47: {  	_ =	shalt  }
0x48: {  	_ =	shalt  }
0x49: {  	_ =	shalt  }
0x4a: {  	_ =	shalt  }
0x4b: {  	_ =	shalt  }
0x4c: {  	_ =	shalt  }
0x4d: {  	_ =	shalt  }
0x4e: {  	_ =	shalt  }
0x4f: {  	_ =	shalt  }
0x50: {  	_ =	shalt  }
0x51: {  	_ =	shalt  }
0x52: {  	_ =	shalt  }
0x53: {  	_ =	shalt  }
0x54: {  	_ =	shalt  }
0x55: {  	_ =	shalt  }
0x56: {  	_ =	shalt  }
0x57: {  	_ =	shalt  }
0x58: {  	_ =	shalt  }
0x59: {  	_ =	shalt  }
0x5a: {  	_ =	shalt  }
0x5b: {  	_ =	shalt  }
0x5c: {  	_ =	shalt  }
0x5d: {  	_ =	shalt  }
0x5e: {  	_ =	shalt  }
0x5f: {  	_ =	shalt  }
0x60: {  	_ =	shalt  }
0x61: {  	_ =	shalt  }
0x62: {  	_ =	shalt  }
0x63: {  	_ =	shalt  }
0x64: {  	_ =	shalt  }
0x65: {  	_ =	shalt  }
0x66: {  	_ =	shalt  }
0x67: {  	_ =	shalt  }
0x68: {  	_ =	shalt  }
0x69: {  	_ =	shalt  }
0x6a: {  	_ =	shalt  }
0x6b: {  	_ =	shalt  }
0x6c: {  	_ =	shalt  }
0x6d: {  	_ =	shalt  }
0x6e: {  	_ =	shalt  }
0x6f: {  	_ =	shalt  }
0x70: {  	_ =	shalt  }
0x71: {  	_ =	shalt  }
0x72: {  	_ =	shalt  }
0x73: {  	_ =	shalt  }
0x74: {  	_ =	shalt  }
0x75: {  	_ =	shalt  }
0x76: {  	_ =	shalt  }
0x77: {  	_ =	shalt  }
0x78: {  	_ =	shalt  }
0x79: {  	_ =	shalt  }
0x7a: {  	_ =	shalt  }
0x7b: {  	_ =	shalt  }
0x7c: {  	_ =	shalt  }
0x7d: {  	_ =	shalt  }
0x7e: {  	_ =	shalt  }
0x7f: {  	_ =	shalt  }
0x80: {  	_ =	shalt  }
0x81: {  	_ =	shalt  }
0x82: {  	_ =	shalt  }
0x83: {  	_ =	shalt  }
0x84: {  	_ =	shalt  }
0x85: {  	_ =	shalt  }
0x86: {  	_ =	shalt  }
0x87: {  	_ =	shalt  }
.Lfunc_end0:
.L_simem_size_0:
called_computation.3_lowered:
.L_overlay_start_0:
0x88: {  	s2 =	sld [smem:$0x3FD9]  }
0x89: {  	s3 =	sld [smem:$0x3FFE];
	_ =	sdelay $0x1  }
0x8a: {  	s1 =	srdreg.scid  }
0x8b: {  	s0 =	sand.u32 $0x1, s1  }
0x8c: {  	s14 =	sshll.u32 s0, $0xA;
	s2 =	sadd.s32 s3, s2  }
0x8d: {  	s2 =	sadd.s32 s2, s14  }
0x8e: {  	[smem:$0x3FBE] =	sst s2  }
0x8f: {  	_ = 	snop  }
0x90: {  	s2 =	sld [smem:$0x3FD0];
	_ =	sdelay $0x2  }
0x91: {  	s15 =	simm.s32 $0xB;
	s4 =	simm.s32 $0x10  }
0x92: {  	[smem:s4], [sflag:s15] =	dma.local [hbm:s2], $0x1  }
0x93: {  	_ =	swait.eq [sflag:s15], $0x1  }
0x94: {  	[sflag:s15] =	ssyncset.done $0x0  }
0x95: {  	[sflag:s15] =	ssyncadd.s32 $0xFFFFFFFF  }
0x96: {  	s16 =	sld [smem:$0x10];
	(tm) =	ssettm $0x1  }
0x97: {  	s17 =	sld [smem:$0x3FFB];
	_ =	sdelay $0x3  }
0x98: {  	_ =	strace s17  }
0x99: {  	s3 =	sld [smem:$0x3FFC];
	_ =	sdelay $0x3  }
0x9a: {  	_ =	strace s3  }
0x9b: {  	s3 =	sld [smem:$0x3FFD];
	_ =	sdelay $0x3  }
0x9c: {  	_ =	strace s3  }
0x9d: {  	_ =	strace $0x8FFFFFFF  }
0x9e: {  	s18 =	sld [smem:$0x3FDB];
	_ =	sdelay $0x1  }
0x9f: {  	s19 =	simm.s32 $_scs_section_size  }
0xa0: {  	s5 =	simm.s32 $_size__tile_overlayer_lowered;
	s6 =	simm.s32 $_tile_overlayer_lowered  }
0xa1: {  	s22 =	simm.s32 $0x1BFF;
	s21 =	sshll.u32 s6, $0x1;
	s3 =	sadd.s32 s19, s18  }
0xa2: {  	s7 =	simm.s32 $0x0;
	s20 =	sshll.u32 s5, $0x1;
	s5 =	sadd.s32 s21, s3  }
0xa3: {  	[timem:s7], [sflag:s22] =	dma.local [hbm:s5], s20  }
0xa4: {  	_ =	swait.ge [sflag:s22], s20  }
0xa5: {  	s4 =	ssub.s32 $0x0, s20;
	[sflag:s22] =	ssyncset.done $0x0  }
0xa6: {  	[sflag:s22] =	ssyncadd.s32 s4;
	_ =	sdelay $0x1  }
0xa7: {  	s23 =	simm.s32 $0x1B8B  }
0xa8: {  	_ =	swait.ge [sflag:s23], $0x1  }
0xa9: {  	[sflag:s23] =	ssyncset.done $0x0  }
0xaa: {  	s25 =	simm.s32 $0x1B8E;
	s24 =	sld [smem:$0x3FFE];
	[sflag:s23] =	ssyncadd.s32 $0xFFFFFFFF  }
0xab: {  	s26 =	simm.s32 $execute0_lowered;
	[smem:$0x3FD2] =	sst s25  }
0xac: {  	s5 =	sshll.u32 s26, $0x1;
	_ =	strace $0x8000004F;
	[dreg:$0x1] =	wrdreg $0xFFFFFFFF  }
0xad: {  	s28 =	simm.s32 $_size_execute0_lowered;
	s3 =	sadd.s32 s3, s5;
	[dreg:$0x0] =	wrdreg $0x0  }
0xae: {  	s5 =	sshll.u32 s28, $0x1;
	[dreg:$0x2] =	wrdreg s3  }
0xaf: {  	[dreg:$0x3] =	wrdreg s5  }
0xb0: {  	[dreg:$0x4] =	wrdreg $0xC0  }
0xb1: {  	_ =	task [dreg:s7], $0x5FFFF  }
0xb2: {  	[dreg:$0x1] =	wrdreg $0xFFFFFFFF  }
0xb3: {  	[dreg:$0x0] =	wrdreg $0x60  }
0xb4: {  	[dreg:$0x2] =	wrdreg s24  }
0xb5: {  	[dreg:$0x3] =	wrdreg s16  }
0xb6: {  	[dreg:$0x4] =	wrdreg $0x9  }
0xb7: {  	_ =	task.clear_ibuf [dreg:s7], $0x5FFFF;
	_ =	strace $0x9000004F  }
0xb8: {  	s29 =	simm.s32 $0x9;
	_ =	strace $0x80000051  }
0xb9: {  	_ =	swait.ge [sflag:s29], $0x1  }
0xba: {  	[sflag:s29] =	ssyncadd.s32 $0xFFFFFFFF  }
0xbb: {  	_ =	strace $0x90000051  }
0xbc: {  	_ =	sfence  }
0xbd: {  	s30 =	sld [smem:$0x0];
	_ =	sdelay $0x2  }
0xbe: {  	s31 =	sshll.u32 s1, $0xD;
	s1 =	sshrl.u32 s1, $0x2  }
0xbf: {  	s3 =	sand.u32 $0x4000, s31;
	s1 =	sadd.s32 s1, s30  }
0xc0: {  	s0 =	sor.u32 s3, s0;
	s1 =	sshll.u32 s1, $0x11  }
0xc1: {  	s0 =	sor.u32 s1, s0  }
0xc2: {  	s0 =	sadd.s32 $0x8F2B, s0  }
0xc3: {  	[sflag:s0] =	ssyncadd.remote.s32 $0x1  }
0xc4: {  	_ =	sfence.sel $0xFFFF  }
0xc5: {  	[dreg:$0x0] =	wrdreg $0xFFFFFFFF;
	(pc) =	sbr.abs _section_cstart, $3  }
0xc6: {  	[dreg:$0x1] =	wrdreg $0xFFFFFFFF  }
0xc7: {  	_ =	task.clear_ibuf [dreg:s7], $0x2FFFF;
	_ =	strace $0x9FFFFFFF  }
0xc8: {  	(tm) =	ssettm $0x7FFFFFFF  }
0xc9: {  	_ =	shalt  }
tec
execute0_lowered:
.L_overlay_start_1:
0x0: {  	(tag) =	ssettag $0x1  }
0x1: {  	s1 =	srdreg.scid  }
0x2: {  	s4 =	rddreg [dreg:$0x0];
	s0 =	stileid.u32  }
0x3: {  	s2 =	rddreg [dreg:$0x1];
	s3 =	simm.s32 $0x0;
	s7 =	simm.s32 $0x2  }
0x4: {  	s8 =	simm.s32 $0x80;
	s26 =	simm.s32 $0x880;
	s9 =	simm.s32 $0x1080  }
0x5: {  	s10 =	simm.s32 $0x1880;
	s11 =	simm.s32 $0x2080;
	s12 =	simm.s32 $0x2880  }
0x6: {  	s13 =	simm.s32 $0x3080;
	s14 =	simm.s32 $0x3880;
	s15 =	simm.s32 $0x4080  }
0x7: {  	s16 =	simm.s32 $0x4880;
	s17 =	simm.s32 $0x5080;
	s18 =	simm.s32 $0x5880  }
0x8: {  	s19 =	simm.s32 $0x6080;
	s20 =	simm.s32 $0x6880;
	s21 =	simm.s32 $0x7080  }
0x9: {  	s22 =	simm.s32 $0x7880;
	s23 =	simm.s32 $0x8080;
	s24 =	simm.s32 $0x8880  }
0xa: {  	s28 =	simm.s32 $0xA080;
	s29 =	simm.s32 $0xA880;
	s30 =	simm.s32 $0xB080  }
0xb: {  	s31 =	simm.s32 $0xB880;
	s1 =	sand.u32 $0x1, s1;
	[smem:$0x7FF] =	sst s3  }
0xc: {  	s5 =	sshll.u32 s0, $0x4;
	s6 =	sshll.u32 s1, $0x3;
	_ =	strace $0x80000050  }
0xd: {  	s1 =	ssub.s32 $0x2, s1;
	[dreg:$0x5] =	wrdreg s26;
	s5 =	sor.u32 s6, s5  }
0xe: {  	s25 =	sshrl.u32 s1, $0x1;
	s6 =	smul.u32 $0x300, s5;
	s5 =	sadd.s32 s5, s4  }
0xf: {  	s26 =	simm.s32 $0x9880;
	s1 =	ssub.s32 s1, s25;
	s5 =	sadd.s32 $0x67200, s5  }
0x10: {  	v2 =	vlaneseq.u32;
	s25 =	simm.s32 $0x9080;
	s4 =	sadd.s32 s6, s4;
	[dreg:$0x3] =	wrdreg s5  }
0x11: {  	vm0 =	vmmov $0xffff;
	v1 =	vshrl.u32 v2, $0x3;
	s5 =	sadd.s32 $0x200, s2;
	s6 =	smax.u32 s1, $0x1;
	s4 =	sadd.s32 $0x36E00, s4  }
0x12: {  	v0 =	vand.u32 $0x7, v2;
	v2 =	vor.u32 $0x8, v2;
	v1 =	vmul.u32 $0x8, v1;
	s1 =	simm.s32 $0x1;
	[dreg:$0x4] =	wrdreg s4;
	s4 =	sadd.s32 $0x100, s2  }
.LBB2_1:
0x13: {  	s0 =	rddreg [dreg:$0x3]  }
0x14: {  	[tilespmem:s3], [sflag:$0x2] =	stream.linear.gather [hbm4b:s0+s3], $0x40, $0x38;
	[tilespmem:$0xC080] =	vst v63  }
0x15: {  	_ =	swait.ge [sflag:s7], $0x40  }
0x16: {  	[sflag:s7] =	ssyncset.done $0x0  }
0x17: {  	s0 =	rddreg [dreg:$0x4];
	[sflag:s7] =	ssyncadd.s32 $0xFFFFFFC0  }
0x18: {  	[tilespmem:s8], [sflag:$0x2] =	stream.linear.gather [hbm4b:s0+s3], $0xC000, $0x38;
	[tilespmem:$0xC080] =	vst v63  }
0x19: {  	_ =	swait.ge [sflag:s7], $0xC000  }
0x1a: {  	[sflag:s7] =	ssyncset.done $0x0  }
0x1b: {  	[sflag:s7] =	ssyncadd.s32 $0xFFFF4000  }
0x1c: {  	v3 =	vld [tilespmem:$0x0];
	_ =	sdelay $0x4  }
0x1d: {  	v4 =	vshrl.u32 v3, $0x3  }
0x1e: {  	v4 =	vmul.u32 $0x30, v4  }
0x1f: {  	v3 =	vand.u32 $0x7, v3  }
0x20: {  	v3 =	vor.u32 v3, v4  }
0x21: {  	v4 =	vperm.xlane v3, v0;
	_ =	sdelay $0x1  }
0x22: {  	v4 =	vadd.s32 v1, v4;
	_ =	sdelay $0x3  }
0x23: {  	v3 =	vperm.xlane v3, v2  }
0x24: {  	[hbm4b:s2+s3] =	stream.indirect_vreg.scatter [tilespmem:s8], [sflag:$0x1], $0x80, v4, vm0, $0xb8;
	[tilespmem:$0xC080] =	vst v63  }
0x25: {  	s0 =	rddreg [dreg:$0x5];
	v3 =	vadd.s32 v1, v3  }
0x26: {  	[hbm4b:s4+s3] =	stream.indirect_vreg.scatter [tilespmem:s0], [sflag:$0x1], $0x80, v4, vm0, $0xb8;
	[tilespmem:$0xC080] =	vst v63  }
0x27: {  	_ = 	snop  }
0x28: {  	[hbm4b:s5+s3] =	stream.indirect_vreg.scatter [tilespmem:s9], [sflag:$0x1], $0x80, v4, vm0, $0xb8;
	[tilespmem:$0xC080] =	vst v63  }
0x29: {  	_ = 	snop  }
0x2a: {  	[hbm4b:s2+s3] =	stream.indirect_vreg.scatter [tilespmem:s10], [sflag:$0x1], $0x80, v3, vm0, $0xb8;
	[tilespmem:$0xC080] =	vst v63  }
0x2b: {  	_ = 	snop  }
0x2c: {  	[hbm4b:s4+s3] =	stream.indirect_vreg.scatter [tilespmem:s11], [sflag:$0x1], $0x80, v3, vm0, $0xb8;
	[tilespmem:$0xC080] =	vst v63  }
0x2d: {  	_ = 	snop  }
0x2e: {  	[hbm4b:s5+s3] =	stream.indirect_vreg.scatter [tilespmem:s12], [sflag:$0x1], $0x80, v3, vm0, $0xb8;
	[tilespmem:$0xC080] =	vst v63  }
0x2f: {  	v3 =	vld [tilespmem:$0x10];
	_ =	sdelay $0x4  }
0x30: {  	v61 =	vshrl.u32 v3, $0x3  }
0x31: {  	v4 =	vmul.u32 $0x30, v61  }
0x32: {  	v3 =	vand.u32 $0x7, v3  }
0x33: {  	v3 =	vor.u32 v3, v4  }
0x34: {  	v4 =	vperm.xlane v3, v0;
	_ =	sdelay $0x1  }
0x35: {  	v4 =	vadd.s32 v1, v4;
	_ =	sdelay $0x3  }
0x36: {  	v3 =	vperm.xlane v3, v2  }
0x37: {  	[hbm4b:s2+s3] =	stream.indirect_vreg.scatter [tilespmem:s13], [sflag:$0x1], $0x80, v4, vm0, $0xb8;
	[tilespmem:$0xC080] =	vst v63  }
0x38: {  	v3 =	vadd.s32 v1, v3  }
0x39: {  	[hbm4b:s4+s3] =	stream.indirect_vreg.scatter [tilespmem:s14], [sflag:$0x1], $0x80, v4, vm0, $0xb8;
	[tilespmem:$0xC080] =	vst v63  }
0x3a: {  	_ = 	snop  }
0x3b: {  	[hbm4b:s5+s3] =	stream.indirect_vreg.scatter [tilespmem:s15], [sflag:$0x1], $0x80, v4, vm0, $0xb8;
	[tilespmem:$0xC080] =	vst v63  }
0x3c: {  	_ = 	snop  }
0x3d: {  	[hbm4b:s2+s3] =	stream.indirect_vreg.scatter [tilespmem:s16], [sflag:$0x1], $0x80, v3, vm0, $0xb8;
	[tilespmem:$0xC080] =	vst v63  }
0x3e: {  	_ = 	snop  }
0x3f: {  	[hbm4b:s4+s3] =	stream.indirect_vreg.scatter [tilespmem:s17], [sflag:$0x1], $0x80, v3, vm0, $0xb8;
	[tilespmem:$0xC080] =	vst v63  }
0x40: {  	_ = 	snop  }
0x41: {  	[hbm4b:s5+s3] =	stream.indirect_vreg.scatter [tilespmem:s18], [sflag:$0x1], $0x80, v3, vm0, $0xb8;
	[tilespmem:$0xC080] =	vst v63  }
0x42: {  	v3 =	vld [tilespmem:$0x20];
	_ =	sdelay $0x4  }
0x43: {  	v62 =	vshrl.u32 v3, $0x3  }
0x44: {  	v4 =	vmul.u32 $0x30, v62  }
0x45: {  	v3 =	vand.u32 $0x7, v3  }
0x46: {  	v3 =	vor.u32 v3, v4  }
0x47: {  	v4 =	vperm.xlane v3, v0;
	_ =	sdelay $0x1  }
0x48: {  	v4 =	vadd.s32 v1, v4;
	_ =	sdelay $0x3  }
0x49: {  	v3 =	vperm.xlane v3, v2  }
0x4a: {  	[hbm4b:s2+s3] =	stream.indirect_vreg.scatter [tilespmem:s19], [sflag:$0x1], $0x80, v4, vm0, $0xb8;
	[tilespmem:$0xC080] =	vst v63  }
0x4b: {  	v3 =	vadd.s32 v1, v3  }
0x4c: {  	[hbm4b:s4+s3] =	stream.indirect_vreg.scatter [tilespmem:s20], [sflag:$0x1], $0x80, v4, vm0, $0xb8;
	[tilespmem:$0xC080] =	vst v63  }
0x4d: {  	_ = 	snop  }
0x4e: {  	[hbm4b:s5+s3] =	stream.indirect_vreg.scatter [tilespmem:s21], [sflag:$0x1], $0x80, v4, vm0, $0xb8;
	[tilespmem:$0xC080] =	vst v63  }
0x4f: {  	_ = 	snop  }
0x50: {  	[hbm4b:s2+s3] =	stream.indirect_vreg.scatter [tilespmem:s22], [sflag:$0x1], $0x80, v3, vm0, $0xb8;
	[tilespmem:$0xC080] =	vst v63  }
0x51: {  	_ = 	snop  }
0x52: {  	[hbm4b:s4+s3] =	stream.indirect_vreg.scatter [tilespmem:s23], [sflag:$0x1], $0x80, v3, vm0, $0xb8;
	[tilespmem:$0xC080] =	vst v63  }
0x53: {  	_ = 	snop  }
0x54: {  	[hbm4b:s5+s3] =	stream.indirect_vreg.scatter [tilespmem:s24], [sflag:$0x1], $0x80, v3, vm0, $0xb8;
	[tilespmem:$0xC080] =	vst v63  }
0x55: {  	v3 =	vld [tilespmem:$0x30];
	_ =	sdelay $0x4  }
0x56: {  	v63 =	vshrl.u32 v3, $0x3  }
0x57: {  	v4 =	vmul.u32 $0x30, v63  }
0x58: {  	v3 =	vand.u32 $0x7, v3  }
0x59: {  	v3 =	vor.u32 v3, v4  }
0x5a: {  	v4 =	vperm.xlane v3, v0;
	_ =	sdelay $0x1  }
0x5b: {  	v4 =	vadd.s32 v1, v4;
	_ =	sdelay $0x3  }
0x5c: {  	v3 =	vperm.xlane v3, v2  }
0x5d: {  	[hbm4b:s2+s3] =	stream.indirect_vreg.scatter [tilespmem:s25], [sflag:$0x1], $0x80, v4, vm0, $0xb8;
	[tilespmem:$0xC080] =	vst v63  }
0x5e: {  	v3 =	vadd.s32 v1, v3  }
0x5f: {  	[hbm4b:s4+s3] =	stream.indirect_vreg.scatter [tilespmem:s26], [sflag:$0x1], $0x80, v4, vm0, $0xb8;
	[tilespmem:$0xC080] =	vst v63  }
0x60: {  	_ = 	snop  }
0x61: {  	[hbm4b:s5+s3] =	stream.indirect_vreg.scatter [tilespmem:s28], [sflag:$0x1], $0x80, v4, vm0, $0xb8;
	[tilespmem:$0xC080] =	vst v63  }
0x62: {  	_ = 	snop  }
0x63: {  	[hbm4b:s2+s3] =	stream.indirect_vreg.scatter [tilespmem:s29], [sflag:$0x1], $0x80, v3, vm0, $0xb8;
	[tilespmem:$0xC080] =	vst v63  }
0x64: {  	p0 =	sne.s32 s6, $0x1  }
0x65: {  	[hbm4b:s4+s3] =	stream.indirect_vreg.scatter [tilespmem:s30], [sflag:$0x1], $0x80, v3, vm0, $0xb8;
	[tilespmem:$0xC080] =	vst v63  }
.Ltmp0:
0x66: {  	_ = 	snop;
	(pc) =	sbr.rel @p0 .LBB2_1-.Ltmp0, $4  }
0x67: {  	[hbm4b:s5+s3] =	stream.indirect_vreg.scatter [tilespmem:s31], [sflag:$0x1], $0x80, v3, vm0, $0xb8;
	[tilespmem:$0xC080] =	vst v63  }
0x68: {  	_ =	swait.ge [sflag:s1], $0xC000  }
0x69: {  	[sflag:s1] =	ssyncset.done $0x0  }
0x6a: {  	s6 =	sadd.s32 $0xFFFFFFFF, s6;
	[sflag:s1] =	ssyncadd.s32 $0xFFFF4000  }
0x6b: {  	_ =	sfence.sel $0x180000  }
0x6c: {  	[bflag:$0x0] =	sbarrier.arrive $0xFFFF  }
0x6d: {  	_ =	strace $0x90000050  }
0x6e: {  	s0 =	stileid.u32;
	[bflag:$0x2] =	sbarrier.arrive $0xFFFF  }
0x6f: {  	p0 =	sne.s32 s0, $0x0;
	s0 =	rddreg [dreg:$0x2]  }
0x70: {  	s0 =	sadd.s32 @!p0 $0x100000, s0  }
0x71: {  	[sflag:s0] =	ssyncadd.tile.s32 @!p0 $0x1;
	_ =	shalt  }
.Lfunc_end2:
_tile_overlayer_lowered:
.L_overlay_start_2:
0x72: {  	(tag) =	ssettag $0x2  }
0x73: {  	s0 =	rddreg [dreg:$0x0];
	s2 =	stileid.u32  }
0x74: {  	s1 =	rddreg [dreg:$0x1];
	p0 =	sne.s32 s2, $0x0  }
0x75: {  	s3 =	rddreg [dreg:$0x2];
	[bflag:$0x3] =	sbarrier.arrive $0xFFFF;
	s2 =	simm.s32 @!p0 $0x1C02  }
0x76: {  	[timem:s3], [sflag:s2] =	dma.local @!p0 [hbm:s0], s1  }
0x77: {  	s0 =	simm.s32 @!p0 $0x2  }
0x78: {  	_ =	swait.ge @!p0 [sflag:s0], s1  }
0x79: {  	s1 =	ssub.s32 @!p0 $0x0, s1;
	[sflag:s0] =	ssyncset.done @!p0 $0x0  }
0x7a: {  	[sflag:s0] =	ssyncadd.s32 @!p0 s1  }
0x7b: {  	[bflag:$0x3] =	sbarrier.arrive $0xFFFF  }
0x7c: {  	_ =	shalt  }

</sc_bundles>
